<compile_context>
chip_gen: v7x
topology: tpu7x:2x2x1
jax: 0.10.2.dev20260603
libtpu: 0.0.44.dev20260713+nightly
codegen_flags: <defaults>
</compile_context>

<pallas_src>
import functools

import jax
import jax.numpy as jnp
from jax import lax
from jax.experimental import pallas as pl
from jax.experimental.pallas import tpu as pltpu
from jax.experimental.pallas import tpu_sc as plsc

CHUNK = 128
NSUB = 16
F32 = jnp.float32


def _mesh():
    return plsc.VectorSubcoreMesh(core_axis_name="c", subcore_axis_name="s")


def _edge_loop(t_r, src_r, dst_r, acc, is0, id0, rows, sem, s, NK):
    def step(j, carry):
        e = (s * NK + j) * CHUNK
        pltpu.sync_copy(src_r.at[pl.ds(e, CHUNK)], is0)
        pltpu.sync_copy(dst_r.at[pl.ds(e, CHUNK)], id0)
        pltpu.async_copy(t_r.at[is0], rows, sem).wait()
        pltpu.sync_copy(rows, acc.at[id0], add=True)
        return carry

    lax.fori_loop(0, NK, step, 0)


def _make_segsum_pool(NT, NACC, EP, M):
    nchunks = EP // CHUNK
    SR = NACC // NSUB
    NK = nchunks // NSUB
    MCH = M // CHUNK
    assert NACC % NSUB == 0 and nchunks % NSUB == 0 and M % CHUNK == 0

    def body(tlo, thi, slo, shi, src_r, dst_r, mid_r, z_r,
             gslo, gshi, glo, ghi,
             acc, is0, id0, rows, sem):
        c = lax.axis_index("c")
        s = lax.axis_index("s")
        pltpu.sync_copy(z_r.at[pl.ds(0, SR)], acc.at[pl.ds(s * SR, SR)])
        plsc.subcore_barrier()

        @pl.when(c == 0)
        def _():
            _edge_loop(tlo, src_r, dst_r, acc, is0, id0, rows, sem, s, NK)

        @pl.when(c == 1)
        def _():
            _edge_loop(thi, src_r, dst_r, acc, is0, id0, rows, sem, s, NK)

        plsc.subcore_barrier()

        def pool(s_r, gs_o, g_o):
            def pstep(k, carry):
                base = (s + k * NSUB) * CHUNK
                pltpu.sync_copy(mid_r.at[pl.ds(base, CHUNK)], is0)
                pltpu.async_copy(s_r.at[is0], rows, sem).wait()
                pltpu.sync_copy(rows, gs_o.at[pl.ds(base, CHUNK)])
                pltpu.async_copy(acc.at[is0], rows, sem).wait()
                pltpu.sync_copy(rows, g_o.at[pl.ds(base, CHUNK)])
                return carry

            nk = (MCH - s + NSUB - 1) // NSUB
            lax.fori_loop(0, nk, pstep, 0)

        @pl.when(c == 0)
        def _():
            pool(slo, gslo, glo)

        @pl.when(c == 1)
        def _():
            pool(shi, gshi, ghi)

    return pl.kernel(
        body,
        out_type=(jax.ShapeDtypeStruct((M, 128), F32),
                  jax.ShapeDtypeStruct((M, 128), F32),
                  jax.ShapeDtypeStruct((M, 128), F32),
                  jax.ShapeDtypeStruct((M, 128), F32)),
        mesh=_mesh(),
        scratch_types=[
            pltpu.VMEM_SHARED((NACC, 128), F32),
            pltpu.VMEM((CHUNK,), jnp.int32),
            pltpu.VMEM((CHUNK,), jnp.int32),
            pltpu.VMEM((CHUNK, 128), F32),
            pltpu.SemaphoreType.DMA,
        ],
    )


def _make_segsum_coarse(NT, NACC, EP):
    nchunks = EP // CHUNK
    SR = NACC // NSUB
    TSR = NT // NSUB
    NK = nchunks // NSUB
    assert NACC % NSUB == 0 and NT % NSUB == 0 and nchunks % NSUB == 0

    def body(tlo, thi, src_r, dst_r, z_r, aglo, aghi,
             acc, tbuf, is0, id0, rows, sem):
        c = lax.axis_index("c")
        s = lax.axis_index("s")
        pltpu.sync_copy(z_r.at[pl.ds(0, SR)], acc.at[pl.ds(s * SR, SR)])

        @pl.when(c == 0)
        def _():
            pltpu.sync_copy(tlo.at[pl.ds(s * TSR, TSR)],
                            tbuf.at[pl.ds(s * TSR, TSR)])

        @pl.when(c == 1)
        def _():
            pltpu.sync_copy(thi.at[pl.ds(s * TSR, TSR)],
                            tbuf.at[pl.ds(s * TSR, TSR)])

        plsc.subcore_barrier()
        _edge_loop(tbuf, src_r, dst_r, acc, is0, id0, rows, sem, s, NK)
        plsc.subcore_barrier()

        @pl.when(c == 0)
        def _():
            pltpu.sync_copy(acc.at[pl.ds(s * SR, SR)], aglo.at[pl.ds(s * SR, SR)])

        @pl.when(c == 1)
        def _():
            pltpu.sync_copy(acc.at[pl.ds(s * SR, SR)], aghi.at[pl.ds(s * SR, SR)])

    return pl.kernel(
        body,
        out_type=(jax.ShapeDtypeStruct((NACC, 128), F32),
                  jax.ShapeDtypeStruct((NACC, 128), F32)),
        mesh=_mesh(),
        scratch_types=[
            pltpu.VMEM_SHARED((NACC, 128), F32),
            pltpu.VMEM_SHARED((NT, 128), F32),
            pltpu.VMEM((CHUNK,), jnp.int32),
            pltpu.VMEM((CHUNK,), jnp.int32),
            pltpu.VMEM((CHUNK, 128), F32),
            pltpu.SemaphoreType.DMA,
        ],
    )


def _make_unpool_scatter(M, NZERO):
    ZR = NZERO // NSUB
    MCH = M // CHUNK
    assert NZERO % NSUB == 0

    def body(us_lo, us_hi, ut_lo, ut_hi, sidx_r, z_r,
             s4lo, s4hi, t4lo, t4hi,
             spbuf, is0, rows, sem):
        c = lax.axis_index("c")
        s = lax.axis_index("s")

        def phase(u_ref, o_ref):
            pltpu.sync_copy(z_r.at[pl.ds(0, ZR)], spbuf.at[pl.ds(s * ZR, ZR)])
            plsc.subcore_barrier()

            def step(k, carry):
                base = (s + k * NSUB) * CHUNK
                pltpu.sync_copy(sidx_r.at[pl.ds(base, CHUNK)], is0)
                pltpu.sync_copy(u_ref.at[pl.ds(base, CHUNK)], rows)
                pltpu.sync_copy(rows, spbuf.at[is0], add=True)
                return carry

            nk = (MCH - s + NSUB - 1) // NSUB
            lax.fori_loop(0, nk, step, 0)
            plsc.subcore_barrier()
            pltpu.sync_copy(spbuf.at[pl.ds(s * ZR, ZR)], o_ref.at[pl.ds(s * ZR, ZR)])
            plsc.subcore_barrier()

        @pl.when(c == 0)
        def _():
            phase(us_lo, s4lo)
            phase(ut_lo, t4lo)

        @pl.when(c == 1)
        def _():
            phase(us_hi, s4hi)
            phase(ut_hi, t4hi)

    return pl.kernel(
        body,
        out_type=(jax.ShapeDtypeStruct((NZERO, 128), F32),
                  jax.ShapeDtypeStruct((NZERO, 128), F32),
                  jax.ShapeDtypeStruct((NZERO, 128), F32),
                  jax.ShapeDtypeStruct((NZERO, 128), F32)),
        mesh=_mesh(),
        scratch_types=[
            pltpu.VMEM_SHARED((NZERO, 128), F32),
            pltpu.VMEM((CHUNK,), jnp.int32),
            pltpu.VMEM((CHUNK, 128), F32),
            pltpu.SemaphoreType.DMA,
        ],
    )


def _make_segsum(NT, NACC, EP):
    nchunks = EP // CHUNK
    SR = NACC // NSUB
    NK = nchunks // NSUB
    assert NACC % NSUB == 0 and nchunks % NSUB == 0

    def body(tlo, thi, src_r, dst_r, z_r, aglo, aghi,
             acc, is0, id0, rows, sem):
        c = lax.axis_index("c")
        s = lax.axis_index("s")
        pltpu.sync_copy(z_r.at[pl.ds(0, SR)], acc.at[pl.ds(s * SR, SR)])
        plsc.subcore_barrier()

        @pl.when(c == 0)
        def _():
            _edge_loop(tlo, src_r, dst_r, acc, is0, id0, rows, sem, s, NK)

        @pl.when(c == 1)
        def _():
            _edge_loop(thi, src_r, dst_r, acc, is0, id0, rows, sem, s, NK)

        plsc.subcore_barrier()

        @pl.when(c == 0)
        def _():
            pltpu.sync_copy(acc.at[pl.ds(s * SR, SR)], aglo.at[pl.ds(s * SR, SR)])

        @pl.when(c == 1)
        def _():
            pltpu.sync_copy(acc.at[pl.ds(s * SR, SR)], aghi.at[pl.ds(s * SR, SR)])

    return pl.kernel(
        body,
        out_type=(jax.ShapeDtypeStruct((NACC, 128), F32),
                  jax.ShapeDtypeStruct((NACC, 128), F32)),
        mesh=_mesh(),
        scratch_types=[
            pltpu.VMEM_SHARED((NACC, 128), F32),
            pltpu.VMEM((CHUNK,), jnp.int32),
            pltpu.VMEM((CHUNK,), jnp.int32),
            pltpu.VMEM((CHUNK, 128), F32),
            pltpu.SemaphoreType.DMA,
        ],
    )


def _dot(a, b):
    return jnp.dot(a, b, preferred_element_type=F32)


def _enc_in(x, W1, b1, Ws1, Wn1, BM=1000):
    N, D = x.shape
    H = W1.shape[1]

    def body(x_r, W1_r, b1_r, Ws1_r, Wn1_r, slo_r, shi_r, tlo_r, thi_r):
        h0 = jnp.maximum(_dot(x_r[...], W1_r[...]) + b1_r[...], 0.0)
        s1 = _dot(h0, Ws1_r[...])
        slo_r[...] = s1[:, :128]
        shi_r[...] = s1[:, 128:]
        t1 = _dot(h0, Wn1_r[...])
        tlo_r[...] = t1[:, :128]
        thi_r[...] = t1[:, 128:]

    return pl.pallas_call(
        body,
        grid=(N // BM,),
        in_specs=[
            pl.BlockSpec((BM, D), lambda i: (i, 0)),
            pl.BlockSpec((D, H), lambda i: (0, 0)),
            pl.BlockSpec((1, H), lambda i: (0, 0)),
            pl.BlockSpec((H, H), lambda i: (0, 0)),
            pl.BlockSpec((H, H), lambda i: (0, 0)),
        ],
        out_specs=[
            pl.BlockSpec((BM, 128), lambda i: (i, 0)),
            pl.BlockSpec((BM, 128), lambda i: (i, 0)),
            pl.BlockSpec((BM, 128), lambda i: (i, 0)),
            pl.BlockSpec((BM, 128), lambda i: (i, 0)),
        ],
        out_shape=[
            jax.ShapeDtypeStruct((N, 128), F32),
            jax.ShapeDtypeStruct((N, 128), F32),
            jax.ShapeDtypeStruct((N, 128), F32),
            jax.ShapeDtypeStruct((N, 128), F32),
        ],
    )(x, W1, b1.reshape(1, H), Ws1, Wn1)


def _coarse_mpl(gs_lo, gs_hi, g_lo, g_hi, Ws, Wn, NC, NCT, BM=1000):
    H = Ws.shape[0]

    def body(gsl_r, gsh_r, glo_r, ghi_r, Ws_r, Wn_r, s_r, tlo_r, thi_r):
        hp = jnp.maximum(
            jnp.concatenate([gsl_r[...] + glo_r[...],
                             gsh_r[...] + ghi_r[...]], axis=1), 0.0)
        s_r[...] = _dot(hp, Ws_r[...])
        t = _dot(hp, Wn_r[...])
        tlo_r[...] = t[:, :128]
        thi_r[...] = t[:, 128:]

    return pl.pallas_call(
        body,
        grid=(NC // BM,),
        in_specs=[
            pl.BlockSpec((BM, 128), lambda i: (i, 0)),
            pl.BlockSpec((BM, 128), lambda i: (i, 0)),
            pl.BlockSpec((BM, 128), lambda i: (i, 0)),
            pl.BlockSpec((BM, 128), lambda i: (i, 0)),
            pl.BlockSpec((H, H), lambda i: (0, 0)),
            pl.BlockSpec((H, H), lambda i: (0, 0)),
        ],
        out_specs=[
            pl.BlockSpec((BM, H), lambda i: (i, 0)),
            pl.BlockSpec((BM, 128), lambda i: (i, 0)),
            pl.BlockSpec((BM, 128), lambda i: (i, 0)),
        ],
        out_shape=[
            jax.ShapeDtypeStruct((NC, H), F32),
            jax.ShapeDtypeStruct((NCT, 128), F32),
            jax.ShapeDtypeStruct((NCT, 128), F32),
        ],
    )(gs_lo, gs_hi, g_lo, g_hi, Ws, Wn)


def _latent(s2, a_lo, a_hi, W_mu, W_lv, W_dec, Ws3, Wn3, NC, NCT, BM=1000):
    H = Ws3.shape[0]
    L = W_mu.shape[1]
    nb = NC // BM
    denom = float(NC * L)

    def body(s2_r, alo_r, ahi_r, Wmu_r, Wlv_r, Wdec_r, Ws3_r, Wn3_r,
             s3_r, tlo_r, thi_r, kl_r, acc_r):
        i = pl.program_id(0)
        h2 = jnp.maximum(
            s2_r[...] + jnp.concatenate([alo_r[...], ahi_r[...]], axis=1), 0.0)
        mu = _dot(h2, Wmu_r[...])
        lv = _dot(h2, Wlv_r[...])
        part = jnp.sum(1.0 + lv - mu * mu - jnp.exp(lv))

        @pl.when(i == 0)
        def _():
            acc_r[0, 0] = 0.0

        acc_r[0, 0] += part
        kl_r[...] = jnp.reshape(-0.5 * acc_r[0, 0] / denom, (1, 1))

        hd0 = jnp.maximum(_dot(mu, Wdec_r[...]), 0.0)
        s3_r[...] = _dot(hd0, Ws3_r[...])
        t3 = _dot(hd0, Wn3_r[...])
        tlo_r[...] = t3[:, :128]
        thi_r[...] = t3[:, 128:]

    return pl.pallas_call(
        body,
        grid=(nb,),
        in_specs=[
            pl.BlockSpec((BM, H), lambda i: (i, 0)),
            pl.BlockSpec((BM, 128), lambda i: (i, 0)),
            pl.BlockSpec((BM, 128), lambda i: (i, 0)),
            pl.BlockSpec((H, L), lambda i: (0, 0)),
            pl.BlockSpec((H, L), lambda i: (0, 0)),
            pl.BlockSpec((L, H), lambda i: (0, 0)),
            pl.BlockSpec((H, H), lambda i: (0, 0)),
            pl.BlockSpec((H, H), lambda i: (0, 0)),
        ],
        out_specs=[
            pl.BlockSpec((BM, H), lambda i: (i, 0)),
            pl.BlockSpec((BM, 128), lambda i: (i, 0)),
            pl.BlockSpec((BM, 128), lambda i: (i, 0)),
            pl.BlockSpec((1, 1), lambda i: (0, 0)),
        ],
        out_shape=[
            jax.ShapeDtypeStruct((NC, H), F32),
            jax.ShapeDtypeStruct((NCT, 128), F32),
            jax.ShapeDtypeStruct((NCT, 128), F32),
            jax.ShapeDtypeStruct((1, 1), F32),
        ],
        scratch_shapes=[pltpu.SMEM((1, 1), F32)],
    )(s2, a_lo, a_hi, W_mu, W_lv, W_dec, Ws3, Wn3)


def _dec_mid(s3, a_lo, a_hi, Ws4, Wn4, NC, MPAD, BM=1000):
    H = Ws4.shape[0]

    def body(s3_r, alo_r, ahi_r, Ws4_r, Wn4_r, uslo_r, ushi_r, utlo_r, uthi_r):
        hd1 = jnp.maximum(
            s3_r[...] + jnp.concatenate([alo_r[...], ahi_r[...]], axis=1), 0.0)
        us = _dot(hd1, Ws4_r[...])
        ut = _dot(hd1, Wn4_r[...])
        uslo_r[...] = us[:, :128]
        ushi_r[...] = us[:, 128:]
        utlo_r[...] = ut[:, :128]
        uthi_r[...] = ut[:, 128:]

    return pl.pallas_call(
        body,
        grid=(NC // BM,),
        in_specs=[
            pl.BlockSpec((BM, H), lambda i: (i, 0)),
            pl.BlockSpec((BM, 128), lambda i: (i, 0)),
            pl.BlockSpec((BM, 128), lambda i: (i, 0)),
            pl.BlockSpec((H, H), lambda i: (0, 0)),
            pl.BlockSpec((H, H), lambda i: (0, 0)),
        ],
        out_specs=[
            pl.BlockSpec((BM, 128), lambda i: (i, 0)),
            pl.BlockSpec((BM, 128), lambda i: (i, 0)),
            pl.BlockSpec((BM, 128), lambda i: (i, 0)),
            pl.BlockSpec((BM, 128), lambda i: (i, 0)),
        ],
        out_shape=[
            jax.ShapeDtypeStruct((MPAD, 128), F32),
            jax.ShapeDtypeStruct((MPAD, 128), F32),
            jax.ShapeDtypeStruct((MPAD, 128), F32),
            jax.ShapeDtypeStruct((MPAD, 128), F32),
        ],
    )(s3, a_lo, a_hi, Ws4, Wn4)


def _out_mlp(s4_lo, s4_hi, a_lo, a_hi, W_out, b_out, N, BM=1000):
    H = W_out.shape[0]
    D = W_out.shape[1]

    def body(slo_r, shi_r, alo_r, ahi_r, Wo_r, bo_r, o_r):
        full = jnp.maximum(
            jnp.concatenate([slo_r[...] + alo_r[...],
                             shi_r[...] + ahi_r[...]], axis=1), 0.0)
        o_r[...] = _dot(full, Wo_r[...]) + bo_r[...]

    return pl.pallas_call(
        body,
        grid=(N // BM,),
        in_specs=[
            pl.BlockSpec((BM, 128), lambda i: (i, 0)),
            pl.BlockSpec((BM, 128), lambda i: (i, 0)),
            pl.BlockSpec((BM, 128), lambda i: (i, 0)),
            pl.BlockSpec((BM, 128), lambda i: (i, 0)),
            pl.BlockSpec((H, D), lambda i: (0, 0)),
            pl.BlockSpec((1, D), lambda i: (0, 0)),
        ],
        out_specs=[pl.BlockSpec((BM, D), lambda i: (i, 0))],
        out_shape=[jax.ShapeDtypeStruct((N, D), F32)],
    )(s4_lo, s4_hi, a_lo, a_hi, W_out, b_out.reshape(1, D))[0]


def kernel(x, edge_index, m_ids, edge_index_c, W1, b1, Ws1, Wn1, Ws2, Wn2,
           W_mu, W_lv, W_dec, Ws3, Wn3, Ws4, Wn4, W_out, b_out):
    N, D = x.shape
    H = W1.shape[1]
    NC = m_ids.shape[0]
    E = edge_index.shape[1]
    EC = edge_index_c.shape[1]

    def _acc_rows(min_rows):
        per = (min_rows + NSUB - 1) // NSUB
        return NSUB * ((per + 7) // 8 * 8)

    EPM = CHUNK * NSUB

    def _pad_edges(ei, n_nodes):
        e = ei.shape[1]
        ep = (e + EPM - 1) // EPM * EPM
        s_, d_ = ei[0], ei[1]
        if ep != e:
            s_ = jnp.concatenate([s_, jnp.zeros((ep - e,), jnp.int32)])
            d_ = jnp.concatenate([d_, jnp.full((ep - e,), n_nodes, jnp.int32)])
        return s_, d_, ep

    src, dst, EP = _pad_edges(edge_index, N)
    src_c, dst_c, ECP = _pad_edges(edge_index_c, NC)
    NACC = _acc_rows(N + 1)
    NCACC = _acc_rows(NC + 1)
    NCT = NCACC

    MPAD = (NC + CHUNK - 1) // CHUNK * CHUNK
    mid_pad = jnp.concatenate([m_ids, jnp.zeros((MPAD - NC,), jnp.int32)]) \
        if MPAD != NC else m_ids

    NZERO = _acc_rows(N + 1)
    last = jnp.concatenate([m_ids[1:] != m_ids[:-1],
                            jnp.ones((1,), dtype=bool)])
    dummy = N + (jnp.arange(MPAD, dtype=jnp.int32) % (NZERO - N))
    sidx = jnp.where(last, m_ids, dummy[:NC])
    sidx_pad = jnp.concatenate([sidx, dummy[NC:]]) if MPAD != NC else sidx

    zrows = max(NACC // NSUB, NCACC // NSUB, NZERO // NSUB)
    zeros = jnp.zeros((zrows, 128), F32)

    s1_lo, s1_hi, t1_lo, t1_hi = _enc_in(x, W1, b1, Ws1, Wn1)
    gs_lo, gs_hi, g_lo, g_hi = _make_segsum_pool(N, NACC, EP, MPAD)(
        t1_lo, t1_hi, s1_lo, s1_hi, src, dst, mid_pad, zeros)
    s2, t2_lo, t2_hi = _coarse_mpl(gs_lo, gs_hi, g_lo, g_hi, Ws2, Wn2, NC, NCT)
    a2_lo, a2_hi = _make_segsum_coarse(NCT, NCACC, ECP)(
        t2_lo, t2_hi, src_c, dst_c, zeros)

    s3, t3_lo, t3_hi, kl_arr = _latent(s2, a2_lo, a2_hi, W_mu, W_lv, W_dec,
                                       Ws3, Wn3, NC, NCT)

    a3_lo, a3_hi = _make_segsum_coarse(NCT, NCACC, ECP)(
        t3_lo, t3_hi, src_c, dst_c, zeros)
    us_lo, us_hi, ut_lo, ut_hi = _dec_mid(s3, a3_lo, a3_hi, Ws4, Wn4, NC, MPAD)
    s4_lo, s4_hi, t4_lo, t4_hi = _make_unpool_scatter(MPAD, NZERO)(
        us_lo, us_hi, ut_lo, ut_hi, sidx_pad, zeros)
    a4_lo, a4_hi = _make_segsum(NZERO, NACC, EP)(t4_lo, t4_hi, src, dst, zeros)
    out = _out_mlp(s4_lo, s4_hi, a4_lo, a4_hi, W_out, b_out, N)

    return (out, kl_arr[0, 0])

# --- scband reference (transcript-rebuilt; emitter-appended) ---
"""Pipeline reference for scband-multi-scale-auto-encoder-49263274885850 (READ-ONLY COPY).

The authoritative reference and input builder live on the scoring server;
editing this copy changes nothing except your own understanding.
"""

import jax, jax.numpy as jnp
import numpy as np

N = 10000
E = 160000
NC = 5000
EC = 40000
D = 256
H = 256
L = 128


def _mpl(h, ei, Wself, Wnbr):
    # Message passing layer: aggregate neighbor messages via scatter-add, combine with self transform.
    src = ei[0]
    dst = ei[1]
    msg = h[src]
    agg = jax.ops.segment_sum(msg, dst, num_segments=h.shape[0])
    return jax.nn.relu(h @ Wself + agg @ Wnbr)


def setup_inputs(seed: int = 0) -> dict:
    key = jax.random.key(seed)
    ks = jax.random.split(key, 24)
    x = jax.random.normal(ks[0], (N, D), dtype=jnp.float32)
    edge_index = jax.random.randint(ks[1], (2, E), 0, N)
    m_ids = jnp.sort(jax.random.randint(ks[2], (NC,), 0, N))
    edge_index_c = jax.random.randint(ks[3], (2, EC), 0, NC)
    s = 1.0 / np.sqrt(H)
    W1 = jax.random.normal(ks[4], (D, H), jnp.float32) * (1.0 / np.sqrt(D))
    b1 = jnp.zeros((H,), jnp.float32)
    Ws1 = jax.random.normal(ks[5], (H, H), jnp.float32) * s
    Wn1 = jax.random.normal(ks[6], (H, H), jnp.float32) * s
    Ws2 = jax.random.normal(ks[7], (H, H), jnp.float32) * s
    Wn2 = jax.random.normal(ks[8], (H, H), jnp.float32) * s
    W_mu = jax.random.normal(ks[9], (H, L), jnp.float32) * s
    W_lv = jax.random.normal(ks[10], (H, L), jnp.float32) * s
    W_dec = jax.random.normal(ks[11], (L, H), jnp.float32) * (1.0 / np.sqrt(L))
    Ws3 = jax.random.normal(ks[12], (H, H), jnp.float32) * s
    Wn3 = jax.random.normal(ks[13], (H, H), jnp.float32) * s
    Ws4 = jax.random.normal(ks[14], (H, H), jnp.float32) * s
    Wn4 = jax.random.normal(ks[15], (H, H), jnp.float32) * s
    W_out = jax.random.normal(ks[16], (H, D), jnp.float32) * s
    b_out = jnp.zeros((D,), jnp.float32)
    return {
        'x': x, 'edge_index': edge_index, 'm_ids': m_ids, 'edge_index_c': edge_index_c,
        'W1': W1, 'b1': b1, 'Ws1': Ws1, 'Wn1': Wn1, 'Ws2': Ws2, 'Wn2': Wn2,
        'W_mu': W_mu, 'W_lv': W_lv, 'W_dec': W_dec,
        'Ws3': Ws3, 'Wn3': Wn3, 'Ws4': Ws4, 'Wn4': Wn4,
        'W_out': W_out, 'b_out': b_out,
    }


def reference(x, edge_index, m_ids, edge_index_c, W1, b1, Ws1, Wn1, Ws2, Wn2,
              W_mu, W_lv, W_dec, Ws3, Wn3, Ws4, Wn4, W_out, b_out):
    # ---- Encoder: MLP -> MPL -> TopKPool -> MPL -> latent (mu, logvar) ----
    h = jax.nn.relu(x @ W1 + b1)
    h = _mpl(h, edge_index, Ws1, Wn1)
    hp = h[m_ids]                       # pooling: gather selected nodes
    hp = _mpl(hp, edge_index_c, Ws2, Wn2)
    mu = hp @ W_mu
    logvar = hp @ W_lv
    kl = -0.5 * jnp.mean(1.0 + logvar - mu ** 2 - jnp.exp(logvar))
    z = mu  # deterministic latent (eval-mode reparameterization)
    # ---- Decoder: MPL -> Unpool -> MPL -> MLP ----
    hd = jax.nn.relu(z @ W_dec)
    hd = _mpl(hd, edge_index_c, Ws3, Wn3)
    full = jnp.zeros((x.shape[0], hd.shape[1]), hd.dtype).at[m_ids].set(hd)  # unpool: scatter
    full = _mpl(full, edge_index, Ws4, Wn4)
    out = full @ W_out + b_out
    return (out, kl)

if __name__ == "__main__":
    import jax
    _d = setup_inputs()
    print(jax.jit(kernel)(*tuple(_d.values())))

</pallas_src>

<mosaic_0001>
#map = affine_map<(d0, d1) -> (0, 0)>
#map1 = affine_map<(d0, d1) -> (0)>
module attributes {stable_mosaic.version = 14 : i64} {
  func.func @body(%arg0: i32, %arg1: i32, %arg2: memref<5120x128xf32, #tpu.memory_space<hbm>>, %arg3: memref<5120x128xf32, #tpu.memory_space<hbm>>, %arg4: memref<40960xi32, #tpu.memory_space<hbm>>, %arg5: memref<40960xi32, #tpu.memory_space<hbm>>, %arg6: memref<632x128xf32, #tpu.memory_space<hbm>>, %arg7: memref<5120x128xf32, #tpu.memory_space<hbm>>, %arg8: memref<5120x128xf32, #tpu.memory_space<hbm>>, %arg9: memref<5120x128xf32, #tpu.memory_space<vmem_shared>>, %arg10: memref<5120x128xf32, #tpu.memory_space<vmem_shared>>, %arg11: memref<128xi32, #tpu.memory_space<vmem>>, %arg12: memref<128xi32, #tpu.memory_space<vmem>>, %arg13: memref<128x128xf32, #tpu.memory_space<vmem>>, %arg14: memref<!tpu.dma_semaphore, #tpu.memory_space<semaphore_mem>>) attributes {dimension_semantics = [#tpu.dimension_semantics<core_parallel>, #tpu.dimension_semantics<subcore_parallel>], iteration_bounds = array<i64: 2, 16>, scalar_prefetch = 0 : i64, scratch_operands = 6 : i64, tpu.core_type = #tpu.core_type<sc_vector_subcore>, window_params = [{transform_indices = #map}, {transform_indices = #map}, {transform_indices = #map1}, {transform_indices = #map1}, {transform_indices = #map}, {transform_indices = #map}, {transform_indices = #map}]} {
    %mul3A = arith.constant 320 : i32
    %mul3A_0 = arith.muli %arg1, %mul3A : i32
    "tpu.region"() ({
      %run_scoped3A = tpu.sem_alloc : memref<!tpu.dma_semaphore, #tpu.memory_space<semaphore_mem>>
      %dma_start3A = arith.constant 0 : i32
      %dma_start3A_24 = tpu.memref_slice %arg9[%mul3A_0, %dma_start3A] : memref<5120x128xf32, #tpu.memory_space<vmem_shared>> -> memref<320x128xf32, #tpu.memory_space<vmem_shared>>
      %dma_start3A_25 = arith.constant 0 : i32
      %dma_start3A_26 = arith.constant 0 : i32
      %dma_start3A_27 = tpu.memref_slice %arg6[%dma_start3A_25, %dma_start3A_26] : memref<632x128xf32, #tpu.memory_space<hbm>> -> memref<320x128xf32, #tpu.memory_space<hbm>>
      tpu.enqueue_dma source(%dma_start3A_27 : memref<320x128xf32, #tpu.memory_space<hbm>>) target(%dma_start3A_24 : memref<320x128xf32, #tpu.memory_space<vmem_shared>>) target_semaphore(%run_scoped3A : memref<!tpu.dma_semaphore, #tpu.memory_space<semaphore_mem>>)
      %dma_wait3A = arith.constant 0 : i32
      %dma_wait3A_28 = tpu.memref_slice %arg9[%mul3A_0, %dma_wait3A] : memref<5120x128xf32, #tpu.memory_space<vmem_shared>> -> memref<320x128xf32, #tpu.memory_space<vmem_shared>>
      %dma_wait3A_29 = arith.constant 0 : i32
      %dma_wait3A_30 = arith.constant 0 : i32
      %dma_wait3A_31 = tpu.memref_slice %arg6[%dma_wait3A_29, %dma_wait3A_30] : memref<632x128xf32, #tpu.memory_space<hbm>> -> memref<320x128xf32, #tpu.memory_space<hbm>>
      tpu.wait_dma2 semaphore(%run_scoped3A : memref<!tpu.dma_semaphore, #tpu.memory_space<semaphore_mem>>) src(%dma_wait3A_31 : memref<320x128xf32, #tpu.memory_space<hbm>>) dst(%dma_wait3A_28 : memref<320x128xf32, #tpu.memory_space<vmem_shared>>)
      tpu.yield
    }) : () -> ()
    %eq3A = arith.constant 0 : i32
    %eq3A_1 = arith.cmpi eq, %arg0, %eq3A : i32
    %convert_element_type3A = arith.extui %eq3A_1 : i1 to i32
    %cond3A = arith.constant 0 : i32
    %cond3A_2 = arith.cmpi ne, %convert_element_type3A, %cond3A : i32
    scf.if %cond3A_2 {
      %mul3A_24 = arith.constant 320 : i32
      %mul3A_25 = arith.muli %arg1, %mul3A_24 : i32
      %mul3A_26 = arith.constant 320 : i32
      %mul3A_27 = arith.muli %arg1, %mul3A_26 : i32
      "tpu.region"() ({
        %run_scoped3A = tpu.sem_alloc : memref<!tpu.dma_semaphore, #tpu.memory_space<semaphore_mem>>
        %dma_start3A = arith.constant 0 : i32
        %dma_start3A_28 = tpu.memref_slice %arg10[%mul3A_27, %dma_start3A] : memref<5120x128xf32, #tpu.memory_space<vmem_shared>> -> memref<320x128xf32, #tpu.memory_space<vmem_shared>>
        %dma_start3A_29 = arith.constant 0 : i32
        %dma_start3A_30 = tpu.memref_slice %arg2[%mul3A_25, %dma_start3A_29] : memref<5120x128xf32, #tpu.memory_space<hbm>> -> memref<320x128xf32, #tpu.memory_space<hbm>>
        tpu.enqueue_dma source(%dma_start3A_30 : memref<320x128xf32, #tpu.memory_space<hbm>>) target(%dma_start3A_28 : memref<320x128xf32, #tpu.memory_space<vmem_shared>>) target_semaphore(%run_scoped3A : memref<!tpu.dma_semaphore, #tpu.memory_space<semaphore_mem>>)
        %dma_wait3A = arith.constant 0 : i32
        %dma_wait3A_31 = tpu.memref_slice %arg10[%mul3A_27, %dma_wait3A] : memref<5120x128xf32, #tpu.memory_space<vmem_shared>> -> memref<320x128xf32, #tpu.memory_space<vmem_shared>>
        %dma_wait3A_32 = arith.constant 0 : i32
        %dma_wait3A_33 = tpu.memref_slice %arg2[%mul3A_25, %dma_wait3A_32] : memref<5120x128xf32, #tpu.memory_space<hbm>> -> memref<320x128xf32, #tpu.memory_space<hbm>>
        tpu.wait_dma2 semaphore(%run_scoped3A : memref<!tpu.dma_semaphore, #tpu.memory_space<semaphore_mem>>) src(%dma_wait3A_33 : memref<320x128xf32, #tpu.memory_space<hbm>>) dst(%dma_wait3A_31 : memref<320x128xf32, #tpu.memory_space<vmem_shared>>)
        tpu.yield
      }) : () -> ()
    } else {
    }
    %eq3A_3 = arith.constant 1 : i32
    %eq3A_4 = arith.cmpi eq, %arg0, %eq3A_3 : i32
    %convert_element_type3A_5 = arith.extui %eq3A_4 : i1 to i32
    %cond3A_6 = arith.constant 0 : i32
    %cond3A_7 = arith.cmpi ne, %convert_element_type3A_5, %cond3A_6 : i32
    scf.if %cond3A_7 {
      %mul3A_24 = arith.constant 320 : i32
      %mul3A_25 = arith.muli %arg1, %mul3A_24 : i32
      %mul3A_26 = arith.constant 320 : i32
      %mul3A_27 = arith.muli %arg1, %mul3A_26 : i32
      "tpu.region"() ({
        %run_scoped3A = tpu.sem_alloc : memref<!tpu.dma_semaphore, #tpu.memory_space<semaphore_mem>>
        %dma_start3A = arith.constant 0 : i32
        %dma_start3A_28 = tpu.memref_slice %arg10[%mul3A_27, %dma_start3A] : memref<5120x128xf32, #tpu.memory_space<vmem_shared>> -> memref<320x128xf32, #tpu.memory_space<vmem_shared>>
        %dma_start3A_29 = arith.constant 0 : i32
        %dma_start3A_30 = tpu.memref_slice %arg3[%mul3A_25, %dma_start3A_29] : memref<5120x128xf32, #tpu.memory_space<hbm>> -> memref<320x128xf32, #tpu.memory_space<hbm>>
        tpu.enqueue_dma source(%dma_start3A_30 : memref<320x128xf32, #tpu.memory_space<hbm>>) target(%dma_start3A_28 : memref<320x128xf32, #tpu.memory_space<vmem_shared>>) target_semaphore(%run_scoped3A : memref<!tpu.dma_semaphore, #tpu.memory_space<semaphore_mem>>)
        %dma_wait3A = arith.constant 0 : i32
        %dma_wait3A_31 = tpu.memref_slice %arg10[%mul3A_27, %dma_wait3A] : memref<5120x128xf32, #tpu.memory_space<vmem_shared>> -> memref<320x128xf32, #tpu.memory_space<vmem_shared>>
        %dma_wait3A_32 = arith.constant 0 : i32
        %dma_wait3A_33 = tpu.memref_slice %arg3[%mul3A_25, %dma_wait3A_32] : memref<5120x128xf32, #tpu.memory_space<hbm>> -> memref<320x128xf32, #tpu.memory_space<hbm>>
        tpu.wait_dma2 semaphore(%run_scoped3A : memref<!tpu.dma_semaphore, #tpu.memory_space<semaphore_mem>>) src(%dma_wait3A_33 : memref<320x128xf32, #tpu.memory_space<hbm>>) dst(%dma_wait3A_31 : memref<320x128xf32, #tpu.memory_space<vmem_shared>>)
        tpu.yield
      }) : () -> ()
    } else {
    }
    %barrier3A = arith.constant 0 : index
    tpu.barrier barrier_id(%barrier3A)
    %scan3A = arith.constant 0 : i32
    %scan3A_8 = arith.constant 0 : i32
    %scan3A_9 = arith.constant 20 : i32
    %scan3A_10 = arith.addi %scan3A_8, %scan3A_9 : i32
    %scan3A_11 = arith.constant 1 : i32
    scf.for %scan3A_24 = %scan3A_8 to %scan3A_10 step %scan3A_11  : i32 {
      %mul3A_25 = arith.constant 20 : i32
      %mul3A_26 = arith.muli %arg1, %mul3A_25 : i32
      %add3A = arith.addi %mul3A_26, %scan3A_24 : i32
      %mul3A_27 = arith.constant 128 : i32
      %mul3A_28 = arith.muli %add3A, %mul3A_27 : i32
      "tpu.region"() ({
        %run_scoped3A = tpu.sem_alloc : memref<!tpu.dma_semaphore, #tpu.memory_space<semaphore_mem>>
        %dma_start3A_33 = tpu.memref_slice %arg4[%mul3A_28] : memref<40960xi32, #tpu.memory_space<hbm>> -> memref<128xi32, #tpu.memory_space<hbm>>
        %dma_start3A_34 = tpu.memref_slice %arg4[%mul3A_28] : memref<40960xi32, #tpu.memory_space<hbm>> -> memref<128xi32, #tpu.memory_space<hbm>>
        tpu.enqueue_dma source(%dma_start3A_34 : memref<128xi32, #tpu.memory_space<hbm>>) target(%arg11 : memref<128xi32, #tpu.memory_space<vmem>>) target_semaphore(%run_scoped3A : memref<!tpu.dma_semaphore, #tpu.memory_space<semaphore_mem>>)
        %dma_wait3A_35 = tpu.memref_slice %arg4[%mul3A_28] : memref<40960xi32, #tpu.memory_space<hbm>> -> memref<128xi32, #tpu.memory_space<hbm>>
        %dma_wait3A_36 = tpu.memref_slice %arg4[%mul3A_28] : memref<40960xi32, #tpu.memory_space<hbm>> -> memref<128xi32, #tpu.memory_space<hbm>>
        tpu.wait_dma2 semaphore(%run_scoped3A : memref<!tpu.dma_semaphore, #tpu.memory_space<semaphore_mem>>) src(%dma_wait3A_36 : memref<128xi32, #tpu.memory_space<hbm>>) dst(%arg11 : memref<128xi32, #tpu.memory_space<vmem>>)
        tpu.yield
      }) : () -> ()
      "tpu.region"() ({
        %run_scoped3A = tpu.sem_alloc : memref<!tpu.dma_semaphore, #tpu.memory_space<semaphore_mem>>
        %dma_start3A_33 = tpu.memref_slice %arg5[%mul3A_28] : memref<40960xi32, #tpu.memory_space<hbm>> -> memref<128xi32, #tpu.memory_space<hbm>>
        %dma_start3A_34 = tpu.memref_slice %arg5[%mul3A_28] : memref<40960xi32, #tpu.memory_space<hbm>> -> memref<128xi32, #tpu.memory_space<hbm>>
        tpu.enqueue_dma source(%dma_start3A_34 : memref<128xi32, #tpu.memory_space<hbm>>) target(%arg12 : memref<128xi32, #tpu.memory_space<vmem>>) target_semaphore(%run_scoped3A : memref<!tpu.dma_semaphore, #tpu.memory_space<semaphore_mem>>)
        %dma_wait3A_35 = tpu.memref_slice %arg5[%mul3A_28] : memref<40960xi32, #tpu.memory_space<hbm>> -> memref<128xi32, #tpu.memory_space<hbm>>
        %dma_wait3A_36 = tpu.memref_slice %arg5[%mul3A_28] : memref<40960xi32, #tpu.memory_space<hbm>> -> memref<128xi32, #tpu.memory_space<hbm>>
        tpu.wait_dma2 semaphore(%run_scoped3A : memref<!tpu.dma_semaphore, #tpu.memory_space<semaphore_mem>>) src(%dma_wait3A_36 : memref<128xi32, #tpu.memory_space<hbm>>) dst(%arg12 : memref<128xi32, #tpu.memory_space<vmem>>)
        tpu.yield
      }) : () -> ()
      %dma_start3A = arith.constant 0 : i32
      %dma_start3A_29 = arith.constant 0 : i32
      %dma_start3A_30 = tpu.memref_slice %arg10[%dma_start3A, %dma_start3A_29] : memref<5120x128xf32, #tpu.memory_space<vmem_shared>> -> memref<5120x128xf32, #tpu.memory_space<vmem_shared>>
      tpu.enqueue_indirect_dma source(%dma_start3A_30 : memref<5120x128xf32, #tpu.memory_space<vmem_shared>>) target(%arg13 : memref<128x128xf32, #tpu.memory_space<vmem>>) offsets(%arg11 : memref<128xi32, #tpu.memory_space<vmem>>) semaphore(%arg14 : memref<!tpu.dma_semaphore, #tpu.memory_space<semaphore_mem>>)
      %dma_wait3A = arith.constant 0 : i32
      %dma_wait3A_31 = arith.constant 0 : i32
      %dma_wait3A_32 = tpu.memref_slice %arg10[%dma_wait3A, %dma_wait3A_31] : memref<5120x128xf32, #tpu.memory_space<vmem_shared>> -> memref<5120x128xf32, #tpu.memory_space<vmem_shared>>
      tpu.wait_indirect_dma semaphore(%arg14 : memref<!tpu.dma_semaphore, #tpu.memory_space<semaphore_mem>>) src(%dma_wait3A_32 : memref<5120x128xf32, #tpu.memory_space<vmem_shared>>) dst(%arg13 : memref<128x128xf32, #tpu.memory_space<vmem>>)
      "tpu.region"() ({
        %run_scoped3A = tpu.sem_alloc : memref<!tpu.dma_semaphore, #tpu.memory_space<semaphore_mem>>
        %dma_start3A_33 = arith.constant 0 : i32
        %dma_start3A_34 = arith.constant 0 : i32
        %dma_start3A_35 = tpu.memref_slice %arg9[%dma_start3A_33, %dma_start3A_34] : memref<5120x128xf32, #tpu.memory_space<vmem_shared>> -> memref<5120x128xf32, #tpu.memory_space<vmem_shared>>
        tpu.enqueue_indirect_dma source(%arg13 : memref<128x128xf32, #tpu.memory_space<vmem>>) target(%dma_start3A_35 : memref<5120x128xf32, #tpu.memory_space<vmem_shared>>) offsets(%arg12 : memref<128xi32, #tpu.memory_space<vmem>>) semaphore(%run_scoped3A : memref<!tpu.dma_semaphore, #tpu.memory_space<semaphore_mem>>) {add = true}
        %dma_wait3A_36 = arith.constant 0 : i32
        %dma_wait3A_37 = arith.constant 0 : i32
        %dma_wait3A_38 = tpu.memref_slice %arg9[%dma_wait3A_36, %dma_wait3A_37] : memref<5120x128xf32, #tpu.memory_space<vmem_shared>> -> memref<5120x128xf32, #tpu.memory_space<vmem_shared>>
        tpu.wait_indirect_dma semaphore(%run_scoped3A : memref<!tpu.dma_semaphore, #tpu.memory_space<semaphore_mem>>) src(%arg13 : memref<128x128xf32, #tpu.memory_space<vmem>>) dst(%dma_wait3A_38 : memref<5120x128xf32, #tpu.memory_space<vmem_shared>>)
        tpu.yield
      }) : () -> ()
    }
    %scan3A_12 = arith.constant 20 : i32
    %barrier3A_13 = arith.constant 0 : index
    tpu.barrier barrier_id(%barrier3A_13)
    %eq3A_14 = arith.constant 0 : i32
    %eq3A_15 = arith.cmpi eq, %arg0, %eq3A_14 : i32
    %convert_element_type3A_16 = arith.extui %eq3A_15 : i1 to i32
    %cond3A_17 = arith.constant 0 : i32
    %cond3A_18 = arith.cmpi ne, %convert_element_type3A_16, %cond3A_17 : i32
    scf.if %cond3A_18 {
      %mul3A_24 = arith.constant 320 : i32
      %mul3A_25 = arith.muli %arg1, %mul3A_24 : i32
      %mul3A_26 = arith.constant 320 : i32
      %mul3A_27 = arith.muli %arg1, %mul3A_26 : i32
      "tpu.region"() ({
        %run_scoped3A = tpu.sem_alloc : memref<!tpu.dma_semaphore, #tpu.memory_space<semaphore_mem>>
        %dma_start3A = arith.constant 0 : i32
        %dma_start3A_28 = tpu.memref_slice %arg7[%mul3A_27, %dma_start3A] : memref<5120x128xf32, #tpu.memory_space<hbm>> -> memref<320x128xf32, #tpu.memory_space<hbm>>
        %dma_start3A_29 = arith.constant 0 : i32
        %dma_start3A_30 = tpu.memref_slice %arg9[%mul3A_25, %dma_start3A_29] : memref<5120x128xf32, #tpu.memory_space<vmem_shared>> -> memref<320x128xf32, #tpu.memory_space<vmem_shared>>
        tpu.enqueue_dma source(%dma_start3A_30 : memref<320x128xf32, #tpu.memory_space<vmem_shared>>) target(%dma_start3A_28 : memref<320x128xf32, #tpu.memory_space<hbm>>) target_semaphore(%run_scoped3A : memref<!tpu.dma_semaphore, #tpu.memory_space<semaphore_mem>>)
        %dma_wait3A = arith.constant 0 : i32
        %dma_wait3A_31 = tpu.memref_slice %arg7[%mul3A_27, %dma_wait3A] : memref<5120x128xf32, #tpu.memory_space<hbm>> -> memref<320x128xf32, #tpu.memory_space<hbm>>
        %dma_wait3A_32 = arith.constant 0 : i32
        %dma_wait3A_33 = tpu.memref_slice %arg9[%mul3A_25, %dma_wait3A_32] : memref<5120x128xf32, #tpu.memory_space<vmem_shared>> -> memref<320x128xf32, #tpu.memory_space<vmem_shared>>
        tpu.wait_dma2 semaphore(%run_scoped3A : memref<!tpu.dma_semaphore, #tpu.memory_space<semaphore_mem>>) src(%dma_wait3A_33 : memref<320x128xf32, #tpu.memory_space<vmem_shared>>) dst(%dma_wait3A_31 : memref<320x128xf32, #tpu.memory_space<hbm>>)
        tpu.yield
      }) : () -> ()
    } else {
    }
    %eq3A_19 = arith.constant 1 : i32
    %eq3A_20 = arith.cmpi eq, %arg0, %eq3A_19 : i32
    %convert_element_type3A_21 = arith.extui %eq3A_20 : i1 to i32
    %cond3A_22 = arith.constant 0 : i32
    %cond3A_23 = arith.cmpi ne, %convert_element_type3A_21, %cond3A_22 : i32
    scf.if %cond3A_23 {
      %mul3A_24 = arith.constant 320 : i32
      %mul3A_25 = arith.muli %arg1, %mul3A_24 : i32
      %mul3A_26 = arith.constant 320 : i32
      %mul3A_27 = arith.muli %arg1, %mul3A_26 : i32
      "tpu.region"() ({
        %run_scoped3A = tpu.sem_alloc : memref<!tpu.dma_semaphore, #tpu.memory_space<semaphore_mem>>
        %dma_start3A = arith.constant 0 : i32
        %dma_start3A_28 = tpu.memref_slice %arg8[%mul3A_27, %dma_start3A] : memref<5120x128xf32, #tpu.memory_space<hbm>> -> memref<320x128xf32, #tpu.memory_space<hbm>>
        %dma_start3A_29 = arith.constant 0 : i32
        %dma_start3A_30 = tpu.memref_slice %arg9[%mul3A_25, %dma_start3A_29] : memref<5120x128xf32, #tpu.memory_space<vmem_shared>> -> memref<320x128xf32, #tpu.memory_space<vmem_shared>>
        tpu.enqueue_dma source(%dma_start3A_30 : memref<320x128xf32, #tpu.memory_space<vmem_shared>>) target(%dma_start3A_28 : memref<320x128xf32, #tpu.memory_space<hbm>>) target_semaphore(%run_scoped3A : memref<!tpu.dma_semaphore, #tpu.memory_space<semaphore_mem>>)
        %dma_wait3A = arith.constant 0 : i32
        %dma_wait3A_31 = tpu.memref_slice %arg8[%mul3A_27, %dma_wait3A] : memref<5120x128xf32, #tpu.memory_space<hbm>> -> memref<320x128xf32, #tpu.memory_space<hbm>>
        %dma_wait3A_32 = arith.constant 0 : i32
        %dma_wait3A_33 = tpu.memref_slice %arg9[%mul3A_25, %dma_wait3A_32] : memref<5120x128xf32, #tpu.memory_space<vmem_shared>> -> memref<320x128xf32, #tpu.memory_space<vmem_shared>>
        tpu.wait_dma2 semaphore(%run_scoped3A : memref<!tpu.dma_semaphore, #tpu.memory_space<semaphore_mem>>) src(%dma_wait3A_33 : memref<320x128xf32, #tpu.memory_space<vmem_shared>>) dst(%dma_wait3A_31 : memref<320x128xf32, #tpu.memory_space<hbm>>)
        tpu.yield
      }) : () -> ()
    } else {
    }
    return
  }
}

#map = affine_map<(d0, d1) -> (0, 0)>
#map1 = affine_map<(d0, d1) -> (0)>
module attributes {stable_mosaic.version = 14 : i64} {
  func.func @body(%arg0: i32, %arg1: i32, %arg2: memref<10000x128xf32, #tpu.memory_space<hbm>>, %arg3: memref<10000x128xf32, #tpu.memory_space<hbm>>, %arg4: memref<10000x128xf32, #tpu.memory_space<hbm>>, %arg5: memref<10000x128xf32, #tpu.memory_space<hbm>>, %arg6: memref<161792xi32, #tpu.memory_space<hbm>>, %arg7: memref<161792xi32, #tpu.memory_space<hbm>>, %arg8: memref<5120xi32, #tpu.memory_space<hbm>>, %arg9: memref<632x128xf32, #tpu.memory_space<hbm>>, %arg10: memref<5120x128xf32, #tpu.memory_space<hbm>>, %arg11: memref<5120x128xf32, #tpu.memory_space<hbm>>, %arg12: memref<5120x128xf32, #tpu.memory_space<hbm>>, %arg13: memref<5120x128xf32, #tpu.memory_space<hbm>>, %arg14: memref<10112x128xf32, #tpu.memory_space<vmem_shared>>, %arg15: memref<128xi32, #tpu.memory_space<vmem>>, %arg16: memref<128xi32, #tpu.memory_space<vmem>>, %arg17: memref<128x128xf32, #tpu.memory_space<vmem>>, %arg18: memref<!tpu.dma_semaphore, #tpu.memory_space<semaphore_mem>>) attributes {dimension_semantics = [#tpu.dimension_semantics<core_parallel>, #tpu.dimension_semantics<subcore_parallel>], iteration_bounds = array<i64: 2, 16>, scalar_prefetch = 0 : i64, scratch_operands = 5 : i64, tpu.core_type = #tpu.core_type<sc_vector_subcore>, window_params = [{transform_indices = #map}, {transform_indices = #map}, {transform_indices = #map}, {transform_indices = #map}, {transform_indices = #map1}, {transform_indices = #map1}, {transform_indices = #map1}, {transform_indices = #map}, {transform_indices = #map}, {transform_indices = #map}, {transform_indices = #map}, {transform_indices = #map}]} {
    %mul3A = arith.constant 632 : i32
    %mul3A_0 = arith.muli %arg1, %mul3A : i32
    "tpu.region"() ({
      %run_scoped3A = tpu.sem_alloc : memref<!tpu.dma_semaphore, #tpu.memory_space<semaphore_mem>>
      %dma_start3A = arith.constant 0 : i32
      %dma_start3A_19 = tpu.memref_slice %arg14[%mul3A_0, %dma_start3A] : memref<10112x128xf32, #tpu.memory_space<vmem_shared>> -> memref<632x128xf32, #tpu.memory_space<vmem_shared>>
      %dma_start3A_20 = arith.constant 0 : i32
      %dma_start3A_21 = arith.constant 0 : i32
      %dma_start3A_22 = tpu.memref_slice %arg9[%dma_start3A_20, %dma_start3A_21] : memref<632x128xf32, #tpu.memory_space<hbm>> -> memref<632x128xf32, #tpu.memory_space<hbm>>
      tpu.enqueue_dma source(%dma_start3A_22 : memref<632x128xf32, #tpu.memory_space<hbm>>) target(%dma_start3A_19 : memref<632x128xf32, #tpu.memory_space<vmem_shared>>) target_semaphore(%run_scoped3A : memref<!tpu.dma_semaphore, #tpu.memory_space<semaphore_mem>>)
      %dma_wait3A = arith.constant 0 : i32
      %dma_wait3A_23 = tpu.memref_slice %arg14[%mul3A_0, %dma_wait3A] : memref<10112x128xf32, #tpu.memory_space<vmem_shared>> -> memref<632x128xf32, #tpu.memory_space<vmem_shared>>
      %dma_wait3A_24 = arith.constant 0 : i32
      %dma_wait3A_25 = arith.constant 0 : i32
      %dma_wait3A_26 = tpu.memref_slice %arg9[%dma_wait3A_24, %dma_wait3A_25] : memref<632x128xf32, #tpu.memory_space<hbm>> -> memref<632x128xf32, #tpu.memory_space<hbm>>
      tpu.wait_dma2 semaphore(%run_scoped3A : memref<!tpu.dma_semaphore, #tpu.memory_space<semaphore_mem>>) src(%dma_wait3A_26 : memref<632x128xf32, #tpu.memory_space<hbm>>) dst(%dma_wait3A_23 : memref<632x128xf32, #tpu.memory_space<vmem_shared>>)
      tpu.yield
    }) : () -> ()
    %barrier3A = arith.constant 0 : index
    tpu.barrier barrier_id(%barrier3A)
    %eq3A = arith.constant 0 : i32
    %eq3A_1 = arith.cmpi eq, %arg0, %eq3A : i32
    %convert_element_type3A = arith.extui %eq3A_1 : i1 to i32
    %cond3A = arith.constant 0 : i32
    %cond3A_2 = arith.cmpi ne, %convert_element_type3A, %cond3A : i32
    scf.if %cond3A_2 {
      %scan3A = arith.constant 0 : i32
      %scan3A_19 = arith.constant 0 : i32
      %scan3A_20 = arith.constant 79 : i32
      %scan3A_21 = arith.addi %scan3A_19, %scan3A_20 : i32
      %scan3A_22 = arith.constant 1 : i32
      scf.for %scan3A_24 = %scan3A_19 to %scan3A_21 step %scan3A_22  : i32 {
        %mul3A_25 = arith.constant 79 : i32
        %mul3A_26 = arith.muli %arg1, %mul3A_25 : i32
        %add3A = arith.addi %mul3A_26, %scan3A_24 : i32
        %mul3A_27 = arith.constant 128 : i32
        %mul3A_28 = arith.muli %add3A, %mul3A_27 : i32
        "tpu.region"() ({
          %run_scoped3A = tpu.sem_alloc : memref<!tpu.dma_semaphore, #tpu.memory_space<semaphore_mem>>
          %dma_start3A_33 = tpu.memref_slice %arg6[%mul3A_28] : memref<161792xi32, #tpu.memory_space<hbm>> -> memref<128xi32, #tpu.memory_space<hbm>>
          %dma_start3A_34 = tpu.memref_slice %arg6[%mul3A_28] : memref<161792xi32, #tpu.memory_space<hbm>> -> memref<128xi32, #tpu.memory_space<hbm>>
          tpu.enqueue_dma source(%dma_start3A_34 : memref<128xi32, #tpu.memory_space<hbm>>) target(%arg15 : memref<128xi32, #tpu.memory_space<vmem>>) target_semaphore(%run_scoped3A : memref<!tpu.dma_semaphore, #tpu.memory_space<semaphore_mem>>)
          %dma_wait3A_35 = tpu.memref_slice %arg6[%mul3A_28] : memref<161792xi32, #tpu.memory_space<hbm>> -> memref<128xi32, #tpu.memory_space<hbm>>
          %dma_wait3A_36 = tpu.memref_slice %arg6[%mul3A_28] : memref<161792xi32, #tpu.memory_space<hbm>> -> memref<128xi32, #tpu.memory_space<hbm>>
          tpu.wait_dma2 semaphore(%run_scoped3A : memref<!tpu.dma_semaphore, #tpu.memory_space<semaphore_mem>>) src(%dma_wait3A_36 : memref<128xi32, #tpu.memory_space<hbm>>) dst(%arg15 : memref<128xi32, #tpu.memory_space<vmem>>)
          tpu.yield
        }) : () -> ()
        "tpu.region"() ({
          %run_scoped3A = tpu.sem_alloc : memref<!tpu.dma_semaphore, #tpu.memory_space<semaphore_mem>>
          %dma_start3A_33 = tpu.memref_slice %arg7[%mul3A_28] : memref<161792xi32, #tpu.memory_space<hbm>> -> memref<128xi32, #tpu.memory_space<hbm>>
          %dma_start3A_34 = tpu.memref_slice %arg7[%mul3A_28] : memref<161792xi32, #tpu.memory_space<hbm>> -> memref<128xi32, #tpu.memory_space<hbm>>
          tpu.enqueue_dma source(%dma_start3A_34 : memref<128xi32, #tpu.memory_space<hbm>>) target(%arg16 : memref<128xi32, #tpu.memory_space<vmem>>) target_semaphore(%run_scoped3A : memref<!tpu.dma_semaphore, #tpu.memory_space<semaphore_mem>>)
          %dma_wait3A_35 = tpu.memref_slice %arg7[%mul3A_28] : memref<161792xi32, #tpu.memory_space<hbm>> -> memref<128xi32, #tpu.memory_space<hbm>>
          %dma_wait3A_36 = tpu.memref_slice %arg7[%mul3A_28] : memref<161792xi32, #tpu.memory_space<hbm>> -> memref<128xi32, #tpu.memory_space<hbm>>
          tpu.wait_dma2 semaphore(%run_scoped3A : memref<!tpu.dma_semaphore, #tpu.memory_space<semaphore_mem>>) src(%dma_wait3A_36 : memref<128xi32, #tpu.memory_space<hbm>>) dst(%arg16 : memref<128xi32, #tpu.memory_space<vmem>>)
          tpu.yield
        }) : () -> ()
        %dma_start3A = arith.constant 0 : i32
        %dma_start3A_29 = arith.constant 0 : i32
        %dma_start3A_30 = tpu.memref_slice %arg2[%dma_start3A, %dma_start3A_29] : memref<10000x128xf32, #tpu.memory_space<hbm>> -> memref<10000x128xf32, #tpu.memory_space<hbm>>
        tpu.enqueue_indirect_dma source(%dma_start3A_30 : memref<10000x128xf32, #tpu.memory_space<hbm>>) target(%arg17 : memref<128x128xf32, #tpu.memory_space<vmem>>) offsets(%arg15 : memref<128xi32, #tpu.memory_space<vmem>>) semaphore(%arg18 : memref<!tpu.dma_semaphore, #tpu.memory_space<semaphore_mem>>)
        %dma_wait3A = arith.constant 0 : i32
        %dma_wait3A_31 = arith.constant 0 : i32
        %dma_wait3A_32 = tpu.memref_slice %arg2[%dma_wait3A, %dma_wait3A_31] : memref<10000x128xf32, #tpu.memory_space<hbm>> -> memref<10000x128xf32, #tpu.memory_space<hbm>>
        tpu.wait_indirect_dma semaphore(%arg18 : memref<!tpu.dma_semaphore, #tpu.memory_space<semaphore_mem>>) src(%dma_wait3A_32 : memref<10000x128xf32, #tpu.memory_space<hbm>>) dst(%arg17 : memref<128x128xf32, #tpu.memory_space<vmem>>)
        "tpu.region"() ({
          %run_scoped3A = tpu.sem_alloc : memref<!tpu.dma_semaphore, #tpu.memory_space<semaphore_mem>>
          %dma_start3A_33 = arith.constant 0 : i32
          %dma_start3A_34 = arith.constant 0 : i32
          %dma_start3A_35 = tpu.memref_slice %arg14[%dma_start3A_33, %dma_start3A_34] : memref<10112x128xf32, #tpu.memory_space<vmem_shared>> -> memref<10112x128xf32, #tpu.memory_space<vmem_shared>>
          tpu.enqueue_indirect_dma source(%arg17 : memref<128x128xf32, #tpu.memory_space<vmem>>) target(%dma_start3A_35 : memref<10112x128xf32, #tpu.memory_space<vmem_shared>>) offsets(%arg16 : memref<128xi32, #tpu.memory_space<vmem>>) semaphore(%run_scoped3A : memref<!tpu.dma_semaphore, #tpu.memory_space<semaphore_mem>>) {add = true}
          %dma_wait3A_36 = arith.constant 0 : i32
          %dma_wait3A_37 = arith.constant 0 : i32
          %dma_wait3A_38 = tpu.memref_slice %arg14[%dma_wait3A_36, %dma_wait3A_37] : memref<10112x128xf32, #tpu.memory_space<vmem_shared>> -> memref<10112x128xf32, #tpu.memory_space<vmem_shared>>
          tpu.wait_indirect_dma semaphore(%run_scoped3A : memref<!tpu.dma_semaphore, #tpu.memory_space<semaphore_mem>>) src(%arg17 : memref<128x128xf32, #tpu.memory_space<vmem>>) dst(%dma_wait3A_38 : memref<10112x128xf32, #tpu.memory_space<vmem_shared>>)
          tpu.yield
        }) : () -> ()
      }
      %scan3A_23 = arith.constant 79 : i32
    } else {
    }
    %eq3A_3 = arith.constant 1 : i32
    %eq3A_4 = arith.cmpi eq, %arg0, %eq3A_3 : i32
    %convert_element_type3A_5 = arith.extui %eq3A_4 : i1 to i32
    %cond3A_6 = arith.constant 0 : i32
    %cond3A_7 = arith.cmpi ne, %convert_element_type3A_5, %cond3A_6 : i32
    scf.if %cond3A_7 {
      %scan3A = arith.constant 0 : i32
      %scan3A_19 = arith.constant 0 : i32
      %scan3A_20 = arith.constant 79 : i32
      %scan3A_21 = arith.addi %scan3A_19, %scan3A_20 : i32
      %scan3A_22 = arith.constant 1 : i32
      scf.for %scan3A_24 = %scan3A_19 to %scan3A_21 step %scan3A_22  : i32 {
        %mul3A_25 = arith.constant 79 : i32
        %mul3A_26 = arith.muli %arg1, %mul3A_25 : i32
        %add3A = arith.addi %mul3A_26, %scan3A_24 : i32
        %mul3A_27 = arith.constant 128 : i32
        %mul3A_28 = arith.muli %add3A, %mul3A_27 : i32
        "tpu.region"() ({
          %run_scoped3A = tpu.sem_alloc : memref<!tpu.dma_semaphore, #tpu.memory_space<semaphore_mem>>
          %dma_start3A_33 = tpu.memref_slice %arg6[%mul3A_28] : memref<161792xi32, #tpu.memory_space<hbm>> -> memref<128xi32, #tpu.memory_space<hbm>>
          %dma_start3A_34 = tpu.memref_slice %arg6[%mul3A_28] : memref<161792xi32, #tpu.memory_space<hbm>> -> memref<128xi32, #tpu.memory_space<hbm>>
          tpu.enqueue_dma source(%dma_start3A_34 : memref<128xi32, #tpu.memory_space<hbm>>) target(%arg15 : memref<128xi32, #tpu.memory_space<vmem>>) target_semaphore(%run_scoped3A : memref<!tpu.dma_semaphore, #tpu.memory_space<semaphore_mem>>)
          %dma_wait3A_35 = tpu.memref_slice %arg6[%mul3A_28] : memref<161792xi32, #tpu.memory_space<hbm>> -> memref<128xi32, #tpu.memory_space<hbm>>
          %dma_wait3A_36 = tpu.memref_slice %arg6[%mul3A_28] : memref<161792xi32, #tpu.memory_space<hbm>> -> memref<128xi32, #tpu.memory_space<hbm>>
          tpu.wait_dma2 semaphore(%run_scoped3A : memref<!tpu.dma_semaphore, #tpu.memory_space<semaphore_mem>>) src(%dma_wait3A_36 : memref<128xi32, #tpu.memory_space<hbm>>) dst(%arg15 : memref<128xi32, #tpu.memory_space<vmem>>)
          tpu.yield
        }) : () -> ()
        "tpu.region"() ({
          %run_scoped3A = tpu.sem_alloc : memref<!tpu.dma_semaphore, #tpu.memory_space<semaphore_mem>>
          %dma_start3A_33 = tpu.memref_slice %arg7[%mul3A_28] : memref<161792xi32, #tpu.memory_space<hbm>> -> memref<128xi32, #tpu.memory_space<hbm>>
          %dma_start3A_34 = tpu.memref_slice %arg7[%mul3A_28] : memref<161792xi32, #tpu.memory_space<hbm>> -> memref<128xi32, #tpu.memory_space<hbm>>
          tpu.enqueue_dma source(%dma_start3A_34 : memref<128xi32, #tpu.memory_space<hbm>>) target(%arg16 : memref<128xi32, #tpu.memory_space<vmem>>) target_semaphore(%run_scoped3A : memref<!tpu.dma_semaphore, #tpu.memory_space<semaphore_mem>>)
          %dma_wait3A_35 = tpu.memref_slice %arg7[%mul3A_28] : memref<161792xi32, #tpu.memory_space<hbm>> -> memref<128xi32, #tpu.memory_space<hbm>>
          %dma_wait3A_36 = tpu.memref_slice %arg7[%mul3A_28] : memref<161792xi32, #tpu.memory_space<hbm>> -> memref<128xi32, #tpu.memory_space<hbm>>
          tpu.wait_dma2 semaphore(%run_scoped3A : memref<!tpu.dma_semaphore, #tpu.memory_space<semaphore_mem>>) src(%dma_wait3A_36 : memref<128xi32, #tpu.memory_space<hbm>>) dst(%arg16 : memref<128xi32, #tpu.memory_space<vmem>>)
          tpu.yield
        }) : () -> ()
        %dma_start3A = arith.constant 0 : i32
        %dma_start3A_29 = arith.constant 0 : i32
        %dma_start3A_30 = tpu.memref_slice %arg3[%dma_start3A, %dma_start3A_29] : memref<10000x128xf32, #tpu.memory_space<hbm>> -> memref<10000x128xf32, #tpu.memory_space<hbm>>
        tpu.enqueue_indirect_dma source(%dma_start3A_30 : memref<10000x128xf32, #tpu.memory_space<hbm>>) target(%arg17 : memref<128x128xf32, #tpu.memory_space<vmem>>) offsets(%arg15 : memref<128xi32, #tpu.memory_space<vmem>>) semaphore(%arg18 : memref<!tpu.dma_semaphore, #tpu.memory_space<semaphore_mem>>)
        %dma_wait3A = arith.constant 0 : i32
        %dma_wait3A_31 = arith.constant 0 : i32
        %dma_wait3A_32 = tpu.memref_slice %arg3[%dma_wait3A, %dma_wait3A_31] : memref<10000x128xf32, #tpu.memory_space<hbm>> -> memref<10000x128xf32, #tpu.memory_space<hbm>>
        tpu.wait_indirect_dma semaphore(%arg18 : memref<!tpu.dma_semaphore, #tpu.memory_space<semaphore_mem>>) src(%dma_wait3A_32 : memref<10000x128xf32, #tpu.memory_space<hbm>>) dst(%arg17 : memref<128x128xf32, #tpu.memory_space<vmem>>)
        "tpu.region"() ({
          %run_scoped3A = tpu.sem_alloc : memref<!tpu.dma_semaphore, #tpu.memory_space<semaphore_mem>>
          %dma_start3A_33 = arith.constant 0 : i32
          %dma_start3A_34 = arith.constant 0 : i32
          %dma_start3A_35 = tpu.memref_slice %arg14[%dma_start3A_33, %dma_start3A_34] : memref<10112x128xf32, #tpu.memory_space<vmem_shared>> -> memref<10112x128xf32, #tpu.memory_space<vmem_shared>>
          tpu.enqueue_indirect_dma source(%arg17 : memref<128x128xf32, #tpu.memory_space<vmem>>) target(%dma_start3A_35 : memref<10112x128xf32, #tpu.memory_space<vmem_shared>>) offsets(%arg16 : memref<128xi32, #tpu.memory_space<vmem>>) semaphore(%run_scoped3A : memref<!tpu.dma_semaphore, #tpu.memory_space<semaphore_mem>>) {add = true}
          %dma_wait3A_36 = arith.constant 0 : i32
          %dma_wait3A_37 = arith.constant 0 : i32
          %dma_wait3A_38 = tpu.memref_slice %arg14[%dma_wait3A_36, %dma_wait3A_37] : memref<10112x128xf32, #tpu.memory_space<vmem_shared>> -> memref<10112x128xf32, #tpu.memory_space<vmem_shared>>
          tpu.wait_indirect_dma semaphore(%run_scoped3A : memref<!tpu.dma_semaphore, #tpu.memory_space<semaphore_mem>>) src(%arg17 : memref<128x128xf32, #tpu.memory_space<vmem>>) dst(%dma_wait3A_38 : memref<10112x128xf32, #tpu.memory_space<vmem_shared>>)
          tpu.yield
        }) : () -> ()
      }
      %scan3A_23 = arith.constant 79 : i32
    } else {
    }
    %barrier3A_8 = arith.constant 0 : index
    tpu.barrier barrier_id(%barrier3A_8)
    %eq3A_9 = arith.constant 0 : i32
    %eq3A_10 = arith.cmpi eq, %arg0, %eq3A_9 : i32
    %convert_element_type3A_11 = arith.extui %eq3A_10 : i1 to i32
    %cond3A_12 = arith.constant 0 : i32
    %cond3A_13 = arith.cmpi ne, %convert_element_type3A_11, %cond3A_12 : i32
    scf.if %cond3A_13 {
      %sub3A = arith.constant 40 : i32
      %sub3A_19 = arith.subi %sub3A, %arg1 : i32
      %add3A = arith.constant 16 : i32
      %add3A_20 = arith.addi %sub3A_19, %add3A : i32
      %sub3A_21 = arith.constant 1 : i32
      %sub3A_22 = arith.subi %add3A_20, %sub3A_21 : i32
      %jit3A = arith.constant 16 : i32
      %div3A = arith.divsi %sub3A_22, %jit3A : i32
      %sign3A = arith.constant 0 : i32
      %sign3A_23 = arith.cmpi sgt, %sub3A_22, %sign3A : i32
      %sign3A_24 = arith.extui %sign3A_23 : i1 to i32
      %sign3A_25 = arith.constant 0 : i32
      %sign3A_26 = arith.cmpi slt, %sub3A_22, %sign3A_25 : i32
      %sign3A_27 = arith.extui %sign3A_26 : i1 to i32
      %sign3A_28 = arith.subi %sign3A_24, %sign3A_27 : i32
      %sign3A_29 = arith.constant 0 : i32
      %sign3A_30 = arith.cmpi sgt, %jit3A, %sign3A_29 : i32
      %sign3A_31 = arith.extui %sign3A_30 : i1 to i32
      %sign3A_32 = arith.constant 0 : i32
      %sign3A_33 = arith.cmpi slt, %jit3A, %sign3A_32 : i32
      %sign3A_34 = arith.extui %sign3A_33 : i1 to i32
      %sign3A_35 = arith.subi %sign3A_31, %sign3A_34 : i32
      %ne3A = arith.cmpi ne, %sign3A_28, %sign3A_35 : i32
      %rem3A = arith.remsi %sub3A_22, %jit3A : i32
      %ne3A_36 = arith.constant 0 : i32
      %ne3A_37 = arith.cmpi ne, %rem3A, %ne3A_36 : i32
      %and3A = arith.andi %ne3A, %ne3A_37 : i1
      %sub3A_38 = arith.constant 1 : i32
      %sub3A_39 = arith.subi %div3A, %sub3A_38 : i32
      %select_n3A = arith.select %and3A, %sub3A_39, %div3A : i32
      %while3A = arith.constant 0 : i32
      %while3A_40 = arith.constant 0 : i32
      %while3A_41 = arith.subi %select_n3A, %while3A_40 : i32
      %while3A_42 = arith.addi %while3A_40, %while3A_41 : i32
      %while3A_43 = arith.constant 1 : i32
      %while3A_44 = arith.divsi %while3A_41, %while3A_43 : i32
      %while3A_45 = arith.muli %while3A_44, %while3A_43 : i32
      %while3A_46 = arith.addi %while3A_40, %while3A_45 : i32
      %while3A_47 = arith.constant 1 : i32
      scf.for %while3A_49 = %while3A_40 to %while3A_46 step %while3A_47  : i32 {
        %mul3A_50 = arith.constant 16 : i32
        %mul3A_51 = arith.muli %while3A_49, %mul3A_50 : i32
        %add3A_52 = arith.addi %arg1, %mul3A_51 : i32
        %mul3A_53 = arith.constant 128 : i32
        %mul3A_54 = arith.muli %add3A_52, %mul3A_53 : i32
        "tpu.region"() ({
          %run_scoped3A = tpu.sem_alloc : memref<!tpu.dma_semaphore, #tpu.memory_space<semaphore_mem>>
          %dma_start3A_65 = tpu.memref_slice %arg8[%mul3A_54] : memref<5120xi32, #tpu.memory_space<hbm>> -> memref<128xi32, #tpu.memory_space<hbm>>
          %dma_start3A_66 = tpu.memref_slice %arg8[%mul3A_54] : memref<5120xi32, #tpu.memory_space<hbm>> -> memref<128xi32, #tpu.memory_space<hbm>>
          tpu.enqueue_dma source(%dma_start3A_66 : memref<128xi32, #tpu.memory_space<hbm>>) target(%arg15 : memref<128xi32, #tpu.memory_space<vmem>>) target_semaphore(%run_scoped3A : memref<!tpu.dma_semaphore, #tpu.memory_space<semaphore_mem>>)
          %dma_wait3A_67 = tpu.memref_slice %arg8[%mul3A_54] : memref<5120xi32, #tpu.memory_space<hbm>> -> memref<128xi32, #tpu.memory_space<hbm>>
          %dma_wait3A_68 = tpu.memref_slice %arg8[%mul3A_54] : memref<5120xi32, #tpu.memory_space<hbm>> -> memref<128xi32, #tpu.memory_space<hbm>>
          tpu.wait_dma2 semaphore(%run_scoped3A : memref<!tpu.dma_semaphore, #tpu.memory_space<semaphore_mem>>) src(%dma_wait3A_68 : memref<128xi32, #tpu.memory_space<hbm>>) dst(%arg15 : memref<128xi32, #tpu.memory_space<vmem>>)
          tpu.yield
        }) : () -> ()
        %dma_start3A = arith.constant 0 : i32
        %dma_start3A_55 = arith.constant 0 : i32
        %dma_start3A_56 = tpu.memref_slice %arg4[%dma_start3A, %dma_start3A_55] : memref<10000x128xf32, #tpu.memory_space<hbm>> -> memref<10000x128xf32, #tpu.memory_space<hbm>>
        tpu.enqueue_indirect_dma source(%dma_start3A_56 : memref<10000x128xf32, #tpu.memory_space<hbm>>) target(%arg17 : memref<128x128xf32, #tpu.memory_space<vmem>>) offsets(%arg15 : memref<128xi32, #tpu.memory_space<vmem>>) semaphore(%arg18 : memref<!tpu.dma_semaphore, #tpu.memory_space<semaphore_mem>>)
        %dma_wait3A = arith.constant 0 : i32
        %dma_wait3A_57 = arith.constant 0 : i32
        %dma_wait3A_58 = tpu.memref_slice %arg4[%dma_wait3A, %dma_wait3A_57] : memref<10000x128xf32, #tpu.memory_space<hbm>> -> memref<10000x128xf32, #tpu.memory_space<hbm>>
        tpu.wait_indirect_dma semaphore(%arg18 : memref<!tpu.dma_semaphore, #tpu.memory_space<semaphore_mem>>) src(%dma_wait3A_58 : memref<10000x128xf32, #tpu.memory_space<hbm>>) dst(%arg17 : memref<128x128xf32, #tpu.memory_space<vmem>>)
        "tpu.region"() ({
          %run_scoped3A = tpu.sem_alloc : memref<!tpu.dma_semaphore, #tpu.memory_space<semaphore_mem>>
          %dma_start3A_65 = arith.constant 0 : i32
          %dma_start3A_66 = tpu.memref_slice %arg10[%mul3A_54, %dma_start3A_65] : memref<5120x128xf32, #tpu.memory_space<hbm>> -> memref<128x128xf32, #tpu.memory_space<hbm>>
          %dma_start3A_67 = arith.constant 0 : i32
          %dma_start3A_68 = tpu.memref_slice %arg10[%mul3A_54, %dma_start3A_67] : memref<5120x128xf32, #tpu.memory_space<hbm>> -> memref<128x128xf32, #tpu.memory_space<hbm>>
          tpu.enqueue_dma source(%arg17 : memref<128x128xf32, #tpu.memory_space<vmem>>) target(%dma_start3A_68 : memref<128x128xf32, #tpu.memory_space<hbm>>) target_semaphore(%run_scoped3A : memref<!tpu.dma_semaphore, #tpu.memory_space<semaphore_mem>>)
          %dma_wait3A_69 = arith.constant 0 : i32
          %dma_wait3A_70 = tpu.memref_slice %arg10[%mul3A_54, %dma_wait3A_69] : memref<5120x128xf32, #tpu.memory_space<hbm>> -> memref<128x128xf32, #tpu.memory_space<hbm>>
          %dma_wait3A_71 = arith.constant 0 : i32
          %dma_wait3A_72 = tpu.memref_slice %arg10[%mul3A_54, %dma_wait3A_71] : memref<5120x128xf32, #tpu.memory_space<hbm>> -> memref<128x128xf32, #tpu.memory_space<hbm>>
          tpu.wait_dma2 semaphore(%run_scoped3A : memref<!tpu.dma_semaphore, #tpu.memory_space<semaphore_mem>>) src(%arg17 : memref<128x128xf32, #tpu.memory_space<vmem>>) dst(%dma_wait3A_72 : memref<128x128xf32, #tpu.memory_space<hbm>>)
          tpu.yield
        }) : () -> ()
        %dma_start3A_59 = arith.constant 0 : i32
        %dma_start3A_60 = arith.constant 0 : i32
        %dma_start3A_61 = tpu.memref_slice %arg14[%dma_start3A_59, %dma_start3A_60] : memref<10112x128xf32, #tpu.memory_space<vmem_shared>> -> memref<10112x128xf32, #tpu.memory_space<vmem_shared>>
        tpu.enqueue_indirect_dma source(%dma_start3A_61 : memref<10112x128xf32, #tpu.memory_space<vmem_shared>>) target(%arg17 : memref<128x128xf32, #tpu.memory_space<vmem>>) offsets(%arg15 : memref<128xi32, #tpu.memory_space<vmem>>) semaphore(%arg18 : memref<!tpu.dma_semaphore, #tpu.memory_space<semaphore_mem>>)
        %dma_wait3A_62 = arith.constant 0 : i32
        %dma_wait3A_63 = arith.constant 0 : i32
        %dma_wait3A_64 = tpu.memref_slice %arg14[%dma_wait3A_62, %dma_wait3A_63] : memref<10112x128xf32, #tpu.memory_space<vmem_shared>> -> memref<10112x128xf32, #tpu.memory_space<vmem_shared>>
        tpu.wait_indirect_dma semaphore(%arg18 : memref<!tpu.dma_semaphore, #tpu.memory_space<semaphore_mem>>) src(%dma_wait3A_64 : memref<10112x128xf32, #tpu.memory_space<vmem_shared>>) dst(%arg17 : memref<128x128xf32, #tpu.memory_space<vmem>>)
        "tpu.region"() ({
          %run_scoped3A = tpu.sem_alloc : memref<!tpu.dma_semaphore, #tpu.memory_space<semaphore_mem>>
          %dma_start3A_65 = arith.constant 0 : i32
          %dma_start3A_66 = tpu.memref_slice %arg12[%mul3A_54, %dma_start3A_65] : memref<5120x128xf32, #tpu.memory_space<hbm>> -> memref<128x128xf32, #tpu.memory_space<hbm>>
          %dma_start3A_67 = arith.constant 0 : i32
          %dma_start3A_68 = tpu.memref_slice %arg12[%mul3A_54, %dma_start3A_67] : memref<5120x128xf32, #tpu.memory_space<hbm>> -> memref<128x128xf32, #tpu.memory_space<hbm>>
          tpu.enqueue_dma source(%arg17 : memref<128x128xf32, #tpu.memory_space<vmem>>) target(%dma_start3A_68 : memref<128x128xf32, #tpu.memory_space<hbm>>) target_semaphore(%run_scoped3A : memref<!tpu.dma_semaphore, #tpu.memory_space<semaphore_mem>>)
          %dma_wait3A_69 = arith.constant 0 : i32
          %dma_wait3A_70 = tpu.memref_slice %arg12[%mul3A_54, %dma_wait3A_69] : memref<5120x128xf32, #tpu.memory_space<hbm>> -> memref<128x128xf32, #tpu.memory_space<hbm>>
          %dma_wait3A_71 = arith.constant 0 : i32
          %dma_wait3A_72 = tpu.memref_slice %arg12[%mul3A_54, %dma_wait3A_71] : memref<5120x128xf32, #tpu.memory_space<hbm>> -> memref<128x128xf32, #tpu.memory_space<hbm>>
          tpu.wait_dma2 semaphore(%run_scoped3A : memref<!tpu.dma_semaphore, #tpu.memory_space<semaphore_mem>>) src(%arg17 : memref<128x128xf32, #tpu.memory_space<vmem>>) dst(%dma_wait3A_72 : memref<128x128xf32, #tpu.memory_space<hbm>>)
          tpu.yield
        }) : () -> ()
      }
      %while3A_48 = arith.constant 1 : i32
      scf.for %while3A_49 = %while3A_46 to %while3A_42 step %while3A_48  : i32 {
        %mul3A_50 = arith.constant 16 : i32
        %mul3A_51 = arith.muli %while3A_49, %mul3A_50 : i32
        %add3A_52 = arith.addi %arg1, %mul3A_51 : i32
        %mul3A_53 = arith.constant 128 : i32
        %mul3A_54 = arith.muli %add3A_52, %mul3A_53 : i32
        "tpu.region"() ({
          %run_scoped3A = tpu.sem_alloc : memref<!tpu.dma_semaphore, #tpu.memory_space<semaphore_mem>>
          %dma_start3A_65 = tpu.memref_slice %arg8[%mul3A_54] : memref<5120xi32, #tpu.memory_space<hbm>> -> memref<128xi32, #tpu.memory_space<hbm>>
          %dma_start3A_66 = tpu.memref_slice %arg8[%mul3A_54] : memref<5120xi32, #tpu.memory_space<hbm>> -> memref<128xi32, #tpu.memory_space<hbm>>
          tpu.enqueue_dma source(%dma_start3A_66 : memref<128xi32, #tpu.memory_space<hbm>>) target(%arg15 : memref<128xi32, #tpu.memory_space<vmem>>) target_semaphore(%run_scoped3A : memref<!tpu.dma_semaphore, #tpu.memory_space<semaphore_mem>>)
          %dma_wait3A_67 = tpu.memref_slice %arg8[%mul3A_54] : memref<5120xi32, #tpu.memory_space<hbm>> -> memref<128xi32, #tpu.memory_space<hbm>>
          %dma_wait3A_68 = tpu.memref_slice %arg8[%mul3A_54] : memref<5120xi32, #tpu.memory_space<hbm>> -> memref<128xi32, #tpu.memory_space<hbm>>
          tpu.wait_dma2 semaphore(%run_scoped3A : memref<!tpu.dma_semaphore, #tpu.memory_space<semaphore_mem>>) src(%dma_wait3A_68 : memref<128xi32, #tpu.memory_space<hbm>>) dst(%arg15 : memref<128xi32, #tpu.memory_space<vmem>>)
          tpu.yield
        }) : () -> ()
        %dma_start3A = arith.constant 0 : i32
        %dma_start3A_55 = arith.constant 0 : i32
        %dma_start3A_56 = tpu.memref_slice %arg4[%dma_start3A, %dma_start3A_55] : memref<10000x128xf32, #tpu.memory_space<hbm>> -> memref<10000x128xf32, #tpu.memory_space<hbm>>
        tpu.enqueue_indirect_dma source(%dma_start3A_56 : memref<10000x128xf32, #tpu.memory_space<hbm>>) target(%arg17 : memref<128x128xf32, #tpu.memory_space<vmem>>) offsets(%arg15 : memref<128xi32, #tpu.memory_space<vmem>>) semaphore(%arg18 : memref<!tpu.dma_semaphore, #tpu.memory_space<semaphore_mem>>)
        %dma_wait3A = arith.constant 0 : i32
        %dma_wait3A_57 = arith.constant 0 : i32
        %dma_wait3A_58 = tpu.memref_slice %arg4[%dma_wait3A, %dma_wait3A_57] : memref<10000x128xf32, #tpu.memory_space<hbm>> -> memref<10000x128xf32, #tpu.memory_space<hbm>>
        tpu.wait_indirect_dma semaphore(%arg18 : memref<!tpu.dma_semaphore, #tpu.memory_space<semaphore_mem>>) src(%dma_wait3A_58 : memref<10000x128xf32, #tpu.memory_space<hbm>>) dst(%arg17 : memref<128x128xf32, #tpu.memory_space<vmem>>)
        "tpu.region"() ({
          %run_scoped3A = tpu.sem_alloc : memref<!tpu.dma_semaphore, #tpu.memory_space<semaphore_mem>>
          %dma_start3A_65 = arith.constant 0 : i32
          %dma_start3A_66 = tpu.memref_slice %arg10[%mul3A_54, %dma_start3A_65] : memref<5120x128xf32, #tpu.memory_space<hbm>> -> memref<128x128xf32, #tpu.memory_space<hbm>>
          %dma_start3A_67 = arith.constant 0 : i32
          %dma_start3A_68 = tpu.memref_slice %arg10[%mul3A_54, %dma_start3A_67] : memref<5120x128xf32, #tpu.memory_space<hbm>> -> memref<128x128xf32, #tpu.memory_space<hbm>>
          tpu.enqueue_dma source(%arg17 : memref<128x128xf32, #tpu.memory_space<vmem>>) target(%dma_start3A_68 : memref<128x128xf32, #tpu.memory_space<hbm>>) target_semaphore(%run_scoped3A : memref<!tpu.dma_semaphore, #tpu.memory_space<semaphore_mem>>)
          %dma_wait3A_69 = arith.constant 0 : i32
          %dma_wait3A_70 = tpu.memref_slice %arg10[%mul3A_54, %dma_wait3A_69] : memref<5120x128xf32, #tpu.memory_space<hbm>> -> memref<128x128xf32, #tpu.memory_space<hbm>>
          %dma_wait3A_71 = arith.constant 0 : i32
          %dma_wait3A_72 = tpu.memref_slice %arg10[%mul3A_54, %dma_wait3A_71] : memref<5120x128xf32, #tpu.memory_space<hbm>> -> memref<128x128xf32, #tpu.memory_space<hbm>>
          tpu.wait_dma2 semaphore(%run_scoped3A : memref<!tpu.dma_semaphore, #tpu.memory_space<semaphore_mem>>) src(%arg17 : memref<128x128xf32, #tpu.memory_space<vmem>>) dst(%dma_wait3A_72 : memref<128x128xf32, #tpu.memory_space<hbm>>)
          tpu.yield
        }) : () -> ()
        %dma_start3A_59 = arith.constant 0 : i32
        %dma_start3A_60 = arith.constant 0 : i32
        %dma_start3A_61 = tpu.memref_slice %arg14[%dma_start3A_59, %dma_start3A_60] : memref<10112x128xf32, #tpu.memory_space<vmem_shared>> -> memref<10112x128xf32, #tpu.memory_space<vmem_shared>>
        tpu.enqueue_indirect_dma source(%dma_start3A_61 : memref<10112x128xf32, #tpu.memory_space<vmem_shared>>) target(%arg17 : memref<128x128xf32, #tpu.memory_space<vmem>>) offsets(%arg15 : memref<128xi32, #tpu.memory_space<vmem>>) semaphore(%arg18 : memref<!tpu.dma_semaphore, #tpu.memory_space<semaphore_mem>>)
        %dma_wait3A_62 = arith.constant 0 : i32
        %dma_wait3A_63 = arith.constant 0 : i32
        %dma_wait3A_64 = tpu.memref_slice %arg14[%dma_wait3A_62, %dma_wait3A_63] : memref<10112x128xf32, #tpu.memory_space<vmem_shared>> -> memref<10112x128xf32, #tpu.memory_space<vmem_shared>>
        tpu.wait_indirect_dma semaphore(%arg18 : memref<!tpu.dma_semaphore, #tpu.memory_space<semaphore_mem>>) src(%dma_wait3A_64 : memref<10112x128xf32, #tpu.memory_space<vmem_shared>>) dst(%arg17 : memref<128x128xf32, #tpu.memory_space<vmem>>)
        "tpu.region"() ({
          %run_scoped3A = tpu.sem_alloc : memref<!tpu.dma_semaphore, #tpu.memory_space<semaphore_mem>>
          %dma_start3A_65 = arith.constant 0 : i32
          %dma_start3A_66 = tpu.memref_slice %arg12[%mul3A_54, %dma_start3A_65] : memref<5120x128xf32, #tpu.memory_space<hbm>> -> memref<128x128xf32, #tpu.memory_space<hbm>>
          %dma_start3A_67 = arith.constant 0 : i32
          %dma_start3A_68 = tpu.memref_slice %arg12[%mul3A_54, %dma_start3A_67] : memref<5120x128xf32, #tpu.memory_space<hbm>> -> memref<128x128xf32, #tpu.memory_space<hbm>>
          tpu.enqueue_dma source(%arg17 : memref<128x128xf32, #tpu.memory_space<vmem>>) target(%dma_start3A_68 : memref<128x128xf32, #tpu.memory_space<hbm>>) target_semaphore(%run_scoped3A : memref<!tpu.dma_semaphore, #tpu.memory_space<semaphore_mem>>)
          %dma_wait3A_69 = arith.constant 0 : i32
          %dma_wait3A_70 = tpu.memref_slice %arg12[%mul3A_54, %dma_wait3A_69] : memref<5120x128xf32, #tpu.memory_space<hbm>> -> memref<128x128xf32, #tpu.memory_space<hbm>>
          %dma_wait3A_71 = arith.constant 0 : i32
          %dma_wait3A_72 = tpu.memref_slice %arg12[%mul3A_54, %dma_wait3A_71] : memref<5120x128xf32, #tpu.memory_space<hbm>> -> memref<128x128xf32, #tpu.memory_space<hbm>>
          tpu.wait_dma2 semaphore(%run_scoped3A : memref<!tpu.dma_semaphore, #tpu.memory_space<semaphore_mem>>) src(%arg17 : memref<128x128xf32, #tpu.memory_space<vmem>>) dst(%dma_wait3A_72 : memref<128x128xf32, #tpu.memory_space<hbm>>)
          tpu.yield
        }) : () -> ()
      }
    } else {
    }
    %eq3A_14 = arith.constant 1 : i32
    %eq3A_15 = arith.cmpi eq, %arg0, %eq3A_14 : i32
    %convert_element_type3A_16 = arith.extui %eq3A_15 : i1 to i32
    %cond3A_17 = arith.constant 0 : i32
    %cond3A_18 = arith.cmpi ne, %convert_element_type3A_16, %cond3A_17 : i32
    scf.if %cond3A_18 {
      %sub3A = arith.constant 40 : i32
      %sub3A_19 = arith.subi %sub3A, %arg1 : i32
      %add3A = arith.constant 16 : i32
      %add3A_20 = arith.addi %sub3A_19, %add3A : i32
      %sub3A_21 = arith.constant 1 : i32
      %sub3A_22 = arith.subi %add3A_20, %sub3A_21 : i32
      %jit3A = arith.constant 16 : i32
      %div3A = arith.divsi %sub3A_22, %jit3A : i32
      %sign3A = arith.constant 0 : i32
      %sign3A_23 = arith.cmpi sgt, %sub3A_22, %sign3A : i32
      %sign3A_24 = arith.extui %sign3A_23 : i1 to i32
      %sign3A_25 = arith.constant 0 : i32
      %sign3A_26 = arith.cmpi slt, %sub3A_22, %sign3A_25 : i32
      %sign3A_27 = arith.extui %sign3A_26 : i1 to i32
      %sign3A_28 = arith.subi %sign3A_24, %sign3A_27 : i32
      %sign3A_29 = arith.constant 0 : i32
      %sign3A_30 = arith.cmpi sgt, %jit3A, %sign3A_29 : i32
      %sign3A_31 = arith.extui %sign3A_30 : i1 to i32
      %sign3A_32 = arith.constant 0 : i32
      %sign3A_33 = arith.cmpi slt, %jit3A, %sign3A_32 : i32
      %sign3A_34 = arith.extui %sign3A_33 : i1 to i32
      %sign3A_35 = arith.subi %sign3A_31, %sign3A_34 : i32
      %ne3A = arith.cmpi ne, %sign3A_28, %sign3A_35 : i32
      %rem3A = arith.remsi %sub3A_22, %jit3A : i32
      %ne3A_36 = arith.constant 0 : i32
      %ne3A_37 = arith.cmpi ne, %rem3A, %ne3A_36 : i32
      %and3A = arith.andi %ne3A, %ne3A_37 : i1
      %sub3A_38 = arith.constant 1 : i32
      %sub3A_39 = arith.subi %div3A, %sub3A_38 : i32
      %select_n3A = arith.select %and3A, %sub3A_39, %div3A : i32
      %while3A = arith.constant 0 : i32
      %while3A_40 = arith.constant 0 : i32
      %while3A_41 = arith.subi %select_n3A, %while3A_40 : i32
      %while3A_42 = arith.addi %while3A_40, %while3A_41 : i32
      %while3A_43 = arith.constant 1 : i32
      %while3A_44 = arith.divsi %while3A_41, %while3A_43 : i32
      %while3A_45 = arith.muli %while3A_44, %while3A_43 : i32
      %while3A_46 = arith.addi %while3A_40, %while3A_45 : i32
      %while3A_47 = arith.constant 1 : i32
      scf.for %while3A_49 = %while3A_40 to %while3A_46 step %while3A_47  : i32 {
        %mul3A_50 = arith.constant 16 : i32
        %mul3A_51 = arith.muli %while3A_49, %mul3A_50 : i32
        %add3A_52 = arith.addi %arg1, %mul3A_51 : i32
        %mul3A_53 = arith.constant 128 : i32
        %mul3A_54 = arith.muli %add3A_52, %mul3A_53 : i32
        "tpu.region"() ({
          %run_scoped3A = tpu.sem_alloc : memref<!tpu.dma_semaphore, #tpu.memory_space<semaphore_mem>>
          %dma_start3A_65 = tpu.memref_slice %arg8[%mul3A_54] : memref<5120xi32, #tpu.memory_space<hbm>> -> memref<128xi32, #tpu.memory_space<hbm>>
          %dma_start3A_66 = tpu.memref_slice %arg8[%mul3A_54] : memref<5120xi32, #tpu.memory_space<hbm>> -> memref<128xi32, #tpu.memory_space<hbm>>
          tpu.enqueue_dma source(%dma_start3A_66 : memref<128xi32, #tpu.memory_space<hbm>>) target(%arg15 : memref<128xi32, #tpu.memory_space<vmem>>) target_semaphore(%run_scoped3A : memref<!tpu.dma_semaphore, #tpu.memory_space<semaphore_mem>>)
          %dma_wait3A_67 = tpu.memref_slice %arg8[%mul3A_54] : memref<5120xi32, #tpu.memory_space<hbm>> -> memref<128xi32, #tpu.memory_space<hbm>>
          %dma_wait3A_68 = tpu.memref_slice %arg8[%mul3A_54] : memref<5120xi32, #tpu.memory_space<hbm>> -> memref<128xi32, #tpu.memory_space<hbm>>
          tpu.wait_dma2 semaphore(%run_scoped3A : memref<!tpu.dma_semaphore, #tpu.memory_space<semaphore_mem>>) src(%dma_wait3A_68 : memref<128xi32, #tpu.memory_space<hbm>>) dst(%arg15 : memref<128xi32, #tpu.memory_space<vmem>>)
          tpu.yield
        }) : () -> ()
        %dma_start3A = arith.constant 0 : i32
        %dma_start3A_55 = arith.constant 0 : i32
        %dma_start3A_56 = tpu.memref_slice %arg5[%dma_start3A, %dma_start3A_55] : memref<10000x128xf32, #tpu.memory_space<hbm>> -> memref<10000x128xf32, #tpu.memory_space<hbm>>
        tpu.enqueue_indirect_dma source(%dma_start3A_56 : memref<10000x128xf32, #tpu.memory_space<hbm>>) target(%arg17 : memref<128x128xf32, #tpu.memory_space<vmem>>) offsets(%arg15 : memref<128xi32, #tpu.memory_space<vmem>>) semaphore(%arg18 : memref<!tpu.dma_semaphore, #tpu.memory_space<semaphore_mem>>)
        %dma_wait3A = arith.constant 0 : i32
        %dma_wait3A_57 = arith.constant 0 : i32
        %dma_wait3A_58 = tpu.memref_slice %arg5[%dma_wait3A, %dma_wait3A_57] : memref<10000x128xf32, #tpu.memory_space<hbm>> -> memref<10000x128xf32, #tpu.memory_space<hbm>>
        tpu.wait_indirect_dma semaphore(%arg18 : memref<!tpu.dma_semaphore, #tpu.memory_space<semaphore_mem>>) src(%dma_wait3A_58 : memref<10000x128xf32, #tpu.memory_space<hbm>>) dst(%arg17 : memref<128x128xf32, #tpu.memory_space<vmem>>)
        "tpu.region"() ({
          %run_scoped3A = tpu.sem_alloc : memref<!tpu.dma_semaphore, #tpu.memory_space<semaphore_mem>>
          %dma_start3A_65 = arith.constant 0 : i32
          %dma_start3A_66 = tpu.memref_slice %arg11[%mul3A_54, %dma_start3A_65] : memref<5120x128xf32, #tpu.memory_space<hbm>> -> memref<128x128xf32, #tpu.memory_space<hbm>>
          %dma_start3A_67 = arith.constant 0 : i32
          %dma_start3A_68 = tpu.memref_slice %arg11[%mul3A_54, %dma_start3A_67] : memref<5120x128xf32, #tpu.memory_space<hbm>> -> memref<128x128xf32, #tpu.memory_space<hbm>>
          tpu.enqueue_dma source(%arg17 : memref<128x128xf32, #tpu.memory_space<vmem>>) target(%dma_start3A_68 : memref<128x128xf32, #tpu.memory_space<hbm>>) target_semaphore(%run_scoped3A : memref<!tpu.dma_semaphore, #tpu.memory_space<semaphore_mem>>)
          %dma_wait3A_69 = arith.constant 0 : i32
          %dma_wait3A_70 = tpu.memref_slice %arg11[%mul3A_54, %dma_wait3A_69] : memref<5120x128xf32, #tpu.memory_space<hbm>> -> memref<128x128xf32, #tpu.memory_space<hbm>>
          %dma_wait3A_71 = arith.constant 0 : i32
          %dma_wait3A_72 = tpu.memref_slice %arg11[%mul3A_54, %dma_wait3A_71] : memref<5120x128xf32, #tpu.memory_space<hbm>> -> memref<128x128xf32, #tpu.memory_space<hbm>>
          tpu.wait_dma2 semaphore(%run_scoped3A : memref<!tpu.dma_semaphore, #tpu.memory_space<semaphore_mem>>) src(%arg17 : memref<128x128xf32, #tpu.memory_space<vmem>>) dst(%dma_wait3A_72 : memref<128x128xf32, #tpu.memory_space<hbm>>)
          tpu.yield
        }) : () -> ()
        %dma_start3A_59 = arith.constant 0 : i32
        %dma_start3A_60 = arith.constant 0 : i32
        %dma_start3A_61 = tpu.memref_slice %arg14[%dma_start3A_59, %dma_start3A_60] : memref<10112x128xf32, #tpu.memory_space<vmem_shared>> -> memref<10112x128xf32, #tpu.memory_space<vmem_shared>>
        tpu.enqueue_indirect_dma source(%dma_start3A_61 : memref<10112x128xf32, #tpu.memory_space<vmem_shared>>) target(%arg17 : memref<128x128xf32, #tpu.memory_space<vmem>>) offsets(%arg15 : memref<128xi32, #tpu.memory_space<vmem>>) semaphore(%arg18 : memref<!tpu.dma_semaphore, #tpu.memory_space<semaphore_mem>>)
        %dma_wait3A_62 = arith.constant 0 : i32
        %dma_wait3A_63 = arith.constant 0 : i32
        %dma_wait3A_64 = tpu.memref_slice %arg14[%dma_wait3A_62, %dma_wait3A_63] : memref<10112x128xf32, #tpu.memory_space<vmem_shared>> -> memref<10112x128xf32, #tpu.memory_space<vmem_shared>>
        tpu.wait_indirect_dma semaphore(%arg18 : memref<!tpu.dma_semaphore, #tpu.memory_space<semaphore_mem>>) src(%dma_wait3A_64 : memref<10112x128xf32, #tpu.memory_space<vmem_shared>>) dst(%arg17 : memref<128x128xf32, #tpu.memory_space<vmem>>)
        "tpu.region"() ({
          %run_scoped3A = tpu.sem_alloc : memref<!tpu.dma_semaphore, #tpu.memory_space<semaphore_mem>>
          %dma_start3A_65 = arith.constant 0 : i32
          %dma_start3A_66 = tpu.memref_slice %arg13[%mul3A_54, %dma_start3A_65] : memref<5120x128xf32, #tpu.memory_space<hbm>> -> memref<128x128xf32, #tpu.memory_space<hbm>>
          %dma_start3A_67 = arith.constant 0 : i32
          %dma_start3A_68 = tpu.memref_slice %arg13[%mul3A_54, %dma_start3A_67] : memref<5120x128xf32, #tpu.memory_space<hbm>> -> memref<128x128xf32, #tpu.memory_space<hbm>>
          tpu.enqueue_dma source(%arg17 : memref<128x128xf32, #tpu.memory_space<vmem>>) target(%dma_start3A_68 : memref<128x128xf32, #tpu.memory_space<hbm>>) target_semaphore(%run_scoped3A : memref<!tpu.dma_semaphore, #tpu.memory_space<semaphore_mem>>)
          %dma_wait3A_69 = arith.constant 0 : i32
          %dma_wait3A_70 = tpu.memref_slice %arg13[%mul3A_54, %dma_wait3A_69] : memref<5120x128xf32, #tpu.memory_space<hbm>> -> memref<128x128xf32, #tpu.memory_space<hbm>>
          %dma_wait3A_71 = arith.constant 0 : i32
          %dma_wait3A_72 = tpu.memref_slice %arg13[%mul3A_54, %dma_wait3A_71] : memref<5120x128xf32, #tpu.memory_space<hbm>> -> memref<128x128xf32, #tpu.memory_space<hbm>>
          tpu.wait_dma2 semaphore(%run_scoped3A : memref<!tpu.dma_semaphore, #tpu.memory_space<semaphore_mem>>) src(%arg17 : memref<128x128xf32, #tpu.memory_space<vmem>>) dst(%dma_wait3A_72 : memref<128x128xf32, #tpu.memory_space<hbm>>)
          tpu.yield
        }) : () -> ()
      }
      %while3A_48 = arith.constant 1 : i32
      scf.for %while3A_49 = %while3A_46 to %while3A_42 step %while3A_48  : i32 {
        %mul3A_50 = arith.constant 16 : i32
        %mul3A_51 = arith.muli %while3A_49, %mul3A_50 : i32
        %add3A_52 = arith.addi %arg1, %mul3A_51 : i32
        %mul3A_53 = arith.constant 128 : i32
        %mul3A_54 = arith.muli %add3A_52, %mul3A_53 : i32
        "tpu.region"() ({
          %run_scoped3A = tpu.sem_alloc : memref<!tpu.dma_semaphore, #tpu.memory_space<semaphore_mem>>
          %dma_start3A_65 = tpu.memref_slice %arg8[%mul3A_54] : memref<5120xi32, #tpu.memory_space<hbm>> -> memref<128xi32, #tpu.memory_space<hbm>>
          %dma_start3A_66 = tpu.memref_slice %arg8[%mul3A_54] : memref<5120xi32, #tpu.memory_space<hbm>> -> memref<128xi32, #tpu.memory_space<hbm>>
          tpu.enqueue_dma source(%dma_start3A_66 : memref<128xi32, #tpu.memory_space<hbm>>) target(%arg15 : memref<128xi32, #tpu.memory_space<vmem>>) target_semaphore(%run_scoped3A : memref<!tpu.dma_semaphore, #tpu.memory_space<semaphore_mem>>)
          %dma_wait3A_67 = tpu.memref_slice %arg8[%mul3A_54] : memref<5120xi32, #tpu.memory_space<hbm>> -> memref<128xi32, #tpu.memory_space<hbm>>
          %dma_wait3A_68 = tpu.memref_slice %arg8[%mul3A_54] : memref<5120xi32, #tpu.memory_space<hbm>> -> memref<128xi32, #tpu.memory_space<hbm>>
          tpu.wait_dma2 semaphore(%run_scoped3A : memref<!tpu.dma_semaphore, #tpu.memory_space<semaphore_mem>>) src(%dma_wait3A_68 : memref<128xi32, #tpu.memory_space<hbm>>) dst(%arg15 : memref<128xi32, #tpu.memory_space<vmem>>)
          tpu.yield
        }) : () -> ()
        %dma_start3A = arith.constant 0 : i32
        %dma_start3A_55 = arith.constant 0 : i32
        %dma_start3A_56 = tpu.memref_slice %arg5[%dma_start3A, %dma_start3A_55] : memref<10000x128xf32, #tpu.memory_space<hbm>> -> memref<10000x128xf32, #tpu.memory_space<hbm>>
        tpu.enqueue_indirect_dma source(%dma_start3A_56 : memref<10000x128xf32, #tpu.memory_space<hbm>>) target(%arg17 : memref<128x128xf32, #tpu.memory_space<vmem>>) offsets(%arg15 : memref<128xi32, #tpu.memory_space<vmem>>) semaphore(%arg18 : memref<!tpu.dma_semaphore, #tpu.memory_space<semaphore_mem>>)
        %dma_wait3A = arith.constant 0 : i32
        %dma_wait3A_57 = arith.constant 0 : i32
        %dma_wait3A_58 = tpu.memref_slice %arg5[%dma_wait3A, %dma_wait3A_57] : memref<10000x128xf32, #tpu.memory_space<hbm>> -> memref<10000x128xf32, #tpu.memory_space<hbm>>
        tpu.wait_indirect_dma semaphore(%arg18 : memref<!tpu.dma_semaphore, #tpu.memory_space<semaphore_mem>>) src(%dma_wait3A_58 : memref<10000x128xf32, #tpu.memory_space<hbm>>) dst(%arg17 : memref<128x128xf32, #tpu.memory_space<vmem>>)
        "tpu.region"() ({
          %run_scoped3A = tpu.sem_alloc : memref<!tpu.dma_semaphore, #tpu.memory_space<semaphore_mem>>
          %dma_start3A_65 = arith.constant 0 : i32
          %dma_start3A_66 = tpu.memref_slice %arg11[%mul3A_54, %dma_start3A_65] : memref<5120x128xf32, #tpu.memory_space<hbm>> -> memref<128x128xf32, #tpu.memory_space<hbm>>
          %dma_start3A_67 = arith.constant 0 : i32
          %dma_start3A_68 = tpu.memref_slice %arg11[%mul3A_54, %dma_start3A_67] : memref<5120x128xf32, #tpu.memory_space<hbm>> -> memref<128x128xf32, #tpu.memory_space<hbm>>
          tpu.enqueue_dma source(%arg17 : memref<128x128xf32, #tpu.memory_space<vmem>>) target(%dma_start3A_68 : memref<128x128xf32, #tpu.memory_space<hbm>>) target_semaphore(%run_scoped3A : memref<!tpu.dma_semaphore, #tpu.memory_space<semaphore_mem>>)
          %dma_wait3A_69 = arith.constant 0 : i32
          %dma_wait3A_70 = tpu.memref_slice %arg11[%mul3A_54, %dma_wait3A_69] : memref<5120x128xf32, #tpu.memory_space<hbm>> -> memref<128x128xf32, #tpu.memory_space<hbm>>
          %dma_wait3A_71 = arith.constant 0 : i32
          %dma_wait3A_72 = tpu.memref_slice %arg11[%mul3A_54, %dma_wait3A_71] : memref<5120x128xf32, #tpu.memory_space<hbm>> -> memref<128x128xf32, #tpu.memory_space<hbm>>
          tpu.wait_dma2 semaphore(%run_scoped3A : memref<!tpu.dma_semaphore, #tpu.memory_space<semaphore_mem>>) src(%arg17 : memref<128x128xf32, #tpu.memory_space<vmem>>) dst(%dma_wait3A_72 : memref<128x128xf32, #tpu.memory_space<hbm>>)
          tpu.yield
        }) : () -> ()
        %dma_start3A_59 = arith.constant 0 : i32
        %dma_start3A_60 = arith.constant 0 : i32
        %dma_start3A_61 = tpu.memref_slice %arg14[%dma_start3A_59, %dma_start3A_60] : memref<10112x128xf32, #tpu.memory_space<vmem_shared>> -> memref<10112x128xf32, #tpu.memory_space<vmem_shared>>
        tpu.enqueue_indirect_dma source(%dma_start3A_61 : memref<10112x128xf32, #tpu.memory_space<vmem_shared>>) target(%arg17 : memref<128x128xf32, #tpu.memory_space<vmem>>) offsets(%arg15 : memref<128xi32, #tpu.memory_space<vmem>>) semaphore(%arg18 : memref<!tpu.dma_semaphore, #tpu.memory_space<semaphore_mem>>)
        %dma_wait3A_62 = arith.constant 0 : i32
        %dma_wait3A_63 = arith.constant 0 : i32
        %dma_wait3A_64 = tpu.memref_slice %arg14[%dma_wait3A_62, %dma_wait3A_63] : memref<10112x128xf32, #tpu.memory_space<vmem_shared>> -> memref<10112x128xf32, #tpu.memory_space<vmem_shared>>
        tpu.wait_indirect_dma semaphore(%arg18 : memref<!tpu.dma_semaphore, #tpu.memory_space<semaphore_mem>>) src(%dma_wait3A_64 : memref<10112x128xf32, #tpu.memory_space<vmem_shared>>) dst(%arg17 : memref<128x128xf32, #tpu.memory_space<vmem>>)
        "tpu.region"() ({
          %run_scoped3A = tpu.sem_alloc : memref<!tpu.dma_semaphore, #tpu.memory_space<semaphore_mem>>
          %dma_start3A_65 = arith.constant 0 : i32
          %dma_start3A_66 = tpu.memref_slice %arg13[%mul3A_54, %dma_start3A_65] : memref<5120x128xf32, #tpu.memory_space<hbm>> -> memref<128x128xf32, #tpu.memory_space<hbm>>
          %dma_start3A_67 = arith.constant 0 : i32
          %dma_start3A_68 = tpu.memref_slice %arg13[%mul3A_54, %dma_start3A_67] : memref<5120x128xf32, #tpu.memory_space<hbm>> -> memref<128x128xf32, #tpu.memory_space<hbm>>
          tpu.enqueue_dma source(%arg17 : memref<128x128xf32, #tpu.memory_space<vmem>>) target(%dma_start3A_68 : memref<128x128xf32, #tpu.memory_space<hbm>>) target_semaphore(%run_scoped3A : memref<!tpu.dma_semaphore, #tpu.memory_space<semaphore_mem>>)
          %dma_wait3A_69 = arith.constant 0 : i32
          %dma_wait3A_70 = tpu.memref_slice %arg13[%mul3A_54, %dma_wait3A_69] : memref<5120x128xf32, #tpu.memory_space<hbm>> -> memref<128x128xf32, #tpu.memory_space<hbm>>
          %dma_wait3A_71 = arith.constant 0 : i32
          %dma_wait3A_72 = tpu.memref_slice %arg13[%mul3A_54, %dma_wait3A_71] : memref<5120x128xf32, #tpu.memory_space<hbm>> -> memref<128x128xf32, #tpu.memory_space<hbm>>
          tpu.wait_dma2 semaphore(%run_scoped3A : memref<!tpu.dma_semaphore, #tpu.memory_space<semaphore_mem>>) src(%arg17 : memref<128x128xf32, #tpu.memory_space<vmem>>) dst(%dma_wait3A_72 : memref<128x128xf32, #tpu.memory_space<hbm>>)
          tpu.yield
        }) : () -> ()
      }
    } else {
    }
    return
  }
}

#map = affine_map<(d0, d1) -> (0, 0)>
#map1 = affine_map<(d0, d1) -> (0)>
module attributes {stable_mosaic.version = 14 : i64} {
  func.func @body(%arg0: i32, %arg1: i32, %arg2: memref<5120x128xf32, #tpu.memory_space<hbm>>, %arg3: memref<5120x128xf32, #tpu.memory_space<hbm>>, %arg4: memref<40960xi32, #tpu.memory_space<hbm>>, %arg5: memref<40960xi32, #tpu.memory_space<hbm>>, %arg6: memref<632x128xf32, #tpu.memory_space<hbm>>, %arg7: memref<5120x128xf32, #tpu.memory_space<hbm>>, %arg8: memref<5120x128xf32, #tpu.memory_space<hbm>>, %arg9: memref<5120x128xf32, #tpu.memory_space<vmem_shared>>, %arg10: memref<5120x128xf32, #tpu.memory_space<vmem_shared>>, %arg11: memref<128xi32, #tpu.memory_space<vmem>>, %arg12: memref<128xi32, #tpu.memory_space<vmem>>, %arg13: memref<128x128xf32, #tpu.memory_space<vmem>>, %arg14: memref<!tpu.dma_semaphore, #tpu.memory_space<semaphore_mem>>) attributes {dimension_semantics = [#tpu.dimension_semantics<core_parallel>, #tpu.dimension_semantics<subcore_parallel>], iteration_bounds = array<i64: 2, 16>, scalar_prefetch = 0 : i64, scratch_operands = 6 : i64, tpu.core_type = #tpu.core_type<sc_vector_subcore>, window_params = [{transform_indices = #map}, {transform_indices = #map}, {transform_indices = #map1}, {transform_indices = #map1}, {transform_indices = #map}, {transform_indices = #map}, {transform_indices = #map}]} {
    %mul3A = arith.constant 320 : i32
    %mul3A_0 = arith.muli %arg1, %mul3A : i32
    "tpu.region"() ({
      %run_scoped3A = tpu.sem_alloc : memref<!tpu.dma_semaphore, #tpu.memory_space<semaphore_mem>>
      %dma_start3A = arith.constant 0 : i32
      %dma_start3A_24 = tpu.memref_slice %arg9[%mul3A_0, %dma_start3A] : memref<5120x128xf32, #tpu.memory_space<vmem_shared>> -> memref<320x128xf32, #tpu.memory_space<vmem_shared>>
      %dma_start3A_25 = arith.constant 0 : i32
      %dma_start3A_26 = arith.constant 0 : i32
      %dma_start3A_27 = tpu.memref_slice %arg6[%dma_start3A_25, %dma_start3A_26] : memref<632x128xf32, #tpu.memory_space<hbm>> -> memref<320x128xf32, #tpu.memory_space<hbm>>
      tpu.enqueue_dma source(%dma_start3A_27 : memref<320x128xf32, #tpu.memory_space<hbm>>) target(%dma_start3A_24 : memref<320x128xf32, #tpu.memory_space<vmem_shared>>) target_semaphore(%run_scoped3A : memref<!tpu.dma_semaphore, #tpu.memory_space<semaphore_mem>>)
      %dma_wait3A = arith.constant 0 : i32
      %dma_wait3A_28 = tpu.memref_slice %arg9[%mul3A_0, %dma_wait3A] : memref<5120x128xf32, #tpu.memory_space<vmem_shared>> -> memref<320x128xf32, #tpu.memory_space<vmem_shared>>
      %dma_wait3A_29 = arith.constant 0 : i32
      %dma_wait3A_30 = arith.constant 0 : i32
      %dma_wait3A_31 = tpu.memref_slice %arg6[%dma_wait3A_29, %dma_wait3A_30] : memref<632x128xf32, #tpu.memory_space<hbm>> -> memref<320x128xf32, #tpu.memory_space<hbm>>
      tpu.wait_dma2 semaphore(%run_scoped3A : memref<!tpu.dma_semaphore, #tpu.memory_space<semaphore_mem>>) src(%dma_wait3A_31 : memref<320x128xf32, #tpu.memory_space<hbm>>) dst(%dma_wait3A_28 : memref<320x128xf32, #tpu.memory_space<vmem_shared>>)
      tpu.yield
    }) : () -> ()
    %eq3A = arith.constant 0 : i32
    %eq3A_1 = arith.cmpi eq, %arg0, %eq3A : i32
    %convert_element_type3A = arith.extui %eq3A_1 : i1 to i32
    %cond3A = arith.constant 0 : i32
    %cond3A_2 = arith.cmpi ne, %convert_element_type3A, %cond3A : i32
    scf.if %cond3A_2 {
      %mul3A_24 = arith.constant 320 : i32
      %mul3A_25 = arith.muli %arg1, %mul3A_24 : i32
      %mul3A_26 = arith.constant 320 : i32
      %mul3A_27 = arith.muli %arg1, %mul3A_26 : i32
      "tpu.region"() ({
        %run_scoped3A = tpu.sem_alloc : memref<!tpu.dma_semaphore, #tpu.memory_space<semaphore_mem>>
        %dma_start3A = arith.constant 0 : i32
        %dma_start3A_28 = tpu.memref_slice %arg10[%mul3A_27, %dma_start3A] : memref<5120x128xf32, #tpu.memory_space<vmem_shared>> -> memref<320x128xf32, #tpu.memory_space<vmem_shared>>
        %dma_start3A_29 = arith.constant 0 : i32
        %dma_start3A_30 = tpu.memref_slice %arg2[%mul3A_25, %dma_start3A_29] : memref<5120x128xf32, #tpu.memory_space<hbm>> -> memref<320x128xf32, #tpu.memory_space<hbm>>
        tpu.enqueue_dma source(%dma_start3A_30 : memref<320x128xf32, #tpu.memory_space<hbm>>) target(%dma_start3A_28 : memref<320x128xf32, #tpu.memory_space<vmem_shared>>) target_semaphore(%run_scoped3A : memref<!tpu.dma_semaphore, #tpu.memory_space<semaphore_mem>>)
        %dma_wait3A = arith.constant 0 : i32
        %dma_wait3A_31 = tpu.memref_slice %arg10[%mul3A_27, %dma_wait3A] : memref<5120x128xf32, #tpu.memory_space<vmem_shared>> -> memref<320x128xf32, #tpu.memory_space<vmem_shared>>
        %dma_wait3A_32 = arith.constant 0 : i32
        %dma_wait3A_33 = tpu.memref_slice %arg2[%mul3A_25, %dma_wait3A_32] : memref<5120x128xf32, #tpu.memory_space<hbm>> -> memref<320x128xf32, #tpu.memory_space<hbm>>
        tpu.wait_dma2 semaphore(%run_scoped3A : memref<!tpu.dma_semaphore, #tpu.memory_space<semaphore_mem>>) src(%dma_wait3A_33 : memref<320x128xf32, #tpu.memory_space<hbm>>) dst(%dma_wait3A_31 : memref<320x128xf32, #tpu.memory_space<vmem_shared>>)
        tpu.yield
      }) : () -> ()
    } else {
    }
    %eq3A_3 = arith.constant 1 : i32
    %eq3A_4 = arith.cmpi eq, %arg0, %eq3A_3 : i32
    %convert_element_type3A_5 = arith.extui %eq3A_4 : i1 to i32
    %cond3A_6 = arith.constant 0 : i32
    %cond3A_7 = arith.cmpi ne, %convert_element_type3A_5, %cond3A_6 : i32
    scf.if %cond3A_7 {
      %mul3A_24 = arith.constant 320 : i32
      %mul3A_25 = arith.muli %arg1, %mul3A_24 : i32
      %mul3A_26 = arith.constant 320 : i32
      %mul3A_27 = arith.muli %arg1, %mul3A_26 : i32
      "tpu.region"() ({
        %run_scoped3A = tpu.sem_alloc : memref<!tpu.dma_semaphore, #tpu.memory_space<semaphore_mem>>
        %dma_start3A = arith.constant 0 : i32
        %dma_start3A_28 = tpu.memref_slice %arg10[%mul3A_27, %dma_start3A] : memref<5120x128xf32, #tpu.memory_space<vmem_shared>> -> memref<320x128xf32, #tpu.memory_space<vmem_shared>>
        %dma_start3A_29 = arith.constant 0 : i32
        %dma_start3A_30 = tpu.memref_slice %arg3[%mul3A_25, %dma_start3A_29] : memref<5120x128xf32, #tpu.memory_space<hbm>> -> memref<320x128xf32, #tpu.memory_space<hbm>>
        tpu.enqueue_dma source(%dma_start3A_30 : memref<320x128xf32, #tpu.memory_space<hbm>>) target(%dma_start3A_28 : memref<320x128xf32, #tpu.memory_space<vmem_shared>>) target_semaphore(%run_scoped3A : memref<!tpu.dma_semaphore, #tpu.memory_space<semaphore_mem>>)
        %dma_wait3A = arith.constant 0 : i32
        %dma_wait3A_31 = tpu.memref_slice %arg10[%mul3A_27, %dma_wait3A] : memref<5120x128xf32, #tpu.memory_space<vmem_shared>> -> memref<320x128xf32, #tpu.memory_space<vmem_shared>>
        %dma_wait3A_32 = arith.constant 0 : i32
        %dma_wait3A_33 = tpu.memref_slice %arg3[%mul3A_25, %dma_wait3A_32] : memref<5120x128xf32, #tpu.memory_space<hbm>> -> memref<320x128xf32, #tpu.memory_space<hbm>>
        tpu.wait_dma2 semaphore(%run_scoped3A : memref<!tpu.dma_semaphore, #tpu.memory_space<semaphore_mem>>) src(%dma_wait3A_33 : memref<320x128xf32, #tpu.memory_space<hbm>>) dst(%dma_wait3A_31 : memref<320x128xf32, #tpu.memory_space<vmem_shared>>)
        tpu.yield
      }) : () -> ()
    } else {
    }
    %barrier3A = arith.constant 0 : index
    tpu.barrier barrier_id(%barrier3A)
    %scan3A = arith.constant 0 : i32
    %scan3A_8 = arith.constant 0 : i32
    %scan3A_9 = arith.constant 20 : i32
    %scan3A_10 = arith.addi %scan3A_8, %scan3A_9 : i32
    %scan3A_11 = arith.constant 1 : i32
    scf.for %scan3A_24 = %scan3A_8 to %scan3A_10 step %scan3A_11  : i32 {
      %mul3A_25 = arith.constant 20 : i32
      %mul3A_26 = arith.muli %arg1, %mul3A_25 : i32
      %add3A = arith.addi %mul3A_26, %scan3A_24 : i32
      %mul3A_27 = arith.constant 128 : i32
      %mul3A_28 = arith.muli %add3A, %mul3A_27 : i32
      "tpu.region"() ({
        %run_scoped3A = tpu.sem_alloc : memref<!tpu.dma_semaphore, #tpu.memory_space<semaphore_mem>>
        %dma_start3A_33 = tpu.memref_slice %arg4[%mul3A_28] : memref<40960xi32, #tpu.memory_space<hbm>> -> memref<128xi32, #tpu.memory_space<hbm>>
        %dma_start3A_34 = tpu.memref_slice %arg4[%mul3A_28] : memref<40960xi32, #tpu.memory_space<hbm>> -> memref<128xi32, #tpu.memory_space<hbm>>
        tpu.enqueue_dma source(%dma_start3A_34 : memref<128xi32, #tpu.memory_space<hbm>>) target(%arg11 : memref<128xi32, #tpu.memory_space<vmem>>) target_semaphore(%run_scoped3A : memref<!tpu.dma_semaphore, #tpu.memory_space<semaphore_mem>>)
        %dma_wait3A_35 = tpu.memref_slice %arg4[%mul3A_28] : memref<40960xi32, #tpu.memory_space<hbm>> -> memref<128xi32, #tpu.memory_space<hbm>>
        %dma_wait3A_36 = tpu.memref_slice %arg4[%mul3A_28] : memref<40960xi32, #tpu.memory_space<hbm>> -> memref<128xi32, #tpu.memory_space<hbm>>
        tpu.wait_dma2 semaphore(%run_scoped3A : memref<!tpu.dma_semaphore, #tpu.memory_space<semaphore_mem>>) src(%dma_wait3A_36 : memref<128xi32, #tpu.memory_space<hbm>>) dst(%arg11 : memref<128xi32, #tpu.memory_space<vmem>>)
        tpu.yield
      }) : () -> ()
      "tpu.region"() ({
        %run_scoped3A = tpu.sem_alloc : memref<!tpu.dma_semaphore, #tpu.memory_space<semaphore_mem>>
        %dma_start3A_33 = tpu.memref_slice %arg5[%mul3A_28] : memref<40960xi32, #tpu.memory_space<hbm>> -> memref<128xi32, #tpu.memory_space<hbm>>
        %dma_start3A_34 = tpu.memref_slice %arg5[%mul3A_28] : memref<40960xi32, #tpu.memory_space<hbm>> -> memref<128xi32, #tpu.memory_space<hbm>>
        tpu.enqueue_dma source(%dma_start3A_34 : memref<128xi32, #tpu.memory_space<hbm>>) target(%arg12 : memref<128xi32, #tpu.memory_space<vmem>>) target_semaphore(%run_scoped3A : memref<!tpu.dma_semaphore, #tpu.memory_space<semaphore_mem>>)
        %dma_wait3A_35 = tpu.memref_slice %arg5[%mul3A_28] : memref<40960xi32, #tpu.memory_space<hbm>> -> memref<128xi32, #tpu.memory_space<hbm>>
        %dma_wait3A_36 = tpu.memref_slice %arg5[%mul3A_28] : memref<40960xi32, #tpu.memory_space<hbm>> -> memref<128xi32, #tpu.memory_space<hbm>>
        tpu.wait_dma2 semaphore(%run_scoped3A : memref<!tpu.dma_semaphore, #tpu.memory_space<semaphore_mem>>) src(%dma_wait3A_36 : memref<128xi32, #tpu.memory_space<hbm>>) dst(%arg12 : memref<128xi32, #tpu.memory_space<vmem>>)
        tpu.yield
      }) : () -> ()
      %dma_start3A = arith.constant 0 : i32
      %dma_start3A_29 = arith.constant 0 : i32
      %dma_start3A_30 = tpu.memref_slice %arg10[%dma_start3A, %dma_start3A_29] : memref<5120x128xf32, #tpu.memory_space<vmem_shared>> -> memref<5120x128xf32, #tpu.memory_space<vmem_shared>>
      tpu.enqueue_indirect_dma source(%dma_start3A_30 : memref<5120x128xf32, #tpu.memory_space<vmem_shared>>) target(%arg13 : memref<128x128xf32, #tpu.memory_space<vmem>>) offsets(%arg11 : memref<128xi32, #tpu.memory_space<vmem>>) semaphore(%arg14 : memref<!tpu.dma_semaphore, #tpu.memory_space<semaphore_mem>>)
      %dma_wait3A = arith.constant 0 : i32
      %dma_wait3A_31 = arith.constant 0 : i32
      %dma_wait3A_32 = tpu.memref_slice %arg10[%dma_wait3A, %dma_wait3A_31] : memref<5120x128xf32, #tpu.memory_space<vmem_shared>> -> memref<5120x128xf32, #tpu.memory_space<vmem_shared>>
      tpu.wait_indirect_dma semaphore(%arg14 : memref<!tpu.dma_semaphore, #tpu.memory_space<semaphore_mem>>) src(%dma_wait3A_32 : memref<5120x128xf32, #tpu.memory_space<vmem_shared>>) dst(%arg13 : memref<128x128xf32, #tpu.memory_space<vmem>>)
      "tpu.region"() ({
        %run_scoped3A = tpu.sem_alloc : memref<!tpu.dma_semaphore, #tpu.memory_space<semaphore_mem>>
        %dma_start3A_33 = arith.constant 0 : i32
        %dma_start3A_34 = arith.constant 0 : i32
        %dma_start3A_35 = tpu.memref_slice %arg9[%dma_start3A_33, %dma_start3A_34] : memref<5120x128xf32, #tpu.memory_space<vmem_shared>> -> memref<5120x128xf32, #tpu.memory_space<vmem_shared>>
        tpu.enqueue_indirect_dma source(%arg13 : memref<128x128xf32, #tpu.memory_space<vmem>>) target(%dma_start3A_35 : memref<5120x128xf32, #tpu.memory_space<vmem_shared>>) offsets(%arg12 : memref<128xi32, #tpu.memory_space<vmem>>) semaphore(%run_scoped3A : memref<!tpu.dma_semaphore, #tpu.memory_space<semaphore_mem>>) {add = true}
        %dma_wait3A_36 = arith.constant 0 : i32
        %dma_wait3A_37 = arith.constant 0 : i32
        %dma_wait3A_38 = tpu.memref_slice %arg9[%dma_wait3A_36, %dma_wait3A_37] : memref<5120x128xf32, #tpu.memory_space<vmem_shared>> -> memref<5120x128xf32, #tpu.memory_space<vmem_shared>>
        tpu.wait_indirect_dma semaphore(%run_scoped3A : memref<!tpu.dma_semaphore, #tpu.memory_space<semaphore_mem>>) src(%arg13 : memref<128x128xf32, #tpu.memory_space<vmem>>) dst(%dma_wait3A_38 : memref<5120x128xf32, #tpu.memory_space<vmem_shared>>)
        tpu.yield
      }) : () -> ()
    }
    %scan3A_12 = arith.constant 20 : i32
    %barrier3A_13 = arith.constant 0 : index
    tpu.barrier barrier_id(%barrier3A_13)
    %eq3A_14 = arith.constant 0 : i32
    %eq3A_15 = arith.cmpi eq, %arg0, %eq3A_14 : i32
    %convert_element_type3A_16 = arith.extui %eq3A_15 : i1 to i32
    %cond3A_17 = arith.constant 0 : i32
    %cond3A_18 = arith.cmpi ne, %convert_element_type3A_16, %cond3A_17 : i32
    scf.if %cond3A_18 {
      %mul3A_24 = arith.constant 320 : i32
      %mul3A_25 = arith.muli %arg1, %mul3A_24 : i32
      %mul3A_26 = arith.constant 320 : i32
      %mul3A_27 = arith.muli %arg1, %mul3A_26 : i32
      "tpu.region"() ({
        %run_scoped3A = tpu.sem_alloc : memref<!tpu.dma_semaphore, #tpu.memory_space<semaphore_mem>>
        %dma_start3A = arith.constant 0 : i32
        %dma_start3A_28 = tpu.memref_slice %arg7[%mul3A_27, %dma_start3A] : memref<5120x128xf32, #tpu.memory_space<hbm>> -> memref<320x128xf32, #tpu.memory_space<hbm>>
        %dma_start3A_29 = arith.constant 0 : i32
        %dma_start3A_30 = tpu.memref_slice %arg9[%mul3A_25, %dma_start3A_29] : memref<5120x128xf32, #tpu.memory_space<vmem_shared>> -> memref<320x128xf32, #tpu.memory_space<vmem_shared>>
        tpu.enqueue_dma source(%dma_start3A_30 : memref<320x128xf32, #tpu.memory_space<vmem_shared>>) target(%dma_start3A_28 : memref<320x128xf32, #tpu.memory_space<hbm>>) target_semaphore(%run_scoped3A : memref<!tpu.dma_semaphore, #tpu.memory_space<semaphore_mem>>)
        %dma_wait3A = arith.constant 0 : i32
        %dma_wait3A_31 = tpu.memref_slice %arg7[%mul3A_27, %dma_wait3A] : memref<5120x128xf32, #tpu.memory_space<hbm>> -> memref<320x128xf32, #tpu.memory_space<hbm>>
        %dma_wait3A_32 = arith.constant 0 : i32
        %dma_wait3A_33 = tpu.memref_slice %arg9[%mul3A_25, %dma_wait3A_32] : memref<5120x128xf32, #tpu.memory_space<vmem_shared>> -> memref<320x128xf32, #tpu.memory_space<vmem_shared>>
        tpu.wait_dma2 semaphore(%run_scoped3A : memref<!tpu.dma_semaphore, #tpu.memory_space<semaphore_mem>>) src(%dma_wait3A_33 : memref<320x128xf32, #tpu.memory_space<vmem_shared>>) dst(%dma_wait3A_31 : memref<320x128xf32, #tpu.memory_space<hbm>>)
        tpu.yield
      }) : () -> ()
    } else {
    }
    %eq3A_19 = arith.constant 1 : i32
    %eq3A_20 = arith.cmpi eq, %arg0, %eq3A_19 : i32
    %convert_element_type3A_21 = arith.extui %eq3A_20 : i1 to i32
    %cond3A_22 = arith.constant 0 : i32
    %cond3A_23 = arith.cmpi ne, %convert_element_type3A_21, %cond3A_22 : i32
    scf.if %cond3A_23 {
      %mul3A_24 = arith.constant 320 : i32
      %mul3A_25 = arith.muli %arg1, %mul3A_24 : i32
      %mul3A_26 = arith.constant 320 : i32
      %mul3A_27 = arith.muli %arg1, %mul3A_26 : i32
      "tpu.region"() ({
        %run_scoped3A = tpu.sem_alloc : memref<!tpu.dma_semaphore, #tpu.memory_space<semaphore_mem>>
        %dma_start3A = arith.constant 0 : i32
        %dma_start3A_28 = tpu.memref_slice %arg8[%mul3A_27, %dma_start3A] : memref<5120x128xf32, #tpu.memory_space<hbm>> -> memref<320x128xf32, #tpu.memory_space<hbm>>
        %dma_start3A_29 = arith.constant 0 : i32
        %dma_start3A_30 = tpu.memref_slice %arg9[%mul3A_25, %dma_start3A_29] : memref<5120x128xf32, #tpu.memory_space<vmem_shared>> -> memref<320x128xf32, #tpu.memory_space<vmem_shared>>
        tpu.enqueue_dma source(%dma_start3A_30 : memref<320x128xf32, #tpu.memory_space<vmem_shared>>) target(%dma_start3A_28 : memref<320x128xf32, #tpu.memory_space<hbm>>) target_semaphore(%run_scoped3A : memref<!tpu.dma_semaphore, #tpu.memory_space<semaphore_mem>>)
        %dma_wait3A = arith.constant 0 : i32
        %dma_wait3A_31 = tpu.memref_slice %arg8[%mul3A_27, %dma_wait3A] : memref<5120x128xf32, #tpu.memory_space<hbm>> -> memref<320x128xf32, #tpu.memory_space<hbm>>
        %dma_wait3A_32 = arith.constant 0 : i32
        %dma_wait3A_33 = tpu.memref_slice %arg9[%mul3A_25, %dma_wait3A_32] : memref<5120x128xf32, #tpu.memory_space<vmem_shared>> -> memref<320x128xf32, #tpu.memory_space<vmem_shared>>
        tpu.wait_dma2 semaphore(%run_scoped3A : memref<!tpu.dma_semaphore, #tpu.memory_space<semaphore_mem>>) src(%dma_wait3A_33 : memref<320x128xf32, #tpu.memory_space<vmem_shared>>) dst(%dma_wait3A_31 : memref<320x128xf32, #tpu.memory_space<hbm>>)
        tpu.yield
      }) : () -> ()
    } else {
    }
    return
  }
}

#map = affine_map<(d0, d1) -> (0, 0)>
#map1 = affine_map<(d0, d1) -> (0)>
module attributes {stable_mosaic.version = 14 : i64} {
  func.func @body(%arg0: i32, %arg1: i32, %arg2: memref<5120x128xf32, #tpu.memory_space<hbm>>, %arg3: memref<5120x128xf32, #tpu.memory_space<hbm>>, %arg4: memref<5120x128xf32, #tpu.memory_space<hbm>>, %arg5: memref<5120x128xf32, #tpu.memory_space<hbm>>, %arg6: memref<5120xi32, #tpu.memory_space<hbm>>, %arg7: memref<632x128xf32, #tpu.memory_space<hbm>>, %arg8: memref<10112x128xf32, #tpu.memory_space<hbm>>, %arg9: memref<10112x128xf32, #tpu.memory_space<hbm>>, %arg10: memref<10112x128xf32, #tpu.memory_space<hbm>>, %arg11: memref<10112x128xf32, #tpu.memory_space<hbm>>, %arg12: memref<10112x128xf32, #tpu.memory_space<vmem_shared>>, %arg13: memref<128xi32, #tpu.memory_space<vmem>>, %arg14: memref<128x128xf32, #tpu.memory_space<vmem>>, %arg15: memref<!tpu.dma_semaphore, #tpu.memory_space<semaphore_mem>>) attributes {dimension_semantics = [#tpu.dimension_semantics<core_parallel>, #tpu.dimension_semantics<subcore_parallel>], iteration_bounds = array<i64: 2, 16>, scalar_prefetch = 0 : i64, scratch_operands = 4 : i64, tpu.core_type = #tpu.core_type<sc_vector_subcore>, window_params = [{transform_indices = #map}, {transform_indices = #map}, {transform_indices = #map}, {transform_indices = #map}, {transform_indices = #map1}, {transform_indices = #map}, {transform_indices = #map}, {transform_indices = #map}, {transform_indices = #map}, {transform_indices = #map}]} {
    %eq3A = arith.constant 0 : i32
    %eq3A_0 = arith.cmpi eq, %arg0, %eq3A : i32
    %convert_element_type3A = arith.extui %eq3A_0 : i1 to i32
    %cond3A = arith.constant 0 : i32
    %cond3A_1 = arith.cmpi ne, %convert_element_type3A, %cond3A : i32
    scf.if %cond3A_1 {
      %mul3A = arith.constant 632 : i32
      %mul3A_7 = arith.muli %arg1, %mul3A : i32
      "tpu.region"() ({
        %run_scoped3A = tpu.sem_alloc : memref<!tpu.dma_semaphore, #tpu.memory_space<semaphore_mem>>
        %dma_start3A = arith.constant 0 : i32
        %dma_start3A_93 = tpu.memref_slice %arg12[%mul3A_7, %dma_start3A] : memref<10112x128xf32, #tpu.memory_space<vmem_shared>> -> memref<632x128xf32, #tpu.memory_space<vmem_shared>>
        %dma_start3A_94 = arith.constant 0 : i32
        %dma_start3A_95 = arith.constant 0 : i32
        %dma_start3A_96 = tpu.memref_slice %arg7[%dma_start3A_94, %dma_start3A_95] : memref<632x128xf32, #tpu.memory_space<hbm>> -> memref<632x128xf32, #tpu.memory_space<hbm>>
        tpu.enqueue_dma source(%dma_start3A_96 : memref<632x128xf32, #tpu.memory_space<hbm>>) target(%dma_start3A_93 : memref<632x128xf32, #tpu.memory_space<vmem_shared>>) target_semaphore(%run_scoped3A : memref<!tpu.dma_semaphore, #tpu.memory_space<semaphore_mem>>)
        %dma_wait3A = arith.constant 0 : i32
        %dma_wait3A_97 = tpu.memref_slice %arg12[%mul3A_7, %dma_wait3A] : memref<10112x128xf32, #tpu.memory_space<vmem_shared>> -> memref<632x128xf32, #tpu.memory_space<vmem_shared>>
        %dma_wait3A_98 = arith.constant 0 : i32
        %dma_wait3A_99 = arith.constant 0 : i32
        %dma_wait3A_100 = tpu.memref_slice %arg7[%dma_wait3A_98, %dma_wait3A_99] : memref<632x128xf32, #tpu.memory_space<hbm>> -> memref<632x128xf32, #tpu.memory_space<hbm>>
        tpu.wait_dma2 semaphore(%run_scoped3A : memref<!tpu.dma_semaphore, #tpu.memory_space<semaphore_mem>>) src(%dma_wait3A_100 : memref<632x128xf32, #tpu.memory_space<hbm>>) dst(%dma_wait3A_97 : memref<632x128xf32, #tpu.memory_space<vmem_shared>>)
        tpu.yield
      }) : () -> ()
      %barrier3A = arith.constant 0 : index
      tpu.barrier barrier_id(%barrier3A)
      %sub3A = arith.constant 40 : i32
      %sub3A_8 = arith.subi %sub3A, %arg1 : i32
      %add3A = arith.constant 16 : i32
      %add3A_9 = arith.addi %sub3A_8, %add3A : i32
      %sub3A_10 = arith.constant 1 : i32
      %sub3A_11 = arith.subi %add3A_9, %sub3A_10 : i32
      %jit3A = arith.constant 16 : i32
      %div3A = arith.divsi %sub3A_11, %jit3A : i32
      %sign3A = arith.constant 0 : i32
      %sign3A_12 = arith.cmpi sgt, %sub3A_11, %sign3A : i32
      %sign3A_13 = arith.extui %sign3A_12 : i1 to i32
      %sign3A_14 = arith.constant 0 : i32
      %sign3A_15 = arith.cmpi slt, %sub3A_11, %sign3A_14 : i32
      %sign3A_16 = arith.extui %sign3A_15 : i1 to i32
      %sign3A_17 = arith.subi %sign3A_13, %sign3A_16 : i32
      %sign3A_18 = arith.constant 0 : i32
      %sign3A_19 = arith.cmpi sgt, %jit3A, %sign3A_18 : i32
      %sign3A_20 = arith.extui %sign3A_19 : i1 to i32
      %sign3A_21 = arith.constant 0 : i32
      %sign3A_22 = arith.cmpi slt, %jit3A, %sign3A_21 : i32
      %sign3A_23 = arith.extui %sign3A_22 : i1 to i32
      %sign3A_24 = arith.subi %sign3A_20, %sign3A_23 : i32
      %ne3A = arith.cmpi ne, %sign3A_17, %sign3A_24 : i32
      %rem3A = arith.remsi %sub3A_11, %jit3A : i32
      %ne3A_25 = arith.constant 0 : i32
      %ne3A_26 = arith.cmpi ne, %rem3A, %ne3A_25 : i32
      %and3A = arith.andi %ne3A, %ne3A_26 : i1
      %sub3A_27 = arith.constant 1 : i32
      %sub3A_28 = arith.subi %div3A, %sub3A_27 : i32
      %select_n3A = arith.select %and3A, %sub3A_28, %div3A : i32
      %while3A = arith.constant 0 : i32
      %while3A_29 = arith.constant 0 : i32
      %while3A_30 = arith.subi %select_n3A, %while3A_29 : i32
      %while3A_31 = arith.addi %while3A_29, %while3A_30 : i32
      %while3A_32 = arith.constant 1 : i32
      %while3A_33 = arith.divsi %while3A_30, %while3A_32 : i32
      %while3A_34 = arith.muli %while3A_33, %while3A_32 : i32
      %while3A_35 = arith.addi %while3A_29, %while3A_34 : i32
      %while3A_36 = arith.constant 1 : i32
      scf.for %while3A_93 = %while3A_29 to %while3A_35 step %while3A_36  : i32 {
        %mul3A_94 = arith.constant 16 : i32
        %mul3A_95 = arith.muli %while3A_93, %mul3A_94 : i32
        %add3A_96 = arith.addi %arg1, %mul3A_95 : i32
        %mul3A_97 = arith.constant 128 : i32
        %mul3A_98 = arith.muli %add3A_96, %mul3A_97 : i32
        "tpu.region"() ({
          %run_scoped3A = tpu.sem_alloc : memref<!tpu.dma_semaphore, #tpu.memory_space<semaphore_mem>>
          %dma_start3A = tpu.memref_slice %arg6[%mul3A_98] : memref<5120xi32, #tpu.memory_space<hbm>> -> memref<128xi32, #tpu.memory_space<hbm>>
          %dma_start3A_99 = tpu.memref_slice %arg6[%mul3A_98] : memref<5120xi32, #tpu.memory_space<hbm>> -> memref<128xi32, #tpu.memory_space<hbm>>
          tpu.enqueue_dma source(%dma_start3A_99 : memref<128xi32, #tpu.memory_space<hbm>>) target(%arg13 : memref<128xi32, #tpu.memory_space<vmem>>) target_semaphore(%run_scoped3A : memref<!tpu.dma_semaphore, #tpu.memory_space<semaphore_mem>>)
          %dma_wait3A = tpu.memref_slice %arg6[%mul3A_98] : memref<5120xi32, #tpu.memory_space<hbm>> -> memref<128xi32, #tpu.memory_space<hbm>>
          %dma_wait3A_100 = tpu.memref_slice %arg6[%mul3A_98] : memref<5120xi32, #tpu.memory_space<hbm>> -> memref<128xi32, #tpu.memory_space<hbm>>
          tpu.wait_dma2 semaphore(%run_scoped3A : memref<!tpu.dma_semaphore, #tpu.memory_space<semaphore_mem>>) src(%dma_wait3A_100 : memref<128xi32, #tpu.memory_space<hbm>>) dst(%arg13 : memref<128xi32, #tpu.memory_space<vmem>>)
          tpu.yield
        }) : () -> ()
        "tpu.region"() ({
          %run_scoped3A = tpu.sem_alloc : memref<!tpu.dma_semaphore, #tpu.memory_space<semaphore_mem>>
          %dma_start3A = arith.constant 0 : i32
          %dma_start3A_99 = tpu.memref_slice %arg2[%mul3A_98, %dma_start3A] : memref<5120x128xf32, #tpu.memory_space<hbm>> -> memref<128x128xf32, #tpu.memory_space<hbm>>
          %dma_start3A_100 = arith.constant 0 : i32
          %dma_start3A_101 = tpu.memref_slice %arg2[%mul3A_98, %dma_start3A_100] : memref<5120x128xf32, #tpu.memory_space<hbm>> -> memref<128x128xf32, #tpu.memory_space<hbm>>
          tpu.enqueue_dma source(%dma_start3A_101 : memref<128x128xf32, #tpu.memory_space<hbm>>) target(%arg14 : memref<128x128xf32, #tpu.memory_space<vmem>>) target_semaphore(%run_scoped3A : memref<!tpu.dma_semaphore, #tpu.memory_space<semaphore_mem>>)
          %dma_wait3A = arith.constant 0 : i32
          %dma_wait3A_102 = tpu.memref_slice %arg2[%mul3A_98, %dma_wait3A] : memref<5120x128xf32, #tpu.memory_space<hbm>> -> memref<128x128xf32, #tpu.memory_space<hbm>>
          %dma_wait3A_103 = arith.constant 0 : i32
          %dma_wait3A_104 = tpu.memref_slice %arg2[%mul3A_98, %dma_wait3A_103] : memref<5120x128xf32, #tpu.memory_space<hbm>> -> memref<128x128xf32, #tpu.memory_space<hbm>>
          tpu.wait_dma2 semaphore(%run_scoped3A : memref<!tpu.dma_semaphore, #tpu.memory_space<semaphore_mem>>) src(%dma_wait3A_104 : memref<128x128xf32, #tpu.memory_space<hbm>>) dst(%arg14 : memref<128x128xf32, #tpu.memory_space<vmem>>)
          tpu.yield
        }) : () -> ()
        "tpu.region"() ({
          %run_scoped3A = tpu.sem_alloc : memref<!tpu.dma_semaphore, #tpu.memory_space<semaphore_mem>>
          %dma_start3A = arith.constant 0 : i32
          %dma_start3A_99 = arith.constant 0 : i32
          %dma_start3A_100 = tpu.memref_slice %arg12[%dma_start3A, %dma_start3A_99] : memref<10112x128xf32, #tpu.memory_space<vmem_shared>> -> memref<10112x128xf32, #tpu.memory_space<vmem_shared>>
          tpu.enqueue_indirect_dma source(%arg14 : memref<128x128xf32, #tpu.memory_space<vmem>>) target(%dma_start3A_100 : memref<10112x128xf32, #tpu.memory_space<vmem_shared>>) offsets(%arg13 : memref<128xi32, #tpu.memory_space<vmem>>) semaphore(%run_scoped3A : memref<!tpu.dma_semaphore, #tpu.memory_space<semaphore_mem>>) {add = true}
          %dma_wait3A = arith.constant 0 : i32
          %dma_wait3A_101 = arith.constant 0 : i32
          %dma_wait3A_102 = tpu.memref_slice %arg12[%dma_wait3A, %dma_wait3A_101] : memref<10112x128xf32, #tpu.memory_space<vmem_shared>> -> memref<10112x128xf32, #tpu.memory_space<vmem_shared>>
          tpu.wait_indirect_dma semaphore(%run_scoped3A : memref<!tpu.dma_semaphore, #tpu.memory_space<semaphore_mem>>) src(%arg14 : memref<128x128xf32, #tpu.memory_space<vmem>>) dst(%dma_wait3A_102 : memref<10112x128xf32, #tpu.memory_space<vmem_shared>>)
          tpu.yield
        }) : () -> ()
      }
      %while3A_37 = arith.constant 1 : i32
      scf.for %while3A_93 = %while3A_35 to %while3A_31 step %while3A_37  : i32 {
        %mul3A_94 = arith.constant 16 : i32
        %mul3A_95 = arith.muli %while3A_93, %mul3A_94 : i32
        %add3A_96 = arith.addi %arg1, %mul3A_95 : i32
        %mul3A_97 = arith.constant 128 : i32
        %mul3A_98 = arith.muli %add3A_96, %mul3A_97 : i32
        "tpu.region"() ({
          %run_scoped3A = tpu.sem_alloc : memref<!tpu.dma_semaphore, #tpu.memory_space<semaphore_mem>>
          %dma_start3A = tpu.memref_slice %arg6[%mul3A_98] : memref<5120xi32, #tpu.memory_space<hbm>> -> memref<128xi32, #tpu.memory_space<hbm>>
          %dma_start3A_99 = tpu.memref_slice %arg6[%mul3A_98] : memref<5120xi32, #tpu.memory_space<hbm>> -> memref<128xi32, #tpu.memory_space<hbm>>
          tpu.enqueue_dma source(%dma_start3A_99 : memref<128xi32, #tpu.memory_space<hbm>>) target(%arg13 : memref<128xi32, #tpu.memory_space<vmem>>) target_semaphore(%run_scoped3A : memref<!tpu.dma_semaphore, #tpu.memory_space<semaphore_mem>>)
          %dma_wait3A = tpu.memref_slice %arg6[%mul3A_98] : memref<5120xi32, #tpu.memory_space<hbm>> -> memref<128xi32, #tpu.memory_space<hbm>>
          %dma_wait3A_100 = tpu.memref_slice %arg6[%mul3A_98] : memref<5120xi32, #tpu.memory_space<hbm>> -> memref<128xi32, #tpu.memory_space<hbm>>
          tpu.wait_dma2 semaphore(%run_scoped3A : memref<!tpu.dma_semaphore, #tpu.memory_space<semaphore_mem>>) src(%dma_wait3A_100 : memref<128xi32, #tpu.memory_space<hbm>>) dst(%arg13 : memref<128xi32, #tpu.memory_space<vmem>>)
          tpu.yield
        }) : () -> ()
        "tpu.region"() ({
          %run_scoped3A = tpu.sem_alloc : memref<!tpu.dma_semaphore, #tpu.memory_space<semaphore_mem>>
          %dma_start3A = arith.constant 0 : i32
          %dma_start3A_99 = tpu.memref_slice %arg2[%mul3A_98, %dma_start3A] : memref<5120x128xf32, #tpu.memory_space<hbm>> -> memref<128x128xf32, #tpu.memory_space<hbm>>
          %dma_start3A_100 = arith.constant 0 : i32
          %dma_start3A_101 = tpu.memref_slice %arg2[%mul3A_98, %dma_start3A_100] : memref<5120x128xf32, #tpu.memory_space<hbm>> -> memref<128x128xf32, #tpu.memory_space<hbm>>
          tpu.enqueue_dma source(%dma_start3A_101 : memref<128x128xf32, #tpu.memory_space<hbm>>) target(%arg14 : memref<128x128xf32, #tpu.memory_space<vmem>>) target_semaphore(%run_scoped3A : memref<!tpu.dma_semaphore, #tpu.memory_space<semaphore_mem>>)
          %dma_wait3A = arith.constant 0 : i32
          %dma_wait3A_102 = tpu.memref_slice %arg2[%mul3A_98, %dma_wait3A] : memref<5120x128xf32, #tpu.memory_space<hbm>> -> memref<128x128xf32, #tpu.memory_space<hbm>>
          %dma_wait3A_103 = arith.constant 0 : i32
          %dma_wait3A_104 = tpu.memref_slice %arg2[%mul3A_98, %dma_wait3A_103] : memref<5120x128xf32, #tpu.memory_space<hbm>> -> memref<128x128xf32, #tpu.memory_space<hbm>>
          tpu.wait_dma2 semaphore(%run_scoped3A : memref<!tpu.dma_semaphore, #tpu.memory_space<semaphore_mem>>) src(%dma_wait3A_104 : memref<128x128xf32, #tpu.memory_space<hbm>>) dst(%arg14 : memref<128x128xf32, #tpu.memory_space<vmem>>)
          tpu.yield
        }) : () -> ()
        "tpu.region"() ({
          %run_scoped3A = tpu.sem_alloc : memref<!tpu.dma_semaphore, #tpu.memory_space<semaphore_mem>>
          %dma_start3A = arith.constant 0 : i32
          %dma_start3A_99 = arith.constant 0 : i32
          %dma_start3A_100 = tpu.memref_slice %arg12[%dma_start3A, %dma_start3A_99] : memref<10112x128xf32, #tpu.memory_space<vmem_shared>> -> memref<10112x128xf32, #tpu.memory_space<vmem_shared>>
          tpu.enqueue_indirect_dma source(%arg14 : memref<128x128xf32, #tpu.memory_space<vmem>>) target(%dma_start3A_100 : memref<10112x128xf32, #tpu.memory_space<vmem_shared>>) offsets(%arg13 : memref<128xi32, #tpu.memory_space<vmem>>) semaphore(%run_scoped3A : memref<!tpu.dma_semaphore, #tpu.memory_space<semaphore_mem>>) {add = true}
          %dma_wait3A = arith.constant 0 : i32
          %dma_wait3A_101 = arith.constant 0 : i32
          %dma_wait3A_102 = tpu.memref_slice %arg12[%dma_wait3A, %dma_wait3A_101] : memref<10112x128xf32, #tpu.memory_space<vmem_shared>> -> memref<10112x128xf32, #tpu.memory_space<vmem_shared>>
          tpu.wait_indirect_dma semaphore(%run_scoped3A : memref<!tpu.dma_semaphore, #tpu.memory_space<semaphore_mem>>) src(%arg14 : memref<128x128xf32, #tpu.memory_space<vmem>>) dst(%dma_wait3A_102 : memref<10112x128xf32, #tpu.memory_space<vmem_shared>>)
          tpu.yield
        }) : () -> ()
      }
      %barrier3A_38 = arith.constant 0 : index
      tpu.barrier barrier_id(%barrier3A_38)
      %mul3A_39 = arith.constant 632 : i32
      %mul3A_40 = arith.muli %arg1, %mul3A_39 : i32
      %mul3A_41 = arith.constant 632 : i32
      %mul3A_42 = arith.muli %arg1, %mul3A_41 : i32
      "tpu.region"() ({
        %run_scoped3A = tpu.sem_alloc : memref<!tpu.dma_semaphore, #tpu.memory_space<semaphore_mem>>
        %dma_start3A = arith.constant 0 : i32
        %dma_start3A_93 = tpu.memref_slice %arg8[%mul3A_42, %dma_start3A] : memref<10112x128xf32, #tpu.memory_space<hbm>> -> memref<632x128xf32, #tpu.memory_space<hbm>>
        %dma_start3A_94 = arith.constant 0 : i32
        %dma_start3A_95 = tpu.memref_slice %arg12[%mul3A_40, %dma_start3A_94] : memref<10112x128xf32, #tpu.memory_space<vmem_shared>> -> memref<632x128xf32, #tpu.memory_space<vmem_shared>>
        tpu.enqueue_dma source(%dma_start3A_95 : memref<632x128xf32, #tpu.memory_space<vmem_shared>>) target(%dma_start3A_93 : memref<632x128xf32, #tpu.memory_space<hbm>>) target_semaphore(%run_scoped3A : memref<!tpu.dma_semaphore, #tpu.memory_space<semaphore_mem>>)
        %dma_wait3A = arith.constant 0 : i32
        %dma_wait3A_96 = tpu.memref_slice %arg8[%mul3A_42, %dma_wait3A] : memref<10112x128xf32, #tpu.memory_space<hbm>> -> memref<632x128xf32, #tpu.memory_space<hbm>>
        %dma_wait3A_97 = arith.constant 0 : i32
        %dma_wait3A_98 = tpu.memref_slice %arg12[%mul3A_40, %dma_wait3A_97] : memref<10112x128xf32, #tpu.memory_space<vmem_shared>> -> memref<632x128xf32, #tpu.memory_space<vmem_shared>>
        tpu.wait_dma2 semaphore(%run_scoped3A : memref<!tpu.dma_semaphore, #tpu.memory_space<semaphore_mem>>) src(%dma_wait3A_98 : memref<632x128xf32, #tpu.memory_space<vmem_shared>>) dst(%dma_wait3A_96 : memref<632x128xf32, #tpu.memory_space<hbm>>)
        tpu.yield
      }) : () -> ()
      %barrier3A_43 = arith.constant 0 : index
      tpu.barrier barrier_id(%barrier3A_43)
      %mul3A_44 = arith.constant 632 : i32
      %mul3A_45 = arith.muli %arg1, %mul3A_44 : i32
      "tpu.region"() ({
        %run_scoped3A = tpu.sem_alloc : memref<!tpu.dma_semaphore, #tpu.memory_space<semaphore_mem>>
        %dma_start3A = arith.constant 0 : i32
        %dma_start3A_93 = tpu.memref_slice %arg12[%mul3A_45, %dma_start3A] : memref<10112x128xf32, #tpu.memory_space<vmem_shared>> -> memref<632x128xf32, #tpu.memory_space<vmem_shared>>
        %dma_start3A_94 = arith.constant 0 : i32
        %dma_start3A_95 = arith.constant 0 : i32
        %dma_start3A_96 = tpu.memref_slice %arg7[%dma_start3A_94, %dma_start3A_95] : memref<632x128xf32, #tpu.memory_space<hbm>> -> memref<632x128xf32, #tpu.memory_space<hbm>>
        tpu.enqueue_dma source(%dma_start3A_96 : memref<632x128xf32, #tpu.memory_space<hbm>>) target(%dma_start3A_93 : memref<632x128xf32, #tpu.memory_space<vmem_shared>>) target_semaphore(%run_scoped3A : memref<!tpu.dma_semaphore, #tpu.memory_space<semaphore_mem>>)
        %dma_wait3A = arith.constant 0 : i32
        %dma_wait3A_97 = tpu.memref_slice %arg12[%mul3A_45, %dma_wait3A] : memref<10112x128xf32, #tpu.memory_space<vmem_shared>> -> memref<632x128xf32, #tpu.memory_space<vmem_shared>>
        %dma_wait3A_98 = arith.constant 0 : i32
        %dma_wait3A_99 = arith.constant 0 : i32
        %dma_wait3A_100 = tpu.memref_slice %arg7[%dma_wait3A_98, %dma_wait3A_99] : memref<632x128xf32, #tpu.memory_space<hbm>> -> memref<632x128xf32, #tpu.memory_space<hbm>>
        tpu.wait_dma2 semaphore(%run_scoped3A : memref<!tpu.dma_semaphore, #tpu.memory_space<semaphore_mem>>) src(%dma_wait3A_100 : memref<632x128xf32, #tpu.memory_space<hbm>>) dst(%dma_wait3A_97 : memref<632x128xf32, #tpu.memory_space<vmem_shared>>)
        tpu.yield
      }) : () -> ()
      %barrier3A_46 = arith.constant 0 : index
      tpu.barrier barrier_id(%barrier3A_46)
      %sub3A_47 = arith.constant 40 : i32
      %sub3A_48 = arith.subi %sub3A_47, %arg1 : i32
      %add3A_49 = arith.constant 16 : i32
      %add3A_50 = arith.addi %sub3A_48, %add3A_49 : i32
      %sub3A_51 = arith.constant 1 : i32
      %sub3A_52 = arith.subi %add3A_50, %sub3A_51 : i32
      %jit3A_53 = arith.constant 16 : i32
      %div3A_54 = arith.divsi %sub3A_52, %jit3A_53 : i32
      %sign3A_55 = arith.constant 0 : i32
      %sign3A_56 = arith.cmpi sgt, %sub3A_52, %sign3A_55 : i32
      %sign3A_57 = arith.extui %sign3A_56 : i1 to i32
      %sign3A_58 = arith.constant 0 : i32
      %sign3A_59 = arith.cmpi slt, %sub3A_52, %sign3A_58 : i32
      %sign3A_60 = arith.extui %sign3A_59 : i1 to i32
      %sign3A_61 = arith.subi %sign3A_57, %sign3A_60 : i32
      %sign3A_62 = arith.constant 0 : i32
      %sign3A_63 = arith.cmpi sgt, %jit3A_53, %sign3A_62 : i32
      %sign3A_64 = arith.extui %sign3A_63 : i1 to i32
      %sign3A_65 = arith.constant 0 : i32
      %sign3A_66 = arith.cmpi slt, %jit3A_53, %sign3A_65 : i32
      %sign3A_67 = arith.extui %sign3A_66 : i1 to i32
      %sign3A_68 = arith.subi %sign3A_64, %sign3A_67 : i32
      %ne3A_69 = arith.cmpi ne, %sign3A_61, %sign3A_68 : i32
      %rem3A_70 = arith.remsi %sub3A_52, %jit3A_53 : i32
      %ne3A_71 = arith.constant 0 : i32
      %ne3A_72 = arith.cmpi ne, %rem3A_70, %ne3A_71 : i32
      %and3A_73 = arith.andi %ne3A_69, %ne3A_72 : i1
      %sub3A_74 = arith.constant 1 : i32
      %sub3A_75 = arith.subi %div3A_54, %sub3A_74 : i32
      %select_n3A_76 = arith.select %and3A_73, %sub3A_75, %div3A_54 : i32
      %while3A_77 = arith.constant 0 : i32
      %while3A_78 = arith.constant 0 : i32
      %while3A_79 = arith.subi %select_n3A_76, %while3A_78 : i32
      %while3A_80 = arith.addi %while3A_78, %while3A_79 : i32
      %while3A_81 = arith.constant 1 : i32
      %while3A_82 = arith.divsi %while3A_79, %while3A_81 : i32
      %while3A_83 = arith.muli %while3A_82, %while3A_81 : i32
      %while3A_84 = arith.addi %while3A_78, %while3A_83 : i32
      %while3A_85 = arith.constant 1 : i32
      scf.for %while3A_93 = %while3A_78 to %while3A_84 step %while3A_85  : i32 {
        %mul3A_94 = arith.constant 16 : i32
        %mul3A_95 = arith.muli %while3A_93, %mul3A_94 : i32
        %add3A_96 = arith.addi %arg1, %mul3A_95 : i32
        %mul3A_97 = arith.constant 128 : i32
        %mul3A_98 = arith.muli %add3A_96, %mul3A_97 : i32
        "tpu.region"() ({
          %run_scoped3A = tpu.sem_alloc : memref<!tpu.dma_semaphore, #tpu.memory_space<semaphore_mem>>
          %dma_start3A = tpu.memref_slice %arg6[%mul3A_98] : memref<5120xi32, #tpu.memory_space<hbm>> -> memref<128xi32, #tpu.memory_space<hbm>>
          %dma_start3A_99 = tpu.memref_slice %arg6[%mul3A_98] : memref<5120xi32, #tpu.memory_space<hbm>> -> memref<128xi32, #tpu.memory_space<hbm>>
          tpu.enqueue_dma source(%dma_start3A_99 : memref<128xi32, #tpu.memory_space<hbm>>) target(%arg13 : memref<128xi32, #tpu.memory_space<vmem>>) target_semaphore(%run_scoped3A : memref<!tpu.dma_semaphore, #tpu.memory_space<semaphore_mem>>)
          %dma_wait3A = tpu.memref_slice %arg6[%mul3A_98] : memref<5120xi32, #tpu.memory_space<hbm>> -> memref<128xi32, #tpu.memory_space<hbm>>
          %dma_wait3A_100 = tpu.memref_slice %arg6[%mul3A_98] : memref<5120xi32, #tpu.memory_space<hbm>> -> memref<128xi32, #tpu.memory_space<hbm>>
          tpu.wait_dma2 semaphore(%run_scoped3A : memref<!tpu.dma_semaphore, #tpu.memory_space<semaphore_mem>>) src(%dma_wait3A_100 : memref<128xi32, #tpu.memory_space<hbm>>) dst(%arg13 : memref<128xi32, #tpu.memory_space<vmem>>)
          tpu.yield
        }) : () -> ()
        "tpu.region"() ({
          %run_scoped3A = tpu.sem_alloc : memref<!tpu.dma_semaphore, #tpu.memory_space<semaphore_mem>>
          %dma_start3A = arith.constant 0 : i32
          %dma_start3A_99 = tpu.memref_slice %arg4[%mul3A_98, %dma_start3A] : memref<5120x128xf32, #tpu.memory_space<hbm>> -> memref<128x128xf32, #tpu.memory_space<hbm>>
          %dma_start3A_100 = arith.constant 0 : i32
          %dma_start3A_101 = tpu.memref_slice %arg4[%mul3A_98, %dma_start3A_100] : memref<5120x128xf32, #tpu.memory_space<hbm>> -> memref<128x128xf32, #tpu.memory_space<hbm>>
          tpu.enqueue_dma source(%dma_start3A_101 : memref<128x128xf32, #tpu.memory_space<hbm>>) target(%arg14 : memref<128x128xf32, #tpu.memory_space<vmem>>) target_semaphore(%run_scoped3A : memref<!tpu.dma_semaphore, #tpu.memory_space<semaphore_mem>>)
          %dma_wait3A = arith.constant 0 : i32
          %dma_wait3A_102 = tpu.memref_slice %arg4[%mul3A_98, %dma_wait3A] : memref<5120x128xf32, #tpu.memory_space<hbm>> -> memref<128x128xf32, #tpu.memory_space<hbm>>
          %dma_wait3A_103 = arith.constant 0 : i32
          %dma_wait3A_104 = tpu.memref_slice %arg4[%mul3A_98, %dma_wait3A_103] : memref<5120x128xf32, #tpu.memory_space<hbm>> -> memref<128x128xf32, #tpu.memory_space<hbm>>
          tpu.wait_dma2 semaphore(%run_scoped3A : memref<!tpu.dma_semaphore, #tpu.memory_space<semaphore_mem>>) src(%dma_wait3A_104 : memref<128x128xf32, #tpu.memory_space<hbm>>) dst(%arg14 : memref<128x128xf32, #tpu.memory_space<vmem>>)
          tpu.yield
        }) : () -> ()
        "tpu.region"() ({
          %run_scoped3A = tpu.sem_alloc : memref<!tpu.dma_semaphore, #tpu.memory_space<semaphore_mem>>
          %dma_start3A = arith.constant 0 : i32
          %dma_start3A_99 = arith.constant 0 : i32
          %dma_start3A_100 = tpu.memref_slice %arg12[%dma_start3A, %dma_start3A_99] : memref<10112x128xf32, #tpu.memory_space<vmem_shared>> -> memref<10112x128xf32, #tpu.memory_space<vmem_shared>>
          tpu.enqueue_indirect_dma source(%arg14 : memref<128x128xf32, #tpu.memory_space<vmem>>) target(%dma_start3A_100 : memref<10112x128xf32, #tpu.memory_space<vmem_shared>>) offsets(%arg13 : memref<128xi32, #tpu.memory_space<vmem>>) semaphore(%run_scoped3A : memref<!tpu.dma_semaphore, #tpu.memory_space<semaphore_mem>>) {add = true}
          %dma_wait3A = arith.constant 0 : i32
          %dma_wait3A_101 = arith.constant 0 : i32
          %dma_wait3A_102 = tpu.memref_slice %arg12[%dma_wait3A, %dma_wait3A_101] : memref<10112x128xf32, #tpu.memory_space<vmem_shared>> -> memref<10112x128xf32, #tpu.memory_space<vmem_shared>>
          tpu.wait_indirect_dma semaphore(%run_scoped3A : memref<!tpu.dma_semaphore, #tpu.memory_space<semaphore_mem>>) src(%arg14 : memref<128x128xf32, #tpu.memory_space<vmem>>) dst(%dma_wait3A_102 : memref<10112x128xf32, #tpu.memory_space<vmem_shared>>)
          tpu.yield
        }) : () -> ()
      }
      %while3A_86 = arith.constant 1 : i32
      scf.for %while3A_93 = %while3A_84 to %while3A_80 step %while3A_86  : i32 {
        %mul3A_94 = arith.constant 16 : i32
        %mul3A_95 = arith.muli %while3A_93, %mul3A_94 : i32
        %add3A_96 = arith.addi %arg1, %mul3A_95 : i32
        %mul3A_97 = arith.constant 128 : i32
        %mul3A_98 = arith.muli %add3A_96, %mul3A_97 : i32
        "tpu.region"() ({
          %run_scoped3A = tpu.sem_alloc : memref<!tpu.dma_semaphore, #tpu.memory_space<semaphore_mem>>
          %dma_start3A = tpu.memref_slice %arg6[%mul3A_98] : memref<5120xi32, #tpu.memory_space<hbm>> -> memref<128xi32, #tpu.memory_space<hbm>>
          %dma_start3A_99 = tpu.memref_slice %arg6[%mul3A_98] : memref<5120xi32, #tpu.memory_space<hbm>> -> memref<128xi32, #tpu.memory_space<hbm>>
          tpu.enqueue_dma source(%dma_start3A_99 : memref<128xi32, #tpu.memory_space<hbm>>) target(%arg13 : memref<128xi32, #tpu.memory_space<vmem>>) target_semaphore(%run_scoped3A : memref<!tpu.dma_semaphore, #tpu.memory_space<semaphore_mem>>)
          %dma_wait3A = tpu.memref_slice %arg6[%mul3A_98] : memref<5120xi32, #tpu.memory_space<hbm>> -> memref<128xi32, #tpu.memory_space<hbm>>
          %dma_wait3A_100 = tpu.memref_slice %arg6[%mul3A_98] : memref<5120xi32, #tpu.memory_space<hbm>> -> memref<128xi32, #tpu.memory_space<hbm>>
          tpu.wait_dma2 semaphore(%run_scoped3A : memref<!tpu.dma_semaphore, #tpu.memory_space<semaphore_mem>>) src(%dma_wait3A_100 : memref<128xi32, #tpu.memory_space<hbm>>) dst(%arg13 : memref<128xi32, #tpu.memory_space<vmem>>)
          tpu.yield
        }) : () -> ()
        "tpu.region"() ({
          %run_scoped3A = tpu.sem_alloc : memref<!tpu.dma_semaphore, #tpu.memory_space<semaphore_mem>>
          %dma_start3A = arith.constant 0 : i32
          %dma_start3A_99 = tpu.memref_slice %arg4[%mul3A_98, %dma_start3A] : memref<5120x128xf32, #tpu.memory_space<hbm>> -> memref<128x128xf32, #tpu.memory_space<hbm>>
          %dma_start3A_100 = arith.constant 0 : i32
          %dma_start3A_101 = tpu.memref_slice %arg4[%mul3A_98, %dma_start3A_100] : memref<5120x128xf32, #tpu.memory_space<hbm>> -> memref<128x128xf32, #tpu.memory_space<hbm>>
          tpu.enqueue_dma source(%dma_start3A_101 : memref<128x128xf32, #tpu.memory_space<hbm>>) target(%arg14 : memref<128x128xf32, #tpu.memory_space<vmem>>) target_semaphore(%run_scoped3A : memref<!tpu.dma_semaphore, #tpu.memory_space<semaphore_mem>>)
          %dma_wait3A = arith.constant 0 : i32
          %dma_wait3A_102 = tpu.memref_slice %arg4[%mul3A_98, %dma_wait3A] : memref<5120x128xf32, #tpu.memory_space<hbm>> -> memref<128x128xf32, #tpu.memory_space<hbm>>
          %dma_wait3A_103 = arith.constant 0 : i32
          %dma_wait3A_104 = tpu.memref_slice %arg4[%mul3A_98, %dma_wait3A_103] : memref<5120x128xf32, #tpu.memory_space<hbm>> -> memref<128x128xf32, #tpu.memory_space<hbm>>
          tpu.wait_dma2 semaphore(%run_scoped3A : memref<!tpu.dma_semaphore, #tpu.memory_space<semaphore_mem>>) src(%dma_wait3A_104 : memref<128x128xf32, #tpu.memory_space<hbm>>) dst(%arg14 : memref<128x128xf32, #tpu.memory_space<vmem>>)
          tpu.yield
        }) : () -> ()
        "tpu.region"() ({
          %run_scoped3A = tpu.sem_alloc : memref<!tpu.dma_semaphore, #tpu.memory_space<semaphore_mem>>
          %dma_start3A = arith.constant 0 : i32
          %dma_start3A_99 = arith.constant 0 : i32
          %dma_start3A_100 = tpu.memref_slice %arg12[%dma_start3A, %dma_start3A_99] : memref<10112x128xf32, #tpu.memory_space<vmem_shared>> -> memref<10112x128xf32, #tpu.memory_space<vmem_shared>>
          tpu.enqueue_indirect_dma source(%arg14 : memref<128x128xf32, #tpu.memory_space<vmem>>) target(%dma_start3A_100 : memref<10112x128xf32, #tpu.memory_space<vmem_shared>>) offsets(%arg13 : memref<128xi32, #tpu.memory_space<vmem>>) semaphore(%run_scoped3A : memref<!tpu.dma_semaphore, #tpu.memory_space<semaphore_mem>>) {add = true}
          %dma_wait3A = arith.constant 0 : i32
          %dma_wait3A_101 = arith.constant 0 : i32
          %dma_wait3A_102 = tpu.memref_slice %arg12[%dma_wait3A, %dma_wait3A_101] : memref<10112x128xf32, #tpu.memory_space<vmem_shared>> -> memref<10112x128xf32, #tpu.memory_space<vmem_shared>>
          tpu.wait_indirect_dma semaphore(%run_scoped3A : memref<!tpu.dma_semaphore, #tpu.memory_space<semaphore_mem>>) src(%arg14 : memref<128x128xf32, #tpu.memory_space<vmem>>) dst(%dma_wait3A_102 : memref<10112x128xf32, #tpu.memory_space<vmem_shared>>)
          tpu.yield
        }) : () -> ()
      }
      %barrier3A_87 = arith.constant 0 : index
      tpu.barrier barrier_id(%barrier3A_87)
      %mul3A_88 = arith.constant 632 : i32
      %mul3A_89 = arith.muli %arg1, %mul3A_88 : i32
      %mul3A_90 = arith.constant 632 : i32
      %mul3A_91 = arith.muli %arg1, %mul3A_90 : i32
      "tpu.region"() ({
        %run_scoped3A = tpu.sem_alloc : memref<!tpu.dma_semaphore, #tpu.memory_space<semaphore_mem>>
        %dma_start3A = arith.constant 0 : i32
        %dma_start3A_93 = tpu.memref_slice %arg10[%mul3A_91, %dma_start3A] : memref<10112x128xf32, #tpu.memory_space<hbm>> -> memref<632x128xf32, #tpu.memory_space<hbm>>
        %dma_start3A_94 = arith.constant 0 : i32
        %dma_start3A_95 = tpu.memref_slice %arg12[%mul3A_89, %dma_start3A_94] : memref<10112x128xf32, #tpu.memory_space<vmem_shared>> -> memref<632x128xf32, #tpu.memory_space<vmem_shared>>
        tpu.enqueue_dma source(%dma_start3A_95 : memref<632x128xf32, #tpu.memory_space<vmem_shared>>) target(%dma_start3A_93 : memref<632x128xf32, #tpu.memory_space<hbm>>) target_semaphore(%run_scoped3A : memref<!tpu.dma_semaphore, #tpu.memory_space<semaphore_mem>>)
        %dma_wait3A = arith.constant 0 : i32
        %dma_wait3A_96 = tpu.memref_slice %arg10[%mul3A_91, %dma_wait3A] : memref<10112x128xf32, #tpu.memory_space<hbm>> -> memref<632x128xf32, #tpu.memory_space<hbm>>
        %dma_wait3A_97 = arith.constant 0 : i32
        %dma_wait3A_98 = tpu.memref_slice %arg12[%mul3A_89, %dma_wait3A_97] : memref<10112x128xf32, #tpu.memory_space<vmem_shared>> -> memref<632x128xf32, #tpu.memory_space<vmem_shared>>
        tpu.wait_dma2 semaphore(%run_scoped3A : memref<!tpu.dma_semaphore, #tpu.memory_space<semaphore_mem>>) src(%dma_wait3A_98 : memref<632x128xf32, #tpu.memory_space<vmem_shared>>) dst(%dma_wait3A_96 : memref<632x128xf32, #tpu.memory_space<hbm>>)
        tpu.yield
      }) : () -> ()
      %barrier3A_92 = arith.constant 0 : index
      tpu.barrier barrier_id(%barrier3A_92)
    } else {
    }
    %eq3A_2 = arith.constant 1 : i32
    %eq3A_3 = arith.cmpi eq, %arg0, %eq3A_2 : i32
    %convert_element_type3A_4 = arith.extui %eq3A_3 : i1 to i32
    %cond3A_5 = arith.constant 0 : i32
    %cond3A_6 = arith.cmpi ne, %convert_element_type3A_4, %cond3A_5 : i32
    scf.if %cond3A_6 {
      %mul3A = arith.constant 632 : i32
      %mul3A_7 = arith.muli %arg1, %mul3A : i32
      "tpu.region"() ({
        %run_scoped3A = tpu.sem_alloc : memref<!tpu.dma_semaphore, #tpu.memory_space<semaphore_mem>>
        %dma_start3A = arith.constant 0 : i32
        %dma_start3A_93 = tpu.memref_slice %arg12[%mul3A_7, %dma_start3A] : memref<10112x128xf32, #tpu.memory_space<vmem_shared>> -> memref<632x128xf32, #tpu.memory_space<vmem_shared>>
        %dma_start3A_94 = arith.constant 0 : i32
        %dma_start3A_95 = arith.constant 0 : i32
        %dma_start3A_96 = tpu.memref_slice %arg7[%dma_start3A_94, %dma_start3A_95] : memref<632x128xf32, #tpu.memory_space<hbm>> -> memref<632x128xf32, #tpu.memory_space<hbm>>
        tpu.enqueue_dma source(%dma_start3A_96 : memref<632x128xf32, #tpu.memory_space<hbm>>) target(%dma_start3A_93 : memref<632x128xf32, #tpu.memory_space<vmem_shared>>) target_semaphore(%run_scoped3A : memref<!tpu.dma_semaphore, #tpu.memory_space<semaphore_mem>>)
        %dma_wait3A = arith.constant 0 : i32
        %dma_wait3A_97 = tpu.memref_slice %arg12[%mul3A_7, %dma_wait3A] : memref<10112x128xf32, #tpu.memory_space<vmem_shared>> -> memref<632x128xf32, #tpu.memory_space<vmem_shared>>
        %dma_wait3A_98 = arith.constant 0 : i32
        %dma_wait3A_99 = arith.constant 0 : i32
        %dma_wait3A_100 = tpu.memref_slice %arg7[%dma_wait3A_98, %dma_wait3A_99] : memref<632x128xf32, #tpu.memory_space<hbm>> -> memref<632x128xf32, #tpu.memory_space<hbm>>
        tpu.wait_dma2 semaphore(%run_scoped3A : memref<!tpu.dma_semaphore, #tpu.memory_space<semaphore_mem>>) src(%dma_wait3A_100 : memref<632x128xf32, #tpu.memory_space<hbm>>) dst(%dma_wait3A_97 : memref<632x128xf32, #tpu.memory_space<vmem_shared>>)
        tpu.yield
      }) : () -> ()
      %barrier3A = arith.constant 0 : index
      tpu.barrier barrier_id(%barrier3A)
      %sub3A = arith.constant 40 : i32
      %sub3A_8 = arith.subi %sub3A, %arg1 : i32
      %add3A = arith.constant 16 : i32
      %add3A_9 = arith.addi %sub3A_8, %add3A : i32
      %sub3A_10 = arith.constant 1 : i32
      %sub3A_11 = arith.subi %add3A_9, %sub3A_10 : i32
      %jit3A = arith.constant 16 : i32
      %div3A = arith.divsi %sub3A_11, %jit3A : i32
      %sign3A = arith.constant 0 : i32
      %sign3A_12 = arith.cmpi sgt, %sub3A_11, %sign3A : i32
      %sign3A_13 = arith.extui %sign3A_12 : i1 to i32
      %sign3A_14 = arith.constant 0 : i32
      %sign3A_15 = arith.cmpi slt, %sub3A_11, %sign3A_14 : i32
      %sign3A_16 = arith.extui %sign3A_15 : i1 to i32
      %sign3A_17 = arith.subi %sign3A_13, %sign3A_16 : i32
      %sign3A_18 = arith.constant 0 : i32
      %sign3A_19 = arith.cmpi sgt, %jit3A, %sign3A_18 : i32
      %sign3A_20 = arith.extui %sign3A_19 : i1 to i32
      %sign3A_21 = arith.constant 0 : i32
      %sign3A_22 = arith.cmpi slt, %jit3A, %sign3A_21 : i32
      %sign3A_23 = arith.extui %sign3A_22 : i1 to i32
      %sign3A_24 = arith.subi %sign3A_20, %sign3A_23 : i32
      %ne3A = arith.cmpi ne, %sign3A_17, %sign3A_24 : i32
      %rem3A = arith.remsi %sub3A_11, %jit3A : i32
      %ne3A_25 = arith.constant 0 : i32
      %ne3A_26 = arith.cmpi ne, %rem3A, %ne3A_25 : i32
      %and3A = arith.andi %ne3A, %ne3A_26 : i1
      %sub3A_27 = arith.constant 1 : i32
      %sub3A_28 = arith.subi %div3A, %sub3A_27 : i32
      %select_n3A = arith.select %and3A, %sub3A_28, %div3A : i32
      %while3A = arith.constant 0 : i32
      %while3A_29 = arith.constant 0 : i32
      %while3A_30 = arith.subi %select_n3A, %while3A_29 : i32
      %while3A_31 = arith.addi %while3A_29, %while3A_30 : i32
      %while3A_32 = arith.constant 1 : i32
      %while3A_33 = arith.divsi %while3A_30, %while3A_32 : i32
      %while3A_34 = arith.muli %while3A_33, %while3A_32 : i32
      %while3A_35 = arith.addi %while3A_29, %while3A_34 : i32
      %while3A_36 = arith.constant 1 : i32
      scf.for %while3A_93 = %while3A_29 to %while3A_35 step %while3A_36  : i32 {
        %mul3A_94 = arith.constant 16 : i32
        %mul3A_95 = arith.muli %while3A_93, %mul3A_94 : i32
        %add3A_96 = arith.addi %arg1, %mul3A_95 : i32
        %mul3A_97 = arith.constant 128 : i32
        %mul3A_98 = arith.muli %add3A_96, %mul3A_97 : i32
        "tpu.region"() ({
          %run_scoped3A = tpu.sem_alloc : memref<!tpu.dma_semaphore, #tpu.memory_space<semaphore_mem>>
          %dma_start3A = tpu.memref_slice %arg6[%mul3A_98] : memref<5120xi32, #tpu.memory_space<hbm>> -> memref<128xi32, #tpu.memory_space<hbm>>
          %dma_start3A_99 = tpu.memref_slice %arg6[%mul3A_98] : memref<5120xi32, #tpu.memory_space<hbm>> -> memref<128xi32, #tpu.memory_space<hbm>>
          tpu.enqueue_dma source(%dma_start3A_99 : memref<128xi32, #tpu.memory_space<hbm>>) target(%arg13 : memref<128xi32, #tpu.memory_space<vmem>>) target_semaphore(%run_scoped3A : memref<!tpu.dma_semaphore, #tpu.memory_space<semaphore_mem>>)
          %dma_wait3A = tpu.memref_slice %arg6[%mul3A_98] : memref<5120xi32, #tpu.memory_space<hbm>> -> memref<128xi32, #tpu.memory_space<hbm>>
          %dma_wait3A_100 = tpu.memref_slice %arg6[%mul3A_98] : memref<5120xi32, #tpu.memory_space<hbm>> -> memref<128xi32, #tpu.memory_space<hbm>>
          tpu.wait_dma2 semaphore(%run_scoped3A : memref<!tpu.dma_semaphore, #tpu.memory_space<semaphore_mem>>) src(%dma_wait3A_100 : memref<128xi32, #tpu.memory_space<hbm>>) dst(%arg13 : memref<128xi32, #tpu.memory_space<vmem>>)
          tpu.yield
        }) : () -> ()
        "tpu.region"() ({
          %run_scoped3A = tpu.sem_alloc : memref<!tpu.dma_semaphore, #tpu.memory_space<semaphore_mem>>
          %dma_start3A = arith.constant 0 : i32
          %dma_start3A_99 = tpu.memref_slice %arg3[%mul3A_98, %dma_start3A] : memref<5120x128xf32, #tpu.memory_space<hbm>> -> memref<128x128xf32, #tpu.memory_space<hbm>>
          %dma_start3A_100 = arith.constant 0 : i32
          %dma_start3A_101 = tpu.memref_slice %arg3[%mul3A_98, %dma_start3A_100] : memref<5120x128xf32, #tpu.memory_space<hbm>> -> memref<128x128xf32, #tpu.memory_space<hbm>>
          tpu.enqueue_dma source(%dma_start3A_101 : memref<128x128xf32, #tpu.memory_space<hbm>>) target(%arg14 : memref<128x128xf32, #tpu.memory_space<vmem>>) target_semaphore(%run_scoped3A : memref<!tpu.dma_semaphore, #tpu.memory_space<semaphore_mem>>)
          %dma_wait3A = arith.constant 0 : i32
          %dma_wait3A_102 = tpu.memref_slice %arg3[%mul3A_98, %dma_wait3A] : memref<5120x128xf32, #tpu.memory_space<hbm>> -> memref<128x128xf32, #tpu.memory_space<hbm>>
          %dma_wait3A_103 = arith.constant 0 : i32
          %dma_wait3A_104 = tpu.memref_slice %arg3[%mul3A_98, %dma_wait3A_103] : memref<5120x128xf32, #tpu.memory_space<hbm>> -> memref<128x128xf32, #tpu.memory_space<hbm>>
          tpu.wait_dma2 semaphore(%run_scoped3A : memref<!tpu.dma_semaphore, #tpu.memory_space<semaphore_mem>>) src(%dma_wait3A_104 : memref<128x128xf32, #tpu.memory_space<hbm>>) dst(%arg14 : memref<128x128xf32, #tpu.memory_space<vmem>>)
          tpu.yield
        }) : () -> ()
        "tpu.region"() ({
          %run_scoped3A = tpu.sem_alloc : memref<!tpu.dma_semaphore, #tpu.memory_space<semaphore_mem>>
          %dma_start3A = arith.constant 0 : i32
          %dma_start3A_99 = arith.constant 0 : i32
          %dma_start3A_100 = tpu.memref_slice %arg12[%dma_start3A, %dma_start3A_99] : memref<10112x128xf32, #tpu.memory_space<vmem_shared>> -> memref<10112x128xf32, #tpu.memory_space<vmem_shared>>
          tpu.enqueue_indirect_dma source(%arg14 : memref<128x128xf32, #tpu.memory_space<vmem>>) target(%dma_start3A_100 : memref<10112x128xf32, #tpu.memory_space<vmem_shared>>) offsets(%arg13 : memref<128xi32, #tpu.memory_space<vmem>>) semaphore(%run_scoped3A : memref<!tpu.dma_semaphore, #tpu.memory_space<semaphore_mem>>) {add = true}
          %dma_wait3A = arith.constant 0 : i32
          %dma_wait3A_101 = arith.constant 0 : i32
          %dma_wait3A_102 = tpu.memref_slice %arg12[%dma_wait3A, %dma_wait3A_101] : memref<10112x128xf32, #tpu.memory_space<vmem_shared>> -> memref<10112x128xf32, #tpu.memory_space<vmem_shared>>
          tpu.wait_indirect_dma semaphore(%run_scoped3A : memref<!tpu.dma_semaphore, #tpu.memory_space<semaphore_mem>>) src(%arg14 : memref<128x128xf32, #tpu.memory_space<vmem>>) dst(%dma_wait3A_102 : memref<10112x128xf32, #tpu.memory_space<vmem_shared>>)
          tpu.yield
        }) : () -> ()
      }
      %while3A_37 = arith.constant 1 : i32
      scf.for %while3A_93 = %while3A_35 to %while3A_31 step %while3A_37  : i32 {
        %mul3A_94 = arith.constant 16 : i32
        %mul3A_95 = arith.muli %while3A_93, %mul3A_94 : i32
        %add3A_96 = arith.addi %arg1, %mul3A_95 : i32
        %mul3A_97 = arith.constant 128 : i32
        %mul3A_98 = arith.muli %add3A_96, %mul3A_97 : i32
        "tpu.region"() ({
          %run_scoped3A = tpu.sem_alloc : memref<!tpu.dma_semaphore, #tpu.memory_space<semaphore_mem>>
          %dma_start3A = tpu.memref_slice %arg6[%mul3A_98] : memref<5120xi32, #tpu.memory_space<hbm>> -> memref<128xi32, #tpu.memory_space<hbm>>
          %dma_start3A_99 = tpu.memref_slice %arg6[%mul3A_98] : memref<5120xi32, #tpu.memory_space<hbm>> -> memref<128xi32, #tpu.memory_space<hbm>>
          tpu.enqueue_dma source(%dma_start3A_99 : memref<128xi32, #tpu.memory_space<hbm>>) target(%arg13 : memref<128xi32, #tpu.memory_space<vmem>>) target_semaphore(%run_scoped3A : memref<!tpu.dma_semaphore, #tpu.memory_space<semaphore_mem>>)
          %dma_wait3A = tpu.memref_slice %arg6[%mul3A_98] : memref<5120xi32, #tpu.memory_space<hbm>> -> memref<128xi32, #tpu.memory_space<hbm>>
          %dma_wait3A_100 = tpu.memref_slice %arg6[%mul3A_98] : memref<5120xi32, #tpu.memory_space<hbm>> -> memref<128xi32, #tpu.memory_space<hbm>>
          tpu.wait_dma2 semaphore(%run_scoped3A : memref<!tpu.dma_semaphore, #tpu.memory_space<semaphore_mem>>) src(%dma_wait3A_100 : memref<128xi32, #tpu.memory_space<hbm>>) dst(%arg13 : memref<128xi32, #tpu.memory_space<vmem>>)
          tpu.yield
        }) : () -> ()
        "tpu.region"() ({
          %run_scoped3A = tpu.sem_alloc : memref<!tpu.dma_semaphore, #tpu.memory_space<semaphore_mem>>
          %dma_start3A = arith.constant 0 : i32
          %dma_start3A_99 = tpu.memref_slice %arg3[%mul3A_98, %dma_start3A] : memref<5120x128xf32, #tpu.memory_space<hbm>> -> memref<128x128xf32, #tpu.memory_space<hbm>>
          %dma_start3A_100 = arith.constant 0 : i32
          %dma_start3A_101 = tpu.memref_slice %arg3[%mul3A_98, %dma_start3A_100] : memref<5120x128xf32, #tpu.memory_space<hbm>> -> memref<128x128xf32, #tpu.memory_space<hbm>>
          tpu.enqueue_dma source(%dma_start3A_101 : memref<128x128xf32, #tpu.memory_space<hbm>>) target(%arg14 : memref<128x128xf32, #tpu.memory_space<vmem>>) target_semaphore(%run_scoped3A : memref<!tpu.dma_semaphore, #tpu.memory_space<semaphore_mem>>)
          %dma_wait3A = arith.constant 0 : i32
          %dma_wait3A_102 = tpu.memref_slice %arg3[%mul3A_98, %dma_wait3A] : memref<5120x128xf32, #tpu.memory_space<hbm>> -> memref<128x128xf32, #tpu.memory_space<hbm>>
          %dma_wait3A_103 = arith.constant 0 : i32
          %dma_wait3A_104 = tpu.memref_slice %arg3[%mul3A_98, %dma_wait3A_103] : memref<5120x128xf32, #tpu.memory_space<hbm>> -> memref<128x128xf32, #tpu.memory_space<hbm>>
          tpu.wait_dma2 semaphore(%run_scoped3A : memref<!tpu.dma_semaphore, #tpu.memory_space<semaphore_mem>>) src(%dma_wait3A_104 : memref<128x128xf32, #tpu.memory_space<hbm>>) dst(%arg14 : memref<128x128xf32, #tpu.memory_space<vmem>>)
          tpu.yield
        }) : () -> ()
        "tpu.region"() ({
          %run_scoped3A = tpu.sem_alloc : memref<!tpu.dma_semaphore, #tpu.memory_space<semaphore_mem>>
          %dma_start3A = arith.constant 0 : i32
          %dma_start3A_99 = arith.constant 0 : i32
          %dma_start3A_100 = tpu.memref_slice %arg12[%dma_start3A, %dma_start3A_99] : memref<10112x128xf32, #tpu.memory_space<vmem_shared>> -> memref<10112x128xf32, #tpu.memory_space<vmem_shared>>
          tpu.enqueue_indirect_dma source(%arg14 : memref<128x128xf32, #tpu.memory_space<vmem>>) target(%dma_start3A_100 : memref<10112x128xf32, #tpu.memory_space<vmem_shared>>) offsets(%arg13 : memref<128xi32, #tpu.memory_space<vmem>>) semaphore(%run_scoped3A : memref<!tpu.dma_semaphore, #tpu.memory_space<semaphore_mem>>) {add = true}
          %dma_wait3A = arith.constant 0 : i32
          %dma_wait3A_101 = arith.constant 0 : i32
          %dma_wait3A_102 = tpu.memref_slice %arg12[%dma_wait3A, %dma_wait3A_101] : memref<10112x128xf32, #tpu.memory_space<vmem_shared>> -> memref<10112x128xf32, #tpu.memory_space<vmem_shared>>
          tpu.wait_indirect_dma semaphore(%run_scoped3A : memref<!tpu.dma_semaphore, #tpu.memory_space<semaphore_mem>>) src(%arg14 : memref<128x128xf32, #tpu.memory_space<vmem>>) dst(%dma_wait3A_102 : memref<10112x128xf32, #tpu.memory_space<vmem_shared>>)
          tpu.yield
        }) : () -> ()
      }
      %barrier3A_38 = arith.constant 0 : index
      tpu.barrier barrier_id(%barrier3A_38)
      %mul3A_39 = arith.constant 632 : i32
      %mul3A_40 = arith.muli %arg1, %mul3A_39 : i32
      %mul3A_41 = arith.constant 632 : i32
      %mul3A_42 = arith.muli %arg1, %mul3A_41 : i32
      "tpu.region"() ({
        %run_scoped3A = tpu.sem_alloc : memref<!tpu.dma_semaphore, #tpu.memory_space<semaphore_mem>>
        %dma_start3A = arith.constant 0 : i32
        %dma_start3A_93 = tpu.memref_slice %arg9[%mul3A_42, %dma_start3A] : memref<10112x128xf32, #tpu.memory_space<hbm>> -> memref<632x128xf32, #tpu.memory_space<hbm>>
        %dma_start3A_94 = arith.constant 0 : i32
        %dma_start3A_95 = tpu.memref_slice %arg12[%mul3A_40, %dma_start3A_94] : memref<10112x128xf32, #tpu.memory_space<vmem_shared>> -> memref<632x128xf32, #tpu.memory_space<vmem_shared>>
        tpu.enqueue_dma source(%dma_start3A_95 : memref<632x128xf32, #tpu.memory_space<vmem_shared>>) target(%dma_start3A_93 : memref<632x128xf32, #tpu.memory_space<hbm>>) target_semaphore(%run_scoped3A : memref<!tpu.dma_semaphore, #tpu.memory_space<semaphore_mem>>)
        %dma_wait3A = arith.constant 0 : i32
        %dma_wait3A_96 = tpu.memref_slice %arg9[%mul3A_42, %dma_wait3A] : memref<10112x128xf32, #tpu.memory_space<hbm>> -> memref<632x128xf32, #tpu.memory_space<hbm>>
        %dma_wait3A_97 = arith.constant 0 : i32
        %dma_wait3A_98 = tpu.memref_slice %arg12[%mul3A_40, %dma_wait3A_97] : memref<10112x128xf32, #tpu.memory_space<vmem_shared>> -> memref<632x128xf32, #tpu.memory_space<vmem_shared>>
        tpu.wait_dma2 semaphore(%run_scoped3A : memref<!tpu.dma_semaphore, #tpu.memory_space<semaphore_mem>>) src(%dma_wait3A_98 : memref<632x128xf32, #tpu.memory_space<vmem_shared>>) dst(%dma_wait3A_96 : memref<632x128xf32, #tpu.memory_space<hbm>>)
        tpu.yield
      }) : () -> ()
      %barrier3A_43 = arith.constant 0 : index
      tpu.barrier barrier_id(%barrier3A_43)
      %mul3A_44 = arith.constant 632 : i32
      %mul3A_45 = arith.muli %arg1, %mul3A_44 : i32
      "tpu.region"() ({
        %run_scoped3A = tpu.sem_alloc : memref<!tpu.dma_semaphore, #tpu.memory_space<semaphore_mem>>
        %dma_start3A = arith.constant 0 : i32
        %dma_start3A_93 = tpu.memref_slice %arg12[%mul3A_45, %dma_start3A] : memref<10112x128xf32, #tpu.memory_space<vmem_shared>> -> memref<632x128xf32, #tpu.memory_space<vmem_shared>>
        %dma_start3A_94 = arith.constant 0 : i32
        %dma_start3A_95 = arith.constant 0 : i32
        %dma_start3A_96 = tpu.memref_slice %arg7[%dma_start3A_94, %dma_start3A_95] : memref<632x128xf32, #tpu.memory_space<hbm>> -> memref<632x128xf32, #tpu.memory_space<hbm>>
        tpu.enqueue_dma source(%dma_start3A_96 : memref<632x128xf32, #tpu.memory_space<hbm>>) target(%dma_start3A_93 : memref<632x128xf32, #tpu.memory_space<vmem_shared>>) target_semaphore(%run_scoped3A : memref<!tpu.dma_semaphore, #tpu.memory_space<semaphore_mem>>)
        %dma_wait3A = arith.constant 0 : i32
        %dma_wait3A_97 = tpu.memref_slice %arg12[%mul3A_45, %dma_wait3A] : memref<10112x128xf32, #tpu.memory_space<vmem_shared>> -> memref<632x128xf32, #tpu.memory_space<vmem_shared>>
        %dma_wait3A_98 = arith.constant 0 : i32
        %dma_wait3A_99 = arith.constant 0 : i32
        %dma_wait3A_100 = tpu.memref_slice %arg7[%dma_wait3A_98, %dma_wait3A_99] : memref<632x128xf32, #tpu.memory_space<hbm>> -> memref<632x128xf32, #tpu.memory_space<hbm>>
        tpu.wait_dma2 semaphore(%run_scoped3A : memref<!tpu.dma_semaphore, #tpu.memory_space<semaphore_mem>>) src(%dma_wait3A_100 : memref<632x128xf32, #tpu.memory_space<hbm>>) dst(%dma_wait3A_97 : memref<632x128xf32, #tpu.memory_space<vmem_shared>>)
        tpu.yield
      }) : () -> ()
      %barrier3A_46 = arith.constant 0 : index
      tpu.barrier barrier_id(%barrier3A_46)
      %sub3A_47 = arith.constant 40 : i32
      %sub3A_48 = arith.subi %sub3A_47, %arg1 : i32
      %add3A_49 = arith.constant 16 : i32
      %add3A_50 = arith.addi %sub3A_48, %add3A_49 : i32
      %sub3A_51 = arith.constant 1 : i32
      %sub3A_52 = arith.subi %add3A_50, %sub3A_51 : i32
      %jit3A_53 = arith.constant 16 : i32
      %div3A_54 = arith.divsi %sub3A_52, %jit3A_53 : i32
      %sign3A_55 = arith.constant 0 : i32
      %sign3A_56 = arith.cmpi sgt, %sub3A_52, %sign3A_55 : i32
      %sign3A_57 = arith.extui %sign3A_56 : i1 to i32
      %sign3A_58 = arith.constant 0 : i32
      %sign3A_59 = arith.cmpi slt, %sub3A_52, %sign3A_58 : i32
      %sign3A_60 = arith.extui %sign3A_59 : i1 to i32
      %sign3A_61 = arith.subi %sign3A_57, %sign3A_60 : i32
      %sign3A_62 = arith.constant 0 : i32
      %sign3A_63 = arith.cmpi sgt, %jit3A_53, %sign3A_62 : i32
      %sign3A_64 = arith.extui %sign3A_63 : i1 to i32
      %sign3A_65 = arith.constant 0 : i32
      %sign3A_66 = arith.cmpi slt, %jit3A_53, %sign3A_65 : i32
      %sign3A_67 = arith.extui %sign3A_66 : i1 to i32
      %sign3A_68 = arith.subi %sign3A_64, %sign3A_67 : i32
      %ne3A_69 = arith.cmpi ne, %sign3A_61, %sign3A_68 : i32
      %rem3A_70 = arith.remsi %sub3A_52, %jit3A_53 : i32
      %ne3A_71 = arith.constant 0 : i32
      %ne3A_72 = arith.cmpi ne, %rem3A_70, %ne3A_71 : i32
      %and3A_73 = arith.andi %ne3A_69, %ne3A_72 : i1
      %sub3A_74 = arith.constant 1 : i32
      %sub3A_75 = arith.subi %div3A_54, %sub3A_74 : i32
      %select_n3A_76 = arith.select %and3A_73, %sub3A_75, %div3A_54 : i32
      %while3A_77 = arith.constant 0 : i32
      %while3A_78 = arith.constant 0 : i32
      %while3A_79 = arith.subi %select_n3A_76, %while3A_78 : i32
      %while3A_80 = arith.addi %while3A_78, %while3A_79 : i32
      %while3A_81 = arith.constant 1 : i32
      %while3A_82 = arith.divsi %while3A_79, %while3A_81 : i32
      %while3A_83 = arith.muli %while3A_82, %while3A_81 : i32
      %while3A_84 = arith.addi %while3A_78, %while3A_83 : i32
      %while3A_85 = arith.constant 1 : i32
      scf.for %while3A_93 = %while3A_78 to %while3A_84 step %while3A_85  : i32 {
        %mul3A_94 = arith.constant 16 : i32
        %mul3A_95 = arith.muli %while3A_93, %mul3A_94 : i32
        %add3A_96 = arith.addi %arg1, %mul3A_95 : i32
        %mul3A_97 = arith.constant 128 : i32
        %mul3A_98 = arith.muli %add3A_96, %mul3A_97 : i32
        "tpu.region"() ({
          %run_scoped3A = tpu.sem_alloc : memref<!tpu.dma_semaphore, #tpu.memory_space<semaphore_mem>>
          %dma_start3A = tpu.memref_slice %arg6[%mul3A_98] : memref<5120xi32, #tpu.memory_space<hbm>> -> memref<128xi32, #tpu.memory_space<hbm>>
          %dma_start3A_99 = tpu.memref_slice %arg6[%mul3A_98] : memref<5120xi32, #tpu.memory_space<hbm>> -> memref<128xi32, #tpu.memory_space<hbm>>
          tpu.enqueue_dma source(%dma_start3A_99 : memref<128xi32, #tpu.memory_space<hbm>>) target(%arg13 : memref<128xi32, #tpu.memory_space<vmem>>) target_semaphore(%run_scoped3A : memref<!tpu.dma_semaphore, #tpu.memory_space<semaphore_mem>>)
          %dma_wait3A = tpu.memref_slice %arg6[%mul3A_98] : memref<5120xi32, #tpu.memory_space<hbm>> -> memref<128xi32, #tpu.memory_space<hbm>>
          %dma_wait3A_100 = tpu.memref_slice %arg6[%mul3A_98] : memref<5120xi32, #tpu.memory_space<hbm>> -> memref<128xi32, #tpu.memory_space<hbm>>
          tpu.wait_dma2 semaphore(%run_scoped3A : memref<!tpu.dma_semaphore, #tpu.memory_space<semaphore_mem>>) src(%dma_wait3A_100 : memref<128xi32, #tpu.memory_space<hbm>>) dst(%arg13 : memref<128xi32, #tpu.memory_space<vmem>>)
          tpu.yield
        }) : () -> ()
        "tpu.region"() ({
          %run_scoped3A = tpu.sem_alloc : memref<!tpu.dma_semaphore, #tpu.memory_space<semaphore_mem>>
          %dma_start3A = arith.constant 0 : i32
          %dma_start3A_99 = tpu.memref_slice %arg5[%mul3A_98, %dma_start3A] : memref<5120x128xf32, #tpu.memory_space<hbm>> -> memref<128x128xf32, #tpu.memory_space<hbm>>
          %dma_start3A_100 = arith.constant 0 : i32
          %dma_start3A_101 = tpu.memref_slice %arg5[%mul3A_98, %dma_start3A_100] : memref<5120x128xf32, #tpu.memory_space<hbm>> -> memref<128x128xf32, #tpu.memory_space<hbm>>
          tpu.enqueue_dma source(%dma_start3A_101 : memref<128x128xf32, #tpu.memory_space<hbm>>) target(%arg14 : memref<128x128xf32, #tpu.memory_space<vmem>>) target_semaphore(%run_scoped3A : memref<!tpu.dma_semaphore, #tpu.memory_space<semaphore_mem>>)
          %dma_wait3A = arith.constant 0 : i32
          %dma_wait3A_102 = tpu.memref_slice %arg5[%mul3A_98, %dma_wait3A] : memref<5120x128xf32, #tpu.memory_space<hbm>> -> memref<128x128xf32, #tpu.memory_space<hbm>>
          %dma_wait3A_103 = arith.constant 0 : i32
          %dma_wait3A_104 = tpu.memref_slice %arg5[%mul3A_98, %dma_wait3A_103] : memref<5120x128xf32, #tpu.memory_space<hbm>> -> memref<128x128xf32, #tpu.memory_space<hbm>>
          tpu.wait_dma2 semaphore(%run_scoped3A : memref<!tpu.dma_semaphore, #tpu.memory_space<semaphore_mem>>) src(%dma_wait3A_104 : memref<128x128xf32, #tpu.memory_space<hbm>>) dst(%arg14 : memref<128x128xf32, #tpu.memory_space<vmem>>)
          tpu.yield
        }) : () -> ()
        "tpu.region"() ({
          %run_scoped3A = tpu.sem_alloc : memref<!tpu.dma_semaphore, #tpu.memory_space<semaphore_mem>>
          %dma_start3A = arith.constant 0 : i32
          %dma_start3A_99 = arith.constant 0 : i32
          %dma_start3A_100 = tpu.memref_slice %arg12[%dma_start3A, %dma_start3A_99] : memref<10112x128xf32, #tpu.memory_space<vmem_shared>> -> memref<10112x128xf32, #tpu.memory_space<vmem_shared>>
          tpu.enqueue_indirect_dma source(%arg14 : memref<128x128xf32, #tpu.memory_space<vmem>>) target(%dma_start3A_100 : memref<10112x128xf32, #tpu.memory_space<vmem_shared>>) offsets(%arg13 : memref<128xi32, #tpu.memory_space<vmem>>) semaphore(%run_scoped3A : memref<!tpu.dma_semaphore, #tpu.memory_space<semaphore_mem>>) {add = true}
          %dma_wait3A = arith.constant 0 : i32
          %dma_wait3A_101 = arith.constant 0 : i32
          %dma_wait3A_102 = tpu.memref_slice %arg12[%dma_wait3A, %dma_wait3A_101] : memref<10112x128xf32, #tpu.memory_space<vmem_shared>> -> memref<10112x128xf32, #tpu.memory_space<vmem_shared>>
          tpu.wait_indirect_dma semaphore(%run_scoped3A : memref<!tpu.dma_semaphore, #tpu.memory_space<semaphore_mem>>) src(%arg14 : memref<128x128xf32, #tpu.memory_space<vmem>>) dst(%dma_wait3A_102 : memref<10112x128xf32, #tpu.memory_space<vmem_shared>>)
          tpu.yield
        }) : () -> ()
      }
      %while3A_86 = arith.constant 1 : i32
      scf.for %while3A_93 = %while3A_84 to %while3A_80 step %while3A_86  : i32 {
        %mul3A_94 = arith.constant 16 : i32
        %mul3A_95 = arith.muli %while3A_93, %mul3A_94 : i32
        %add3A_96 = arith.addi %arg1, %mul3A_95 : i32
        %mul3A_97 = arith.constant 128 : i32
        %mul3A_98 = arith.muli %add3A_96, %mul3A_97 : i32
        "tpu.region"() ({
          %run_scoped3A = tpu.sem_alloc : memref<!tpu.dma_semaphore, #tpu.memory_space<semaphore_mem>>
          %dma_start3A = tpu.memref_slice %arg6[%mul3A_98] : memref<5120xi32, #tpu.memory_space<hbm>> -> memref<128xi32, #tpu.memory_space<hbm>>
          %dma_start3A_99 = tpu.memref_slice %arg6[%mul3A_98] : memref<5120xi32, #tpu.memory_space<hbm>> -> memref<128xi32, #tpu.memory_space<hbm>>
          tpu.enqueue_dma source(%dma_start3A_99 : memref<128xi32, #tpu.memory_space<hbm>>) target(%arg13 : memref<128xi32, #tpu.memory_space<vmem>>) target_semaphore(%run_scoped3A : memref<!tpu.dma_semaphore, #tpu.memory_space<semaphore_mem>>)
          %dma_wait3A = tpu.memref_slice %arg6[%mul3A_98] : memref<5120xi32, #tpu.memory_space<hbm>> -> memref<128xi32, #tpu.memory_space<hbm>>
          %dma_wait3A_100 = tpu.memref_slice %arg6[%mul3A_98] : memref<5120xi32, #tpu.memory_space<hbm>> -> memref<128xi32, #tpu.memory_space<hbm>>
          tpu.wait_dma2 semaphore(%run_scoped3A : memref<!tpu.dma_semaphore, #tpu.memory_space<semaphore_mem>>) src(%dma_wait3A_100 : memref<128xi32, #tpu.memory_space<hbm>>) dst(%arg13 : memref<128xi32, #tpu.memory_space<vmem>>)
          tpu.yield
        }) : () -> ()
        "tpu.region"() ({
          %run_scoped3A = tpu.sem_alloc : memref<!tpu.dma_semaphore, #tpu.memory_space<semaphore_mem>>
          %dma_start3A = arith.constant 0 : i32
          %dma_start3A_99 = tpu.memref_slice %arg5[%mul3A_98, %dma_start3A] : memref<5120x128xf32, #tpu.memory_space<hbm>> -> memref<128x128xf32, #tpu.memory_space<hbm>>
          %dma_start3A_100 = arith.constant 0 : i32
          %dma_start3A_101 = tpu.memref_slice %arg5[%mul3A_98, %dma_start3A_100] : memref<5120x128xf32, #tpu.memory_space<hbm>> -> memref<128x128xf32, #tpu.memory_space<hbm>>
          tpu.enqueue_dma source(%dma_start3A_101 : memref<128x128xf32, #tpu.memory_space<hbm>>) target(%arg14 : memref<128x128xf32, #tpu.memory_space<vmem>>) target_semaphore(%run_scoped3A : memref<!tpu.dma_semaphore, #tpu.memory_space<semaphore_mem>>)
          %dma_wait3A = arith.constant 0 : i32
          %dma_wait3A_102 = tpu.memref_slice %arg5[%mul3A_98, %dma_wait3A] : memref<5120x128xf32, #tpu.memory_space<hbm>> -> memref<128x128xf32, #tpu.memory_space<hbm>>
          %dma_wait3A_103 = arith.constant 0 : i32
          %dma_wait3A_104 = tpu.memref_slice %arg5[%mul3A_98, %dma_wait3A_103] : memref<5120x128xf32, #tpu.memory_space<hbm>> -> memref<128x128xf32, #tpu.memory_space<hbm>>
          tpu.wait_dma2 semaphore(%run_scoped3A : memref<!tpu.dma_semaphore, #tpu.memory_space<semaphore_mem>>) src(%dma_wait3A_104 : memref<128x128xf32, #tpu.memory_space<hbm>>) dst(%arg14 : memref<128x128xf32, #tpu.memory_space<vmem>>)
          tpu.yield
        }) : () -> ()
        "tpu.region"() ({
          %run_scoped3A = tpu.sem_alloc : memref<!tpu.dma_semaphore, #tpu.memory_space<semaphore_mem>>
          %dma_start3A = arith.constant 0 : i32
          %dma_start3A_99 = arith.constant 0 : i32
          %dma_start3A_100 = tpu.memref_slice %arg12[%dma_start3A, %dma_start3A_99] : memref<10112x128xf32, #tpu.memory_space<vmem_shared>> -> memref<10112x128xf32, #tpu.memory_space<vmem_shared>>
          tpu.enqueue_indirect_dma source(%arg14 : memref<128x128xf32, #tpu.memory_space<vmem>>) target(%dma_start3A_100 : memref<10112x128xf32, #tpu.memory_space<vmem_shared>>) offsets(%arg13 : memref<128xi32, #tpu.memory_space<vmem>>) semaphore(%run_scoped3A : memref<!tpu.dma_semaphore, #tpu.memory_space<semaphore_mem>>) {add = true}
          %dma_wait3A = arith.constant 0 : i32
          %dma_wait3A_101 = arith.constant 0 : i32
          %dma_wait3A_102 = tpu.memref_slice %arg12[%dma_wait3A, %dma_wait3A_101] : memref<10112x128xf32, #tpu.memory_space<vmem_shared>> -> memref<10112x128xf32, #tpu.memory_space<vmem_shared>>
          tpu.wait_indirect_dma semaphore(%run_scoped3A : memref<!tpu.dma_semaphore, #tpu.memory_space<semaphore_mem>>) src(%arg14 : memref<128x128xf32, #tpu.memory_space<vmem>>) dst(%dma_wait3A_102 : memref<10112x128xf32, #tpu.memory_space<vmem_shared>>)
          tpu.yield
        }) : () -> ()
      }
      %barrier3A_87 = arith.constant 0 : index
      tpu.barrier barrier_id(%barrier3A_87)
      %mul3A_88 = arith.constant 632 : i32
      %mul3A_89 = arith.muli %arg1, %mul3A_88 : i32
      %mul3A_90 = arith.constant 632 : i32
      %mul3A_91 = arith.muli %arg1, %mul3A_90 : i32
      "tpu.region"() ({
        %run_scoped3A = tpu.sem_alloc : memref<!tpu.dma_semaphore, #tpu.memory_space<semaphore_mem>>
        %dma_start3A = arith.constant 0 : i32
        %dma_start3A_93 = tpu.memref_slice %arg11[%mul3A_91, %dma_start3A] : memref<10112x128xf32, #tpu.memory_space<hbm>> -> memref<632x128xf32, #tpu.memory_space<hbm>>
        %dma_start3A_94 = arith.constant 0 : i32
        %dma_start3A_95 = tpu.memref_slice %arg12[%mul3A_89, %dma_start3A_94] : memref<10112x128xf32, #tpu.memory_space<vmem_shared>> -> memref<632x128xf32, #tpu.memory_space<vmem_shared>>
        tpu.enqueue_dma source(%dma_start3A_95 : memref<632x128xf32, #tpu.memory_space<vmem_shared>>) target(%dma_start3A_93 : memref<632x128xf32, #tpu.memory_space<hbm>>) target_semaphore(%run_scoped3A : memref<!tpu.dma_semaphore, #tpu.memory_space<semaphore_mem>>)
        %dma_wait3A = arith.constant 0 : i32
        %dma_wait3A_96 = tpu.memref_slice %arg11[%mul3A_91, %dma_wait3A] : memref<10112x128xf32, #tpu.memory_space<hbm>> -> memref<632x128xf32, #tpu.memory_space<hbm>>
        %dma_wait3A_97 = arith.constant 0 : i32
        %dma_wait3A_98 = tpu.memref_slice %arg12[%mul3A_89, %dma_wait3A_97] : memref<10112x128xf32, #tpu.memory_space<vmem_shared>> -> memref<632x128xf32, #tpu.memory_space<vmem_shared>>
        tpu.wait_dma2 semaphore(%run_scoped3A : memref<!tpu.dma_semaphore, #tpu.memory_space<semaphore_mem>>) src(%dma_wait3A_98 : memref<632x128xf32, #tpu.memory_space<vmem_shared>>) dst(%dma_wait3A_96 : memref<632x128xf32, #tpu.memory_space<hbm>>)
        tpu.yield
      }) : () -> ()
      %barrier3A_92 = arith.constant 0 : index
      tpu.barrier barrier_id(%barrier3A_92)
    } else {
    }
    return
  }
}

#map = affine_map<(d0, d1) -> (0, 0)>
#map1 = affine_map<(d0, d1) -> (0)>
module attributes {stable_mosaic.version = 14 : i64} {
  func.func @body(%arg0: i32, %arg1: i32, %arg2: memref<10112x128xf32, #tpu.memory_space<hbm>>, %arg3: memref<10112x128xf32, #tpu.memory_space<hbm>>, %arg4: memref<161792xi32, #tpu.memory_space<hbm>>, %arg5: memref<161792xi32, #tpu.memory_space<hbm>>, %arg6: memref<632x128xf32, #tpu.memory_space<hbm>>, %arg7: memref<10112x128xf32, #tpu.memory_space<hbm>>, %arg8: memref<10112x128xf32, #tpu.memory_space<hbm>>, %arg9: memref<10112x128xf32, #tpu.memory_space<vmem_shared>>, %arg10: memref<128xi32, #tpu.memory_space<vmem>>, %arg11: memref<128xi32, #tpu.memory_space<vmem>>, %arg12: memref<128x128xf32, #tpu.memory_space<vmem>>, %arg13: memref<!tpu.dma_semaphore, #tpu.memory_space<semaphore_mem>>) attributes {dimension_semantics = [#tpu.dimension_semantics<core_parallel>, #tpu.dimension_semantics<subcore_parallel>], iteration_bounds = array<i64: 2, 16>, scalar_prefetch = 0 : i64, scratch_operands = 5 : i64, tpu.core_type = #tpu.core_type<sc_vector_subcore>, window_params = [{transform_indices = #map}, {transform_indices = #map}, {transform_indices = #map1}, {transform_indices = #map1}, {transform_indices = #map}, {transform_indices = #map}, {transform_indices = #map}]} {
    %mul3A = arith.constant 632 : i32
    %mul3A_0 = arith.muli %arg1, %mul3A : i32
    "tpu.region"() ({
      %run_scoped3A = tpu.sem_alloc : memref<!tpu.dma_semaphore, #tpu.memory_space<semaphore_mem>>
      %dma_start3A = arith.constant 0 : i32
      %dma_start3A_19 = tpu.memref_slice %arg9[%mul3A_0, %dma_start3A] : memref<10112x128xf32, #tpu.memory_space<vmem_shared>> -> memref<632x128xf32, #tpu.memory_space<vmem_shared>>
      %dma_start3A_20 = arith.constant 0 : i32
      %dma_start3A_21 = arith.constant 0 : i32
      %dma_start3A_22 = tpu.memref_slice %arg6[%dma_start3A_20, %dma_start3A_21] : memref<632x128xf32, #tpu.memory_space<hbm>> -> memref<632x128xf32, #tpu.memory_space<hbm>>
      tpu.enqueue_dma source(%dma_start3A_22 : memref<632x128xf32, #tpu.memory_space<hbm>>) target(%dma_start3A_19 : memref<632x128xf32, #tpu.memory_space<vmem_shared>>) target_semaphore(%run_scoped3A : memref<!tpu.dma_semaphore, #tpu.memory_space<semaphore_mem>>)
      %dma_wait3A = arith.constant 0 : i32
      %dma_wait3A_23 = tpu.memref_slice %arg9[%mul3A_0, %dma_wait3A] : memref<10112x128xf32, #tpu.memory_space<vmem_shared>> -> memref<632x128xf32, #tpu.memory_space<vmem_shared>>
      %dma_wait3A_24 = arith.constant 0 : i32
      %dma_wait3A_25 = arith.constant 0 : i32
      %dma_wait3A_26 = tpu.memref_slice %arg6[%dma_wait3A_24, %dma_wait3A_25] : memref<632x128xf32, #tpu.memory_space<hbm>> -> memref<632x128xf32, #tpu.memory_space<hbm>>
      tpu.wait_dma2 semaphore(%run_scoped3A : memref<!tpu.dma_semaphore, #tpu.memory_space<semaphore_mem>>) src(%dma_wait3A_26 : memref<632x128xf32, #tpu.memory_space<hbm>>) dst(%dma_wait3A_23 : memref<632x128xf32, #tpu.memory_space<vmem_shared>>)
      tpu.yield
    }) : () -> ()
    %barrier3A = arith.constant 0 : index
    tpu.barrier barrier_id(%barrier3A)
    %eq3A = arith.constant 0 : i32
    %eq3A_1 = arith.cmpi eq, %arg0, %eq3A : i32
    %convert_element_type3A = arith.extui %eq3A_1 : i1 to i32
    %cond3A = arith.constant 0 : i32
    %cond3A_2 = arith.cmpi ne, %convert_element_type3A, %cond3A : i32
    scf.if %cond3A_2 {
      %scan3A = arith.constant 0 : i32
      %scan3A_19 = arith.constant 0 : i32
      %scan3A_20 = arith.constant 79 : i32
      %scan3A_21 = arith.addi %scan3A_19, %scan3A_20 : i32
      %scan3A_22 = arith.constant 1 : i32
      scf.for %scan3A_24 = %scan3A_19 to %scan3A_21 step %scan3A_22  : i32 {
        %mul3A_25 = arith.constant 79 : i32
        %mul3A_26 = arith.muli %arg1, %mul3A_25 : i32
        %add3A = arith.addi %mul3A_26, %scan3A_24 : i32
        %mul3A_27 = arith.constant 128 : i32
        %mul3A_28 = arith.muli %add3A, %mul3A_27 : i32
        "tpu.region"() ({
          %run_scoped3A = tpu.sem_alloc : memref<!tpu.dma_semaphore, #tpu.memory_space<semaphore_mem>>
          %dma_start3A_33 = tpu.memref_slice %arg4[%mul3A_28] : memref<161792xi32, #tpu.memory_space<hbm>> -> memref<128xi32, #tpu.memory_space<hbm>>
          %dma_start3A_34 = tpu.memref_slice %arg4[%mul3A_28] : memref<161792xi32, #tpu.memory_space<hbm>> -> memref<128xi32, #tpu.memory_space<hbm>>
          tpu.enqueue_dma source(%dma_start3A_34 : memref<128xi32, #tpu.memory_space<hbm>>) target(%arg10 : memref<128xi32, #tpu.memory_space<vmem>>) target_semaphore(%run_scoped3A : memref<!tpu.dma_semaphore, #tpu.memory_space<semaphore_mem>>)
          %dma_wait3A_35 = tpu.memref_slice %arg4[%mul3A_28] : memref<161792xi32, #tpu.memory_space<hbm>> -> memref<128xi32, #tpu.memory_space<hbm>>
          %dma_wait3A_36 = tpu.memref_slice %arg4[%mul3A_28] : memref<161792xi32, #tpu.memory_space<hbm>> -> memref<128xi32, #tpu.memory_space<hbm>>
          tpu.wait_dma2 semaphore(%run_scoped3A : memref<!tpu.dma_semaphore, #tpu.memory_space<semaphore_mem>>) src(%dma_wait3A_36 : memref<128xi32, #tpu.memory_space<hbm>>) dst(%arg10 : memref<128xi32, #tpu.memory_space<vmem>>)
          tpu.yield
        }) : () -> ()
        "tpu.region"() ({
          %run_scoped3A = tpu.sem_alloc : memref<!tpu.dma_semaphore, #tpu.memory_space<semaphore_mem>>
          %dma_start3A_33 = tpu.memref_slice %arg5[%mul3A_28] : memref<161792xi32, #tpu.memory_space<hbm>> -> memref<128xi32, #tpu.memory_space<hbm>>
          %dma_start3A_34 = tpu.memref_slice %arg5[%mul3A_28] : memref<161792xi32, #tpu.memory_space<hbm>> -> memref<128xi32, #tpu.memory_space<hbm>>
          tpu.enqueue_dma source(%dma_start3A_34 : memref<128xi32, #tpu.memory_space<hbm>>) target(%arg11 : memref<128xi32, #tpu.memory_space<vmem>>) target_semaphore(%run_scoped3A : memref<!tpu.dma_semaphore, #tpu.memory_space<semaphore_mem>>)
          %dma_wait3A_35 = tpu.memref_slice %arg5[%mul3A_28] : memref<161792xi32, #tpu.memory_space<hbm>> -> memref<128xi32, #tpu.memory_space<hbm>>
          %dma_wait3A_36 = tpu.memref_slice %arg5[%mul3A_28] : memref<161792xi32, #tpu.memory_space<hbm>> -> memref<128xi32, #tpu.memory_space<hbm>>
          tpu.wait_dma2 semaphore(%run_scoped3A : memref<!tpu.dma_semaphore, #tpu.memory_space<semaphore_mem>>) src(%dma_wait3A_36 : memref<128xi32, #tpu.memory_space<hbm>>) dst(%arg11 : memref<128xi32, #tpu.memory_space<vmem>>)
          tpu.yield
        }) : () -> ()
        %dma_start3A = arith.constant 0 : i32
        %dma_start3A_29 = arith.constant 0 : i32
        %dma_start3A_30 = tpu.memref_slice %arg2[%dma_start3A, %dma_start3A_29] : memref<10112x128xf32, #tpu.memory_space<hbm>> -> memref<10112x128xf32, #tpu.memory_space<hbm>>
        tpu.enqueue_indirect_dma source(%dma_start3A_30 : memref<10112x128xf32, #tpu.memory_space<hbm>>) target(%arg12 : memref<128x128xf32, #tpu.memory_space<vmem>>) offsets(%arg10 : memref<128xi32, #tpu.memory_space<vmem>>) semaphore(%arg13 : memref<!tpu.dma_semaphore, #tpu.memory_space<semaphore_mem>>)
        %dma_wait3A = arith.constant 0 : i32
        %dma_wait3A_31 = arith.constant 0 : i32
        %dma_wait3A_32 = tpu.memref_slice %arg2[%dma_wait3A, %dma_wait3A_31] : memref<10112x128xf32, #tpu.memory_space<hbm>> -> memref<10112x128xf32, #tpu.memory_space<hbm>>
        tpu.wait_indirect_dma semaphore(%arg13 : memref<!tpu.dma_semaphore, #tpu.memory_space<semaphore_mem>>) src(%dma_wait3A_32 : memref<10112x128xf32, #tpu.memory_space<hbm>>) dst(%arg12 : memref<128x128xf32, #tpu.memory_space<vmem>>)
        "tpu.region"() ({
          %run_scoped3A = tpu.sem_alloc : memref<!tpu.dma_semaphore, #tpu.memory_space<semaphore_mem>>
          %dma_start3A_33 = arith.constant 0 : i32
          %dma_start3A_34 = arith.constant 0 : i32
          %dma_start3A_35 = tpu.memref_slice %arg9[%dma_start3A_33, %dma_start3A_34] : memref<10112x128xf32, #tpu.memory_space<vmem_shared>> -> memref<10112x128xf32, #tpu.memory_space<vmem_shared>>
          tpu.enqueue_indirect_dma source(%arg12 : memref<128x128xf32, #tpu.memory_space<vmem>>) target(%dma_start3A_35 : memref<10112x128xf32, #tpu.memory_space<vmem_shared>>) offsets(%arg11 : memref<128xi32, #tpu.memory_space<vmem>>) semaphore(%run_scoped3A : memref<!tpu.dma_semaphore, #tpu.memory_space<semaphore_mem>>) {add = true}
          %dma_wait3A_36 = arith.constant 0 : i32
          %dma_wait3A_37 = arith.constant 0 : i32
          %dma_wait3A_38 = tpu.memref_slice %arg9[%dma_wait3A_36, %dma_wait3A_37] : memref<10112x128xf32, #tpu.memory_space<vmem_shared>> -> memref<10112x128xf32, #tpu.memory_space<vmem_shared>>
          tpu.wait_indirect_dma semaphore(%run_scoped3A : memref<!tpu.dma_semaphore, #tpu.memory_space<semaphore_mem>>) src(%arg12 : memref<128x128xf32, #tpu.memory_space<vmem>>) dst(%dma_wait3A_38 : memref<10112x128xf32, #tpu.memory_space<vmem_shared>>)
          tpu.yield
        }) : () -> ()
      }
      %scan3A_23 = arith.constant 79 : i32
    } else {
    }
    %eq3A_3 = arith.constant 1 : i32
    %eq3A_4 = arith.cmpi eq, %arg0, %eq3A_3 : i32
    %convert_element_type3A_5 = arith.extui %eq3A_4 : i1 to i32
    %cond3A_6 = arith.constant 0 : i32
    %cond3A_7 = arith.cmpi ne, %convert_element_type3A_5, %cond3A_6 : i32
    scf.if %cond3A_7 {
      %scan3A = arith.constant 0 : i32
      %scan3A_19 = arith.constant 0 : i32
      %scan3A_20 = arith.constant 79 : i32
      %scan3A_21 = arith.addi %scan3A_19, %scan3A_20 : i32
      %scan3A_22 = arith.constant 1 : i32
      scf.for %scan3A_24 = %scan3A_19 to %scan3A_21 step %scan3A_22  : i32 {
        %mul3A_25 = arith.constant 79 : i32
        %mul3A_26 = arith.muli %arg1, %mul3A_25 : i32
        %add3A = arith.addi %mul3A_26, %scan3A_24 : i32
        %mul3A_27 = arith.constant 128 : i32
        %mul3A_28 = arith.muli %add3A, %mul3A_27 : i32
        "tpu.region"() ({
          %run_scoped3A = tpu.sem_alloc : memref<!tpu.dma_semaphore, #tpu.memory_space<semaphore_mem>>
          %dma_start3A_33 = tpu.memref_slice %arg4[%mul3A_28] : memref<161792xi32, #tpu.memory_space<hbm>> -> memref<128xi32, #tpu.memory_space<hbm>>
          %dma_start3A_34 = tpu.memref_slice %arg4[%mul3A_28] : memref<161792xi32, #tpu.memory_space<hbm>> -> memref<128xi32, #tpu.memory_space<hbm>>
          tpu.enqueue_dma source(%dma_start3A_34 : memref<128xi32, #tpu.memory_space<hbm>>) target(%arg10 : memref<128xi32, #tpu.memory_space<vmem>>) target_semaphore(%run_scoped3A : memref<!tpu.dma_semaphore, #tpu.memory_space<semaphore_mem>>)
          %dma_wait3A_35 = tpu.memref_slice %arg4[%mul3A_28] : memref<161792xi32, #tpu.memory_space<hbm>> -> memref<128xi32, #tpu.memory_space<hbm>>
          %dma_wait3A_36 = tpu.memref_slice %arg4[%mul3A_28] : memref<161792xi32, #tpu.memory_space<hbm>> -> memref<128xi32, #tpu.memory_space<hbm>>
          tpu.wait_dma2 semaphore(%run_scoped3A : memref<!tpu.dma_semaphore, #tpu.memory_space<semaphore_mem>>) src(%dma_wait3A_36 : memref<128xi32, #tpu.memory_space<hbm>>) dst(%arg10 : memref<128xi32, #tpu.memory_space<vmem>>)
          tpu.yield
        }) : () -> ()
        "tpu.region"() ({
          %run_scoped3A = tpu.sem_alloc : memref<!tpu.dma_semaphore, #tpu.memory_space<semaphore_mem>>
          %dma_start3A_33 = tpu.memref_slice %arg5[%mul3A_28] : memref<161792xi32, #tpu.memory_space<hbm>> -> memref<128xi32, #tpu.memory_space<hbm>>
          %dma_start3A_34 = tpu.memref_slice %arg5[%mul3A_28] : memref<161792xi32, #tpu.memory_space<hbm>> -> memref<128xi32, #tpu.memory_space<hbm>>
          tpu.enqueue_dma source(%dma_start3A_34 : memref<128xi32, #tpu.memory_space<hbm>>) target(%arg11 : memref<128xi32, #tpu.memory_space<vmem>>) target_semaphore(%run_scoped3A : memref<!tpu.dma_semaphore, #tpu.memory_space<semaphore_mem>>)
          %dma_wait3A_35 = tpu.memref_slice %arg5[%mul3A_28] : memref<161792xi32, #tpu.memory_space<hbm>> -> memref<128xi32, #tpu.memory_space<hbm>>
          %dma_wait3A_36 = tpu.memref_slice %arg5[%mul3A_28] : memref<161792xi32, #tpu.memory_space<hbm>> -> memref<128xi32, #tpu.memory_space<hbm>>
          tpu.wait_dma2 semaphore(%run_scoped3A : memref<!tpu.dma_semaphore, #tpu.memory_space<semaphore_mem>>) src(%dma_wait3A_36 : memref<128xi32, #tpu.memory_space<hbm>>) dst(%arg11 : memref<128xi32, #tpu.memory_space<vmem>>)
          tpu.yield
        }) : () -> ()
        %dma_start3A = arith.constant 0 : i32
        %dma_start3A_29 = arith.constant 0 : i32
        %dma_start3A_30 = tpu.memref_slice %arg3[%dma_start3A, %dma_start3A_29] : memref<10112x128xf32, #tpu.memory_space<hbm>> -> memref<10112x128xf32, #tpu.memory_space<hbm>>
        tpu.enqueue_indirect_dma source(%dma_start3A_30 : memref<10112x128xf32, #tpu.memory_space<hbm>>) target(%arg12 : memref<128x128xf32, #tpu.memory_space<vmem>>) offsets(%arg10 : memref<128xi32, #tpu.memory_space<vmem>>) semaphore(%arg13 : memref<!tpu.dma_semaphore, #tpu.memory_space<semaphore_mem>>)
        %dma_wait3A = arith.constant 0 : i32
        %dma_wait3A_31 = arith.constant 0 : i32
        %dma_wait3A_32 = tpu.memref_slice %arg3[%dma_wait3A, %dma_wait3A_31] : memref<10112x128xf32, #tpu.memory_space<hbm>> -> memref<10112x128xf32, #tpu.memory_space<hbm>>
        tpu.wait_indirect_dma semaphore(%arg13 : memref<!tpu.dma_semaphore, #tpu.memory_space<semaphore_mem>>) src(%dma_wait3A_32 : memref<10112x128xf32, #tpu.memory_space<hbm>>) dst(%arg12 : memref<128x128xf32, #tpu.memory_space<vmem>>)
        "tpu.region"() ({
          %run_scoped3A = tpu.sem_alloc : memref<!tpu.dma_semaphore, #tpu.memory_space<semaphore_mem>>
          %dma_start3A_33 = arith.constant 0 : i32
          %dma_start3A_34 = arith.constant 0 : i32
          %dma_start3A_35 = tpu.memref_slice %arg9[%dma_start3A_33, %dma_start3A_34] : memref<10112x128xf32, #tpu.memory_space<vmem_shared>> -> memref<10112x128xf32, #tpu.memory_space<vmem_shared>>
          tpu.enqueue_indirect_dma source(%arg12 : memref<128x128xf32, #tpu.memory_space<vmem>>) target(%dma_start3A_35 : memref<10112x128xf32, #tpu.memory_space<vmem_shared>>) offsets(%arg11 : memref<128xi32, #tpu.memory_space<vmem>>) semaphore(%run_scoped3A : memref<!tpu.dma_semaphore, #tpu.memory_space<semaphore_mem>>) {add = true}
          %dma_wait3A_36 = arith.constant 0 : i32
          %dma_wait3A_37 = arith.constant 0 : i32
          %dma_wait3A_38 = tpu.memref_slice %arg9[%dma_wait3A_36, %dma_wait3A_37] : memref<10112x128xf32, #tpu.memory_space<vmem_shared>> -> memref<10112x128xf32, #tpu.memory_space<vmem_shared>>
          tpu.wait_indirect_dma semaphore(%run_scoped3A : memref<!tpu.dma_semaphore, #tpu.memory_space<semaphore_mem>>) src(%arg12 : memref<128x128xf32, #tpu.memory_space<vmem>>) dst(%dma_wait3A_38 : memref<10112x128xf32, #tpu.memory_space<vmem_shared>>)
          tpu.yield
        }) : () -> ()
      }
      %scan3A_23 = arith.constant 79 : i32
    } else {
    }
    %barrier3A_8 = arith.constant 0 : index
    tpu.barrier barrier_id(%barrier3A_8)
    %eq3A_9 = arith.constant 0 : i32
    %eq3A_10 = arith.cmpi eq, %arg0, %eq3A_9 : i32
    %convert_element_type3A_11 = arith.extui %eq3A_10 : i1 to i32
    %cond3A_12 = arith.constant 0 : i32
    %cond3A_13 = arith.cmpi ne, %convert_element_type3A_11, %cond3A_12 : i32
    scf.if %cond3A_13 {
      %mul3A_19 = arith.constant 632 : i32
      %mul3A_20 = arith.muli %arg1, %mul3A_19 : i32
      %mul3A_21 = arith.constant 632 : i32
      %mul3A_22 = arith.muli %arg1, %mul3A_21 : i32
      "tpu.region"() ({
        %run_scoped3A = tpu.sem_alloc : memref<!tpu.dma_semaphore, #tpu.memory_space<semaphore_mem>>
        %dma_start3A = arith.constant 0 : i32
        %dma_start3A_23 = tpu.memref_slice %arg7[%mul3A_22, %dma_start3A] : memref<10112x128xf32, #tpu.memory_space<hbm>> -> memref<632x128xf32, #tpu.memory_space<hbm>>
        %dma_start3A_24 = arith.constant 0 : i32
        %dma_start3A_25 = tpu.memref_slice %arg9[%mul3A_20, %dma_start3A_24] : memref<10112x128xf32, #tpu.memory_space<vmem_shared>> -> memref<632x128xf32, #tpu.memory_space<vmem_shared>>
        tpu.enqueue_dma source(%dma_start3A_25 : memref<632x128xf32, #tpu.memory_space<vmem_shared>>) target(%dma_start3A_23 : memref<632x128xf32, #tpu.memory_space<hbm>>) target_semaphore(%run_scoped3A : memref<!tpu.dma_semaphore, #tpu.memory_space<semaphore_mem>>)
        %dma_wait3A = arith.constant 0 : i32
        %dma_wait3A_26 = tpu.memref_slice %arg7[%mul3A_22, %dma_wait3A] : memref<10112x128xf32, #tpu.memory_space<hbm>> -> memref<632x128xf32, #tpu.memory_space<hbm>>
        %dma_wait3A_27 = arith.constant 0 : i32
        %dma_wait3A_28 = tpu.memref_slice %arg9[%mul3A_20, %dma_wait3A_27] : memref<10112x128xf32, #tpu.memory_space<vmem_shared>> -> memref<632x128xf32, #tpu.memory_space<vmem_shared>>
        tpu.wait_dma2 semaphore(%run_scoped3A : memref<!tpu.dma_semaphore, #tpu.memory_space<semaphore_mem>>) src(%dma_wait3A_28 : memref<632x128xf32, #tpu.memory_space<vmem_shared>>) dst(%dma_wait3A_26 : memref<632x128xf32, #tpu.memory_space<hbm>>)
        tpu.yield
      }) : () -> ()
    } else {
    }
    %eq3A_14 = arith.constant 1 : i32
    %eq3A_15 = arith.cmpi eq, %arg0, %eq3A_14 : i32
    %convert_element_type3A_16 = arith.extui %eq3A_15 : i1 to i32
    %cond3A_17 = arith.constant 0 : i32
    %cond3A_18 = arith.cmpi ne, %convert_element_type3A_16, %cond3A_17 : i32
    scf.if %cond3A_18 {
      %mul3A_19 = arith.constant 632 : i32
      %mul3A_20 = arith.muli %arg1, %mul3A_19 : i32
      %mul3A_21 = arith.constant 632 : i32
      %mul3A_22 = arith.muli %arg1, %mul3A_21 : i32
      "tpu.region"() ({
        %run_scoped3A = tpu.sem_alloc : memref<!tpu.dma_semaphore, #tpu.memory_space<semaphore_mem>>
        %dma_start3A = arith.constant 0 : i32
        %dma_start3A_23 = tpu.memref_slice %arg8[%mul3A_22, %dma_start3A] : memref<10112x128xf32, #tpu.memory_space<hbm>> -> memref<632x128xf32, #tpu.memory_space<hbm>>
        %dma_start3A_24 = arith.constant 0 : i32
        %dma_start3A_25 = tpu.memref_slice %arg9[%mul3A_20, %dma_start3A_24] : memref<10112x128xf32, #tpu.memory_space<vmem_shared>> -> memref<632x128xf32, #tpu.memory_space<vmem_shared>>
        tpu.enqueue_dma source(%dma_start3A_25 : memref<632x128xf32, #tpu.memory_space<vmem_shared>>) target(%dma_start3A_23 : memref<632x128xf32, #tpu.memory_space<hbm>>) target_semaphore(%run_scoped3A : memref<!tpu.dma_semaphore, #tpu.memory_space<semaphore_mem>>)
        %dma_wait3A = arith.constant 0 : i32
        %dma_wait3A_26 = tpu.memref_slice %arg8[%mul3A_22, %dma_wait3A] : memref<10112x128xf32, #tpu.memory_space<hbm>> -> memref<632x128xf32, #tpu.memory_space<hbm>>
        %dma_wait3A_27 = arith.constant 0 : i32
        %dma_wait3A_28 = tpu.memref_slice %arg9[%mul3A_20, %dma_wait3A_27] : memref<10112x128xf32, #tpu.memory_space<vmem_shared>> -> memref<632x128xf32, #tpu.memory_space<vmem_shared>>
        tpu.wait_dma2 semaphore(%run_scoped3A : memref<!tpu.dma_semaphore, #tpu.memory_space<semaphore_mem>>) src(%dma_wait3A_28 : memref<632x128xf32, #tpu.memory_space<vmem_shared>>) dst(%dma_wait3A_26 : memref<632x128xf32, #tpu.memory_space<hbm>>)
        tpu.yield
      }) : () -> ()
    } else {
    }
    return
  }
}

module attributes {stable_mosaic.version = 14 : i64} {
  func.func @body(%arg0: i32, %arg1: memref<1000x256xf32, #tpu.memory_space<vmem>>, %arg2: memref<256x256xf32, #tpu.memory_space<vmem>>, %arg3: memref<1x256xf32, #tpu.memory_space<vmem>>, %arg4: memref<256x256xf32, #tpu.memory_space<vmem>>, %arg5: memref<256x256xf32, #tpu.memory_space<vmem>>, %arg6: memref<1000x128xf32, #tpu.memory_space<vmem>>, %arg7: memref<1000x128xf32, #tpu.memory_space<vmem>>, %arg8: memref<1000x128xf32, #tpu.memory_space<vmem>>, %arg9: memref<1000x128xf32, #tpu.memory_space<vmem>>) attributes {dimension_semantics = [#tpu.dimension_semantics<arbitrary>], iteration_bounds = array<i64: 10>, scalar_prefetch = 0 : i64, scratch_operands = 0 : i64, tpu.core_type = #tpu.core_type<tc>, window_params = [{transform_indices = @transform_0, window_bounds = array<i64: 1000, 256>}, {pipeline_mode = #tpu.pipeline_mode<synchronous>, transform_indices = @transform_1, window_bounds = array<i64: 256, 256>}, {pipeline_mode = #tpu.pipeline_mode<synchronous>, transform_indices = @transform_2, window_bounds = array<i64: 1, 256>}, {pipeline_mode = #tpu.pipeline_mode<synchronous>, transform_indices = @transform_3, window_bounds = array<i64: 256, 256>}, {pipeline_mode = #tpu.pipeline_mode<synchronous>, transform_indices = @transform_4, window_bounds = array<i64: 256, 256>}, {transform_indices = @transform_5, window_bounds = array<i64: 1000, 128>}, {transform_indices = @transform_6, window_bounds = array<i64: 1000, 128>}, {transform_indices = @transform_7, window_bounds = array<i64: 1000, 128>}, {transform_indices = @transform_8, window_bounds = array<i64: 1000, 128>}]} {
    %get3A = arith.constant 0 : index
    %get3A_0 = arith.constant 0 : index
    %get3A_1 = vector.load %arg1[%get3A, %get3A_0] : memref<1000x256xf32, #tpu.memory_space<vmem>>, vector<1000x256xf32>
    %get3A_2 = arith.constant 0 : index
    %get3A_3 = arith.constant 0 : index
    %get3A_4 = vector.load %arg2[%get3A_2, %get3A_3] : memref<256x256xf32, #tpu.memory_space<vmem>>, vector<256x256xf32>
    %dot_general3A = arith.constant dense<0.000000e+00> : vector<1000x256xf32>
    %dot_general3A_5 = tpu.matmul %get3A_1, %get3A_4, %dot_general3A {dimension_numbers = #tpu.dot_dimension_numbers<[1], [0], [0], [1], [0, 0, 1, 1], [], []>, transpose_lhs_hint = false} : vector<1000x256xf32>, vector<256x256xf32>, vector<1000x256xf32> -> vector<1000x256xf32>
    %get3A_6 = arith.constant 0 : index
    %get3A_7 = arith.constant 0 : index
    %get3A_8 = vector.load %arg3[%get3A_6, %get3A_7] : memref<1x256xf32, #tpu.memory_space<vmem>>, vector<1x256xf32>
    %add3A = vector.broadcast %get3A_8 : vector<1x256xf32> to vector<1000x256xf32>
    %add3A_9 = arith.addf %dot_general3A_5, %add3A : vector<1000x256xf32>
    %max3A = arith.constant 0.000000e+00 : f32
    %max3A_10 = vector.broadcast %max3A : f32 to vector<1000x256xf32>
    %max3A_11 = arith.maximumf %add3A_9, %max3A_10 : vector<1000x256xf32>
    %get3A_12 = arith.constant 0 : index
    %get3A_13 = arith.constant 0 : index
    %get3A_14 = vector.load %arg4[%get3A_12, %get3A_13] : memref<256x256xf32, #tpu.memory_space<vmem>>, vector<256x256xf32>
    %dot_general3A_15 = arith.constant dense<0.000000e+00> : vector<1000x256xf32>
    %dot_general3A_16 = tpu.matmul %max3A_11, %get3A_14, %dot_general3A_15 {dimension_numbers = #tpu.dot_dimension_numbers<[1], [0], [0], [1], [0, 0, 1, 1], [], []>, transpose_lhs_hint = false} : vector<1000x256xf32>, vector<256x256xf32>, vector<1000x256xf32> -> vector<1000x256xf32>
    %slice3A = vector.extract_strided_slice %dot_general3A_16 {offsets = [0, 0], sizes = [1000, 128], strides = [1, 1]} : vector<1000x256xf32> to vector<1000x128xf32>
    %swap3A = arith.constant 0 : index
    %swap3A_17 = arith.constant 0 : index
    %swap3A_18 = vector.load %arg6[%swap3A, %swap3A_17] : memref<1000x128xf32, #tpu.memory_space<vmem>>, vector<1000x128xf32>
    tpu.vector_store %arg6[%swap3A, %swap3A_17], %slice3A {strides = array<i32>} : memref<1000x128xf32, #tpu.memory_space<vmem>>, vector<1000x128xf32>,
    %slice3A_19 = vector.extract_strided_slice %dot_general3A_16 {offsets = [0, 128], sizes = [1000, 128], strides = [1, 1]} : vector<1000x256xf32> to vector<1000x128xf32>
    %swap3A_20 = arith.constant 0 : index
    %swap3A_21 = arith.constant 0 : index
    %swap3A_22 = vector.load %arg7[%swap3A_20, %swap3A_21] : memref<1000x128xf32, #tpu.memory_space<vmem>>, vector<1000x128xf32>
    tpu.vector_store %arg7[%swap3A_20, %swap3A_21], %slice3A_19 {strides = array<i32>} : memref<1000x128xf32, #tpu.memory_space<vmem>>, vector<1000x128xf32>,
    %get3A_23 = arith.constant 0 : index
    %get3A_24 = arith.constant 0 : index
    %get3A_25 = vector.load %arg5[%get3A_23, %get3A_24] : memref<256x256xf32, #tpu.memory_space<vmem>>, vector<256x256xf32>
    %dot_general3A_26 = arith.constant dense<0.000000e+00> : vector<1000x256xf32>
    %dot_general3A_27 = tpu.matmul %max3A_11, %get3A_25, %dot_general3A_26 {dimension_numbers = #tpu.dot_dimension_numbers<[1], [0], [0], [1], [0, 0, 1, 1], [], []>, transpose_lhs_hint = false} : vector<1000x256xf32>, vector<256x256xf32>, vector<1000x256xf32> -> vector<1000x256xf32>
    %slice3A_28 = vector.extract_strided_slice %dot_general3A_27 {offsets = [0, 0], sizes = [1000, 128], strides = [1, 1]} : vector<1000x256xf32> to vector<1000x128xf32>
    %swap3A_29 = arith.constant 0 : index
    %swap3A_30 = arith.constant 0 : index
    %swap3A_31 = vector.load %arg8[%swap3A_29, %swap3A_30] : memref<1000x128xf32, #tpu.memory_space<vmem>>, vector<1000x128xf32>
    tpu.vector_store %arg8[%swap3A_29, %swap3A_30], %slice3A_28 {strides = array<i32>} : memref<1000x128xf32, #tpu.memory_space<vmem>>, vector<1000x128xf32>,
    %slice3A_32 = vector.extract_strided_slice %dot_general3A_27 {offsets = [0, 128], sizes = [1000, 128], strides = [1, 1]} : vector<1000x256xf32> to vector<1000x128xf32>
    %swap3A_33 = arith.constant 0 : index
    %swap3A_34 = arith.constant 0 : index
    %swap3A_35 = vector.load %arg9[%swap3A_33, %swap3A_34] : memref<1000x128xf32, #tpu.memory_space<vmem>>, vector<1000x128xf32>
    tpu.vector_store %arg9[%swap3A_33, %swap3A_34], %slice3A_32 {strides = array<i32>} : memref<1000x128xf32, #tpu.memory_space<vmem>>, vector<1000x128xf32>,
    return
  }
  func.func @transform_0(%arg0: i32) -> (i32, i32) {
    %c0_i32 = arith.constant 0 : i32
    %c0_i32_0 = arith.constant 0 : i32
    return %arg0, %c0_i32 : i32, i32
  }
  func.func @transform_1(%arg0: i32) -> (i32, i32) {
    %c0_i32 = arith.constant 0 : i32
    %c0_i32_0 = arith.constant 0 : i32
    %c0_i32_1 = arith.constant 0 : i32
    return %c0_i32, %c0_i32_0 : i32, i32
  }
  func.func @transform_2(%arg0: i32) -> (i32, i32) {
    %c0_i32 = arith.constant 0 : i32
    %c0_i32_0 = arith.constant 0 : i32
    %c0_i32_1 = arith.constant 0 : i32
    return %c0_i32, %c0_i32_0 : i32, i32
  }
  func.func @transform_3(%arg0: i32) -> (i32, i32) {
    %c0_i32 = arith.constant 0 : i32
    %c0_i32_0 = arith.constant 0 : i32
    %c0_i32_1 = arith.constant 0 : i32
    return %c0_i32, %c0_i32_0 : i32, i32
  }
  func.func @transform_4(%arg0: i32) -> (i32, i32) {
    %c0_i32 = arith.constant 0 : i32
    %c0_i32_0 = arith.constant 0 : i32
    %c0_i32_1 = arith.constant 0 : i32
    return %c0_i32, %c0_i32_0 : i32, i32
  }
  func.func @transform_5(%arg0: i32) -> (i32, i32) {
    %c0_i32 = arith.constant 0 : i32
    %c0_i32_0 = arith.constant 0 : i32
    return %arg0, %c0_i32 : i32, i32
  }
  func.func @transform_6(%arg0: i32) -> (i32, i32) {
    %c0_i32 = arith.constant 0 : i32
    %c0_i32_0 = arith.constant 0 : i32
    return %arg0, %c0_i32 : i32, i32
  }
  func.func @transform_7(%arg0: i32) -> (i32, i32) {
    %c0_i32 = arith.constant 0 : i32
    %c0_i32_0 = arith.constant 0 : i32
    return %arg0, %c0_i32 : i32, i32
  }
  func.func @transform_8(%arg0: i32) -> (i32, i32) {
    %c0_i32 = arith.constant 0 : i32
    %c0_i32_0 = arith.constant 0 : i32
    return %arg0, %c0_i32 : i32, i32
  }
}

module attributes {stable_mosaic.version = 14 : i64} {
  func.func @body(%arg0: i32, %arg1: memref<1000x128xf32, #tpu.memory_space<vmem>>, %arg2: memref<1000x128xf32, #tpu.memory_space<vmem>>, %arg3: memref<1000x128xf32, #tpu.memory_space<vmem>>, %arg4: memref<1000x128xf32, #tpu.memory_space<vmem>>, %arg5: memref<256x256xf32, #tpu.memory_space<vmem>>, %arg6: memref<256x256xf32, #tpu.memory_space<vmem>>, %arg7: memref<1000x256xf32, #tpu.memory_space<vmem>>, %arg8: memref<1000x128xf32, #tpu.memory_space<vmem>>, %arg9: memref<1000x128xf32, #tpu.memory_space<vmem>>) attributes {dimension_semantics = [#tpu.dimension_semantics<arbitrary>], iteration_bounds = array<i64: 5>, scalar_prefetch = 0 : i64, scratch_operands = 0 : i64, tpu.core_type = #tpu.core_type<tc>, window_params = [{transform_indices = @transform_0, window_bounds = array<i64: 1000, 128>}, {transform_indices = @transform_1, window_bounds = array<i64: 1000, 128>}, {transform_indices = @transform_2, window_bounds = array<i64: 1000, 128>}, {transform_indices = @transform_3, window_bounds = array<i64: 1000, 128>}, {pipeline_mode = #tpu.pipeline_mode<synchronous>, transform_indices = @transform_4, window_bounds = array<i64: 256, 256>}, {pipeline_mode = #tpu.pipeline_mode<synchronous>, transform_indices = @transform_5, window_bounds = array<i64: 256, 256>}, {transform_indices = @transform_6, window_bounds = array<i64: 1000, 256>}, {transform_indices = @transform_7, window_bounds = array<i64: 1000, 128>}, {transform_indices = @transform_8, window_bounds = array<i64: 1000, 128>}]} {
    %get3A = arith.constant 0 : index
    %get3A_0 = arith.constant 0 : index
    %get3A_1 = vector.load %arg1[%get3A, %get3A_0] : memref<1000x128xf32, #tpu.memory_space<vmem>>, vector<1000x128xf32>
    %get3A_2 = arith.constant 0 : index
    %get3A_3 = arith.constant 0 : index
    %get3A_4 = vector.load %arg3[%get3A_2, %get3A_3] : memref<1000x128xf32, #tpu.memory_space<vmem>>, vector<1000x128xf32>
    %add3A = arith.addf %get3A_1, %get3A_4 : vector<1000x128xf32>
    %get3A_5 = arith.constant 0 : index
    %get3A_6 = arith.constant 0 : index
    %get3A_7 = vector.load %arg2[%get3A_5, %get3A_6] : memref<1000x128xf32, #tpu.memory_space<vmem>>, vector<1000x128xf32>
    %get3A_8 = arith.constant 0 : index
    %get3A_9 = arith.constant 0 : index
    %get3A_10 = vector.load %arg4[%get3A_8, %get3A_9] : memref<1000x128xf32, #tpu.memory_space<vmem>>, vector<1000x128xf32>
    %add3A_11 = arith.addf %get3A_7, %get3A_10 : vector<1000x128xf32>
    %concatenate3A = tpu.concatenate %add3A, %add3A_11 in 1 : vector<1000x128xf32>, vector<1000x128xf32> -> vector<1000x256xf32>
    %max3A = arith.constant 0.000000e+00 : f32
    %max3A_12 = vector.broadcast %max3A : f32 to vector<1000x256xf32>
    %max3A_13 = arith.maximumf %concatenate3A, %max3A_12 : vector<1000x256xf32>
    %get3A_14 = arith.constant 0 : index
    %get3A_15 = arith.constant 0 : index
    %get3A_16 = vector.load %arg5[%get3A_14, %get3A_15] : memref<256x256xf32, #tpu.memory_space<vmem>>, vector<256x256xf32>
    %dot_general3A = arith.constant dense<0.000000e+00> : vector<1000x256xf32>
    %dot_general3A_17 = tpu.matmul %max3A_13, %get3A_16, %dot_general3A {dimension_numbers = #tpu.dot_dimension_numbers<[1], [0], [0], [1], [0, 0, 1, 1], [], []>, transpose_lhs_hint = false} : vector<1000x256xf32>, vector<256x256xf32>, vector<1000x256xf32> -> vector<1000x256xf32>
    %swap3A = arith.constant 0 : index
    %swap3A_18 = arith.constant 0 : index
    %swap3A_19 = vector.load %arg7[%swap3A, %swap3A_18] : memref<1000x256xf32, #tpu.memory_space<vmem>>, vector<1000x256xf32>
    tpu.vector_store %arg7[%swap3A, %swap3A_18], %dot_general3A_17 {strides = array<i32>} : memref<1000x256xf32, #tpu.memory_space<vmem>>, vector<1000x256xf32>,
    %get3A_20 = arith.constant 0 : index
    %get3A_21 = arith.constant 0 : index
    %get3A_22 = vector.load %arg6[%get3A_20, %get3A_21] : memref<256x256xf32, #tpu.memory_space<vmem>>, vector<256x256xf32>
    %dot_general3A_23 = arith.constant dense<0.000000e+00> : vector<1000x256xf32>
    %dot_general3A_24 = tpu.matmul %max3A_13, %get3A_22, %dot_general3A_23 {dimension_numbers = #tpu.dot_dimension_numbers<[1], [0], [0], [1], [0, 0, 1, 1], [], []>, transpose_lhs_hint = false} : vector<1000x256xf32>, vector<256x256xf32>, vector<1000x256xf32> -> vector<1000x256xf32>
    %slice3A = vector.extract_strided_slice %dot_general3A_24 {offsets = [0, 0], sizes = [1000, 128], strides = [1, 1]} : vector<1000x256xf32> to vector<1000x128xf32>
    %swap3A_25 = arith.constant 0 : index
    %swap3A_26 = arith.constant 0 : index
    %swap3A_27 = vector.load %arg8[%swap3A_25, %swap3A_26] : memref<1000x128xf32, #tpu.memory_space<vmem>>, vector<1000x128xf32>
    tpu.vector_store %arg8[%swap3A_25, %swap3A_26], %slice3A {strides = array<i32>} : memref<1000x128xf32, #tpu.memory_space<vmem>>, vector<1000x128xf32>,
    %slice3A_28 = vector.extract_strided_slice %dot_general3A_24 {offsets = [0, 128], sizes = [1000, 128], strides = [1, 1]} : vector<1000x256xf32> to vector<1000x128xf32>
    %swap3A_29 = arith.constant 0 : index
    %swap3A_30 = arith.constant 0 : index
    %swap3A_31 = vector.load %arg9[%swap3A_29, %swap3A_30] : memref<1000x128xf32, #tpu.memory_space<vmem>>, vector<1000x128xf32>
    tpu.vector_store %arg9[%swap3A_29, %swap3A_30], %slice3A_28 {strides = array<i32>} : memref<1000x128xf32, #tpu.memory_space<vmem>>, vector<1000x128xf32>,
    return
  }
  func.func @transform_0(%arg0: i32) -> (i32, i32) {
    %c0_i32 = arith.constant 0 : i32
    %c0_i32_0 = arith.constant 0 : i32
    return %arg0, %c0_i32 : i32, i32
  }
  func.func @transform_1(%arg0: i32) -> (i32, i32) {
    %c0_i32 = arith.constant 0 : i32
    %c0_i32_0 = arith.constant 0 : i32
    return %arg0, %c0_i32 : i32, i32
  }
  func.func @transform_2(%arg0: i32) -> (i32, i32) {
    %c0_i32 = arith.constant 0 : i32
    %c0_i32_0 = arith.constant 0 : i32
    return %arg0, %c0_i32 : i32, i32
  }
  func.func @transform_3(%arg0: i32) -> (i32, i32) {
    %c0_i32 = arith.constant 0 : i32
    %c0_i32_0 = arith.constant 0 : i32
    return %arg0, %c0_i32 : i32, i32
  }
  func.func @transform_4(%arg0: i32) -> (i32, i32) {
    %c0_i32 = arith.constant 0 : i32
    %c0_i32_0 = arith.constant 0 : i32
    %c0_i32_1 = arith.constant 0 : i32
    return %c0_i32, %c0_i32_0 : i32, i32
  }
  func.func @transform_5(%arg0: i32) -> (i32, i32) {
    %c0_i32 = arith.constant 0 : i32
    %c0_i32_0 = arith.constant 0 : i32
    %c0_i32_1 = arith.constant 0 : i32
    return %c0_i32, %c0_i32_0 : i32, i32
  }
  func.func @transform_6(%arg0: i32) -> (i32, i32) {
    %c0_i32 = arith.constant 0 : i32
    %c0_i32_0 = arith.constant 0 : i32
    return %arg0, %c0_i32 : i32, i32
  }
  func.func @transform_7(%arg0: i32) -> (i32, i32) {
    %c0_i32 = arith.constant 0 : i32
    %c0_i32_0 = arith.constant 0 : i32
    return %arg0, %c0_i32 : i32, i32
  }
  func.func @transform_8(%arg0: i32) -> (i32, i32) {
    %c0_i32 = arith.constant 0 : i32
    %c0_i32_0 = arith.constant 0 : i32
    return %arg0, %c0_i32 : i32, i32
  }
}

module attributes {stable_mosaic.version = 14 : i64} {
  func.func @body(%arg0: i32, %arg1: memref<1000x256xf32, #tpu.memory_space<vmem>>, %arg2: memref<1000x128xf32, #tpu.memory_space<vmem>>, %arg3: memref<1000x128xf32, #tpu.memory_space<vmem>>, %arg4: memref<256x128xf32, #tpu.memory_space<vmem>>, %arg5: memref<256x128xf32, #tpu.memory_space<vmem>>, %arg6: memref<128x256xf32, #tpu.memory_space<vmem>>, %arg7: memref<256x256xf32, #tpu.memory_space<vmem>>, %arg8: memref<256x256xf32, #tpu.memory_space<vmem>>, %arg9: memref<1000x256xf32, #tpu.memory_space<vmem>>, %arg10: memref<1000x128xf32, #tpu.memory_space<vmem>>, %arg11: memref<1000x128xf32, #tpu.memory_space<vmem>>, %arg12: memref<1x1xf32, #tpu.memory_space<vmem>>, %arg13: memref<1x1xf32, #tpu.memory_space<smem>>) attributes {dimension_semantics = [#tpu.dimension_semantics<arbitrary>], iteration_bounds = array<i64: 5>, scalar_prefetch = 0 : i64, scratch_operands = 1 : i64, tpu.core_type = #tpu.core_type<tc>, window_params = [{transform_indices = @transform_0, window_bounds = array<i64: 1000, 256>}, {transform_indices = @transform_1, window_bounds = array<i64: 1000, 128>}, {transform_indices = @transform_2, window_bounds = array<i64: 1000, 128>}, {pipeline_mode = #tpu.pipeline_mode<synchronous>, transform_indices = @transform_3, window_bounds = array<i64: 256, 128>}, {pipeline_mode = #tpu.pipeline_mode<synchronous>, transform_indices = @transform_4, window_bounds = array<i64: 256, 128>}, {pipeline_mode = #tpu.pipeline_mode<synchronous>, transform_indices = @transform_5, window_bounds = array<i64: 128, 256>}, {pipeline_mode = #tpu.pipeline_mode<synchronous>, transform_indices = @transform_6, window_bounds = array<i64: 256, 256>}, {pipeline_mode = #tpu.pipeline_mode<synchronous>, transform_indices = @transform_7, window_bounds = array<i64: 256, 256>}, {transform_indices = @transform_8, window_bounds = array<i64: 1000, 256>}, {transform_indices = @transform_9, window_bounds = array<i64: 1000, 128>}, {transform_indices = @transform_10, window_bounds = array<i64: 1000, 128>}, {pipeline_mode = #tpu.pipeline_mode<synchronous>, transform_indices = @transform_11, window_bounds = array<i64: 1, 1>}]} {
    %get3A = arith.constant 0 : index
    %get3A_0 = arith.constant 0 : index
    %get3A_1 = vector.load %arg1[%get3A, %get3A_0] : memref<1000x256xf32, #tpu.memory_space<vmem>>, vector<1000x256xf32>
    %get3A_2 = arith.constant 0 : index
    %get3A_3 = arith.constant 0 : index
    %get3A_4 = vector.load %arg2[%get3A_2, %get3A_3] : memref<1000x128xf32, #tpu.memory_space<vmem>>, vector<1000x128xf32>
    %get3A_5 = arith.constant 0 : index
    %get3A_6 = arith.constant 0 : index
    %get3A_7 = vector.load %arg3[%get3A_5, %get3A_6] : memref<1000x128xf32, #tpu.memory_space<vmem>>, vector<1000x128xf32>
    %concatenate3A = tpu.concatenate %get3A_4, %get3A_7 in 1 : vector<1000x128xf32>, vector<1000x128xf32> -> vector<1000x256xf32>
    %add3A = arith.addf %get3A_1, %concatenate3A : vector<1000x256xf32>
    %max3A = arith.constant 0.000000e+00 : f32
    %max3A_8 = vector.broadcast %max3A : f32 to vector<1000x256xf32>
    %max3A_9 = arith.maximumf %add3A, %max3A_8 : vector<1000x256xf32>
    %get3A_10 = arith.constant 0 : index
    %get3A_11 = arith.constant 0 : index
    %get3A_12 = vector.load %arg4[%get3A_10, %get3A_11] : memref<256x128xf32, #tpu.memory_space<vmem>>, vector<256x128xf32>
    %dot_general3A = arith.constant dense<0.000000e+00> : vector<1000x128xf32>
    %dot_general3A_13 = tpu.matmul %max3A_9, %get3A_12, %dot_general3A {dimension_numbers = #tpu.dot_dimension_numbers<[1], [0], [0], [1], [0, 0, 1, 1], [], []>, transpose_lhs_hint = false} : vector<1000x256xf32>, vector<256x128xf32>, vector<1000x128xf32> -> vector<1000x128xf32>
    %get3A_14 = arith.constant 0 : index
    %get3A_15 = arith.constant 0 : index
    %get3A_16 = vector.load %arg5[%get3A_14, %get3A_15] : memref<256x128xf32, #tpu.memory_space<vmem>>, vector<256x128xf32>
    %dot_general3A_17 = arith.constant dense<0.000000e+00> : vector<1000x128xf32>
    %dot_general3A_18 = tpu.matmul %max3A_9, %get3A_16, %dot_general3A_17 {dimension_numbers = #tpu.dot_dimension_numbers<[1], [0], [0], [1], [0, 0, 1, 1], [], []>, transpose_lhs_hint = false} : vector<1000x256xf32>, vector<256x128xf32>, vector<1000x128xf32> -> vector<1000x128xf32>
    %add3A_19 = arith.constant 1.000000e+00 : f32
    %add3A_20 = vector.broadcast %add3A_19 : f32 to vector<1000x128xf32>
    %add3A_21 = arith.addf %add3A_20, %dot_general3A_18 : vector<1000x128xf32>
    %mul3A = arith.mulf %dot_general3A_13, %dot_general3A_13 : vector<1000x128xf32>
    %sub3A = arith.subf %add3A_21, %mul3A : vector<1000x128xf32>
    %exp3A = math.exp %dot_general3A_18 : vector<1000x128xf32>
    %sub3A_22 = arith.subf %sub3A, %exp3A : vector<1000x128xf32>
    %reduce_sum3A = vector.shape_cast %sub3A_22 : vector<1000x128xf32> to vector<1x1000x128xf32>
    %reduce_sum3A_23 = arith.constant dense<0.000000e+00> : vector<1xf32>
    %reduce_sum3A_24 = vector.multi_reduction <add>, %reduce_sum3A, %reduce_sum3A_23 [1, 2] : vector<1x1000x128xf32> to vector<1xf32>
    %reduce_sum3A_25 = vector.shape_cast %reduce_sum3A_24 : vector<1xf32> to vector<1x1x1xf32>
    %reduce_sum3A_26 = vector.extract %reduce_sum3A_25[0, 0, 0] : f32 from vector<1x1x1xf32>
    %eq3A = arith.constant 0 : i32
    %eq3A_27 = arith.cmpi eq, %arg0, %eq3A : i32
    %convert_element_type3A = arith.extui %eq3A_27 : i1 to i32
    %cond3A = arith.constant 0 : i32
    %cond3A_28 = arith.cmpi ne, %convert_element_type3A, %cond3A : i32
    scf.if %cond3A_28 {
      %swap3A_72 = arith.constant 0.000000e+00 : f32
      %swap3A_73 = arith.constant 0 : index
      %swap3A_74 = arith.constant 0 : index
      %swap3A_75 = memref.load %arg13[%swap3A_73, %swap3A_74] : memref<1x1xf32, #tpu.memory_space<smem>>
      memref.store %swap3A_72, %arg13[%swap3A_73, %swap3A_74] : memref<1x1xf32, #tpu.memory_space<smem>>
    } else {
    }
    %get3A_29 = arith.constant 0 : index
    %get3A_30 = arith.constant 0 : index
    %get3A_31 = memref.load %arg13[%get3A_29, %get3A_30] : memref<1x1xf32, #tpu.memory_space<smem>>
    %add3A_32 = arith.addf %get3A_31, %reduce_sum3A_26 : f32
    %swap3A = arith.constant 0 : index
    %swap3A_33 = arith.constant 0 : index
    %swap3A_34 = memref.load %arg13[%swap3A, %swap3A_33] : memref<1x1xf32, #tpu.memory_space<smem>>
    memref.store %add3A_32, %arg13[%swap3A, %swap3A_33] : memref<1x1xf32, #tpu.memory_space<smem>>
    %get3A_35 = arith.constant 0 : index
    %get3A_36 = arith.constant 0 : index
    %get3A_37 = memref.load %arg13[%get3A_35, %get3A_36] : memref<1x1xf32, #tpu.memory_space<smem>>
    %mul3A_38 = arith.constant -5.000000e-01 : f32
    %mul3A_39 = arith.mulf %mul3A_38, %get3A_37 : f32
    %div3A = arith.constant 6.400000e+05 : f32
    %div3A_40 = arith.divf %mul3A_39, %div3A : f32
    %reshape3A = vector.broadcast %div3A_40 : f32 to vector<1x1xf32>
    %swap3A_41 = arith.constant 0 : index
    %swap3A_42 = arith.constant 0 : index
    %swap3A_43 = vector.load %arg12[%swap3A_41, %swap3A_42] : memref<1x1xf32, #tpu.memory_space<vmem>>, vector<1x1xf32>
    tpu.vector_store %arg12[%swap3A_41, %swap3A_42], %reshape3A {strides = array<i32>} : memref<1x1xf32, #tpu.memory_space<vmem>>, vector<1x1xf32>,
    %get3A_44 = arith.constant 0 : index
    %get3A_45 = arith.constant 0 : index
    %get3A_46 = vector.load %arg6[%get3A_44, %get3A_45] : memref<128x256xf32, #tpu.memory_space<vmem>>, vector<128x256xf32>
    %dot_general3A_47 = arith.constant dense<0.000000e+00> : vector<1000x256xf32>
    %dot_general3A_48 = tpu.matmul %dot_general3A_13, %get3A_46, %dot_general3A_47 {dimension_numbers = #tpu.dot_dimension_numbers<[1], [0], [0], [1], [0, 0, 1, 1], [], []>, transpose_lhs_hint = false} : vector<1000x128xf32>, vector<128x256xf32>, vector<1000x256xf32> -> vector<1000x256xf32>
    %max3A_49 = arith.constant 0.000000e+00 : f32
    %max3A_50 = vector.broadcast %max3A_49 : f32 to vector<1000x256xf32>
    %max3A_51 = arith.maximumf %dot_general3A_48, %max3A_50 : vector<1000x256xf32>
    %get3A_52 = arith.constant 0 : index
    %get3A_53 = arith.constant 0 : index
    %get3A_54 = vector.load %arg7[%get3A_52, %get3A_53] : memref<256x256xf32, #tpu.memory_space<vmem>>, vector<256x256xf32>
    %dot_general3A_55 = arith.constant dense<0.000000e+00> : vector<1000x256xf32>
    %dot_general3A_56 = tpu.matmul %max3A_51, %get3A_54, %dot_general3A_55 {dimension_numbers = #tpu.dot_dimension_numbers<[1], [0], [0], [1], [0, 0, 1, 1], [], []>, transpose_lhs_hint = false} : vector<1000x256xf32>, vector<256x256xf32>, vector<1000x256xf32> -> vector<1000x256xf32>
    %swap3A_57 = arith.constant 0 : index
    %swap3A_58 = arith.constant 0 : index
    %swap3A_59 = vector.load %arg9[%swap3A_57, %swap3A_58] : memref<1000x256xf32, #tpu.memory_space<vmem>>, vector<1000x256xf32>
    tpu.vector_store %arg9[%swap3A_57, %swap3A_58], %dot_general3A_56 {strides = array<i32>} : memref<1000x256xf32, #tpu.memory_space<vmem>>, vector<1000x256xf32>,
    %get3A_60 = arith.constant 0 : index
    %get3A_61 = arith.constant 0 : index
    %get3A_62 = vector.load %arg8[%get3A_60, %get3A_61] : memref<256x256xf32, #tpu.memory_space<vmem>>, vector<256x256xf32>
    %dot_general3A_63 = arith.constant dense<0.000000e+00> : vector<1000x256xf32>
    %dot_general3A_64 = tpu.matmul %max3A_51, %get3A_62, %dot_general3A_63 {dimension_numbers = #tpu.dot_dimension_numbers<[1], [0], [0], [1], [0, 0, 1, 1], [], []>, transpose_lhs_hint = false} : vector<1000x256xf32>, vector<256x256xf32>, vector<1000x256xf32> -> vector<1000x256xf32>
    %slice3A = vector.extract_strided_slice %dot_general3A_64 {offsets = [0, 0], sizes = [1000, 128], strides = [1, 1]} : vector<1000x256xf32> to vector<1000x128xf32>
    %swap3A_65 = arith.constant 0 : index
    %swap3A_66 = arith.constant 0 : index
    %swap3A_67 = vector.load %arg10[%swap3A_65, %swap3A_66] : memref<1000x128xf32, #tpu.memory_space<vmem>>, vector<1000x128xf32>
    tpu.vector_store %arg10[%swap3A_65, %swap3A_66], %slice3A {strides = array<i32>} : memref<1000x128xf32, #tpu.memory_space<vmem>>, vector<1000x128xf32>,
    %slice3A_68 = vector.extract_strided_slice %dot_general3A_64 {offsets = [0, 128], sizes = [1000, 128], strides = [1, 1]} : vector<1000x256xf32> to vector<1000x128xf32>
    %swap3A_69 = arith.constant 0 : index
    %swap3A_70 = arith.constant 0 : index
    %swap3A_71 = vector.load %arg11[%swap3A_69, %swap3A_70] : memref<1000x128xf32, #tpu.memory_space<vmem>>, vector<1000x128xf32>
    tpu.vector_store %arg11[%swap3A_69, %swap3A_70], %slice3A_68 {strides = array<i32>} : memref<1000x128xf32, #tpu.memory_space<vmem>>, vector<1000x128xf32>,
    return
  }
  func.func @transform_0(%arg0: i32) -> (i32, i32) {
    %c0_i32 = arith.constant 0 : i32
    %c0_i32_0 = arith.constant 0 : i32
    return %arg0, %c0_i32 : i32, i32
  }
  func.func @transform_1(%arg0: i32) -> (i32, i32) {
    %c0_i32 = arith.constant 0 : i32
    %c0_i32_0 = arith.constant 0 : i32
    return %arg0, %c0_i32 : i32, i32
  }
  func.func @transform_2(%arg0: i32) -> (i32, i32) {
    %c0_i32 = arith.constant 0 : i32
    %c0_i32_0 = arith.constant 0 : i32
    return %arg0, %c0_i32 : i32, i32
  }
  func.func @transform_3(%arg0: i32) -> (i32, i32) {
    %c0_i32 = arith.constant 0 : i32
    %c0_i32_0 = arith.constant 0 : i32
    %c0_i32_1 = arith.constant 0 : i32
    return %c0_i32, %c0_i32_0 : i32, i32
  }
  func.func @transform_4(%arg0: i32) -> (i32, i32) {
    %c0_i32 = arith.constant 0 : i32
    %c0_i32_0 = arith.constant 0 : i32
    %c0_i32_1 = arith.constant 0 : i32
    return %c0_i32, %c0_i32_0 : i32, i32
  }
  func.func @transform_5(%arg0: i32) -> (i32, i32) {
    %c0_i32 = arith.constant 0 : i32
    %c0_i32_0 = arith.constant 0 : i32
    %c0_i32_1 = arith.constant 0 : i32
    return %c0_i32, %c0_i32_0 : i32, i32
  }
  func.func @transform_6(%arg0: i32) -> (i32, i32) {
    %c0_i32 = arith.constant 0 : i32
    %c0_i32_0 = arith.constant 0 : i32
    %c0_i32_1 = arith.constant 0 : i32
    return %c0_i32, %c0_i32_0 : i32, i32
  }
  func.func @transform_7(%arg0: i32) -> (i32, i32) {
    %c0_i32 = arith.constant 0 : i32
    %c0_i32_0 = arith.constant 0 : i32
    %c0_i32_1 = arith.constant 0 : i32
    return %c0_i32, %c0_i32_0 : i32, i32
  }
  func.func @transform_8(%arg0: i32) -> (i32, i32) {
    %c0_i32 = arith.constant 0 : i32
    %c0_i32_0 = arith.constant 0 : i32
    return %arg0, %c0_i32 : i32, i32
  }
  func.func @transform_9(%arg0: i32) -> (i32, i32) {
    %c0_i32 = arith.constant 0 : i32
    %c0_i32_0 = arith.constant 0 : i32
    return %arg0, %c0_i32 : i32, i32
  }
  func.func @transform_10(%arg0: i32) -> (i32, i32) {
    %c0_i32 = arith.constant 0 : i32
    %c0_i32_0 = arith.constant 0 : i32
    return %arg0, %c0_i32 : i32, i32
  }
  func.func @transform_11(%arg0: i32) -> (i32, i32) {
    %c0_i32 = arith.constant 0 : i32
    %c0_i32_0 = arith.constant 0 : i32
    %c0_i32_1 = arith.constant 0 : i32
    return %c0_i32, %c0_i32_0 : i32, i32
  }
}

module attributes {stable_mosaic.version = 14 : i64} {
  func.func @body(%arg0: i32, %arg1: memref<1000x256xf32, #tpu.memory_space<vmem>>, %arg2: memref<1000x128xf32, #tpu.memory_space<vmem>>, %arg3: memref<1000x128xf32, #tpu.memory_space<vmem>>, %arg4: memref<256x256xf32, #tpu.memory_space<vmem>>, %arg5: memref<256x256xf32, #tpu.memory_space<vmem>>, %arg6: memref<1000x128xf32, #tpu.memory_space<vmem>>, %arg7: memref<1000x128xf32, #tpu.memory_space<vmem>>, %arg8: memref<1000x128xf32, #tpu.memory_space<vmem>>, %arg9: memref<1000x128xf32, #tpu.memory_space<vmem>>) attributes {dimension_semantics = [#tpu.dimension_semantics<arbitrary>], iteration_bounds = array<i64: 5>, scalar_prefetch = 0 : i64, scratch_operands = 0 : i64, tpu.core_type = #tpu.core_type<tc>, window_params = [{transform_indices = @transform_0, window_bounds = array<i64: 1000, 256>}, {transform_indices = @transform_1, window_bounds = array<i64: 1000, 128>}, {transform_indices = @transform_2, window_bounds = array<i64: 1000, 128>}, {pipeline_mode = #tpu.pipeline_mode<synchronous>, transform_indices = @transform_3, window_bounds = array<i64: 256, 256>}, {pipeline_mode = #tpu.pipeline_mode<synchronous>, transform_indices = @transform_4, window_bounds = array<i64: 256, 256>}, {transform_indices = @transform_5, window_bounds = array<i64: 1000, 128>}, {transform_indices = @transform_6, window_bounds = array<i64: 1000, 128>}, {transform_indices = @transform_7, window_bounds = array<i64: 1000, 128>}, {transform_indices = @transform_8, window_bounds = array<i64: 1000, 128>}]} {
    %get3A = arith.constant 0 : index
    %get3A_0 = arith.constant 0 : index
    %get3A_1 = vector.load %arg1[%get3A, %get3A_0] : memref<1000x256xf32, #tpu.memory_space<vmem>>, vector<1000x256xf32>
    %get3A_2 = arith.constant 0 : index
    %get3A_3 = arith.constant 0 : index
    %get3A_4 = vector.load %arg2[%get3A_2, %get3A_3] : memref<1000x128xf32, #tpu.memory_space<vmem>>, vector<1000x128xf32>
    %get3A_5 = arith.constant 0 : index
    %get3A_6 = arith.constant 0 : index
    %get3A_7 = vector.load %arg3[%get3A_5, %get3A_6] : memref<1000x128xf32, #tpu.memory_space<vmem>>, vector<1000x128xf32>
    %concatenate3A = tpu.concatenate %get3A_4, %get3A_7 in 1 : vector<1000x128xf32>, vector<1000x128xf32> -> vector<1000x256xf32>
    %add3A = arith.addf %get3A_1, %concatenate3A : vector<1000x256xf32>
    %max3A = arith.constant 0.000000e+00 : f32
    %max3A_8 = vector.broadcast %max3A : f32 to vector<1000x256xf32>
    %max3A_9 = arith.maximumf %add3A, %max3A_8 : vector<1000x256xf32>
    %get3A_10 = arith.constant 0 : index
    %get3A_11 = arith.constant 0 : index
    %get3A_12 = vector.load %arg4[%get3A_10, %get3A_11] : memref<256x256xf32, #tpu.memory_space<vmem>>, vector<256x256xf32>
    %dot_general3A = arith.constant dense<0.000000e+00> : vector<1000x256xf32>
    %dot_general3A_13 = tpu.matmul %max3A_9, %get3A_12, %dot_general3A {dimension_numbers = #tpu.dot_dimension_numbers<[1], [0], [0], [1], [0, 0, 1, 1], [], []>, transpose_lhs_hint = false} : vector<1000x256xf32>, vector<256x256xf32>, vector<1000x256xf32> -> vector<1000x256xf32>
    %get3A_14 = arith.constant 0 : index
    %get3A_15 = arith.constant 0 : index
    %get3A_16 = vector.load %arg5[%get3A_14, %get3A_15] : memref<256x256xf32, #tpu.memory_space<vmem>>, vector<256x256xf32>
    %dot_general3A_17 = arith.constant dense<0.000000e+00> : vector<1000x256xf32>
    %dot_general3A_18 = tpu.matmul %max3A_9, %get3A_16, %dot_general3A_17 {dimension_numbers = #tpu.dot_dimension_numbers<[1], [0], [0], [1], [0, 0, 1, 1], [], []>, transpose_lhs_hint = false} : vector<1000x256xf32>, vector<256x256xf32>, vector<1000x256xf32> -> vector<1000x256xf32>
    %slice3A = vector.extract_strided_slice %dot_general3A_13 {offsets = [0, 0], sizes = [1000, 128], strides = [1, 1]} : vector<1000x256xf32> to vector<1000x128xf32>
    %swap3A = arith.constant 0 : index
    %swap3A_19 = arith.constant 0 : index
    %swap3A_20 = vector.load %arg6[%swap3A, %swap3A_19] : memref<1000x128xf32, #tpu.memory_space<vmem>>, vector<1000x128xf32>
    tpu.vector_store %arg6[%swap3A, %swap3A_19], %slice3A {strides = array<i32>} : memref<1000x128xf32, #tpu.memory_space<vmem>>, vector<1000x128xf32>,
    %slice3A_21 = vector.extract_strided_slice %dot_general3A_13 {offsets = [0, 128], sizes = [1000, 128], strides = [1, 1]} : vector<1000x256xf32> to vector<1000x128xf32>
    %swap3A_22 = arith.constant 0 : index
    %swap3A_23 = arith.constant 0 : index
    %swap3A_24 = vector.load %arg7[%swap3A_22, %swap3A_23] : memref<1000x128xf32, #tpu.memory_space<vmem>>, vector<1000x128xf32>
    tpu.vector_store %arg7[%swap3A_22, %swap3A_23], %slice3A_21 {strides = array<i32>} : memref<1000x128xf32, #tpu.memory_space<vmem>>, vector<1000x128xf32>,
    %slice3A_25 = vector.extract_strided_slice %dot_general3A_18 {offsets = [0, 0], sizes = [1000, 128], strides = [1, 1]} : vector<1000x256xf32> to vector<1000x128xf32>
    %swap3A_26 = arith.constant 0 : index
    %swap3A_27 = arith.constant 0 : index
    %swap3A_28 = vector.load %arg8[%swap3A_26, %swap3A_27] : memref<1000x128xf32, #tpu.memory_space<vmem>>, vector<1000x128xf32>
    tpu.vector_store %arg8[%swap3A_26, %swap3A_27], %slice3A_25 {strides = array<i32>} : memref<1000x128xf32, #tpu.memory_space<vmem>>, vector<1000x128xf32>,
    %slice3A_29 = vector.extract_strided_slice %dot_general3A_18 {offsets = [0, 128], sizes = [1000, 128], strides = [1, 1]} : vector<1000x256xf32> to vector<1000x128xf32>
    %swap3A_30 = arith.constant 0 : index
    %swap3A_31 = arith.constant 0 : index
    %swap3A_32 = vector.load %arg9[%swap3A_30, %swap3A_31] : memref<1000x128xf32, #tpu.memory_space<vmem>>, vector<1000x128xf32>
    tpu.vector_store %arg9[%swap3A_30, %swap3A_31], %slice3A_29 {strides = array<i32>} : memref<1000x128xf32, #tpu.memory_space<vmem>>, vector<1000x128xf32>,
    return
  }
  func.func @transform_0(%arg0: i32) -> (i32, i32) {
    %c0_i32 = arith.constant 0 : i32
    %c0_i32_0 = arith.constant 0 : i32
    return %arg0, %c0_i32 : i32, i32
  }
  func.func @transform_1(%arg0: i32) -> (i32, i32) {
    %c0_i32 = arith.constant 0 : i32
    %c0_i32_0 = arith.constant 0 : i32
    return %arg0, %c0_i32 : i32, i32
  }
  func.func @transform_2(%arg0: i32) -> (i32, i32) {
    %c0_i32 = arith.constant 0 : i32
    %c0_i32_0 = arith.constant 0 : i32
    return %arg0, %c0_i32 : i32, i32
  }
  func.func @transform_3(%arg0: i32) -> (i32, i32) {
    %c0_i32 = arith.constant 0 : i32
    %c0_i32_0 = arith.constant 0 : i32
    %c0_i32_1 = arith.constant 0 : i32
    return %c0_i32, %c0_i32_0 : i32, i32
  }
  func.func @transform_4(%arg0: i32) -> (i32, i32) {
    %c0_i32 = arith.constant 0 : i32
    %c0_i32_0 = arith.constant 0 : i32
    %c0_i32_1 = arith.constant 0 : i32
    return %c0_i32, %c0_i32_0 : i32, i32
  }
  func.func @transform_5(%arg0: i32) -> (i32, i32) {
    %c0_i32 = arith.constant 0 : i32
    %c0_i32_0 = arith.constant 0 : i32
    return %arg0, %c0_i32 : i32, i32
  }
  func.func @transform_6(%arg0: i32) -> (i32, i32) {
    %c0_i32 = arith.constant 0 : i32
    %c0_i32_0 = arith.constant 0 : i32
    return %arg0, %c0_i32 : i32, i32
  }
  func.func @transform_7(%arg0: i32) -> (i32, i32) {
    %c0_i32 = arith.constant 0 : i32
    %c0_i32_0 = arith.constant 0 : i32
    return %arg0, %c0_i32 : i32, i32
  }
  func.func @transform_8(%arg0: i32) -> (i32, i32) {
    %c0_i32 = arith.constant 0 : i32
    %c0_i32_0 = arith.constant 0 : i32
    return %arg0, %c0_i32 : i32, i32
  }
}

module attributes {stable_mosaic.version = 14 : i64} {
  func.func @body(%arg0: i32, %arg1: memref<1000x128xf32, #tpu.memory_space<vmem>>, %arg2: memref<1000x128xf32, #tpu.memory_space<vmem>>, %arg3: memref<1000x128xf32, #tpu.memory_space<vmem>>, %arg4: memref<1000x128xf32, #tpu.memory_space<vmem>>, %arg5: memref<256x256xf32, #tpu.memory_space<vmem>>, %arg6: memref<1x256xf32, #tpu.memory_space<vmem>>, %arg7: memref<1000x256xf32, #tpu.memory_space<vmem>>) attributes {dimension_semantics = [#tpu.dimension_semantics<arbitrary>], iteration_bounds = array<i64: 10>, scalar_prefetch = 0 : i64, scratch_operands = 0 : i64, tpu.core_type = #tpu.core_type<tc>, window_params = [{transform_indices = @transform_0, window_bounds = array<i64: 1000, 128>}, {transform_indices = @transform_1, window_bounds = array<i64: 1000, 128>}, {transform_indices = @transform_2, window_bounds = array<i64: 1000, 128>}, {transform_indices = @transform_3, window_bounds = array<i64: 1000, 128>}, {pipeline_mode = #tpu.pipeline_mode<synchronous>, transform_indices = @transform_4, window_bounds = array<i64: 256, 256>}, {pipeline_mode = #tpu.pipeline_mode<synchronous>, transform_indices = @transform_5, window_bounds = array<i64: 1, 256>}, {transform_indices = @transform_6, window_bounds = array<i64: 1000, 256>}]} {
    %get3A = arith.constant 0 : index
    %get3A_0 = arith.constant 0 : index
    %get3A_1 = vector.load %arg1[%get3A, %get3A_0] : memref<1000x128xf32, #tpu.memory_space<vmem>>, vector<1000x128xf32>
    %get3A_2 = arith.constant 0 : index
    %get3A_3 = arith.constant 0 : index
    %get3A_4 = vector.load %arg3[%get3A_2, %get3A_3] : memref<1000x128xf32, #tpu.memory_space<vmem>>, vector<1000x128xf32>
    %add3A = arith.addf %get3A_1, %get3A_4 : vector<1000x128xf32>
    %get3A_5 = arith.constant 0 : index
    %get3A_6 = arith.constant 0 : index
    %get3A_7 = vector.load %arg2[%get3A_5, %get3A_6] : memref<1000x128xf32, #tpu.memory_space<vmem>>, vector<1000x128xf32>
    %get3A_8 = arith.constant 0 : index
    %get3A_9 = arith.constant 0 : index
    %get3A_10 = vector.load %arg4[%get3A_8, %get3A_9] : memref<1000x128xf32, #tpu.memory_space<vmem>>, vector<1000x128xf32>
    %add3A_11 = arith.addf %get3A_7, %get3A_10 : vector<1000x128xf32>
    %concatenate3A = tpu.concatenate %add3A, %add3A_11 in 1 : vector<1000x128xf32>, vector<1000x128xf32> -> vector<1000x256xf32>
    %max3A = arith.constant 0.000000e+00 : f32
    %max3A_12 = vector.broadcast %max3A : f32 to vector<1000x256xf32>
    %max3A_13 = arith.maximumf %concatenate3A, %max3A_12 : vector<1000x256xf32>
    %get3A_14 = arith.constant 0 : index
    %get3A_15 = arith.constant 0 : index
    %get3A_16 = vector.load %arg5[%get3A_14, %get3A_15] : memref<256x256xf32, #tpu.memory_space<vmem>>, vector<256x256xf32>
    %dot_general3A = arith.constant dense<0.000000e+00> : vector<1000x256xf32>
    %dot_general3A_17 = tpu.matmul %max3A_13, %get3A_16, %dot_general3A {dimension_numbers = #tpu.dot_dimension_numbers<[1], [0], [0], [1], [0, 0, 1, 1], [], []>, transpose_lhs_hint = false} : vector<1000x256xf32>, vector<256x256xf32>, vector<1000x256xf32> -> vector<1000x256xf32>
    %get3A_18 = arith.constant 0 : index
    %get3A_19 = arith.constant 0 : index
    %get3A_20 = vector.load %arg6[%get3A_18, %get3A_19] : memref<1x256xf32, #tpu.memory_space<vmem>>, vector<1x256xf32>
    %add3A_21 = vector.broadcast %get3A_20 : vector<1x256xf32> to vector<1000x256xf32>
    %add3A_22 = arith.addf %dot_general3A_17, %add3A_21 : vector<1000x256xf32>
    %swap3A = arith.constant 0 : index
    %swap3A_23 = arith.constant 0 : index
    %swap3A_24 = vector.load %arg7[%swap3A, %swap3A_23] : memref<1000x256xf32, #tpu.memory_space<vmem>>, vector<1000x256xf32>
    tpu.vector_store %arg7[%swap3A, %swap3A_23], %add3A_22 {strides = array<i32>} : memref<1000x256xf32, #tpu.memory_space<vmem>>, vector<1000x256xf32>,
    return
  }
  func.func @transform_0(%arg0: i32) -> (i32, i32) {
    %c0_i32 = arith.constant 0 : i32
    %c0_i32_0 = arith.constant 0 : i32
    return %arg0, %c0_i32 : i32, i32
  }
  func.func @transform_1(%arg0: i32) -> (i32, i32) {
    %c0_i32 = arith.constant 0 : i32
    %c0_i32_0 = arith.constant 0 : i32
    return %arg0, %c0_i32 : i32, i32
  }
  func.func @transform_2(%arg0: i32) -> (i32, i32) {
    %c0_i32 = arith.constant 0 : i32
    %c0_i32_0 = arith.constant 0 : i32
    return %arg0, %c0_i32 : i32, i32
  }
  func.func @transform_3(%arg0: i32) -> (i32, i32) {
    %c0_i32 = arith.constant 0 : i32
    %c0_i32_0 = arith.constant 0 : i32
    return %arg0, %c0_i32 : i32, i32
  }
  func.func @transform_4(%arg0: i32) -> (i32, i32) {
    %c0_i32 = arith.constant 0 : i32
    %c0_i32_0 = arith.constant 0 : i32
    %c0_i32_1 = arith.constant 0 : i32
    return %c0_i32, %c0_i32_0 : i32, i32
  }
  func.func @transform_5(%arg0: i32) -> (i32, i32) {
    %c0_i32 = arith.constant 0 : i32
    %c0_i32_0 = arith.constant 0 : i32
    %c0_i32_1 = arith.constant 0 : i32
    return %c0_i32, %c0_i32_0 : i32, i32
  }
  func.func @transform_6(%arg0: i32) -> (i32, i32) {
    %c0_i32 = arith.constant 0 : i32
    %c0_i32_0 = arith.constant 0 : i32
    return %arg0, %c0_i32 : i32, i32
  }
}

</mosaic_0001>

<sc_bundles>
// kernel: kernel.12.cloned.1.call-start
scs
__scs_entry_jumppad:
0x0: {  	(pc) =	sbr.rel $0x88, $3  }
0x1: {  	(tag) =	ssettag $0x0;
	lr =	simm.s32 $0x1  }
0x2: {  	[smem:$0x3F8E] =	sst lr;
	_ =	strace $0xD0000000  }
0x3: {  	_ = 	snop  }
0x4: {  	_ = 	snop  }
0x5: {  	_ = 	snop  }
0x6: {  	_ = 	snop  }
0x7: {  	_ = 	snop  }
__scs_overlays_trampoline_lowered:
0x8: {  	[smem:$0x3F9D] =	sst s0  }
0x9: {  	[smem:$0x3F9E] =	sst s1  }
0xa: {  	[smem:$0x3F9F] =	sst s2  }
0xb: {  	[smem:$0x3FA0] =	sst s3  }
0xc: {  	[smem:$0x3FA1] =	sst s4  }
0xd: {  	[smem:$0x3FA2] =	sst s5  }
0xe: {  	[smem:$0x3FA3] =	sst s6  }
0xf: {  	[smem:$0x3FA4] =	sst s7  }
0x10: {  	[smem:$0x3FA5] =	sst s8  }
0x11: {  	[smem:$0x3FA6] =	sst s9;
	s0 =	simm.s32 @!p0 $0x0  }
0x12: {  	s1 =	sld [smem:$0x3F8C];
	s0 =	simm.s32 @p0 $0x1  }
0x13: {  	[smem:$0x3FA7] =	sst s0;
	s0 =	simm.s32 @!p1 $0x0  }
0x14: {  	s2 =	sld [smem:$0x3F8B];
	s0 =	simm.s32 @p1 $0x1  }
0x15: {  	[smem:$0x3FA8] =	sst s0;
	s0 =	simm.s32 @!p2 $0x0  }
0x16: {  	s3 =	sld [smem:$0x3FDB];
	s0 =	simm.s32 @p2 $0x1  }
0x17: {  	s4 =	simm.s32 $0x1BF5;
	[smem:$0x3FAA] =	sst s0  }
0x18: {  	s0 =	sld [smem:$0x3F8D];
	_ =	swait.ge [sflag:s4], $0x0  }
0x19: {  	s7 =	sld [smem:$0x3F8E]  }
0x1a: {  	s8 =	sadd.s32 $0xFFFFE003, lr  }
0x1b: {  	s9 =	sadd.s32 $0xFFFFFEF7, lr;
	s5 =	simm.s32 $0xFFFFFFFF;
	p2 =	slt.u32 s8, $0xFFFFF086  }
0x1c: {  	p1 =	slt.u32 s9, $0xF7A;
	s5 =	simm.s32 @!p2 $0x0  }
0x1d: {  	s5 =	simm.s32 @p1 $0x1;
	p0 =	seq.s32 s7, s2  }
0x1e: {  	s7 =	smul.u32 @!p0 $0xF7A, s2;
	p2 =	seq.s32 @!p0 s5, $0x0  }
0x1f: {  	s9 =	smul.u32 $0xF7A, s1;
	s8 =	simm.s32 @!p0 $0x1BF5;
	p2 =	por !p2, p0  }
0x20: {  	[sflag:s8] =	ssyncset.s32 @!p0 $0xFFFFF086;
	s6 =	sadd.s32 @!p0 s3, s7;
	s7 =	simm.s32 @!p0 $0x108  }
0x21: {  	s3 =	sadd.s32 s3, s9;
	s6 =	sadd.s32 @!p0 $0x88, s6;
	s7 =	simm.s32 @p2 $0x1082  }
0x22: {  	[simem:s7], [sflag:s8] =	dma.local @!p0 [hbm:s6], $0xF7A  }
0x23: {  	s9 =	sor.u32 $0xD0000000, s2;
	s6 =	simm.s32 $0x108;
	_ =	swait.ge @!p0 [sflag:s8], $0x0  }
0x24: {  	s3 =	sadd.s32 $0x88, s3;
	s6 =	simm.s32 @!p1 $0x1082;
	[sflag:s4] =	ssyncset.s32 $0xFFFFF086  }
0x25: {  	[simem:s6], [sflag:s4] =	dma.local [hbm:s3], $0xF7A  }
0x26: {  	[smem:$0x3F8E] =	sst s1;
	(tag) =	ssettag s2;
	_ =	strace s9  }
0x27: {  	s1 =	sld [smem:$0x3F9E]  }
0x28: {  	s2 =	sld [smem:$0x3F9F]  }
0x29: {  	s4 =	sld [smem:$0x3FA1]  }
0x2a: {  	p0 =	seq.s32 s5, $0x0;
	s5 =	sld [smem:$0x3FA2]  }
0x2b: {  	s6 =	sld [smem:$0x3FA3]  }
0x2c: {  	s7 =	sld [smem:$0x3FA4]  }
0x2d: {  	s3 =	simm.s32 $0x108;
	s8 =	sld [smem:$0x3FA5]  }
0x2e: {  	s3 =	simm.s32 @!p0 $0x1082;
	s9 =	sld [smem:$0x3FA6]  }
0x2f: {  	lr =	sadd.s32 s0, s3;
	s0 =	sld [smem:$0x3F9D]  }
0x30: {  	s3 =	sld [smem:$0x3FA0]  }
0x31: {  	[smem:$0x3FA9] =	sst s10  }
0x32: {  	s10 =	sld [smem:$0x3FA7];
	_ =	sdelay $0x3  }
0x33: {  	p0 =	seq.s32 s10, $0x1;
	s10 =	sld [smem:$0x3FA9];
	_ =	sdelay $0x3  }
0x34: {  	[smem:$0x3FA9] =	sst s10  }
0x35: {  	s10 =	sld [smem:$0x3FA8];
	_ =	sdelay $0x3  }
0x36: {  	p1 =	seq.s32 s10, $0x1;
	s10 =	sld [smem:$0x3FA9];
	_ =	sdelay $0x3  }
0x37: {  	[smem:$0x3FA9] =	sst s10  }
0x38: {  	s10 =	sld [smem:$0x3FAA]  }
0x39: {  	_ = 	snop;
	(pc) =	sbr.ind lr, $3  }
0x3a: {  	_ = 	snop  }
0x3b: {  	_ = 	snop  }
0x3c: {  	p2 =	seq.s32 s10, $0x1;
	s10 =	sld [smem:$0x3FA9]  }
0x3d: {  	_ =	shalt  }
0x3e: {  	_ =	shalt  }
0x3f: {  	_ =	shalt  }
0x40: {  	_ =	shalt  }
0x41: {  	_ =	shalt  }
0x42: {  	_ =	shalt  }
0x43: {  	_ =	shalt  }
0x44: {  	_ =	shalt  }
0x45: {  	_ =	shalt  }
0x46: {  	_ =	shalt  }
0x47: {  	_ =	shalt  }
0x48: {  	_ =	shalt  }
0x49: {  	_ =	shalt  }
0x4a: {  	_ =	shalt  }
0x4b: {  	_ =	shalt  }
0x4c: {  	_ =	shalt  }
0x4d: {  	_ =	shalt  }
0x4e: {  	_ =	shalt  }
0x4f: {  	_ =	shalt  }
0x50: {  	_ =	shalt  }
0x51: {  	_ =	shalt  }
0x52: {  	_ =	shalt  }
0x53: {  	_ =	shalt  }
0x54: {  	_ =	shalt  }
0x55: {  	_ =	shalt  }
0x56: {  	_ =	shalt  }
0x57: {  	_ =	shalt  }
0x58: {  	_ =	shalt  }
0x59: {  	_ =	shalt  }
0x5a: {  	_ =	shalt  }
0x5b: {  	_ =	shalt  }
0x5c: {  	_ =	shalt  }
0x5d: {  	_ =	shalt  }
0x5e: {  	_ =	shalt  }
0x5f: {  	_ =	shalt  }
0x60: {  	_ =	shalt  }
0x61: {  	_ =	shalt  }
0x62: {  	_ =	shalt  }
0x63: {  	_ =	shalt  }
0x64: {  	_ =	shalt  }
0x65: {  	_ =	shalt  }
0x66: {  	_ =	shalt  }
0x67: {  	_ =	shalt  }
0x68: {  	_ =	shalt  }
0x69: {  	_ =	shalt  }
0x6a: {  	_ =	shalt  }
0x6b: {  	_ =	shalt  }
0x6c: {  	_ =	shalt  }
0x6d: {  	_ =	shalt  }
0x6e: {  	_ =	shalt  }
0x6f: {  	_ =	shalt  }
0x70: {  	_ =	shalt  }
0x71: {  	_ =	shalt  }
0x72: {  	_ =	shalt  }
0x73: {  	_ =	shalt  }
0x74: {  	_ =	shalt  }
0x75: {  	_ =	shalt  }
0x76: {  	_ =	shalt  }
0x77: {  	_ =	shalt  }
0x78: {  	_ =	shalt  }
0x79: {  	_ =	shalt  }
0x7a: {  	_ =	shalt  }
0x7b: {  	_ =	shalt  }
0x7c: {  	_ =	shalt  }
0x7d: {  	_ =	shalt  }
0x7e: {  	_ =	shalt  }
0x7f: {  	_ =	shalt  }
0x80: {  	_ =	shalt  }
0x81: {  	_ =	shalt  }
0x82: {  	_ =	shalt  }
0x83: {  	_ =	shalt  }
0x84: {  	_ =	shalt  }
0x85: {  	_ =	shalt  }
0x86: {  	_ =	shalt  }
0x87: {  	_ =	shalt  }
.Lfunc_end0:
.L_simem_size_0:
called_computation_lowered:
.L_overlay_start_0:
0x88: {  	s2 =	sld [smem:$0x3FD9]  }
0x89: {  	s3 =	sld [smem:$0x3FFE];
	_ =	sdelay $0x1  }
0x8a: {  	s1 =	srdreg.scid  }
0x8b: {  	s0 =	sand.u32 $0x1, s1  }
0x8c: {  	s14 =	sshll.u32 s0, $0xA;
	s2 =	sadd.s32 s3, s2  }
0x8d: {  	s2 =	sadd.s32 s2, s14  }
0x8e: {  	[smem:$0x3FB5] =	sst s2  }
0x8f: {  	_ = 	snop  }
0x90: {  	s2 =	sld [smem:$0x3FD0];
	_ =	sdelay $0x2  }
0x91: {  	s15 =	simm.s32 $0xA;
	s4 =	simm.s32 $0x10  }
0x92: {  	[smem:s4], [sflag:s15] =	dma.local [hbm:s2], $0x1  }
0x93: {  	_ =	swait.eq [sflag:s15], $0x1  }
0x94: {  	[sflag:s15] =	ssyncset.done $0x0  }
0x95: {  	[sflag:s15] =	ssyncadd.s32 $0xFFFFFFFF  }
0x96: {  	s16 =	sld [smem:$0x10];
	(tm) =	ssettm $0x1  }
0x97: {  	s17 =	sld [smem:$0x3FFB];
	_ =	sdelay $0x3  }
0x98: {  	_ =	strace s17  }
0x99: {  	s3 =	sld [smem:$0x3FFC];
	_ =	sdelay $0x3  }
0x9a: {  	_ =	strace s3  }
0x9b: {  	s3 =	sld [smem:$0x3FFD];
	_ =	sdelay $0x3  }
0x9c: {  	_ =	strace s3  }
0x9d: {  	_ =	strace $0x8FFFFFFF  }
0x9e: {  	s18 =	sld [smem:$0x3FDB];
	_ =	sdelay $0x1  }
0x9f: {  	s19 =	simm.s32 $_scs_section_size  }
0xa0: {  	s5 =	simm.s32 $_size__tile_overlayer_lowered;
	s6 =	simm.s32 $_tile_overlayer_lowered  }
0xa1: {  	s22 =	simm.s32 $0x1BFF;
	s21 =	sshll.u32 s6, $0x1;
	s3 =	sadd.s32 s19, s18  }
0xa2: {  	s7 =	simm.s32 $0x0;
	s20 =	sshll.u32 s5, $0x1;
	s5 =	sadd.s32 s21, s3  }
0xa3: {  	[timem:s7], [sflag:s22] =	dma.local [hbm:s5], s20  }
0xa4: {  	_ =	swait.ge [sflag:s22], s20  }
0xa5: {  	s4 =	ssub.s32 $0x0, s20;
	[sflag:s22] =	ssyncset.done $0x0  }
0xa6: {  	[sflag:s22] =	ssyncadd.s32 s4;
	_ =	sdelay $0x1  }
0xa7: {  	s23 =	simm.s32 $0x1B8B  }
0xa8: {  	_ =	swait.ge [sflag:s23], $0x1  }
0xa9: {  	[sflag:s23] =	ssyncset.done $0x0  }
0xaa: {  	s25 =	simm.s32 $0x1B8E;
	s24 =	sld [smem:$0x3FFE];
	[sflag:s23] =	ssyncadd.s32 $0xFFFFFFFF  }
0xab: {  	s26 =	simm.s32 $execute0_lowered;
	[smem:$0x3FD2] =	sst s25  }
0xac: {  	s5 =	sshll.u32 s26, $0x1;
	_ =	strace $0x80000046;
	[dreg:$0x1] =	wrdreg $0xFFFFFFFF  }
0xad: {  	s28 =	simm.s32 $_size_execute0_lowered;
	s3 =	sadd.s32 s3, s5;
	[dreg:$0x0] =	wrdreg $0x0  }
0xae: {  	s5 =	sshll.u32 s28, $0x1;
	[dreg:$0x2] =	wrdreg s3  }
0xaf: {  	[dreg:$0x3] =	wrdreg s5  }
0xb0: {  	[dreg:$0x4] =	wrdreg $0xC0  }
0xb1: {  	_ =	task [dreg:s7], $0x5FFFF  }
0xb2: {  	[dreg:$0x1] =	wrdreg $0xFFFFFFFF  }
0xb3: {  	[dreg:$0x0] =	wrdreg $0x60  }
0xb4: {  	[dreg:$0x2] =	wrdreg s16  }
0xb5: {  	[dreg:$0x3] =	wrdreg s24  }
0xb6: {  	[dreg:$0x4] =	wrdreg $0x0  }
0xb7: {  	[dreg:$0x5] =	wrdreg $0x9  }
0xb8: {  	_ =	task.clear_ibuf [dreg:s7], $0x6FFFF;
	_ =	strace $0x90000046  }
0xb9: {  	s29 =	simm.s32 $0x9;
	_ =	strace $0x80000048  }
0xba: {  	_ =	swait.ge [sflag:s29], $0x1  }
0xbb: {  	[sflag:s29] =	ssyncadd.s32 $0xFFFFFFFF  }
0xbc: {  	_ =	strace $0x90000048  }
0xbd: {  	_ =	sfence  }
0xbe: {  	s30 =	sld [smem:$0x0];
	_ =	sdelay $0x2  }
0xbf: {  	s31 =	sshll.u32 s1, $0xD;
	s1 =	sshrl.u32 s1, $0x2  }
0xc0: {  	s3 =	sand.u32 $0x4000, s31;
	s1 =	sadd.s32 s1, s30  }
0xc1: {  	s0 =	sor.u32 s3, s0;
	s1 =	sshll.u32 s1, $0x11  }
0xc2: {  	s0 =	sor.u32 s1, s0  }
0xc3: {  	s0 =	sadd.s32 $0x8F2B, s0  }
0xc4: {  	[sflag:s0] =	ssyncadd.remote.s32 $0x1  }
0xc5: {  	_ =	sfence.sel $0xFFFF  }
0xc6: {  	[dreg:$0x0] =	wrdreg $0xFFFFFFFF;
	(pc) =	sbr.abs _section_cstart, $3  }
0xc7: {  	[dreg:$0x1] =	wrdreg $0xFFFFFFFF  }
0xc8: {  	_ =	task.clear_ibuf [dreg:s7], $0x2FFFF;
	_ =	strace $0x9FFFFFFF  }
0xc9: {  	(tm) =	ssettm $0x7FFFFFFF  }
tec
execute0_lowered:
.L_overlay_start_1:
0x0: {  	(tag) =	ssettag $0x1  }
0x1: {  	s1 =	rddreg [dreg:$0x0]  }
0x2: {  	s9 =	rddreg [dreg:$0x1]  }
0x3: {  	s2 =	rddreg [dreg:$0x2];
	s4 =	simm.s32 $0x0;
	s3 =	stileid.u32  }
0x4: {  	s11 =	srdreg.scid;
	s21 =	simm.s32 $0x13C00;
	s22 =	simm.s32 $0x13C80  }
0x5: {  	s23 =	simm.s32 $0x80;
	s24 =	simm.s32 $0x13D00;
	s25 =	simm.s32 $0x1  }
0x6: {  	[smem:$0x7FF] =	sst s4;
	s5 =	sadd.s32 $0x60400, s9;
	s6 =	sadd.s32 $0x12000, s9  }
0x7: {  	s8 =	smul.u32 $0x4F0, s3;
	s7 =	sadd.s32 $0x39200, s9;
	s10 =	sshll.u32 s3, $0x4  }
0x8: {  	s19 =	sand.u32 $0x1, s11;
	s26 =	sshll.u32 s3, $0xB;
	s12 =	smul.u32 $0x4F000, s3  }
0x9: {  	s30 =	sshll.u32 s3, $0x6;
	s31 =	ssub.s32 $0x37, s3;
	_ =	strace $0x80000047  }
0xa: {  	s14 =	sadd.s32 s10, s9;
	s11 =	ssub.s32 $0x2, s19;
	s18 =	sadd.s32 s26, s9  }
0xb: {  	s10 =	sshrl.u32 s31, $0x4;
	p0 =	sne.s32 s19, $0x0;
	s26 =	simm.s32 $0x0  }
0xc: {  	s13 =	sadd.s32 s8, s9;
	s8 =	sadd.s32 $0x87600, s9;
	s28 =	sshrl.u32 s11, $0x1  }
.Ltmp0:
0xd: {  	s29 =	sshrl.u32 s12, $0x2;
	s9 =	sor.u32 $0x1C02, s30;
	(pc) =	sbr.rel .LBB2_1-.Ltmp0, $4  }
0xe: {  	s14 =	sadd.s32 $0xCC00, s14;
	s15 =	sadd.s32 $0x9DE00, s18;
	s16 =	sadd.s32 $0xC5E00, s18  }
0xf: {  	s17 =	sadd.s32 $0x89E00, s18;
	s18 =	sadd.s32 $0xB1E00, s18;
	s11 =	ssub.s32 s11, s28  }
0x10: {  	s20 =	sadd.s32 s29, s2;
	s12 =	sadd.s32 $0xD000, s13;
	s13 =	sadd.s32 $0x7C00, s13  }
0x11: {  	s11 =	smax.u32 s11, $0x1;
	s19 =	sshrl.u32 s20, $0x3;
	s20 =	simm.s32 $0x2  }
.LBB2_11:
0x12: {  	[sflag:s20] =	ssyncadd.s32 $0xFFFFC000  }
.LBB2_12:
0x13: {  	s26 =	sadd.s32 $0x1, s26  }
0x14: {  	p1 =	sne.s32 s26, s11  }
.Ltmp1:
0x15: {  	_ = 	snop;
	(pc) =	sbr.rel @!p1 .LBB2_13-.Ltmp1, $1  }
0x16: {  	_ =	sdelay $0x3  }
.LBB2_1:
0x17: {  	[spmem:s19], [sflag:s9] =	dma.local [hbm:s8], $0x2780  }
.Ltmp2:
0x18: {  	_ =	swait.ge [sflag:s20], $0x2780;
	(pc) =	sbr.rel @p0 .LBB2_7-.Ltmp2, $3  }
0x19: {  	[sflag:s20] =	ssyncset.done $0x0  }
0x1a: {  	[sflag:s20] =	ssyncadd.s32 $0xFFFFD880  }
0x1b: {  	[bflag:$0x0] =	sbarrier.arrive $0xFFFF;
	_ =	sdelay $0x1  }
0x1c: {  	s28 =	sadd.s32 $0x0, s13  }
0x1d: {  	[tilespmem:s21], [sflag:$0x2] =	stream.linear.gather [hbm4b:s28+s4], $0x80, $0x38;
	[tilespmem:$0x17D00] =	vst v63  }
0x1e: {  	_ =	swait.ge [sflag:s20], $0x80  }
0x1f: {  	[sflag:s20] =	ssyncset.done $0x0  }
0x20: {  	s28 =	sadd.s32 $0x0, s12;
	[sflag:s20] =	ssyncadd.s32 $0xFFFFFF80  }
0x21: {  	[tilespmem:s22], [sflag:$0x2] =	stream.linear.gather [hbm4b:s28+s4], $0x80, $0x38;
	[tilespmem:$0x17D00] =	vst v63  }
0x22: {  	_ =	swait.ge [sflag:s20], $0x80  }
0x23: {  	[sflag:s20] =	ssyncset.done $0x0  }
0x24: {  	[sflag:s20] =	ssyncadd.s32 $0xFFFFFF80  }
0x25: {  	[tilespmem:s24], [sflag:$0x1] =	stream.indirect.gather [hbm4b:s1+s23], $0x80, s21, s23, $0xb8;
	[tilespmem:$0x17D00] =	vst v63  }
0x26: {  	_ =	swait.ge [sflag:s25], $0x4000  }
0x27: {  	[sflag:s25] =	ssyncset.done $0x0  }
0x28: {  	[sflag:s25] =	ssyncadd.s32 $0xFFFFC000  }
0x29: {  	[spmem:s2] =	stream.indirect.scatter.add.f32 [tilespmem:s24], [sflag:$0x2], $0x80, s22, s23, $0xb8;
	[tilespmem:$0x17D00] =	vst v63  }
0x2a: {  	_ =	swait.ge [sflag:s20], $0x4000  }
0x2b: {  	s29 =	simm.s32 $0x20;
	s28 =	simm.s32 $0x10;
	[sflag:s20] =	ssyncset.done $0x0  }
.LBB2_3:
0x2c: {  	s30 =	sadd.s32 s28, s13  }
0x2d: {  	[sflag:s20] =	ssyncadd.s32 $0xFFFFC000;
	s31 =	smov.u32 s29;
	s0 =	sadd.s32 $0x10, s29  }
0x2e: {  	[tilespmem:s21], [sflag:$0x2] =	stream.linear.gather [hbm4b:s30+s4], $0x80, $0x38;
	[tilespmem:$0x17D00] =	vst v63  }
0x2f: {  	p1 =	sne.s32 s29, $0x4E0;
	_ =	swait.ge [sflag:s20], $0x80  }
0x30: {  	[sflag:s20] =	ssyncset.done $0x0  }
0x31: {  	s29 =	sadd.s32 s28, s12;
	s28 =	smov.u32 s31;
	[sflag:s20] =	ssyncadd.s32 $0xFFFFFF80  }
0x32: {  	[tilespmem:s22], [sflag:$0x2] =	stream.linear.gather [hbm4b:s29+s4], $0x80, $0x38;
	[tilespmem:$0x17D00] =	vst v63  }
0x33: {  	_ =	swait.ge [sflag:s20], $0x80  }
0x34: {  	[sflag:s20] =	ssyncset.done $0x0  }
0x35: {  	[sflag:s20] =	ssyncadd.s32 $0xFFFFFF80  }
0x36: {  	[tilespmem:s24], [sflag:$0x1] =	stream.indirect.gather [hbm4b:s1+s23], $0x80, s21, s23, $0xb8;
	[tilespmem:$0x17D00] =	vst v63  }
0x37: {  	_ =	swait.ge [sflag:s25], $0x4000  }
.Ltmp3:
0x38: {  	[sflag:s25] =	ssyncset.done $0x0;
	(pc) =	sbr.rel @p1 .LBB2_3-.Ltmp3, $4  }
0x39: {  	[sflag:s25] =	ssyncadd.s32 $0xFFFFC000  }
0x3a: {  	[spmem:s2] =	stream.indirect.scatter.add.f32 [tilespmem:s24], [sflag:$0x2], $0x80, s22, s23, $0xb8;
	[tilespmem:$0x17D00] =	vst v63  }
0x3b: {  	_ =	swait.ge [sflag:s20], $0x4000  }
0x3c: {  	s29 =	smov.u32 s0;
	[sflag:s20] =	ssyncset.done $0x0  }
0x3d: {  	s0 =	sadd.s32 s28, s13;
	[sflag:s20] =	ssyncadd.s32 $0xFFFFC000  }
0x3e: {  	[tilespmem:s21], [sflag:$0x2] =	stream.linear.gather [hbm4b:s0+s4], $0x80, $0x38;
	[tilespmem:$0x17D00] =	vst v63  }
0x3f: {  	_ =	swait.ge [sflag:s20], $0x80  }
0x40: {  	[sflag:s20] =	ssyncset.done $0x0  }
0x41: {  	s0 =	sadd.s32 s28, s12;
	[sflag:s20] =	ssyncadd.s32 $0xFFFFFF80  }
0x42: {  	[tilespmem:s22], [sflag:$0x2] =	stream.linear.gather [hbm4b:s0+s4], $0x80, $0x38;
	[tilespmem:$0x17D00] =	vst v63  }
0x43: {  	_ =	swait.ge [sflag:s20], $0x80  }
0x44: {  	[sflag:s20] =	ssyncset.done $0x0  }
0x45: {  	[sflag:s20] =	ssyncadd.s32 $0xFFFFFF80  }
0x46: {  	[tilespmem:s24], [sflag:$0x1] =	stream.indirect.gather [hbm4b:s1+s23], $0x80, s21, s23, $0xb8;
	[tilespmem:$0x17D00] =	vst v63  }
0x47: {  	_ =	swait.ge [sflag:s25], $0x4000  }
0x48: {  	[sflag:s25] =	ssyncset.done $0x0  }
0x49: {  	[sflag:s25] =	ssyncadd.s32 $0xFFFFC000  }
0x4a: {  	[spmem:s2] =	stream.indirect.scatter.add.f32 [tilespmem:s24], [sflag:$0x2], $0x80, s22, s23, $0xb8;
	[tilespmem:$0x17D00] =	vst v63  }
0x4b: {  	_ =	swait.ge [sflag:s20], $0x4000  }
0x4c: {  	[sflag:s20] =	ssyncset.done $0x0  }
0x4d: {  	[sflag:s20] =	ssyncadd.s32 $0xFFFFC000  }
0x4e: {  	[bflag:$0x0] =	sbarrier.arrive $0xFFFF  }
0x4f: {  	[tilespmem:s21], [sflag:$0x2] =	stream.linear.gather [hbm4b:s14+s4], $0x80, $0x38;
	[tilespmem:$0x17D00] =	vst v63  }
0x50: {  	_ =	swait.ge [sflag:s20], $0x80  }
0x51: {  	[sflag:s20] =	ssyncset.done $0x0  }
0x52: {  	[sflag:s20] =	ssyncadd.s32 $0xFFFFFF80  }
0x53: {  	[tilespmem:s24], [sflag:$0x1] =	stream.indirect.gather [hbm4b:s6+s23], $0x80, s21, s23, $0xb8;
	[tilespmem:$0x17D00] =	vst v63  }
0x54: {  	_ =	swait.ge [sflag:s25], $0x4000  }
0x55: {  	[sflag:s25] =	ssyncset.done $0x0  }
0x56: {  	[sflag:s25] =	ssyncadd.s32 $0xFFFFC000  }
0x57: {  	[hbm4b:s17+s4] =	stream.linear.scatter [tilespmem:s24], [sflag:$0x2], $0x4000, $0x38;
	[tilespmem:$0x17D00] =	vst v63  }
0x58: {  	_ =	swait.ge [sflag:s20], $0x4000  }
0x59: {  	[sflag:s20] =	ssyncset.done $0x0  }
0x5a: {  	[sflag:s20] =	ssyncadd.s32 $0xFFFFC000  }
0x5b: {  	[tilespmem:s24], [sflag:$0x1] =	stream.indirect.gather [spmem:s2], $0x80, s21, s23, $0xb8;
	[tilespmem:$0x17D00] =	vst v63  }
0x5c: {  	p1 =	seq.s32 s10, $0x1;
	_ =	swait.ge [sflag:s25], $0x4000  }
.Ltmp4:
0x5d: {  	[sflag:s25] =	ssyncset.done $0x0;
	(pc) =	sbr.rel @p1 .LBB2_6-.Ltmp4, $4  }
0x5e: {  	[sflag:s25] =	ssyncadd.s32 $0xFFFFC000  }
0x5f: {  	[hbm4b:s18+s4] =	stream.linear.scatter [tilespmem:s24], [sflag:$0x2], $0x4000, $0x38;
	[tilespmem:$0x17D00] =	vst v63  }
0x60: {  	s29 =	sadd.s32 $0x8000, s18;
	s30 =	smov.u32 s14;
	_ =	swait.ge [sflag:s20], $0x4000  }
0x61: {  	s31 =	smov.u32 s17;
	s28 =	sadd.s32 $0xFFFFFFFF, s10;
	[sflag:s20] =	ssyncset.done $0x0  }
.LBB2_5:
0x62: {  	[sflag:s20] =	ssyncadd.s32 $0xFFFFC000;
	s30 =	sadd.s32 $0x100, s30;
	s31 =	sadd.s32 $0x8000, s31  }
0x63: {  	[tilespmem:s21], [sflag:$0x2] =	stream.linear.gather [hbm4b:s30+s4], $0x80, $0x38;
	[tilespmem:$0x17D00] =	vst v63  }
0x64: {  	p1 =	seq.s32 s28, $0x1;
	s28 =	sadd.s32 $0xFFFFFFFF, s28;
	_ =	swait.ge [sflag:s20], $0x80  }
0x65: {  	[sflag:s20] =	ssyncset.done $0x0  }
0x66: {  	[sflag:s20] =	ssyncadd.s32 $0xFFFFFF80  }
0x67: {  	[tilespmem:s24], [sflag:$0x1] =	stream.indirect.gather [hbm4b:s6+s23], $0x80, s21, s23, $0xb8;
	[tilespmem:$0x17D00] =	vst v63  }
0x68: {  	_ =	swait.ge [sflag:s25], $0x4000  }
0x69: {  	[sflag:s25] =	ssyncset.done $0x0  }
0x6a: {  	[sflag:s25] =	ssyncadd.s32 $0xFFFFC000  }
0x6b: {  	[hbm4b:s31+s4] =	stream.linear.scatter [tilespmem:s24], [sflag:$0x2], $0x4000, $0x38;
	[tilespmem:$0x17D00] =	vst v63  }
0x6c: {  	_ =	swait.ge [sflag:s20], $0x4000  }
0x6d: {  	[sflag:s20] =	ssyncset.done $0x0  }
0x6e: {  	[sflag:s20] =	ssyncadd.s32 $0xFFFFC000  }
0x6f: {  	[tilespmem:s24], [sflag:$0x1] =	stream.indirect.gather [spmem:s2], $0x80, s21, s23, $0xb8;
	[tilespmem:$0x17D00] =	vst v63  }
0x70: {  	_ =	swait.ge [sflag:s25], $0x4000  }
.Ltmp5:
0x71: {  	[sflag:s25] =	ssyncset.done $0x0;
	(pc) =	sbr.rel @!p1 .LBB2_5-.Ltmp5, $4  }
0x72: {  	[sflag:s25] =	ssyncadd.s32 $0xFFFFC000  }
0x73: {  	[hbm4b:s29+s4] =	stream.linear.scatter [tilespmem:s24], [sflag:$0x2], $0x4000, $0x38;
	[tilespmem:$0x17D00] =	vst v63  }
0x74: {  	_ =	swait.ge [sflag:s20], $0x4000  }
0x75: {  	s29 =	sadd.s32 $0x8000, s29;
	[sflag:s20] =	ssyncset.done $0x0  }
.LBB2_6:
.Ltmp6:
0x76: {  	(pc) =	sbr.rel .LBB2_12-.Ltmp6, $2  }
0x77: {  	_ =	sdelay $0x2  }
0x78: {  	[sflag:s20] =	ssyncadd.s32 $0xFFFFC000  }
.LBB2_7:
0x79: {  	s0 =	sadd.s32 $0x0, s13  }
0x7a: {  	[tilespmem:s21], [sflag:$0x2] =	stream.linear.gather [hbm4b:s0+s4], $0x80, $0x38;
	[tilespmem:$0x17D00] =	vst v63  }
0x7b: {  	_ =	swait.ge [sflag:s20], $0x80  }
0x7c: {  	[sflag:s20] =	ssyncset.done $0x0  }
0x7d: {  	s31 =	sadd.s32 $0x0, s12;
	[sflag:s20] =	ssyncadd.s32 $0xFFFFFF80  }
0x7e: {  	[tilespmem:s22], [sflag:$0x2] =	stream.linear.gather [hbm4b:s31+s4], $0x80, $0x38;
	[tilespmem:$0x17D00] =	vst v63  }
0x7f: {  	_ =	swait.ge [sflag:s20], $0x80  }
0x80: {  	[sflag:s20] =	ssyncset.done $0x0  }
0x81: {  	[sflag:s20] =	ssyncadd.s32 $0xFFFFFF80  }
0x82: {  	[tilespmem:s24], [sflag:$0x1] =	stream.indirect.gather [hbm4b:s5+s23], $0x80, s21, s23, $0xb8;
	[tilespmem:$0x17D00] =	vst v63  }
0x83: {  	_ =	swait.ge [sflag:s25], $0x4000  }
0x84: {  	[sflag:s25] =	ssyncset.done $0x0  }
0x85: {  	[sflag:s25] =	ssyncadd.s32 $0xFFFFC000  }
0x86: {  	[spmem:s2] =	stream.indirect.scatter.add.f32 [tilespmem:s24], [sflag:$0x2], $0x80, s22, s23, $0xb8;
	[tilespmem:$0x17D00] =	vst v63  }
0x87: {  	_ =	swait.ge [sflag:s20], $0x4000  }
0x88: {  	s28 =	simm.s32 $0x10;
	s29 =	simm.s32 $0x20;
	[sflag:s20] =	ssyncset.done $0x0  }
.LBB2_8:
0x89: {  	s0 =	sadd.s32 s28, s13  }
0x8a: {  	[sflag:s20] =	ssyncadd.s32 $0xFFFFC000;
	s30 =	smov.u32 s29;
	s31 =	sadd.s32 $0x10, s29  }
0x8b: {  	[tilespmem:s21], [sflag:$0x2] =	stream.linear.gather [hbm4b:s0+s4], $0x80, $0x38;
	[tilespmem:$0x17D00] =	vst v63  }
0x8c: {  	p1 =	seq.s32 s29, $0x4E0;
	_ =	swait.ge [sflag:s20], $0x80  }
0x8d: {  	[sflag:s20] =	ssyncset.done $0x0  }
0x8e: {  	s0 =	sadd.s32 s28, s12;
	s28 =	smov.u32 s30;
	[sflag:s20] =	ssyncadd.s32 $0xFFFFFF80  }
0x8f: {  	[tilespmem:s22], [sflag:$0x2] =	stream.linear.gather [hbm4b:s0+s4], $0x80, $0x38;
	[tilespmem:$0x17D00] =	vst v63  }
0x90: {  	_ =	swait.ge [sflag:s20], $0x80  }
0x91: {  	[sflag:s20] =	ssyncset.done $0x0  }
0x92: {  	[sflag:s20] =	ssyncadd.s32 $0xFFFFFF80  }
0x93: {  	[tilespmem:s24], [sflag:$0x1] =	stream.indirect.gather [hbm4b:s5+s23], $0x80, s21, s23, $0xb8;
	[tilespmem:$0x17D00] =	vst v63  }
0x94: {  	_ =	swait.ge [sflag:s25], $0x4000  }
.Ltmp7:
0x95: {  	[sflag:s25] =	ssyncset.done $0x0;
	(pc) =	sbr.rel @!p1 .LBB2_8-.Ltmp7, $4  }
0x96: {  	[sflag:s25] =	ssyncadd.s32 $0xFFFFC000  }
0x97: {  	[spmem:s2] =	stream.indirect.scatter.add.f32 [tilespmem:s24], [sflag:$0x2], $0x80, s22, s23, $0xb8;
	[tilespmem:$0x17D00] =	vst v63  }
0x98: {  	_ =	swait.ge [sflag:s20], $0x4000  }
0x99: {  	s29 =	smov.u32 s31;
	[sflag:s20] =	ssyncset.done $0x0  }
0x9a: {  	s0 =	sadd.s32 s28, s13;
	[sflag:s20] =	ssyncadd.s32 $0xFFFFC000  }
0x9b: {  	[tilespmem:s21], [sflag:$0x2] =	stream.linear.gather [hbm4b:s0+s4], $0x80, $0x38;
	[tilespmem:$0x17D00] =	vst v63  }
0x9c: {  	_ =	swait.ge [sflag:s20], $0x80  }
0x9d: {  	[sflag:s20] =	ssyncset.done $0x0  }
0x9e: {  	s0 =	sadd.s32 s28, s12;
	[sflag:s20] =	ssyncadd.s32 $0xFFFFFF80  }
0x9f: {  	[tilespmem:s22], [sflag:$0x2] =	stream.linear.gather [hbm4b:s0+s4], $0x80, $0x38;
	[tilespmem:$0x17D00] =	vst v63  }
0xa0: {  	_ =	swait.ge [sflag:s20], $0x80  }
0xa1: {  	[sflag:s20] =	ssyncset.done $0x0  }
0xa2: {  	[sflag:s20] =	ssyncadd.s32 $0xFFFFFF80  }
0xa3: {  	[tilespmem:s24], [sflag:$0x1] =	stream.indirect.gather [hbm4b:s5+s23], $0x80, s21, s23, $0xb8;
	[tilespmem:$0x17D00] =	vst v63  }
0xa4: {  	_ =	swait.ge [sflag:s25], $0x4000  }
0xa5: {  	[sflag:s25] =	ssyncset.done $0x0  }
0xa6: {  	[sflag:s25] =	ssyncadd.s32 $0xFFFFC000  }
0xa7: {  	[spmem:s2] =	stream.indirect.scatter.add.f32 [tilespmem:s24], [sflag:$0x2], $0x80, s22, s23, $0xb8;
	[tilespmem:$0x17D00] =	vst v63  }
0xa8: {  	_ =	swait.ge [sflag:s20], $0x4000  }
0xa9: {  	[sflag:s20] =	ssyncset.done $0x0  }
0xaa: {  	[sflag:s20] =	ssyncadd.s32 $0xFFFFC000  }
0xab: {  	[bflag:$0x0] =	sbarrier.arrive $0xFFFF  }
0xac: {  	[tilespmem:s21], [sflag:$0x2] =	stream.linear.gather [hbm4b:s14+s4], $0x80, $0x38;
	[tilespmem:$0x17D00] =	vst v63  }
0xad: {  	_ =	swait.ge [sflag:s20], $0x80  }
0xae: {  	[sflag:s20] =	ssyncset.done $0x0  }
0xaf: {  	[sflag:s20] =	ssyncadd.s32 $0xFFFFFF80  }
0xb0: {  	[tilespmem:s24], [sflag:$0x1] =	stream.indirect.gather [hbm4b:s7+s23], $0x80, s21, s23, $0xb8;
	[tilespmem:$0x17D00] =	vst v63  }
0xb1: {  	_ =	swait.ge [sflag:s25], $0x4000  }
0xb2: {  	[sflag:s25] =	ssyncset.done $0x0  }
0xb3: {  	[sflag:s25] =	ssyncadd.s32 $0xFFFFC000  }
0xb4: {  	[hbm4b:s15+s4] =	stream.linear.scatter [tilespmem:s24], [sflag:$0x2], $0x4000, $0x38;
	[tilespmem:$0x17D00] =	vst v63  }
0xb5: {  	_ =	swait.ge [sflag:s20], $0x4000  }
0xb6: {  	[sflag:s20] =	ssyncset.done $0x0  }
0xb7: {  	[sflag:s20] =	ssyncadd.s32 $0xFFFFC000  }
0xb8: {  	[tilespmem:s24], [sflag:$0x1] =	stream.indirect.gather [spmem:s2], $0x80, s21, s23, $0xb8;
	[tilespmem:$0x17D00] =	vst v63  }
0xb9: {  	p1 =	sne.s32 s10, $0x1;
	_ =	swait.ge [sflag:s25], $0x4000  }
.Ltmp8:
0xba: {  	[sflag:s25] =	ssyncset.done $0x0;
	(pc) =	sbr.rel @!p1 .LBB2_11-.Ltmp8, $4  }
0xbb: {  	[sflag:s25] =	ssyncadd.s32 $0xFFFFC000  }
0xbc: {  	[hbm4b:s16+s4] =	stream.linear.scatter [tilespmem:s24], [sflag:$0x2], $0x4000, $0x38;
	[tilespmem:$0x17D00] =	vst v63  }
0xbd: {  	s29 =	sadd.s32 $0x8000, s16;
	s30 =	smov.u32 s14;
	_ =	swait.ge [sflag:s20], $0x4000  }
0xbe: {  	s31 =	smov.u32 s15;
	s28 =	sadd.s32 $0xFFFFFFFF, s10;
	[sflag:s20] =	ssyncset.done $0x0  }
.LBB2_10:
0xbf: {  	[sflag:s20] =	ssyncadd.s32 $0xFFFFC000;
	s30 =	sadd.s32 $0x100, s30;
	s31 =	sadd.s32 $0x8000, s31  }
0xc0: {  	[tilespmem:s21], [sflag:$0x2] =	stream.linear.gather [hbm4b:s30+s4], $0x80, $0x38;
	[tilespmem:$0x17D00] =	vst v63  }
0xc1: {  	p1 =	sne.s32 s28, $0x1;
	s28 =	sadd.s32 $0xFFFFFFFF, s28;
	_ =	swait.ge [sflag:s20], $0x80  }
0xc2: {  	[sflag:s20] =	ssyncset.done $0x0  }
0xc3: {  	[sflag:s20] =	ssyncadd.s32 $0xFFFFFF80  }
0xc4: {  	[tilespmem:s24], [sflag:$0x1] =	stream.indirect.gather [hbm4b:s7+s23], $0x80, s21, s23, $0xb8;
	[tilespmem:$0x17D00] =	vst v63  }
0xc5: {  	_ =	swait.ge [sflag:s25], $0x4000  }
0xc6: {  	[sflag:s25] =	ssyncset.done $0x0  }
0xc7: {  	[sflag:s25] =	ssyncadd.s32 $0xFFFFC000  }
0xc8: {  	[hbm4b:s31+s4] =	stream.linear.scatter [tilespmem:s24], [sflag:$0x2], $0x4000, $0x38;
	[tilespmem:$0x17D00] =	vst v63  }
0xc9: {  	_ =	swait.ge [sflag:s20], $0x4000  }
0xca: {  	[sflag:s20] =	ssyncset.done $0x0  }
0xcb: {  	[sflag:s20] =	ssyncadd.s32 $0xFFFFC000  }
0xcc: {  	[tilespmem:s24], [sflag:$0x1] =	stream.indirect.gather [spmem:s2], $0x80, s21, s23, $0xb8;
	[tilespmem:$0x17D00] =	vst v63  }
0xcd: {  	_ =	swait.ge [sflag:s25], $0x4000  }
.Ltmp9:
0xce: {  	[sflag:s25] =	ssyncset.done $0x0;
	(pc) =	sbr.rel @p1 .LBB2_10-.Ltmp9, $4  }
0xcf: {  	[sflag:s25] =	ssyncadd.s32 $0xFFFFC000  }
0xd0: {  	[hbm4b:s29+s4] =	stream.linear.scatter [tilespmem:s24], [sflag:$0x2], $0x4000, $0x38;
	[tilespmem:$0x17D00] =	vst v63  }
0xd1: {  	_ =	swait.ge [sflag:s20], $0x4000  }
0xd2: {  	s29 =	sadd.s32 $0x8000, s29;
	[sflag:s20] =	ssyncset.done $0x0  }
.Ltmp10:
0xd3: {  	_ = 	snop;
	(pc) =	sbr.rel .LBB2_11-.Ltmp10, $1  }
0xd4: {  	_ =	sdelay $0x3  }
.LBB2_13:
0xd5: {  	_ =	sfence.sel $0x180000  }
0xd6: {  	[bflag:$0x0] =	sbarrier.arrive $0xFFFF  }
0xd7: {  	_ =	strace $0x90000047  }
0xd8: {  	[bflag:$0x2] =	sbarrier.arrive $0xFFFF  }
0xd9: {  	p0 =	sne.s32 s3, $0x0;
	s0 =	rddreg [dreg:$0x3]  }
0xda: {  	s0 =	sadd.s32 @!p0 $0x100000, s0  }
0xdb: {  	[sflag:s0] =	ssyncadd.tile.s32 @!p0 $0x1;
	_ =	shalt  }
.Lfunc_end2:
_tile_overlayer_lowered:
.L_overlay_start_2:
0xdc: {  	(tag) =	ssettag $0x2  }
0xdd: {  	s0 =	rddreg [dreg:$0x0];
	s2 =	stileid.u32  }
0xde: {  	s1 =	rddreg [dreg:$0x1];
	p0 =	sne.s32 s2, $0x0  }
0xdf: {  	s3 =	rddreg [dreg:$0x2];
	[bflag:$0x3] =	sbarrier.arrive $0xFFFF;
	s2 =	simm.s32 @!p0 $0x1C02  }
0xe0: {  	[timem:s3], [sflag:s2] =	dma.local @!p0 [hbm:s0], s1  }
0xe1: {  	s0 =	simm.s32 @!p0 $0x2  }
0xe2: {  	_ =	swait.ge @!p0 [sflag:s0], s1  }
0xe3: {  	s1 =	ssub.s32 @!p0 $0x0, s1;
	[sflag:s0] =	ssyncset.done @!p0 $0x0  }
0xe4: {  	[sflag:s0] =	ssyncadd.s32 @!p0 s1  }
0xe5: {  	[bflag:$0x3] =	sbarrier.arrive $0xFFFF  }
0xe6: {  	_ =	shalt  }

// kernel: kernel.15.cloned.1.call-start
scs
__scs_entry_jumppad:
0x0: {  	(pc) =	sbr.rel $0x88, $3  }
0x1: {  	(tag) =	ssettag $0x0;
	lr =	simm.s32 $0x1  }
0x2: {  	[smem:$0x3F8E] =	sst lr;
	_ =	strace $0xD0000000  }
0x3: {  	_ = 	snop  }
0x4: {  	_ = 	snop  }
0x5: {  	_ = 	snop  }
0x6: {  	_ = 	snop  }
0x7: {  	_ = 	snop  }
__scs_overlays_trampoline_lowered:
0x8: {  	[smem:$0x3F9D] =	sst s0  }
0x9: {  	[smem:$0x3F9E] =	sst s1  }
0xa: {  	[smem:$0x3F9F] =	sst s2  }
0xb: {  	[smem:$0x3FA0] =	sst s3  }
0xc: {  	[smem:$0x3FA1] =	sst s4  }
0xd: {  	[smem:$0x3FA2] =	sst s5  }
0xe: {  	[smem:$0x3FA3] =	sst s6  }
0xf: {  	[smem:$0x3FA4] =	sst s7  }
0x10: {  	[smem:$0x3FA5] =	sst s8  }
0x11: {  	[smem:$0x3FA6] =	sst s9;
	s0 =	simm.s32 @!p0 $0x0  }
0x12: {  	s1 =	sld [smem:$0x3F8C];
	s0 =	simm.s32 @p0 $0x1  }
0x13: {  	[smem:$0x3FA7] =	sst s0;
	s0 =	simm.s32 @!p1 $0x0  }
0x14: {  	s2 =	sld [smem:$0x3F8B];
	s0 =	simm.s32 @p1 $0x1  }
0x15: {  	[smem:$0x3FA8] =	sst s0;
	s0 =	simm.s32 @!p2 $0x0  }
0x16: {  	s3 =	sld [smem:$0x3FDB];
	s0 =	simm.s32 @p2 $0x1  }
0x17: {  	s4 =	simm.s32 $0x1BF5;
	[smem:$0x3FAA] =	sst s0  }
0x18: {  	s0 =	sld [smem:$0x3F8D];
	_ =	swait.ge [sflag:s4], $0x0  }
0x19: {  	s7 =	sld [smem:$0x3F8E]  }
0x1a: {  	s8 =	sadd.s32 $0xFFFFE003, lr  }
0x1b: {  	s9 =	sadd.s32 $0xFFFFFEF7, lr;
	s5 =	simm.s32 $0xFFFFFFFF;
	p2 =	slt.u32 s8, $0xFFFFF086  }
0x1c: {  	p1 =	slt.u32 s9, $0xF7A;
	s5 =	simm.s32 @!p2 $0x0  }
0x1d: {  	s5 =	simm.s32 @p1 $0x1;
	p0 =	seq.s32 s7, s2  }
0x1e: {  	s7 =	smul.u32 @!p0 $0xF7A, s2;
	p2 =	seq.s32 @!p0 s5, $0x0  }
0x1f: {  	s9 =	smul.u32 $0xF7A, s1;
	s8 =	simm.s32 @!p0 $0x1BF5;
	p2 =	por !p2, p0  }
0x20: {  	[sflag:s8] =	ssyncset.s32 @!p0 $0xFFFFF086;
	s6 =	sadd.s32 @!p0 s3, s7;
	s7 =	simm.s32 @!p0 $0x108  }
0x21: {  	s3 =	sadd.s32 s3, s9;
	s6 =	sadd.s32 @!p0 $0x88, s6;
	s7 =	simm.s32 @p2 $0x1082  }
0x22: {  	[simem:s7], [sflag:s8] =	dma.local @!p0 [hbm:s6], $0xF7A  }
0x23: {  	s9 =	sor.u32 $0xD0000000, s2;
	s6 =	simm.s32 $0x108;
	_ =	swait.ge @!p0 [sflag:s8], $0x0  }
0x24: {  	s3 =	sadd.s32 $0x88, s3;
	s6 =	simm.s32 @!p1 $0x1082;
	[sflag:s4] =	ssyncset.s32 $0xFFFFF086  }
0x25: {  	[simem:s6], [sflag:s4] =	dma.local [hbm:s3], $0xF7A  }
0x26: {  	[smem:$0x3F8E] =	sst s1;
	(tag) =	ssettag s2;
	_ =	strace s9  }
0x27: {  	s1 =	sld [smem:$0x3F9E]  }
0x28: {  	s2 =	sld [smem:$0x3F9F]  }
0x29: {  	s4 =	sld [smem:$0x3FA1]  }
0x2a: {  	p0 =	seq.s32 s5, $0x0;
	s5 =	sld [smem:$0x3FA2]  }
0x2b: {  	s6 =	sld [smem:$0x3FA3]  }
0x2c: {  	s7 =	sld [smem:$0x3FA4]  }
0x2d: {  	s3 =	simm.s32 $0x108;
	s8 =	sld [smem:$0x3FA5]  }
0x2e: {  	s3 =	simm.s32 @!p0 $0x1082;
	s9 =	sld [smem:$0x3FA6]  }
0x2f: {  	lr =	sadd.s32 s0, s3;
	s0 =	sld [smem:$0x3F9D]  }
0x30: {  	s3 =	sld [smem:$0x3FA0]  }
0x31: {  	[smem:$0x3FA9] =	sst s10  }
0x32: {  	s10 =	sld [smem:$0x3FA7];
	_ =	sdelay $0x3  }
0x33: {  	p0 =	seq.s32 s10, $0x1;
	s10 =	sld [smem:$0x3FA9];
	_ =	sdelay $0x3  }
0x34: {  	[smem:$0x3FA9] =	sst s10  }
0x35: {  	s10 =	sld [smem:$0x3FA8];
	_ =	sdelay $0x3  }
0x36: {  	p1 =	seq.s32 s10, $0x1;
	s10 =	sld [smem:$0x3FA9];
	_ =	sdelay $0x3  }
0x37: {  	[smem:$0x3FA9] =	sst s10  }
0x38: {  	s10 =	sld [smem:$0x3FAA]  }
0x39: {  	_ = 	snop;
	(pc) =	sbr.ind lr, $3  }
0x3a: {  	_ = 	snop  }
0x3b: {  	_ = 	snop  }
0x3c: {  	p2 =	seq.s32 s10, $0x1;
	s10 =	sld [smem:$0x3FA9]  }
0x3d: {  	_ =	shalt  }
0x3e: {  	_ =	shalt  }
0x3f: {  	_ =	shalt  }
0x40: {  	_ =	shalt  }
0x41: {  	_ =	shalt  }
0x42: {  	_ =	shalt  }
0x43: {  	_ =	shalt  }
0x44: {  	_ =	shalt  }
0x45: {  	_ =	shalt  }
0x46: {  	_ =	shalt  }
0x47: {  	_ =	shalt  }
0x48: {  	_ =	shalt  }
0x49: {  	_ =	shalt  }
0x4a: {  	_ =	shalt  }
0x4b: {  	_ =	shalt  }
0x4c: {  	_ =	shalt  }
0x4d: {  	_ =	shalt  }
0x4e: {  	_ =	shalt  }
0x4f: {  	_ =	shalt  }
0x50: {  	_ =	shalt  }
0x51: {  	_ =	shalt  }
0x52: {  	_ =	shalt  }
0x53: {  	_ =	shalt  }
0x54: {  	_ =	shalt  }
0x55: {  	_ =	shalt  }
0x56: {  	_ =	shalt  }
0x57: {  	_ =	shalt  }
0x58: {  	_ =	shalt  }
0x59: {  	_ =	shalt  }
0x5a: {  	_ =	shalt  }
0x5b: {  	_ =	shalt  }
0x5c: {  	_ =	shalt  }
0x5d: {  	_ =	shalt  }
0x5e: {  	_ =	shalt  }
0x5f: {  	_ =	shalt  }
0x60: {  	_ =	shalt  }
0x61: {  	_ =	shalt  }
0x62: {  	_ =	shalt  }
0x63: {  	_ =	shalt  }
0x64: {  	_ =	shalt  }
0x65: {  	_ =	shalt  }
0x66: {  	_ =	shalt  }
0x67: {  	_ =	shalt  }
0x68: {  	_ =	shalt  }
0x69: {  	_ =	shalt  }
0x6a: {  	_ =	shalt  }
0x6b: {  	_ =	shalt  }
0x6c: {  	_ =	shalt  }
0x6d: {  	_ =	shalt  }
0x6e: {  	_ =	shalt  }
0x6f: {  	_ =	shalt  }
0x70: {  	_ =	shalt  }
0x71: {  	_ =	shalt  }
0x72: {  	_ =	shalt  }
0x73: {  	_ =	shalt  }
0x74: {  	_ =	shalt  }
0x75: {  	_ =	shalt  }
0x76: {  	_ =	shalt  }
0x77: {  	_ =	shalt  }
0x78: {  	_ =	shalt  }
0x79: {  	_ =	shalt  }
0x7a: {  	_ =	shalt  }
0x7b: {  	_ =	shalt  }
0x7c: {  	_ =	shalt  }
0x7d: {  	_ =	shalt  }
0x7e: {  	_ =	shalt  }
0x7f: {  	_ =	shalt  }
0x80: {  	_ =	shalt  }
0x81: {  	_ =	shalt  }
0x82: {  	_ =	shalt  }
0x83: {  	_ =	shalt  }
0x84: {  	_ =	shalt  }
0x85: {  	_ =	shalt  }
0x86: {  	_ =	shalt  }
0x87: {  	_ =	shalt  }
.Lfunc_end0:
.L_simem_size_0:
called_computation.1_lowered:
.L_overlay_start_0:
0x88: {  	s2 =	sld [smem:$0x3FD9]  }
0x89: {  	s3 =	sld [smem:$0x3FFE];
	_ =	sdelay $0x1  }
0x8a: {  	s1 =	srdreg.scid  }
0x8b: {  	s0 =	sand.u32 $0x1, s1  }
0x8c: {  	s14 =	sshll.u32 s0, $0xA;
	s2 =	sadd.s32 s3, s2  }
0x8d: {  	s2 =	sadd.s32 s2, s14  }
0x8e: {  	[smem:$0x3FB5] =	sst s2  }
0x8f: {  	_ = 	snop  }
0x90: {  	s2 =	sld [smem:$0x3FD0];
	_ =	sdelay $0x2  }
0x91: {  	s15 =	simm.s32 $0xA;
	s4 =	simm.s32 $0x10  }
0x92: {  	[smem:s4], [sflag:s15] =	dma.local [hbm:s2], $0x1  }
0x93: {  	_ =	swait.eq [sflag:s15], $0x1  }
0x94: {  	[sflag:s15] =	ssyncset.done $0x0  }
0x95: {  	[sflag:s15] =	ssyncadd.s32 $0xFFFFFFFF  }
0x96: {  	s16 =	sld [smem:$0x10];
	(tm) =	ssettm $0x1  }
0x97: {  	s17 =	sld [smem:$0x3FFB];
	_ =	sdelay $0x3  }
0x98: {  	_ =	strace s17  }
0x99: {  	s3 =	sld [smem:$0x3FFC];
	_ =	sdelay $0x3  }
0x9a: {  	_ =	strace s3  }
0x9b: {  	s3 =	sld [smem:$0x3FFD];
	_ =	sdelay $0x3  }
0x9c: {  	_ =	strace s3  }
0x9d: {  	_ =	strace $0x8FFFFFFF  }
0x9e: {  	s18 =	sld [smem:$0x3FDB];
	_ =	sdelay $0x1  }
0x9f: {  	s19 =	simm.s32 $_scs_section_size  }
0xa0: {  	s5 =	simm.s32 $_size__tile_overlayer_lowered;
	s6 =	simm.s32 $_tile_overlayer_lowered  }
0xa1: {  	s22 =	simm.s32 $0x1BFF;
	s21 =	sshll.u32 s6, $0x1;
	s3 =	sadd.s32 s19, s18  }
0xa2: {  	s7 =	simm.s32 $0x0;
	s20 =	sshll.u32 s5, $0x1;
	s5 =	sadd.s32 s21, s3  }
0xa3: {  	[timem:s7], [sflag:s22] =	dma.local [hbm:s5], s20  }
0xa4: {  	_ =	swait.ge [sflag:s22], s20  }
0xa5: {  	s4 =	ssub.s32 $0x0, s20;
	[sflag:s22] =	ssyncset.done $0x0  }
0xa6: {  	[sflag:s22] =	ssyncadd.s32 s4;
	_ =	sdelay $0x1  }
0xa7: {  	s23 =	simm.s32 $0x1B8B  }
0xa8: {  	_ =	swait.ge [sflag:s23], $0x1  }
0xa9: {  	[sflag:s23] =	ssyncset.done $0x0  }
0xaa: {  	s25 =	simm.s32 $0x1B8E;
	s24 =	sld [smem:$0x3FFE];
	[sflag:s23] =	ssyncadd.s32 $0xFFFFFFFF  }
0xab: {  	s26 =	simm.s32 $execute0_lowered;
	[smem:$0x3FD2] =	sst s25  }
0xac: {  	s5 =	sshll.u32 s26, $0x1;
	_ =	strace $0x80000049;
	[dreg:$0x1] =	wrdreg $0xFFFFFFFF  }
0xad: {  	s28 =	simm.s32 $_size_execute0_lowered;
	s3 =	sadd.s32 s3, s5;
	[dreg:$0x0] =	wrdreg $0x0  }
0xae: {  	s5 =	sshll.u32 s28, $0x1;
	[dreg:$0x2] =	wrdreg s3  }
0xaf: {  	[dreg:$0x3] =	wrdreg s5  }
0xb0: {  	[dreg:$0x4] =	wrdreg $0xC0  }
0xb1: {  	_ =	task [dreg:s7], $0x5FFFF  }
0xb2: {  	[dreg:$0x1] =	wrdreg $0xFFFFFFFF  }
0xb3: {  	[dreg:$0x0] =	wrdreg $0x60  }
0xb4: {  	[dreg:$0x2] =	wrdreg s16  }
0xb5: {  	[dreg:$0x3] =	wrdreg s24  }
0xb6: {  	[dreg:$0x4] =	wrdreg $0x0  }
0xb7: {  	[dreg:$0x5] =	wrdreg $0xA0000  }
0xb8: {  	[dreg:$0x6] =	wrdreg $0x9  }
0xb9: {  	_ =	task.clear_ibuf [dreg:s7], $0x7FFFF;
	_ =	strace $0x90000049  }
0xba: {  	s29 =	simm.s32 $0x9;
	_ =	strace $0x8000004B  }
0xbb: {  	_ =	swait.ge [sflag:s29], $0x1  }
0xbc: {  	[sflag:s29] =	ssyncadd.s32 $0xFFFFFFFF  }
0xbd: {  	_ =	strace $0x9000004B  }
0xbe: {  	_ =	sfence  }
0xbf: {  	s30 =	sld [smem:$0x0];
	_ =	sdelay $0x2  }
0xc0: {  	s31 =	sshll.u32 s1, $0xD;
	s1 =	sshrl.u32 s1, $0x2  }
0xc1: {  	s3 =	sand.u32 $0x4000, s31;
	s1 =	sadd.s32 s1, s30  }
0xc2: {  	s0 =	sor.u32 s3, s0;
	s1 =	sshll.u32 s1, $0x11  }
0xc3: {  	s0 =	sor.u32 s1, s0  }
0xc4: {  	s0 =	sadd.s32 $0x8F2B, s0  }
0xc5: {  	[sflag:s0] =	ssyncadd.remote.s32 $0x1  }
0xc6: {  	_ =	sfence.sel $0xFFFF  }
0xc7: {  	[dreg:$0x0] =	wrdreg $0xFFFFFFFF;
	(pc) =	sbr.abs _section_cstart, $3  }
0xc8: {  	[dreg:$0x1] =	wrdreg $0xFFFFFFFF  }
0xc9: {  	_ =	task.clear_ibuf [dreg:s7], $0x2FFFF;
	_ =	strace $0x9FFFFFFF  }
0xca: {  	(tm) =	ssettm $0x7FFFFFFF  }
0xcb: {  	_ =	shalt  }
tec
execute0_lowered:
.L_overlay_start_1:
0x0: {  	(tag) =	ssettag $0x1  }
0x1: {  	s7 =	rddreg [dreg:$0x0]  }
0x2: {  	s6 =	rddreg [dreg:$0x1]  }
0x3: {  	s1 =	rddreg [dreg:$0x2]  }
0x4: {  	s3 =	rddreg [dreg:$0x3]  }
0x5: {  	s0 =	rddreg [dreg:$0x4];
	s4 =	simm.s32 $0x0;
	s2 =	stileid.u32  }
0x6: {  	s8 =	srdreg.scid;
	s18 =	simm.s32 $0x14100;
	s19 =	simm.s32 $0x1  }
0x7: {  	s20 =	simm.s32 $0x0;
	[smem:$0x7FF] =	sst s4;
	s5 =	smul.u32 $0x140, s2  }
0x8: {  	s9 =	sadd.s32 $0x89E00, s6;
	s8 =	sand.u32 $0x1, s8;
	s12 =	smul.u32 $0xA000, s2  }
0x9: {  	s13 =	sadd.s32 $0x9DE00, s6;
	s15 =	sadd.s32 $0xB1E00, s6;
	s31 =	sshll.u32 s2, $0x6  }
0xa: {  	s16 =	smul.u32 $0x1400, s2;
	_ =	strace $0x8000004A;
	s10 =	ssub.s32 $0x2, s8  }
0xb: {  	p0 =	seq.s32 s8, $0x0;
	s11 =	sadd.s32 s5, s6;
	s5 =	sadd.s32 $0x87600, s6  }
0xc: {  	s14 =	sshrl.u32 s10, $0x1;
	s30 =	sadd.s32 s12, s1;
	s6 =	sor.u32 $0x1C02, s31  }
0xd: {  	s17 =	sadd.s32 s12, s3;
	s9 =	smov.u32 @p0 s7;
	s15 =	smov.u32 @p0 s13  }
0xe: {  	s13 =	simm.s32 $0x2;
	s10 =	ssub.s32 s10, s14;
	s8 =	sadd.s32 s9, s16  }
0xf: {  	s9 =	sadd.s32 s15, s16;
	s12 =	sshrl.u32 s30, $0x3;
	s14 =	sshrl.u32 s17, $0x3  }
0x10: {  	s15 =	simm.s32 $0x14000;
	s16 =	simm.s32 $0x14080;
	s17 =	simm.s32 $0x80  }
0x11: {  	s7 =	smax.u32 s10, $0x1;
	s10 =	sadd.s32 $0xDB200, s11;
	s11 =	sadd.s32 $0xD9E00, s11  }
.LBB2_1:
0x12: {  	[spmem:s12], [sflag:s6] =	dma.local [hbm:s5], $0x1400  }
0x13: {  	_ =	swait.ge [sflag:s13], $0x1400  }
0x14: {  	[sflag:s13] =	ssyncset.done $0x0  }
0x15: {  	[sflag:s13] =	ssyncadd.s32 $0xFFFFEC00  }
0x16: {  	[spmem:s14], [sflag:s6] =	dma.local [hbm:s8], $0x1400  }
0x17: {  	_ =	swait.ge [sflag:s13], $0x1400  }
0x18: {  	[sflag:s13] =	ssyncset.done $0x0  }
0x19: {  	[sflag:s13] =	ssyncadd.s32 $0xFFFFEC00  }
0x1a: {  	s21 =	sadd.s32 $0x0, s11;
	[bflag:$0x0] =	sbarrier.arrive $0xFFFF  }
0x1b: {  	[tilespmem:s15], [sflag:$0x2] =	stream.linear.gather [hbm4b:s21+s4], $0x80, $0x38;
	[tilespmem:$0x18100] =	vst v63  }
0x1c: {  	_ =	swait.ge [sflag:s13], $0x80  }
0x1d: {  	[sflag:s13] =	ssyncset.done $0x0  }
0x1e: {  	s31 =	sadd.s32 $0x0, s10;
	[sflag:s13] =	ssyncadd.s32 $0xFFFFFF80  }
0x1f: {  	[tilespmem:s16], [sflag:$0x2] =	stream.linear.gather [hbm4b:s31+s4], $0x80, $0x38;
	[tilespmem:$0x18100] =	vst v63  }
0x20: {  	_ =	swait.ge [sflag:s13], $0x80  }
0x21: {  	[sflag:s13] =	ssyncset.done $0x0  }
0x22: {  	[sflag:s13] =	ssyncadd.s32 $0xFFFFFF80  }
0x23: {  	[tilespmem:s18], [sflag:$0x1] =	stream.indirect.gather [spmem:s3], $0x80, s15, s17, $0xb8;
	[tilespmem:$0x18100] =	vst v63  }
0x24: {  	_ =	swait.ge [sflag:s19], $0x4000  }
0x25: {  	[sflag:s19] =	ssyncset.done $0x0  }
0x26: {  	[sflag:s19] =	ssyncadd.s32 $0xFFFFC000  }
0x27: {  	[spmem:s1] =	stream.indirect.scatter.add.f32 [tilespmem:s18], [sflag:$0x2], $0x80, s16, s17, $0xb8;
	[tilespmem:$0x18100] =	vst v63  }
0x28: {  	_ =	swait.ge [sflag:s13], $0x4000  }
0x29: {  	s22 =	simm.s32 $0x20;
	s21 =	simm.s32 $0x10;
	[sflag:s13] =	ssyncset.done $0x0  }
.LBB2_2:
0x2a: {  	s23 =	sadd.s32 s21, s11  }
0x2b: {  	[sflag:s13] =	ssyncadd.s32 $0xFFFFC000;
	s24 =	smov.u32 s22;
	s25 =	sadd.s32 $0x10, s22  }
0x2c: {  	[tilespmem:s15], [sflag:$0x2] =	stream.linear.gather [hbm4b:s23+s4], $0x80, $0x38;
	[tilespmem:$0x18100] =	vst v63  }
0x2d: {  	p0 =	sne.s32 s22, $0x130;
	_ =	swait.ge [sflag:s13], $0x80  }
0x2e: {  	[sflag:s13] =	ssyncset.done $0x0  }
0x2f: {  	s22 =	sadd.s32 s21, s10;
	s21 =	smov.u32 s24;
	[sflag:s13] =	ssyncadd.s32 $0xFFFFFF80  }
0x30: {  	[tilespmem:s16], [sflag:$0x2] =	stream.linear.gather [hbm4b:s22+s4], $0x80, $0x38;
	[tilespmem:$0x18100] =	vst v63  }
0x31: {  	_ =	swait.ge [sflag:s13], $0x80  }
0x32: {  	[sflag:s13] =	ssyncset.done $0x0  }
0x33: {  	[sflag:s13] =	ssyncadd.s32 $0xFFFFFF80  }
0x34: {  	[tilespmem:s18], [sflag:$0x1] =	stream.indirect.gather [spmem:s3], $0x80, s15, s17, $0xb8;
	[tilespmem:$0x18100] =	vst v63  }
0x35: {  	_ =	swait.ge [sflag:s19], $0x4000  }
.Ltmp0:
0x36: {  	[sflag:s19] =	ssyncset.done $0x0;
	(pc) =	sbr.rel @p0 .LBB2_2-.Ltmp0, $4  }
0x37: {  	[sflag:s19] =	ssyncadd.s32 $0xFFFFC000  }
0x38: {  	[spmem:s1] =	stream.indirect.scatter.add.f32 [tilespmem:s18], [sflag:$0x2], $0x80, s16, s17, $0xb8;
	[tilespmem:$0x18100] =	vst v63  }
0x39: {  	_ =	swait.ge [sflag:s13], $0x4000  }
0x3a: {  	s22 =	smov.u32 s25;
	[sflag:s13] =	ssyncset.done $0x0  }
0x3b: {  	s22 =	sadd.s32 s21, s11;
	[sflag:s13] =	ssyncadd.s32 $0xFFFFC000  }
0x3c: {  	[tilespmem:s15], [sflag:$0x2] =	stream.linear.gather [hbm4b:s22+s4], $0x80, $0x38;
	[tilespmem:$0x18100] =	vst v63  }
0x3d: {  	_ =	swait.ge [sflag:s13], $0x80  }
0x3e: {  	[sflag:s13] =	ssyncset.done $0x0  }
0x3f: {  	s31 =	sadd.s32 s21, s10;
	[sflag:s13] =	ssyncadd.s32 $0xFFFFFF80  }
0x40: {  	[tilespmem:s16], [sflag:$0x2] =	stream.linear.gather [hbm4b:s31+s4], $0x80, $0x38;
	[tilespmem:$0x18100] =	vst v63  }
0x41: {  	_ =	swait.ge [sflag:s13], $0x80  }
0x42: {  	[sflag:s13] =	ssyncset.done $0x0  }
0x43: {  	[sflag:s13] =	ssyncadd.s32 $0xFFFFFF80  }
0x44: {  	[tilespmem:s18], [sflag:$0x1] =	stream.indirect.gather [spmem:s3], $0x80, s15, s17, $0xb8;
	[tilespmem:$0x18100] =	vst v63  }
0x45: {  	_ =	swait.ge [sflag:s19], $0x4000  }
0x46: {  	[sflag:s19] =	ssyncset.done $0x0  }
0x47: {  	[sflag:s19] =	ssyncadd.s32 $0xFFFFC000  }
0x48: {  	[spmem:s1] =	stream.indirect.scatter.add.f32 [tilespmem:s18], [sflag:$0x2], $0x80, s16, s17, $0xb8;
	[tilespmem:$0x18100] =	vst v63  }
0x49: {  	_ =	swait.ge [sflag:s13], $0x4000  }
0x4a: {  	s20 =	sadd.s32 $0x1, s20;
	[sflag:s13] =	ssyncset.done $0x0  }
0x4b: {  	p0 =	sne.s32 s20, s7;
	[sflag:s13] =	ssyncadd.s32 $0xFFFFC000  }
.Ltmp1:
0x4c: {  	[bflag:$0x0] =	sbarrier.arrive $0xFFFF;
	(pc) =	sbr.rel @p0 .LBB2_1-.Ltmp1, $4  }
0x4d: {  	[hbm:s9], [sflag:s6] =	dma.local [spmem:s12], $0x1400  }
0x4e: {  	_ =	swait.ge [sflag:s13], $0x1400  }
0x4f: {  	[sflag:s13] =	ssyncset.done $0x0  }
0x50: {  	[sflag:s13] =	ssyncadd.s32 $0xFFFFEC00  }
0x51: {  	_ =	sfence.sel $0x180000  }
0x52: {  	[bflag:$0x0] =	sbarrier.arrive $0xFFFF  }
0x53: {  	p0 =	sne.s32 s2, $0x0;
	_ =	strace $0x9000004A  }
0x54: {  	s0 =	sadd.s32 @!p0 $0x100000, s0;
	[bflag:$0x2] =	sbarrier.arrive $0xFFFF  }
0x55: {  	[sflag:s0] =	ssyncadd.tile.s32 @!p0 $0x1;
	_ =	shalt  }
.Lfunc_end2:
_tile_overlayer_lowered:
.L_overlay_start_2:
0x56: {  	(tag) =	ssettag $0x2  }
0x57: {  	s0 =	rddreg [dreg:$0x0];
	s2 =	stileid.u32  }
0x58: {  	s1 =	rddreg [dreg:$0x1];
	p0 =	sne.s32 s2, $0x0  }
0x59: {  	s3 =	rddreg [dreg:$0x2];
	[bflag:$0x3] =	sbarrier.arrive $0xFFFF;
	s2 =	simm.s32 @!p0 $0x1C02  }
0x5a: {  	[timem:s3], [sflag:s2] =	dma.local @!p0 [hbm:s0], s1  }
0x5b: {  	s0 =	simm.s32 @!p0 $0x2  }
0x5c: {  	_ =	swait.ge @!p0 [sflag:s0], s1  }
0x5d: {  	s1 =	ssub.s32 @!p0 $0x0, s1;
	[sflag:s0] =	ssyncset.done @!p0 $0x0  }
0x5e: {  	[sflag:s0] =	ssyncadd.s32 @!p0 s1  }
0x5f: {  	[bflag:$0x3] =	sbarrier.arrive $0xFFFF  }
0x60: {  	_ =	shalt  }

// kernel: kernel.18.cloned.1.call-start
scs
__scs_entry_jumppad:
0x0: {  	(pc) =	sbr.rel $0x88, $3  }
0x1: {  	(tag) =	ssettag $0x0;
	lr =	simm.s32 $0x1  }
0x2: {  	[smem:$0x3F8E] =	sst lr;
	_ =	strace $0xD0000000  }
0x3: {  	_ = 	snop  }
0x4: {  	_ = 	snop  }
0x5: {  	_ = 	snop  }
0x6: {  	_ = 	snop  }
0x7: {  	_ = 	snop  }
__scs_overlays_trampoline_lowered:
0x8: {  	[smem:$0x3F9D] =	sst s0  }
0x9: {  	[smem:$0x3F9E] =	sst s1  }
0xa: {  	[smem:$0x3F9F] =	sst s2  }
0xb: {  	[smem:$0x3FA0] =	sst s3  }
0xc: {  	[smem:$0x3FA1] =	sst s4  }
0xd: {  	[smem:$0x3FA2] =	sst s5  }
0xe: {  	[smem:$0x3FA3] =	sst s6  }
0xf: {  	[smem:$0x3FA4] =	sst s7  }
0x10: {  	[smem:$0x3FA5] =	sst s8  }
0x11: {  	[smem:$0x3FA6] =	sst s9;
	s0 =	simm.s32 @!p0 $0x0  }
0x12: {  	s1 =	sld [smem:$0x3F8C];
	s0 =	simm.s32 @p0 $0x1  }
0x13: {  	[smem:$0x3FA7] =	sst s0;
	s0 =	simm.s32 @!p1 $0x0  }
0x14: {  	s2 =	sld [smem:$0x3F8B];
	s0 =	simm.s32 @p1 $0x1  }
0x15: {  	[smem:$0x3FA8] =	sst s0;
	s0 =	simm.s32 @!p2 $0x0  }
0x16: {  	s3 =	sld [smem:$0x3FDB];
	s0 =	simm.s32 @p2 $0x1  }
0x17: {  	s4 =	simm.s32 $0x1BF5;
	[smem:$0x3FAA] =	sst s0  }
0x18: {  	s0 =	sld [smem:$0x3F8D];
	_ =	swait.ge [sflag:s4], $0x0  }
0x19: {  	s7 =	sld [smem:$0x3F8E]  }
0x1a: {  	s8 =	sadd.s32 $0xFFFFE003, lr  }
0x1b: {  	s9 =	sadd.s32 $0xFFFFFEF7, lr;
	s5 =	simm.s32 $0xFFFFFFFF;
	p2 =	slt.u32 s8, $0xFFFFF086  }
0x1c: {  	p1 =	slt.u32 s9, $0xF7A;
	s5 =	simm.s32 @!p2 $0x0  }
0x1d: {  	s5 =	simm.s32 @p1 $0x1;
	p0 =	seq.s32 s7, s2  }
0x1e: {  	s7 =	smul.u32 @!p0 $0xF7A, s2;
	p2 =	seq.s32 @!p0 s5, $0x0  }
0x1f: {  	s9 =	smul.u32 $0xF7A, s1;
	s8 =	simm.s32 @!p0 $0x1BF5;
	p2 =	por !p2, p0  }
0x20: {  	[sflag:s8] =	ssyncset.s32 @!p0 $0xFFFFF086;
	s6 =	sadd.s32 @!p0 s3, s7;
	s7 =	simm.s32 @!p0 $0x108  }
0x21: {  	s3 =	sadd.s32 s3, s9;
	s6 =	sadd.s32 @!p0 $0x88, s6;
	s7 =	simm.s32 @p2 $0x1082  }
0x22: {  	[simem:s7], [sflag:s8] =	dma.local @!p0 [hbm:s6], $0xF7A  }
0x23: {  	s9 =	sor.u32 $0xD0000000, s2;
	s6 =	simm.s32 $0x108;
	_ =	swait.ge @!p0 [sflag:s8], $0x0  }
0x24: {  	s3 =	sadd.s32 $0x88, s3;
	s6 =	simm.s32 @!p1 $0x1082;
	[sflag:s4] =	ssyncset.s32 $0xFFFFF086  }
0x25: {  	[simem:s6], [sflag:s4] =	dma.local [hbm:s3], $0xF7A  }
0x26: {  	[smem:$0x3F8E] =	sst s1;
	(tag) =	ssettag s2;
	_ =	strace s9  }
0x27: {  	s1 =	sld [smem:$0x3F9E]  }
0x28: {  	s2 =	sld [smem:$0x3F9F]  }
0x29: {  	s4 =	sld [smem:$0x3FA1]  }
0x2a: {  	p0 =	seq.s32 s5, $0x0;
	s5 =	sld [smem:$0x3FA2]  }
0x2b: {  	s6 =	sld [smem:$0x3FA3]  }
0x2c: {  	s7 =	sld [smem:$0x3FA4]  }
0x2d: {  	s3 =	simm.s32 $0x108;
	s8 =	sld [smem:$0x3FA5]  }
0x2e: {  	s3 =	simm.s32 @!p0 $0x1082;
	s9 =	sld [smem:$0x3FA6]  }
0x2f: {  	lr =	sadd.s32 s0, s3;
	s0 =	sld [smem:$0x3F9D]  }
0x30: {  	s3 =	sld [smem:$0x3FA0]  }
0x31: {  	[smem:$0x3FA9] =	sst s10  }
0x32: {  	s10 =	sld [smem:$0x3FA7];
	_ =	sdelay $0x3  }
0x33: {  	p0 =	seq.s32 s10, $0x1;
	s10 =	sld [smem:$0x3FA9];
	_ =	sdelay $0x3  }
0x34: {  	[smem:$0x3FA9] =	sst s10  }
0x35: {  	s10 =	sld [smem:$0x3FA8];
	_ =	sdelay $0x3  }
0x36: {  	p1 =	seq.s32 s10, $0x1;
	s10 =	sld [smem:$0x3FA9];
	_ =	sdelay $0x3  }
0x37: {  	[smem:$0x3FA9] =	sst s10  }
0x38: {  	s10 =	sld [smem:$0x3FAA]  }
0x39: {  	_ = 	snop;
	(pc) =	sbr.ind lr, $3  }
0x3a: {  	_ = 	snop  }
0x3b: {  	_ = 	snop  }
0x3c: {  	p2 =	seq.s32 s10, $0x1;
	s10 =	sld [smem:$0x3FA9]  }
0x3d: {  	_ =	shalt  }
0x3e: {  	_ =	shalt  }
0x3f: {  	_ =	shalt  }
0x40: {  	_ =	shalt  }
0x41: {  	_ =	shalt  }
0x42: {  	_ =	shalt  }
0x43: {  	_ =	shalt  }
0x44: {  	_ =	shalt  }
0x45: {  	_ =	shalt  }
0x46: {  	_ =	shalt  }
0x47: {  	_ =	shalt  }
0x48: {  	_ =	shalt  }
0x49: {  	_ =	shalt  }
0x4a: {  	_ =	shalt  }
0x4b: {  	_ =	shalt  }
0x4c: {  	_ =	shalt  }
0x4d: {  	_ =	shalt  }
0x4e: {  	_ =	shalt  }
0x4f: {  	_ =	shalt  }
0x50: {  	_ =	shalt  }
0x51: {  	_ =	shalt  }
0x52: {  	_ =	shalt  }
0x53: {  	_ =	shalt  }
0x54: {  	_ =	shalt  }
0x55: {  	_ =	shalt  }
0x56: {  	_ =	shalt  }
0x57: {  	_ =	shalt  }
0x58: {  	_ =	shalt  }
0x59: {  	_ =	shalt  }
0x5a: {  	_ =	shalt  }
0x5b: {  	_ =	shalt  }
0x5c: {  	_ =	shalt  }
0x5d: {  	_ =	shalt  }
0x5e: {  	_ =	shalt  }
0x5f: {  	_ =	shalt  }
0x60: {  	_ =	shalt  }
0x61: {  	_ =	shalt  }
0x62: {  	_ =	shalt  }
0x63: {  	_ =	shalt  }
0x64: {  	_ =	shalt  }
0x65: {  	_ =	shalt  }
0x66: {  	_ =	shalt  }
0x67: {  	_ =	shalt  }
0x68: {  	_ =	shalt  }
0x69: {  	_ =	shalt  }
0x6a: {  	_ =	shalt  }
0x6b: {  	_ =	shalt  }
0x6c: {  	_ =	shalt  }
0x6d: {  	_ =	shalt  }
0x6e: {  	_ =	shalt  }
0x6f: {  	_ =	shalt  }
0x70: {  	_ =	shalt  }
0x71: {  	_ =	shalt  }
0x72: {  	_ =	shalt  }
0x73: {  	_ =	shalt  }
0x74: {  	_ =	shalt  }
0x75: {  	_ =	shalt  }
0x76: {  	_ =	shalt  }
0x77: {  	_ =	shalt  }
0x78: {  	_ =	shalt  }
0x79: {  	_ =	shalt  }
0x7a: {  	_ =	shalt  }
0x7b: {  	_ =	shalt  }
0x7c: {  	_ =	shalt  }
0x7d: {  	_ =	shalt  }
0x7e: {  	_ =	shalt  }
0x7f: {  	_ =	shalt  }
0x80: {  	_ =	shalt  }
0x81: {  	_ =	shalt  }
0x82: {  	_ =	shalt  }
0x83: {  	_ =	shalt  }
0x84: {  	_ =	shalt  }
0x85: {  	_ =	shalt  }
0x86: {  	_ =	shalt  }
0x87: {  	_ =	shalt  }
.Lfunc_end0:
.L_simem_size_0:
called_computation.2_lowered:
.L_overlay_start_0:
0x88: {  	s2 =	sld [smem:$0x3FD9]  }
0x89: {  	s3 =	sld [smem:$0x3FFE];
	_ =	sdelay $0x1  }
0x8a: {  	s1 =	srdreg.scid  }
0x8b: {  	s0 =	sand.u32 $0x1, s1  }
0x8c: {  	s14 =	sshll.u32 s0, $0xA;
	s2 =	sadd.s32 s3, s2  }
0x8d: {  	s2 =	sadd.s32 s2, s14  }
0x8e: {  	[smem:$0x3FB5] =	sst s2  }
0x8f: {  	_ = 	snop  }
0x90: {  	s2 =	sld [smem:$0x3FD0];
	_ =	sdelay $0x2  }
0x91: {  	s15 =	simm.s32 $0xA;
	s4 =	simm.s32 $0x10  }
0x92: {  	[smem:s4], [sflag:s15] =	dma.local [hbm:s2], $0x1  }
0x93: {  	_ =	swait.eq [sflag:s15], $0x1  }
0x94: {  	[sflag:s15] =	ssyncset.done $0x0  }
0x95: {  	[sflag:s15] =	ssyncadd.s32 $0xFFFFFFFF  }
0x96: {  	s16 =	sld [smem:$0x10];
	(tm) =	ssettm $0x1  }
0x97: {  	s17 =	sld [smem:$0x3FFB];
	_ =	sdelay $0x3  }
0x98: {  	_ =	strace s17  }
0x99: {  	s3 =	sld [smem:$0x3FFC];
	_ =	sdelay $0x3  }
0x9a: {  	_ =	strace s3  }
0x9b: {  	s3 =	sld [smem:$0x3FFD];
	_ =	sdelay $0x3  }
0x9c: {  	_ =	strace s3  }
0x9d: {  	_ =	strace $0x8FFFFFFF  }
0x9e: {  	s18 =	sld [smem:$0x3FDB];
	_ =	sdelay $0x1  }
0x9f: {  	s19 =	simm.s32 $_scs_section_size  }
0xa0: {  	s5 =	simm.s32 $_size__tile_overlayer_lowered;
	s6 =	simm.s32 $_tile_overlayer_lowered  }
0xa1: {  	s22 =	simm.s32 $0x1BFF;
	s21 =	sshll.u32 s6, $0x1;
	s3 =	sadd.s32 s19, s18  }
0xa2: {  	s7 =	simm.s32 $0x0;
	s20 =	sshll.u32 s5, $0x1;
	s5 =	sadd.s32 s21, s3  }
0xa3: {  	[timem:s7], [sflag:s22] =	dma.local [hbm:s5], s20  }
0xa4: {  	_ =	swait.ge [sflag:s22], s20  }
0xa5: {  	s4 =	ssub.s32 $0x0, s20;
	[sflag:s22] =	ssyncset.done $0x0  }
0xa6: {  	[sflag:s22] =	ssyncadd.s32 s4;
	_ =	sdelay $0x1  }
0xa7: {  	s23 =	simm.s32 $0x1B8B  }
0xa8: {  	_ =	swait.ge [sflag:s23], $0x1  }
0xa9: {  	[sflag:s23] =	ssyncset.done $0x0  }
0xaa: {  	s25 =	simm.s32 $0x1B8E;
	s24 =	sld [smem:$0x3FFE];
	[sflag:s23] =	ssyncadd.s32 $0xFFFFFFFF  }
0xab: {  	s26 =	simm.s32 $execute0_lowered;
	[smem:$0x3FD2] =	sst s25  }
0xac: {  	s5 =	sshll.u32 s26, $0x1;
	_ =	strace $0x8000004C;
	[dreg:$0x1] =	wrdreg $0xFFFFFFFF  }
0xad: {  	s28 =	simm.s32 $_size_execute0_lowered;
	s3 =	sadd.s32 s3, s5;
	[dreg:$0x0] =	wrdreg $0x0  }
0xae: {  	s5 =	sshll.u32 s28, $0x1;
	[dreg:$0x2] =	wrdreg s3  }
0xaf: {  	[dreg:$0x3] =	wrdreg s5  }
0xb0: {  	[dreg:$0x4] =	wrdreg $0xC0  }
0xb1: {  	_ =	task [dreg:s7], $0x5FFFF  }
0xb2: {  	[dreg:$0x1] =	wrdreg $0xFFFFFFFF  }
0xb3: {  	[dreg:$0x0] =	wrdreg $0x60  }
0xb4: {  	[dreg:$0x2] =	wrdreg s16  }
0xb5: {  	[dreg:$0x3] =	wrdreg s24  }
0xb6: {  	[dreg:$0x4] =	wrdreg $0x0  }
0xb7: {  	[dreg:$0x5] =	wrdreg $0xA0000  }
0xb8: {  	[dreg:$0x6] =	wrdreg $0x9  }
0xb9: {  	_ =	task.clear_ibuf [dreg:s7], $0x7FFFF;
	_ =	strace $0x9000004C  }
0xba: {  	s29 =	simm.s32 $0x9;
	_ =	strace $0x8000004E  }
0xbb: {  	_ =	swait.ge [sflag:s29], $0x1  }
0xbc: {  	[sflag:s29] =	ssyncadd.s32 $0xFFFFFFFF  }
0xbd: {  	_ =	strace $0x9000004E  }
0xbe: {  	_ =	sfence  }
0xbf: {  	s30 =	sld [smem:$0x0];
	_ =	sdelay $0x2  }
0xc0: {  	s31 =	sshll.u32 s1, $0xD;
	s1 =	sshrl.u32 s1, $0x2  }
0xc1: {  	s3 =	sand.u32 $0x4000, s31;
	s1 =	sadd.s32 s1, s30  }
0xc2: {  	s0 =	sor.u32 s3, s0;
	s1 =	sshll.u32 s1, $0x11  }
0xc3: {  	s0 =	sor.u32 s1, s0  }
0xc4: {  	s0 =	sadd.s32 $0x8F2B, s0  }
0xc5: {  	[sflag:s0] =	ssyncadd.remote.s32 $0x1  }
0xc6: {  	_ =	sfence.sel $0xFFFF  }
0xc7: {  	[dreg:$0x0] =	wrdreg $0xFFFFFFFF;
	(pc) =	sbr.abs _section_cstart, $3  }
0xc8: {  	[dreg:$0x1] =	wrdreg $0xFFFFFFFF  }
0xc9: {  	_ =	task.clear_ibuf [dreg:s7], $0x2FFFF;
	_ =	strace $0x9FFFFFFF  }
0xca: {  	(tm) =	ssettm $0x7FFFFFFF  }
0xcb: {  	_ =	shalt  }
tec
execute0_lowered:
.L_overlay_start_1:
0x0: {  	(tag) =	ssettag $0x1  }
0x1: {  	s7 =	rddreg [dreg:$0x0]  }
0x2: {  	s6 =	rddreg [dreg:$0x1]  }
0x3: {  	s1 =	rddreg [dreg:$0x2]  }
0x4: {  	s3 =	rddreg [dreg:$0x3]  }
0x5: {  	s0 =	rddreg [dreg:$0x4];
	s4 =	simm.s32 $0x0;
	s2 =	stileid.u32  }
0x6: {  	s8 =	srdreg.scid;
	s18 =	simm.s32 $0x14100;
	s19 =	simm.s32 $0x1  }
0x7: {  	s20 =	simm.s32 $0x0;
	[smem:$0x7FF] =	sst s4;
	s5 =	smul.u32 $0x140, s2  }
0x8: {  	s9 =	sadd.s32 $0x89E00, s6;
	s8 =	sand.u32 $0x1, s8;
	s12 =	smul.u32 $0xA000, s2  }
0x9: {  	s13 =	sadd.s32 $0x9DE00, s6;
	s15 =	sadd.s32 $0xB1E00, s6;
	s31 =	sshll.u32 s2, $0x6  }
0xa: {  	s16 =	smul.u32 $0x1400, s2;
	_ =	strace $0x8000004D;
	s10 =	ssub.s32 $0x2, s8  }
0xb: {  	p0 =	seq.s32 s8, $0x0;
	s11 =	sadd.s32 s5, s6;
	s5 =	sadd.s32 $0x87600, s6  }
0xc: {  	s14 =	sshrl.u32 s10, $0x1;
	s30 =	sadd.s32 s12, s1;
	s6 =	sor.u32 $0x1C02, s31  }
0xd: {  	s17 =	sadd.s32 s12, s3;
	s9 =	smov.u32 @p0 s7;
	s15 =	smov.u32 @p0 s13  }
0xe: {  	s13 =	simm.s32 $0x2;
	s10 =	ssub.s32 s10, s14;
	s8 =	sadd.s32 s9, s16  }
0xf: {  	s9 =	sadd.s32 s15, s16;
	s12 =	sshrl.u32 s30, $0x3;
	s14 =	sshrl.u32 s17, $0x3  }
0x10: {  	s15 =	simm.s32 $0x14000;
	s16 =	simm.s32 $0x14080;
	s17 =	simm.s32 $0x80  }
0x11: {  	s7 =	smax.u32 s10, $0x1;
	s10 =	sadd.s32 $0xDB200, s11;
	s11 =	sadd.s32 $0xD9E00, s11  }
.LBB2_1:
0x12: {  	[spmem:s12], [sflag:s6] =	dma.local [hbm:s5], $0x1400  }
0x13: {  	_ =	swait.ge [sflag:s13], $0x1400  }
0x14: {  	[sflag:s13] =	ssyncset.done $0x0  }
0x15: {  	[sflag:s13] =	ssyncadd.s32 $0xFFFFEC00  }
0x16: {  	[spmem:s14], [sflag:s6] =	dma.local [hbm:s8], $0x1400  }
0x17: {  	_ =	swait.ge [sflag:s13], $0x1400  }
0x18: {  	[sflag:s13] =	ssyncset.done $0x0  }
0x19: {  	[sflag:s13] =	ssyncadd.s32 $0xFFFFEC00  }
0x1a: {  	s21 =	sadd.s32 $0x0, s11;
	[bflag:$0x0] =	sbarrier.arrive $0xFFFF  }
0x1b: {  	[tilespmem:s15], [sflag:$0x2] =	stream.linear.gather [hbm4b:s21+s4], $0x80, $0x38;
	[tilespmem:$0x18100] =	vst v63  }
0x1c: {  	_ =	swait.ge [sflag:s13], $0x80  }
0x1d: {  	[sflag:s13] =	ssyncset.done $0x0  }
0x1e: {  	s31 =	sadd.s32 $0x0, s10;
	[sflag:s13] =	ssyncadd.s32 $0xFFFFFF80  }
0x1f: {  	[tilespmem:s16], [sflag:$0x2] =	stream.linear.gather [hbm4b:s31+s4], $0x80, $0x38;
	[tilespmem:$0x18100] =	vst v63  }
0x20: {  	_ =	swait.ge [sflag:s13], $0x80  }
0x21: {  	[sflag:s13] =	ssyncset.done $0x0  }
0x22: {  	[sflag:s13] =	ssyncadd.s32 $0xFFFFFF80  }
0x23: {  	[tilespmem:s18], [sflag:$0x1] =	stream.indirect.gather [spmem:s3], $0x80, s15, s17, $0xb8;
	[tilespmem:$0x18100] =	vst v63  }
0x24: {  	_ =	swait.ge [sflag:s19], $0x4000  }
0x25: {  	[sflag:s19] =	ssyncset.done $0x0  }
0x26: {  	[sflag:s19] =	ssyncadd.s32 $0xFFFFC000  }
0x27: {  	[spmem:s1] =	stream.indirect.scatter.add.f32 [tilespmem:s18], [sflag:$0x2], $0x80, s16, s17, $0xb8;
	[tilespmem:$0x18100] =	vst v63  }
0x28: {  	_ =	swait.ge [sflag:s13], $0x4000  }
0x29: {  	s22 =	simm.s32 $0x20;
	s21 =	simm.s32 $0x10;
	[sflag:s13] =	ssyncset.done $0x0  }
.LBB2_2:
0x2a: {  	s23 =	sadd.s32 s21, s11  }
0x2b: {  	[sflag:s13] =	ssyncadd.s32 $0xFFFFC000;
	s24 =	smov.u32 s22;
	s25 =	sadd.s32 $0x10, s22  }
0x2c: {  	[tilespmem:s15], [sflag:$0x2] =	stream.linear.gather [hbm4b:s23+s4], $0x80, $0x38;
	[tilespmem:$0x18100] =	vst v63  }
0x2d: {  	p0 =	sne.s32 s22, $0x130;
	_ =	swait.ge [sflag:s13], $0x80  }
0x2e: {  	[sflag:s13] =	ssyncset.done $0x0  }
0x2f: {  	s22 =	sadd.s32 s21, s10;
	s21 =	smov.u32 s24;
	[sflag:s13] =	ssyncadd.s32 $0xFFFFFF80  }
0x30: {  	[tilespmem:s16], [sflag:$0x2] =	stream.linear.gather [hbm4b:s22+s4], $0x80, $0x38;
	[tilespmem:$0x18100] =	vst v63  }
0x31: {  	_ =	swait.ge [sflag:s13], $0x80  }
0x32: {  	[sflag:s13] =	ssyncset.done $0x0  }
0x33: {  	[sflag:s13] =	ssyncadd.s32 $0xFFFFFF80  }
0x34: {  	[tilespmem:s18], [sflag:$0x1] =	stream.indirect.gather [spmem:s3], $0x80, s15, s17, $0xb8;
	[tilespmem:$0x18100] =	vst v63  }
0x35: {  	_ =	swait.ge [sflag:s19], $0x4000  }
.Ltmp0:
0x36: {  	[sflag:s19] =	ssyncset.done $0x0;
	(pc) =	sbr.rel @p0 .LBB2_2-.Ltmp0, $4  }
0x37: {  	[sflag:s19] =	ssyncadd.s32 $0xFFFFC000  }
0x38: {  	[spmem:s1] =	stream.indirect.scatter.add.f32 [tilespmem:s18], [sflag:$0x2], $0x80, s16, s17, $0xb8;
	[tilespmem:$0x18100] =	vst v63  }
0x39: {  	_ =	swait.ge [sflag:s13], $0x4000  }
0x3a: {  	s22 =	smov.u32 s25;
	[sflag:s13] =	ssyncset.done $0x0  }
0x3b: {  	s22 =	sadd.s32 s21, s11;
	[sflag:s13] =	ssyncadd.s32 $0xFFFFC000  }
0x3c: {  	[tilespmem:s15], [sflag:$0x2] =	stream.linear.gather [hbm4b:s22+s4], $0x80, $0x38;
	[tilespmem:$0x18100] =	vst v63  }
0x3d: {  	_ =	swait.ge [sflag:s13], $0x80  }
0x3e: {  	[sflag:s13] =	ssyncset.done $0x0  }
0x3f: {  	s31 =	sadd.s32 s21, s10;
	[sflag:s13] =	ssyncadd.s32 $0xFFFFFF80  }
0x40: {  	[tilespmem:s16], [sflag:$0x2] =	stream.linear.gather [hbm4b:s31+s4], $0x80, $0x38;
	[tilespmem:$0x18100] =	vst v63  }
0x41: {  	_ =	swait.ge [sflag:s13], $0x80  }
0x42: {  	[sflag:s13] =	ssyncset.done $0x0  }
0x43: {  	[sflag:s13] =	ssyncadd.s32 $0xFFFFFF80  }
0x44: {  	[tilespmem:s18], [sflag:$0x1] =	stream.indirect.gather [spmem:s3], $0x80, s15, s17, $0xb8;
	[tilespmem:$0x18100] =	vst v63  }
0x45: {  	_ =	swait.ge [sflag:s19], $0x4000  }
0x46: {  	[sflag:s19] =	ssyncset.done $0x0  }
0x47: {  	[sflag:s19] =	ssyncadd.s32 $0xFFFFC000  }
0x48: {  	[spmem:s1] =	stream.indirect.scatter.add.f32 [tilespmem:s18], [sflag:$0x2], $0x80, s16, s17, $0xb8;
	[tilespmem:$0x18100] =	vst v63  }
0x49: {  	_ =	swait.ge [sflag:s13], $0x4000  }
0x4a: {  	s20 =	sadd.s32 $0x1, s20;
	[sflag:s13] =	ssyncset.done $0x0  }
0x4b: {  	p0 =	sne.s32 s20, s7;
	[sflag:s13] =	ssyncadd.s32 $0xFFFFC000  }
.Ltmp1:
0x4c: {  	[bflag:$0x0] =	sbarrier.arrive $0xFFFF;
	(pc) =	sbr.rel @p0 .LBB2_1-.Ltmp1, $4  }
0x4d: {  	[hbm:s9], [sflag:s6] =	dma.local [spmem:s12], $0x1400  }
0x4e: {  	_ =	swait.ge [sflag:s13], $0x1400  }
0x4f: {  	[sflag:s13] =	ssyncset.done $0x0  }
0x50: {  	[sflag:s13] =	ssyncadd.s32 $0xFFFFEC00  }
0x51: {  	_ =	sfence.sel $0x180000  }
0x52: {  	[bflag:$0x0] =	sbarrier.arrive $0xFFFF  }
0x53: {  	p0 =	sne.s32 s2, $0x0;
	_ =	strace $0x9000004D  }
0x54: {  	s0 =	sadd.s32 @!p0 $0x100000, s0;
	[bflag:$0x2] =	sbarrier.arrive $0xFFFF  }
0x55: {  	[sflag:s0] =	ssyncadd.tile.s32 @!p0 $0x1;
	_ =	shalt  }
.Lfunc_end2:
_tile_overlayer_lowered:
.L_overlay_start_2:
0x56: {  	(tag) =	ssettag $0x2  }
0x57: {  	s0 =	rddreg [dreg:$0x0];
	s2 =	stileid.u32  }
0x58: {  	s1 =	rddreg [dreg:$0x1];
	p0 =	sne.s32 s2, $0x0  }
0x59: {  	s3 =	rddreg [dreg:$0x2];
	[bflag:$0x3] =	sbarrier.arrive $0xFFFF;
	s2 =	simm.s32 @!p0 $0x1C02  }
0x5a: {  	[timem:s3], [sflag:s2] =	dma.local @!p0 [hbm:s0], s1  }
0x5b: {  	s0 =	simm.s32 @!p0 $0x2  }
0x5c: {  	_ =	swait.ge @!p0 [sflag:s0], s1  }
0x5d: {  	s1 =	ssub.s32 @!p0 $0x0, s1;
	[sflag:s0] =	ssyncset.done @!p0 $0x0  }
0x5e: {  	[sflag:s0] =	ssyncadd.s32 @!p0 s1  }
0x5f: {  	[bflag:$0x3] =	sbarrier.arrive $0xFFFF  }
0x60: {  	_ =	shalt  }

// kernel: kernel.21.cloned.1.call-start
scs
__scs_entry_jumppad:
0x0: {  	(pc) =	sbr.rel $0x88, $3  }
0x1: {  	(tag) =	ssettag $0x0;
	lr =	simm.s32 $0x1  }
0x2: {  	[smem:$0x3F8E] =	sst lr;
	_ =	strace $0xD0000000  }
0x3: {  	_ = 	snop  }
0x4: {  	_ = 	snop  }
0x5: {  	_ = 	snop  }
0x6: {  	_ = 	snop  }
0x7: {  	_ = 	snop  }
__scs_overlays_trampoline_lowered:
0x8: {  	[smem:$0x3F9D] =	sst s0  }
0x9: {  	[smem:$0x3F9E] =	sst s1  }
0xa: {  	[smem:$0x3F9F] =	sst s2  }
0xb: {  	[smem:$0x3FA0] =	sst s3  }
0xc: {  	[smem:$0x3FA1] =	sst s4  }
0xd: {  	[smem:$0x3FA2] =	sst s5  }
0xe: {  	[smem:$0x3FA3] =	sst s6  }
0xf: {  	[smem:$0x3FA4] =	sst s7  }
0x10: {  	[smem:$0x3FA5] =	sst s8  }
0x11: {  	[smem:$0x3FA6] =	sst s9;
	s0 =	simm.s32 @!p0 $0x0  }
0x12: {  	s1 =	sld [smem:$0x3F8C];
	s0 =	simm.s32 @p0 $0x1  }
0x13: {  	[smem:$0x3FA7] =	sst s0;
	s0 =	simm.s32 @!p1 $0x0  }
0x14: {  	s2 =	sld [smem:$0x3F8B];
	s0 =	simm.s32 @p1 $0x1  }
0x15: {  	[smem:$0x3FA8] =	sst s0;
	s0 =	simm.s32 @!p2 $0x0  }
0x16: {  	s3 =	sld [smem:$0x3FDB];
	s0 =	simm.s32 @p2 $0x1  }
0x17: {  	s4 =	simm.s32 $0x1BF5;
	[smem:$0x3FAA] =	sst s0  }
0x18: {  	s0 =	sld [smem:$0x3F8D];
	_ =	swait.ge [sflag:s4], $0x0  }
0x19: {  	s7 =	sld [smem:$0x3F8E]  }
0x1a: {  	s8 =	sadd.s32 $0xFFFFE003, lr  }
0x1b: {  	s9 =	sadd.s32 $0xFFFFFEF7, lr;
	s5 =	simm.s32 $0xFFFFFFFF;
	p2 =	slt.u32 s8, $0xFFFFF086  }
0x1c: {  	p1 =	slt.u32 s9, $0xF7A;
	s5 =	simm.s32 @!p2 $0x0  }
0x1d: {  	s5 =	simm.s32 @p1 $0x1;
	p0 =	seq.s32 s7, s2  }
0x1e: {  	s7 =	smul.u32 @!p0 $0xF7A, s2;
	p2 =	seq.s32 @!p0 s5, $0x0  }
0x1f: {  	s9 =	smul.u32 $0xF7A, s1;
	s8 =	simm.s32 @!p0 $0x1BF5;
	p2 =	por !p2, p0  }
0x20: {  	[sflag:s8] =	ssyncset.s32 @!p0 $0xFFFFF086;
	s6 =	sadd.s32 @!p0 s3, s7;
	s7 =	simm.s32 @!p0 $0x108  }
0x21: {  	s3 =	sadd.s32 s3, s9;
	s6 =	sadd.s32 @!p0 $0x88, s6;
	s7 =	simm.s32 @p2 $0x1082  }
0x22: {  	[simem:s7], [sflag:s8] =	dma.local @!p0 [hbm:s6], $0xF7A  }
0x23: {  	s9 =	sor.u32 $0xD0000000, s2;
	s6 =	simm.s32 $0x108;
	_ =	swait.ge @!p0 [sflag:s8], $0x0  }
0x24: {  	s3 =	sadd.s32 $0x88, s3;
	s6 =	simm.s32 @!p1 $0x1082;
	[sflag:s4] =	ssyncset.s32 $0xFFFFF086  }
0x25: {  	[simem:s6], [sflag:s4] =	dma.local [hbm:s3], $0xF7A  }
0x26: {  	[smem:$0x3F8E] =	sst s1;
	(tag) =	ssettag s2;
	_ =	strace s9  }
0x27: {  	s1 =	sld [smem:$0x3F9E]  }
0x28: {  	s2 =	sld [smem:$0x3F9F]  }
0x29: {  	s4 =	sld [smem:$0x3FA1]  }
0x2a: {  	p0 =	seq.s32 s5, $0x0;
	s5 =	sld [smem:$0x3FA2]  }
0x2b: {  	s6 =	sld [smem:$0x3FA3]  }
0x2c: {  	s7 =	sld [smem:$0x3FA4]  }
0x2d: {  	s3 =	simm.s32 $0x108;
	s8 =	sld [smem:$0x3FA5]  }
0x2e: {  	s3 =	simm.s32 @!p0 $0x1082;
	s9 =	sld [smem:$0x3FA6]  }
0x2f: {  	lr =	sadd.s32 s0, s3;
	s0 =	sld [smem:$0x3F9D]  }
0x30: {  	s3 =	sld [smem:$0x3FA0]  }
0x31: {  	[smem:$0x3FA9] =	sst s10  }
0x32: {  	s10 =	sld [smem:$0x3FA7];
	_ =	sdelay $0x3  }
0x33: {  	p0 =	seq.s32 s10, $0x1;
	s10 =	sld [smem:$0x3FA9];
	_ =	sdelay $0x3  }
0x34: {  	[smem:$0x3FA9] =	sst s10  }
0x35: {  	s10 =	sld [smem:$0x3FA8];
	_ =	sdelay $0x3  }
0x36: {  	p1 =	seq.s32 s10, $0x1;
	s10 =	sld [smem:$0x3FA9];
	_ =	sdelay $0x3  }
0x37: {  	[smem:$0x3FA9] =	sst s10  }
0x38: {  	s10 =	sld [smem:$0x3FAA]  }
0x39: {  	_ = 	snop;
	(pc) =	sbr.ind lr, $3  }
0x3a: {  	_ = 	snop  }
0x3b: {  	_ = 	snop  }
0x3c: {  	p2 =	seq.s32 s10, $0x1;
	s10 =	sld [smem:$0x3FA9]  }
0x3d: {  	_ =	shalt  }
0x3e: {  	_ =	shalt  }
0x3f: {  	_ =	shalt  }
0x40: {  	_ =	shalt  }
0x41: {  	_ =	shalt  }
0x42: {  	_ =	shalt  }
0x43: {  	_ =	shalt  }
0x44: {  	_ =	shalt  }
0x45: {  	_ =	shalt  }
0x46: {  	_ =	shalt  }
0x47: {  	_ =	shalt  }
0x48: {  	_ =	shalt  }
0x49: {  	_ =	shalt  }
0x4a: {  	_ =	shalt  }
0x4b: {  	_ =	shalt  }
0x4c: {  	_ =	shalt  }
0x4d: {  	_ =	shalt  }
0x4e: {  	_ =	shalt  }
0x4f: {  	_ =	shalt  }
0x50: {  	_ =	shalt  }
0x51: {  	_ =	shalt  }
0x52: {  	_ =	shalt  }
0x53: {  	_ =	shalt  }
0x54: {  	_ =	shalt  }
0x55: {  	_ =	shalt  }
0x56: {  	_ =	shalt  }
0x57: {  	_ =	shalt  }
0x58: {  	_ =	shalt  }
0x59: {  	_ =	shalt  }
0x5a: {  	_ =	shalt  }
0x5b: {  	_ =	shalt  }
0x5c: {  	_ =	shalt  }
0x5d: {  	_ =	shalt  }
0x5e: {  	_ =	shalt  }
0x5f: {  	_ =	shalt  }
0x60: {  	_ =	shalt  }
0x61: {  	_ =	shalt  }
0x62: {  	_ =	shalt  }
0x63: {  	_ =	shalt  }
0x64: {  	_ =	shalt  }
0x65: {  	_ =	shalt  }
0x66: {  	_ =	shalt  }
0x67: {  	_ =	shalt  }
0x68: {  	_ =	shalt  }
0x69: {  	_ =	shalt  }
0x6a: {  	_ =	shalt  }
0x6b: {  	_ =	shalt  }
0x6c: {  	_ =	shalt  }
0x6d: {  	_ =	shalt  }
0x6e: {  	_ =	shalt  }
0x6f: {  	_ =	shalt  }
0x70: {  	_ =	shalt  }
0x71: {  	_ =	shalt  }
0x72: {  	_ =	shalt  }
0x73: {  	_ =	shalt  }
0x74: {  	_ =	shalt  }
0x75: {  	_ =	shalt  }
0x76: {  	_ =	shalt  }
0x77: {  	_ =	shalt  }
0x78: {  	_ =	shalt  }
0x79: {  	_ =	shalt  }
0x7a: {  	_ =	shalt  }
0x7b: {  	_ =	shalt  }
0x7c: {  	_ =	shalt  }
0x7d: {  	_ =	shalt  }
0x7e: {  	_ =	shalt  }
0x7f: {  	_ =	shalt  }
0x80: {  	_ =	shalt  }
0x81: {  	_ =	shalt  }
0x82: {  	_ =	shalt  }
0x83: {  	_ =	shalt  }
0x84: {  	_ =	shalt  }
0x85: {  	_ =	shalt  }
0x86: {  	_ =	shalt  }
0x87: {  	_ =	shalt  }
.Lfunc_end0:
.L_simem_size_0:
called_computation.3_lowered:
.L_overlay_start_0:
0x88: {  	s2 =	sld [smem:$0x3FD9]  }
0x89: {  	s3 =	sld [smem:$0x3FFE];
	_ =	sdelay $0x1  }
0x8a: {  	s1 =	srdreg.scid  }
0x8b: {  	s0 =	sand.u32 $0x1, s1  }
0x8c: {  	s14 =	sshll.u32 s0, $0xA;
	s2 =	sadd.s32 s3, s2  }
0x8d: {  	s2 =	sadd.s32 s2, s14  }
0x8e: {  	[smem:$0x3FB5] =	sst s2  }
0x8f: {  	_ = 	snop  }
0x90: {  	s2 =	sld [smem:$0x3FD0];
	_ =	sdelay $0x2  }
0x91: {  	s15 =	simm.s32 $0xA;
	s4 =	simm.s32 $0x10  }
0x92: {  	[smem:s4], [sflag:s15] =	dma.local [hbm:s2], $0x1  }
0x93: {  	_ =	swait.eq [sflag:s15], $0x1  }
0x94: {  	[sflag:s15] =	ssyncset.done $0x0  }
0x95: {  	[sflag:s15] =	ssyncadd.s32 $0xFFFFFFFF  }
0x96: {  	s16 =	sld [smem:$0x10];
	(tm) =	ssettm $0x1  }
0x97: {  	s17 =	sld [smem:$0x3FFB];
	_ =	sdelay $0x3  }
0x98: {  	_ =	strace s17  }
0x99: {  	s3 =	sld [smem:$0x3FFC];
	_ =	sdelay $0x3  }
0x9a: {  	_ =	strace s3  }
0x9b: {  	s3 =	sld [smem:$0x3FFD];
	_ =	sdelay $0x3  }
0x9c: {  	_ =	strace s3  }
0x9d: {  	_ =	strace $0x8FFFFFFF  }
0x9e: {  	s18 =	sld [smem:$0x3FDB];
	_ =	sdelay $0x1  }
0x9f: {  	s19 =	simm.s32 $_scs_section_size  }
0xa0: {  	s5 =	simm.s32 $_size__tile_overlayer_lowered;
	s6 =	simm.s32 $_tile_overlayer_lowered  }
0xa1: {  	s22 =	simm.s32 $0x1BFF;
	s21 =	sshll.u32 s6, $0x1;
	s3 =	sadd.s32 s19, s18  }
0xa2: {  	s7 =	simm.s32 $0x0;
	s20 =	sshll.u32 s5, $0x1;
	s5 =	sadd.s32 s21, s3  }
0xa3: {  	[timem:s7], [sflag:s22] =	dma.local [hbm:s5], s20  }
0xa4: {  	_ =	swait.ge [sflag:s22], s20  }
0xa5: {  	s4 =	ssub.s32 $0x0, s20;
	[sflag:s22] =	ssyncset.done $0x0  }
0xa6: {  	[sflag:s22] =	ssyncadd.s32 s4;
	_ =	sdelay $0x1  }
0xa7: {  	s23 =	simm.s32 $0x1B8B  }
0xa8: {  	_ =	swait.ge [sflag:s23], $0x1  }
0xa9: {  	[sflag:s23] =	ssyncset.done $0x0  }
0xaa: {  	s25 =	simm.s32 $0x1B8E;
	s24 =	sld [smem:$0x3FFE];
	[sflag:s23] =	ssyncadd.s32 $0xFFFFFFFF  }
0xab: {  	s26 =	simm.s32 $execute0_lowered;
	[smem:$0x3FD2] =	sst s25  }
0xac: {  	s5 =	sshll.u32 s26, $0x1;
	_ =	strace $0x8000004F;
	[dreg:$0x1] =	wrdreg $0xFFFFFFFF  }
0xad: {  	s28 =	simm.s32 $_size_execute0_lowered;
	s3 =	sadd.s32 s3, s5;
	[dreg:$0x0] =	wrdreg $0x0  }
0xae: {  	s5 =	sshll.u32 s28, $0x1;
	[dreg:$0x2] =	wrdreg s3  }
0xaf: {  	[dreg:$0x3] =	wrdreg s5  }
0xb0: {  	[dreg:$0x4] =	wrdreg $0xC0  }
0xb1: {  	_ =	task [dreg:s7], $0x5FFFF  }
0xb2: {  	[dreg:$0x1] =	wrdreg $0xFFFFFFFF  }
0xb3: {  	[dreg:$0x0] =	wrdreg $0x60  }
0xb4: {  	[dreg:$0x2] =	wrdreg s16  }
0xb5: {  	[dreg:$0x3] =	wrdreg s24  }
0xb6: {  	[dreg:$0x4] =	wrdreg $0x0  }
0xb7: {  	[dreg:$0x5] =	wrdreg $0x9  }
0xb8: {  	_ =	task.clear_ibuf [dreg:s7], $0x6FFFF;
	_ =	strace $0x9000004F  }
0xb9: {  	s29 =	simm.s32 $0x9;
	_ =	strace $0x80000051  }
0xba: {  	_ =	swait.ge [sflag:s29], $0x1  }
0xbb: {  	[sflag:s29] =	ssyncadd.s32 $0xFFFFFFFF  }
0xbc: {  	_ =	strace $0x90000051  }
0xbd: {  	_ =	sfence  }
0xbe: {  	s30 =	sld [smem:$0x0];
	_ =	sdelay $0x2  }
0xbf: {  	s31 =	sshll.u32 s1, $0xD;
	s1 =	sshrl.u32 s1, $0x2  }
0xc0: {  	s3 =	sand.u32 $0x4000, s31;
	s1 =	sadd.s32 s1, s30  }
0xc1: {  	s0 =	sor.u32 s3, s0;
	s1 =	sshll.u32 s1, $0x11  }
0xc2: {  	s0 =	sor.u32 s1, s0  }
0xc3: {  	s0 =	sadd.s32 $0x8F2B, s0  }
0xc4: {  	[sflag:s0] =	ssyncadd.remote.s32 $0x1  }
0xc5: {  	_ =	sfence.sel $0xFFFF  }
0xc6: {  	[dreg:$0x0] =	wrdreg $0xFFFFFFFF;
	(pc) =	sbr.abs _section_cstart, $3  }
0xc7: {  	[dreg:$0x1] =	wrdreg $0xFFFFFFFF  }
0xc8: {  	_ =	task.clear_ibuf [dreg:s7], $0x2FFFF;
	_ =	strace $0x9FFFFFFF  }
0xc9: {  	(tm) =	ssettm $0x7FFFFFFF  }
tec
execute0_lowered:
.L_overlay_start_1:
0x0: {  	(tag) =	ssettag $0x1  }
0x1: {  	s13 =	rddreg [dreg:$0x0]  }
0x2: {  	s7 =	rddreg [dreg:$0x1]  }
0x3: {  	s2 =	rddreg [dreg:$0x2]  }
0x4: {  	s0 =	rddreg [dreg:$0x3];
	s3 =	simm.s32 $0x0;
	s1 =	stileid.u32  }
0x5: {  	s5 =	srdreg.scid;
	s19 =	simm.s32 $0x1;
	s20 =	simm.s32 $0x13C00  }
0x6: {  	s21 =	simm.s32 $0x13C80;
	s22 =	simm.s32 $0x80;
	s23 =	simm.s32 $0x0  }
0x7: {  	[smem:$0x7FF] =	sst s3;
	s14 =	sshll.u32 s1, $0xB;
	s6 =	sshll.u32 s1, $0x4  }
0x8: {  	s4 =	smul.u32 $0x2780, s1;
	s8 =	sand.u32 $0x1, s5;
	s5 =	sadd.s32 $0x87600, s7  }
0x9: {  	s12 =	smul.u32 $0x4F000, s1;
	s30 =	ssub.s32 $0x37, s1;
	s31 =	sshll.u32 s1, $0x6  }
0xa: {  	_ =	strace $0x80000050;
	s17 =	sadd.s32 s14, s7;
	s15 =	sadd.s32 s6, s7  }
0xb: {  	s9 =	ssub.s32 $0x2, s8;
	s6 =	sadd.s32 $0x4E000, s7;
	p0 =	seq.s32 s8, $0x1  }
0xc: {  	s8 =	sshrl.u32 s30, $0x4;
	s13 =	sadd.s32 s14, s13;
	s10 =	sadd.s32 s4, s7  }
.Ltmp0:
0xd: {  	s11 =	sshrl.u32 s9, $0x1;
	s7 =	sadd.s32 $0x89E00, s7;
	(pc) =	sbr.rel .LBB2_1-.Ltmp0, $4  }
0xe: {  	s29 =	sshrl.u32 s12, $0x2;
	s12 =	sor.u32 $0x1C01, s31;
	s14 =	sadd.s32 $0xCC00, s15  }
0xf: {  	s15 =	sadd.s32 $0x26000, s17;
	s16 =	sadd.s32 $0x12000, s17;
	s17 =	sadd.s32 $0x3A000, s17  }
0x10: {  	s11 =	ssub.s32 s9, s11;
	s18 =	sadd.s32 s29, s2;
	s9 =	sadd.s32 $0xB1600, s10  }
0x11: {  	s10 =	sadd.s32 $0xD8E00, s10;
	s11 =	smax.u32 s11, $0x1;
	s18 =	sshrl.u32 s18, $0x3  }
.LBB2_6:
0x12: {  	[sflag:s19] =	ssyncadd.s32 $0xFFFFC000;
	s24 =	smov.u32 s6  }
.LBB2_12:
0x13: {  	s24 =	sadd.s32 s24, s4;
	[bflag:$0x0] =	sbarrier.arrive $0xFFFF;
	s23 =	sadd.s32 $0x1, s23  }
0x14: {  	[hbm:s24], [sflag:s12] =	dma.local [spmem:s18], $0x2780  }
0x15: {  	p1 =	sne.s32 s23, s11  }
.Ltmp1:
0x16: {  	_ =	swait.ge [sflag:s19], $0x2780;
	(pc) =	sbr.rel @!p1 .LBB2_13-.Ltmp1, $3  }
0x17: {  	[sflag:s19] =	ssyncset.done $0x0  }
0x18: {  	[sflag:s19] =	ssyncadd.s32 $0xFFFFD880  }
0x19: {  	[bflag:$0x0] =	sbarrier.arrive $0xFFFF;
	_ =	sdelay $0x1  }
.LBB2_1:
0x1a: {  	[spmem:s18], [sflag:s12] =	dma.local [hbm:s5], $0x2780  }
.Ltmp2:
0x1b: {  	_ =	swait.ge [sflag:s19], $0x2780;
	(pc) =	sbr.rel @!p0 .LBB2_2-.Ltmp2, $3  }
0x1c: {  	[sflag:s19] =	ssyncset.done $0x0  }
0x1d: {  	[sflag:s19] =	ssyncadd.s32 $0xFFFFD880  }
0x1e: {  	[bflag:$0x0] =	sbarrier.arrive $0xFFFF;
	_ =	sdelay $0x1  }
0x1f: {  	[tilespmem:s20], [sflag:$0x1] =	stream.linear.gather [hbm4b:s14+s3], $0x80, $0x38;
	[tilespmem:$0x17C80] =	vst v63  }
0x20: {  	_ =	swait.ge [sflag:s19], $0x80  }
0x21: {  	[sflag:s19] =	ssyncset.done $0x0  }
0x22: {  	[sflag:s19] =	ssyncadd.s32 $0xFFFFFF80  }
0x23: {  	[tilespmem:s21], [sflag:$0x1] =	stream.linear.gather [hbm4b:s16+s3], $0x4000, $0x38;
	[tilespmem:$0x17C80] =	vst v63  }
0x24: {  	p1 =	sne.s32 s8, $0x1;
	_ =	swait.ge [sflag:s19], $0x4000  }
.Ltmp3:
0x25: {  	[sflag:s19] =	ssyncset.done $0x0;
	(pc) =	sbr.rel @!p1 .LBB2_9-.Ltmp3, $4  }
0x26: {  	[sflag:s19] =	ssyncadd.s32 $0xFFFFC000  }
0x27: {  	[spmem:s2] =	stream.indirect.scatter.add.f32 [tilespmem:s21], [sflag:$0x1], $0x80, s20, s22, $0xb8;
	[tilespmem:$0x17C80] =	vst v63  }
0x28: {  	s24 =	sadd.s32 $0xFFFFFFFF, s8;
	_ =	swait.ge [sflag:s19], $0x4000  }
0x29: {  	s25 =	smov.u32 s16;
	s26 =	smov.u32 s14;
	[sflag:s19] =	ssyncset.done $0x0  }
.LBB2_8:
0x2a: {  	[sflag:s19] =	ssyncadd.s32 $0xFFFFC000;
	s25 =	sadd.s32 $0x8000, s25;
	s26 =	sadd.s32 $0x100, s26  }
0x2b: {  	[tilespmem:s20], [sflag:$0x1] =	stream.linear.gather [hbm4b:s26+s3], $0x80, $0x38;
	[tilespmem:$0x17C80] =	vst v63  }
0x2c: {  	p1 =	sne.s32 s24, $0x1;
	s24 =	sadd.s32 $0xFFFFFFFF, s24;
	_ =	swait.ge [sflag:s19], $0x80  }
0x2d: {  	[sflag:s19] =	ssyncset.done $0x0  }
0x2e: {  	[sflag:s19] =	ssyncadd.s32 $0xFFFFFF80  }
0x2f: {  	[tilespmem:s21], [sflag:$0x1] =	stream.linear.gather [hbm4b:s25+s3], $0x4000, $0x38;
	[tilespmem:$0x17C80] =	vst v63  }
0x30: {  	_ =	swait.ge [sflag:s19], $0x4000  }
.Ltmp4:
0x31: {  	[sflag:s19] =	ssyncset.done $0x0;
	(pc) =	sbr.rel @p1 .LBB2_8-.Ltmp4, $4  }
0x32: {  	[sflag:s19] =	ssyncadd.s32 $0xFFFFC000  }
0x33: {  	[spmem:s2] =	stream.indirect.scatter.add.f32 [tilespmem:s21], [sflag:$0x1], $0x80, s20, s22, $0xb8;
	[tilespmem:$0x17C80] =	vst v63  }
0x34: {  	_ =	swait.ge [sflag:s19], $0x4000  }
0x35: {  	[sflag:s19] =	ssyncset.done $0x0  }
.LBB2_9:
0x36: {  	[sflag:s19] =	ssyncadd.s32 $0xFFFFC000  }
0x37: {  	[bflag:$0x0] =	sbarrier.arrive $0xFFFF  }
0x38: {  	[hbm:s10], [sflag:s12] =	dma.local [spmem:s18], $0x2780  }
0x39: {  	_ =	swait.ge [sflag:s19], $0x2780  }
0x3a: {  	[sflag:s19] =	ssyncset.done $0x0  }
0x3b: {  	[sflag:s19] =	ssyncadd.s32 $0xFFFFD880  }
0x3c: {  	[bflag:$0x0] =	sbarrier.arrive $0xFFFF  }
0x3d: {  	[spmem:s18], [sflag:s12] =	dma.local [hbm:s5], $0x2780  }
0x3e: {  	_ =	swait.ge [sflag:s19], $0x2780  }
0x3f: {  	[sflag:s19] =	ssyncset.done $0x0  }
0x40: {  	[sflag:s19] =	ssyncadd.s32 $0xFFFFD880  }
0x41: {  	[bflag:$0x0] =	sbarrier.arrive $0xFFFF  }
0x42: {  	[tilespmem:s20], [sflag:$0x1] =	stream.linear.gather [hbm4b:s14+s3], $0x80, $0x38;
	[tilespmem:$0x17C80] =	vst v63  }
0x43: {  	_ =	swait.ge [sflag:s19], $0x80  }
0x44: {  	[sflag:s19] =	ssyncset.done $0x0  }
0x45: {  	[sflag:s19] =	ssyncadd.s32 $0xFFFFFF80  }
0x46: {  	[tilespmem:s21], [sflag:$0x1] =	stream.linear.gather [hbm4b:s17+s3], $0x4000, $0x38;
	[tilespmem:$0x17C80] =	vst v63  }
0x47: {  	p1 =	sne.s32 s8, $0x1;
	_ =	swait.ge [sflag:s19], $0x4000  }
.Ltmp5:
0x48: {  	[sflag:s19] =	ssyncset.done $0x0;
	(pc) =	sbr.rel @!p1 .LBB2_11-.Ltmp5, $4  }
0x49: {  	[sflag:s19] =	ssyncadd.s32 $0xFFFFC000  }
0x4a: {  	[spmem:s2] =	stream.indirect.scatter.add.f32 [tilespmem:s21], [sflag:$0x1], $0x80, s20, s22, $0xb8;
	[tilespmem:$0x17C80] =	vst v63  }
0x4b: {  	s24 =	sadd.s32 $0xFFFFFFFF, s8;
	_ =	swait.ge [sflag:s19], $0x4000  }
0x4c: {  	s25 =	smov.u32 s17;
	s26 =	smov.u32 s14;
	[sflag:s19] =	ssyncset.done $0x0  }
.LBB2_10:
0x4d: {  	[sflag:s19] =	ssyncadd.s32 $0xFFFFC000;
	s25 =	sadd.s32 $0x8000, s25;
	s26 =	sadd.s32 $0x100, s26  }
0x4e: {  	[tilespmem:s20], [sflag:$0x1] =	stream.linear.gather [hbm4b:s26+s3], $0x80, $0x38;
	[tilespmem:$0x17C80] =	vst v63  }
0x4f: {  	p1 =	sne.s32 s24, $0x1;
	s24 =	sadd.s32 $0xFFFFFFFF, s24;
	_ =	swait.ge [sflag:s19], $0x80  }
0x50: {  	[sflag:s19] =	ssyncset.done $0x0  }
0x51: {  	[sflag:s19] =	ssyncadd.s32 $0xFFFFFF80  }
0x52: {  	[tilespmem:s21], [sflag:$0x1] =	stream.linear.gather [hbm4b:s25+s3], $0x4000, $0x38;
	[tilespmem:$0x17C80] =	vst v63  }
0x53: {  	_ =	swait.ge [sflag:s19], $0x4000  }
.Ltmp6:
0x54: {  	[sflag:s19] =	ssyncset.done $0x0;
	(pc) =	sbr.rel @p1 .LBB2_10-.Ltmp6, $4  }
0x55: {  	[sflag:s19] =	ssyncadd.s32 $0xFFFFC000  }
0x56: {  	[spmem:s2] =	stream.indirect.scatter.add.f32 [tilespmem:s21], [sflag:$0x1], $0x80, s20, s22, $0xb8;
	[tilespmem:$0x17C80] =	vst v63  }
0x57: {  	_ =	swait.ge [sflag:s19], $0x4000  }
0x58: {  	[sflag:s19] =	ssyncset.done $0x0  }
.LBB2_11:
.Ltmp7:
0x59: {  	(pc) =	sbr.rel .LBB2_12-.Ltmp7, $2  }
0x5a: {  	_ =	sdelay $0x2  }
0x5b: {  	[sflag:s19] =	ssyncadd.s32 $0xFFFFC000;
	s24 =	smov.u32 s7  }
.LBB2_2:
0x5c: {  	[tilespmem:s20], [sflag:$0x1] =	stream.linear.gather [hbm4b:s14+s3], $0x80, $0x38;
	[tilespmem:$0x17C80] =	vst v63  }
0x5d: {  	_ =	swait.ge [sflag:s19], $0x80  }
0x5e: {  	[sflag:s19] =	ssyncset.done $0x0  }
0x5f: {  	[sflag:s19] =	ssyncadd.s32 $0xFFFFFF80  }
0x60: {  	[tilespmem:s21], [sflag:$0x1] =	stream.linear.gather [hbm4b:s13+s3], $0x4000, $0x38;
	[tilespmem:$0x17C80] =	vst v63  }
0x61: {  	p1 =	sne.s32 s8, $0x1;
	_ =	swait.ge [sflag:s19], $0x4000  }
.Ltmp8:
0x62: {  	[sflag:s19] =	ssyncset.done $0x0;
	(pc) =	sbr.rel @!p1 .LBB2_4-.Ltmp8, $4  }
0x63: {  	[sflag:s19] =	ssyncadd.s32 $0xFFFFC000  }
0x64: {  	[spmem:s2] =	stream.indirect.scatter.add.f32 [tilespmem:s21], [sflag:$0x1], $0x80, s20, s22, $0xb8;
	[tilespmem:$0x17C80] =	vst v63  }
0x65: {  	s24 =	sadd.s32 $0xFFFFFFFF, s8;
	_ =	swait.ge [sflag:s19], $0x4000  }
0x66: {  	s25 =	smov.u32 s13;
	s26 =	smov.u32 s14;
	[sflag:s19] =	ssyncset.done $0x0  }
.LBB2_3:
0x67: {  	[sflag:s19] =	ssyncadd.s32 $0xFFFFC000;
	s25 =	sadd.s32 $0x8000, s25;
	s26 =	sadd.s32 $0x100, s26  }
0x68: {  	[tilespmem:s20], [sflag:$0x1] =	stream.linear.gather [hbm4b:s26+s3], $0x80, $0x38;
	[tilespmem:$0x17C80] =	vst v63  }
0x69: {  	p1 =	sne.s32 s24, $0x1;
	s24 =	sadd.s32 $0xFFFFFFFF, s24;
	_ =	swait.ge [sflag:s19], $0x80  }
0x6a: {  	[sflag:s19] =	ssyncset.done $0x0  }
0x6b: {  	[sflag:s19] =	ssyncadd.s32 $0xFFFFFF80  }
0x6c: {  	[tilespmem:s21], [sflag:$0x1] =	stream.linear.gather [hbm4b:s25+s3], $0x4000, $0x38;
	[tilespmem:$0x17C80] =	vst v63  }
0x6d: {  	_ =	swait.ge [sflag:s19], $0x4000  }
.Ltmp9:
0x6e: {  	[sflag:s19] =	ssyncset.done $0x0;
	(pc) =	sbr.rel @p1 .LBB2_3-.Ltmp9, $4  }
0x6f: {  	[sflag:s19] =	ssyncadd.s32 $0xFFFFC000  }
0x70: {  	[spmem:s2] =	stream.indirect.scatter.add.f32 [tilespmem:s21], [sflag:$0x1], $0x80, s20, s22, $0xb8;
	[tilespmem:$0x17C80] =	vst v63  }
0x71: {  	_ =	swait.ge [sflag:s19], $0x4000  }
0x72: {  	[sflag:s19] =	ssyncset.done $0x0  }
.LBB2_4:
0x73: {  	[sflag:s19] =	ssyncadd.s32 $0xFFFFC000  }
0x74: {  	[bflag:$0x0] =	sbarrier.arrive $0xFFFF  }
0x75: {  	[hbm:s9], [sflag:s12] =	dma.local [spmem:s18], $0x2780  }
0x76: {  	_ =	swait.ge [sflag:s19], $0x2780  }
0x77: {  	[sflag:s19] =	ssyncset.done $0x0  }
0x78: {  	[sflag:s19] =	ssyncadd.s32 $0xFFFFD880  }
0x79: {  	[bflag:$0x0] =	sbarrier.arrive $0xFFFF  }
0x7a: {  	[spmem:s18], [sflag:s12] =	dma.local [hbm:s5], $0x2780  }
0x7b: {  	_ =	swait.ge [sflag:s19], $0x2780  }
0x7c: {  	[sflag:s19] =	ssyncset.done $0x0  }
0x7d: {  	[sflag:s19] =	ssyncadd.s32 $0xFFFFD880  }
0x7e: {  	[bflag:$0x0] =	sbarrier.arrive $0xFFFF  }
0x7f: {  	[tilespmem:s20], [sflag:$0x1] =	stream.linear.gather [hbm4b:s14+s3], $0x80, $0x38;
	[tilespmem:$0x17C80] =	vst v63  }
0x80: {  	_ =	swait.ge [sflag:s19], $0x80  }
0x81: {  	[sflag:s19] =	ssyncset.done $0x0  }
0x82: {  	[sflag:s19] =	ssyncadd.s32 $0xFFFFFF80  }
0x83: {  	[tilespmem:s21], [sflag:$0x1] =	stream.linear.gather [hbm4b:s15+s3], $0x4000, $0x38;
	[tilespmem:$0x17C80] =	vst v63  }
0x84: {  	p1 =	seq.s32 s8, $0x1;
	_ =	swait.ge [sflag:s19], $0x4000  }
.Ltmp10:
0x85: {  	[sflag:s19] =	ssyncset.done $0x0;
	(pc) =	sbr.rel @p1 .LBB2_6-.Ltmp10, $4  }
0x86: {  	[sflag:s19] =	ssyncadd.s32 $0xFFFFC000  }
0x87: {  	[spmem:s2] =	stream.indirect.scatter.add.f32 [tilespmem:s21], [sflag:$0x1], $0x80, s20, s22, $0xb8;
	[tilespmem:$0x17C80] =	vst v63  }
0x88: {  	s24 =	sadd.s32 $0xFFFFFFFF, s8;
	_ =	swait.ge [sflag:s19], $0x4000  }
0x89: {  	s25 =	smov.u32 s15;
	s26 =	smov.u32 s14;
	[sflag:s19] =	ssyncset.done $0x0  }
.LBB2_5:
0x8a: {  	[sflag:s19] =	ssyncadd.s32 $0xFFFFC000;
	s25 =	sadd.s32 $0x8000, s25;
	s26 =	sadd.s32 $0x100, s26  }
0x8b: {  	[tilespmem:s20], [sflag:$0x1] =	stream.linear.gather [hbm4b:s26+s3], $0x80, $0x38;
	[tilespmem:$0x17C80] =	vst v63  }
0x8c: {  	p1 =	seq.s32 s24, $0x1;
	s24 =	sadd.s32 $0xFFFFFFFF, s24;
	_ =	swait.ge [sflag:s19], $0x80  }
0x8d: {  	[sflag:s19] =	ssyncset.done $0x0  }
0x8e: {  	[sflag:s19] =	ssyncadd.s32 $0xFFFFFF80  }
0x8f: {  	[tilespmem:s21], [sflag:$0x1] =	stream.linear.gather [hbm4b:s25+s3], $0x4000, $0x38;
	[tilespmem:$0x17C80] =	vst v63  }
0x90: {  	_ =	swait.ge [sflag:s19], $0x4000  }
.Ltmp11:
0x91: {  	[sflag:s19] =	ssyncset.done $0x0;
	(pc) =	sbr.rel @!p1 .LBB2_5-.Ltmp11, $4  }
0x92: {  	[sflag:s19] =	ssyncadd.s32 $0xFFFFC000  }
0x93: {  	[spmem:s2] =	stream.indirect.scatter.add.f32 [tilespmem:s21], [sflag:$0x1], $0x80, s20, s22, $0xb8;
	[tilespmem:$0x17C80] =	vst v63  }
0x94: {  	_ =	swait.ge [sflag:s19], $0x4000  }
0x95: {  	[sflag:s19] =	ssyncset.done $0x0  }
.Ltmp12:
0x96: {  	_ = 	snop;
	(pc) =	sbr.rel .LBB2_6-.Ltmp12, $1  }
0x97: {  	_ =	sdelay $0x3  }
.LBB2_13:
0x98: {  	_ =	sfence.sel $0x180000  }
0x99: {  	[bflag:$0x0] =	sbarrier.arrive $0xFFFF  }
0x9a: {  	p0 =	sne.s32 s1, $0x0;
	_ =	strace $0x90000050  }
0x9b: {  	s0 =	sadd.s32 @!p0 $0x100000, s0;
	[bflag:$0x2] =	sbarrier.arrive $0xFFFF  }
0x9c: {  	[sflag:s0] =	ssyncadd.tile.s32 @!p0 $0x1;
	_ =	shalt  }
.Lfunc_end2:
_tile_overlayer_lowered:
.L_overlay_start_2:
0x9d: {  	(tag) =	ssettag $0x2  }
0x9e: {  	s0 =	rddreg [dreg:$0x0];
	s2 =	stileid.u32  }
0x9f: {  	s1 =	rddreg [dreg:$0x1];
	p0 =	sne.s32 s2, $0x0  }
0xa0: {  	s3 =	rddreg [dreg:$0x2];
	[bflag:$0x3] =	sbarrier.arrive $0xFFFF;
	s2 =	simm.s32 @!p0 $0x1C01  }
0xa1: {  	[timem:s3], [sflag:s2] =	dma.local @!p0 [hbm:s0], s1  }
0xa2: {  	s0 =	simm.s32 @!p0 $0x1  }
0xa3: {  	_ =	swait.ge @!p0 [sflag:s0], s1  }
0xa4: {  	s1 =	ssub.s32 @!p0 $0x0, s1;
	[sflag:s0] =	ssyncset.done @!p0 $0x0  }
0xa5: {  	[sflag:s0] =	ssyncadd.s32 @!p0 s1  }
0xa6: {  	[bflag:$0x3] =	sbarrier.arrive $0xFFFF  }
0xa7: {  	_ =	shalt  }

// kernel: kernel.24.cloned.1.call-start
scs
__scs_entry_jumppad:
0x0: {  	(pc) =	sbr.rel $0x88, $3  }
0x1: {  	(tag) =	ssettag $0x0;
	lr =	simm.s32 $0x1  }
0x2: {  	[smem:$0x3F8E] =	sst lr;
	_ =	strace $0xD0000000  }
0x3: {  	_ = 	snop  }
0x4: {  	_ = 	snop  }
0x5: {  	_ = 	snop  }
0x6: {  	_ = 	snop  }
0x7: {  	_ = 	snop  }
__scs_overlays_trampoline_lowered:
0x8: {  	[smem:$0x3F9D] =	sst s0  }
0x9: {  	[smem:$0x3F9E] =	sst s1  }
0xa: {  	[smem:$0x3F9F] =	sst s2  }
0xb: {  	[smem:$0x3FA0] =	sst s3  }
0xc: {  	[smem:$0x3FA1] =	sst s4  }
0xd: {  	[smem:$0x3FA2] =	sst s5  }
0xe: {  	[smem:$0x3FA3] =	sst s6  }
0xf: {  	[smem:$0x3FA4] =	sst s7  }
0x10: {  	[smem:$0x3FA5] =	sst s8  }
0x11: {  	[smem:$0x3FA6] =	sst s9;
	s0 =	simm.s32 @!p0 $0x0  }
0x12: {  	s1 =	sld [smem:$0x3F8C];
	s0 =	simm.s32 @p0 $0x1  }
0x13: {  	[smem:$0x3FA7] =	sst s0;
	s0 =	simm.s32 @!p1 $0x0  }
0x14: {  	s2 =	sld [smem:$0x3F8B];
	s0 =	simm.s32 @p1 $0x1  }
0x15: {  	[smem:$0x3FA8] =	sst s0;
	s0 =	simm.s32 @!p2 $0x0  }
0x16: {  	s3 =	sld [smem:$0x3FDB];
	s0 =	simm.s32 @p2 $0x1  }
0x17: {  	s4 =	simm.s32 $0x1BF5;
	[smem:$0x3FAA] =	sst s0  }
0x18: {  	s0 =	sld [smem:$0x3F8D];
	_ =	swait.ge [sflag:s4], $0x0  }
0x19: {  	s7 =	sld [smem:$0x3F8E]  }
0x1a: {  	s8 =	sadd.s32 $0xFFFFE003, lr  }
0x1b: {  	s9 =	sadd.s32 $0xFFFFFEF7, lr;
	s5 =	simm.s32 $0xFFFFFFFF;
	p2 =	slt.u32 s8, $0xFFFFF086  }
0x1c: {  	p1 =	slt.u32 s9, $0xF7A;
	s5 =	simm.s32 @!p2 $0x0  }
0x1d: {  	s5 =	simm.s32 @p1 $0x1;
	p0 =	seq.s32 s7, s2  }
0x1e: {  	s7 =	smul.u32 @!p0 $0xF7A, s2;
	p2 =	seq.s32 @!p0 s5, $0x0  }
0x1f: {  	s9 =	smul.u32 $0xF7A, s1;
	s8 =	simm.s32 @!p0 $0x1BF5;
	p2 =	por !p2, p0  }
0x20: {  	[sflag:s8] =	ssyncset.s32 @!p0 $0xFFFFF086;
	s6 =	sadd.s32 @!p0 s3, s7;
	s7 =	simm.s32 @!p0 $0x108  }
0x21: {  	s3 =	sadd.s32 s3, s9;
	s6 =	sadd.s32 @!p0 $0x88, s6;
	s7 =	simm.s32 @p2 $0x1082  }
0x22: {  	[simem:s7], [sflag:s8] =	dma.local @!p0 [hbm:s6], $0xF7A  }
0x23: {  	s9 =	sor.u32 $0xD0000000, s2;
	s6 =	simm.s32 $0x108;
	_ =	swait.ge @!p0 [sflag:s8], $0x0  }
0x24: {  	s3 =	sadd.s32 $0x88, s3;
	s6 =	simm.s32 @!p1 $0x1082;
	[sflag:s4] =	ssyncset.s32 $0xFFFFF086  }
0x25: {  	[simem:s6], [sflag:s4] =	dma.local [hbm:s3], $0xF7A  }
0x26: {  	[smem:$0x3F8E] =	sst s1;
	(tag) =	ssettag s2;
	_ =	strace s9  }
0x27: {  	s1 =	sld [smem:$0x3F9E]  }
0x28: {  	s2 =	sld [smem:$0x3F9F]  }
0x29: {  	s4 =	sld [smem:$0x3FA1]  }
0x2a: {  	p0 =	seq.s32 s5, $0x0;
	s5 =	sld [smem:$0x3FA2]  }
0x2b: {  	s6 =	sld [smem:$0x3FA3]  }
0x2c: {  	s7 =	sld [smem:$0x3FA4]  }
0x2d: {  	s3 =	simm.s32 $0x108;
	s8 =	sld [smem:$0x3FA5]  }
0x2e: {  	s3 =	simm.s32 @!p0 $0x1082;
	s9 =	sld [smem:$0x3FA6]  }
0x2f: {  	lr =	sadd.s32 s0, s3;
	s0 =	sld [smem:$0x3F9D]  }
0x30: {  	s3 =	sld [smem:$0x3FA0]  }
0x31: {  	[smem:$0x3FA9] =	sst s10  }
0x32: {  	s10 =	sld [smem:$0x3FA7];
	_ =	sdelay $0x3  }
0x33: {  	p0 =	seq.s32 s10, $0x1;
	s10 =	sld [smem:$0x3FA9];
	_ =	sdelay $0x3  }
0x34: {  	[smem:$0x3FA9] =	sst s10  }
0x35: {  	s10 =	sld [smem:$0x3FA8];
	_ =	sdelay $0x3  }
0x36: {  	p1 =	seq.s32 s10, $0x1;
	s10 =	sld [smem:$0x3FA9];
	_ =	sdelay $0x3  }
0x37: {  	[smem:$0x3FA9] =	sst s10  }
0x38: {  	s10 =	sld [smem:$0x3FAA]  }
0x39: {  	_ = 	snop;
	(pc) =	sbr.ind lr, $3  }
0x3a: {  	_ = 	snop  }
0x3b: {  	_ = 	snop  }
0x3c: {  	p2 =	seq.s32 s10, $0x1;
	s10 =	sld [smem:$0x3FA9]  }
0x3d: {  	_ =	shalt  }
0x3e: {  	_ =	shalt  }
0x3f: {  	_ =	shalt  }
0x40: {  	_ =	shalt  }
0x41: {  	_ =	shalt  }
0x42: {  	_ =	shalt  }
0x43: {  	_ =	shalt  }
0x44: {  	_ =	shalt  }
0x45: {  	_ =	shalt  }
0x46: {  	_ =	shalt  }
0x47: {  	_ =	shalt  }
0x48: {  	_ =	shalt  }
0x49: {  	_ =	shalt  }
0x4a: {  	_ =	shalt  }
0x4b: {  	_ =	shalt  }
0x4c: {  	_ =	shalt  }
0x4d: {  	_ =	shalt  }
0x4e: {  	_ =	shalt  }
0x4f: {  	_ =	shalt  }
0x50: {  	_ =	shalt  }
0x51: {  	_ =	shalt  }
0x52: {  	_ =	shalt  }
0x53: {  	_ =	shalt  }
0x54: {  	_ =	shalt  }
0x55: {  	_ =	shalt  }
0x56: {  	_ =	shalt  }
0x57: {  	_ =	shalt  }
0x58: {  	_ =	shalt  }
0x59: {  	_ =	shalt  }
0x5a: {  	_ =	shalt  }
0x5b: {  	_ =	shalt  }
0x5c: {  	_ =	shalt  }
0x5d: {  	_ =	shalt  }
0x5e: {  	_ =	shalt  }
0x5f: {  	_ =	shalt  }
0x60: {  	_ =	shalt  }
0x61: {  	_ =	shalt  }
0x62: {  	_ =	shalt  }
0x63: {  	_ =	shalt  }
0x64: {  	_ =	shalt  }
0x65: {  	_ =	shalt  }
0x66: {  	_ =	shalt  }
0x67: {  	_ =	shalt  }
0x68: {  	_ =	shalt  }
0x69: {  	_ =	shalt  }
0x6a: {  	_ =	shalt  }
0x6b: {  	_ =	shalt  }
0x6c: {  	_ =	shalt  }
0x6d: {  	_ =	shalt  }
0x6e: {  	_ =	shalt  }
0x6f: {  	_ =	shalt  }
0x70: {  	_ =	shalt  }
0x71: {  	_ =	shalt  }
0x72: {  	_ =	shalt  }
0x73: {  	_ =	shalt  }
0x74: {  	_ =	shalt  }
0x75: {  	_ =	shalt  }
0x76: {  	_ =	shalt  }
0x77: {  	_ =	shalt  }
0x78: {  	_ =	shalt  }
0x79: {  	_ =	shalt  }
0x7a: {  	_ =	shalt  }
0x7b: {  	_ =	shalt  }
0x7c: {  	_ =	shalt  }
0x7d: {  	_ =	shalt  }
0x7e: {  	_ =	shalt  }
0x7f: {  	_ =	shalt  }
0x80: {  	_ =	shalt  }
0x81: {  	_ =	shalt  }
0x82: {  	_ =	shalt  }
0x83: {  	_ =	shalt  }
0x84: {  	_ =	shalt  }
0x85: {  	_ =	shalt  }
0x86: {  	_ =	shalt  }
0x87: {  	_ =	shalt  }
.Lfunc_end0:
.L_simem_size_0:
called_computation.4_lowered:
.L_overlay_start_0:
0x88: {  	s2 =	sld [smem:$0x3FD9]  }
0x89: {  	s3 =	sld [smem:$0x3FFE];
	_ =	sdelay $0x1  }
0x8a: {  	s1 =	srdreg.scid  }
0x8b: {  	s0 =	sand.u32 $0x1, s1  }
0x8c: {  	s14 =	sshll.u32 s0, $0xA;
	s2 =	sadd.s32 s3, s2  }
0x8d: {  	s2 =	sadd.s32 s2, s14  }
0x8e: {  	[smem:$0x3FB5] =	sst s2  }
0x8f: {  	_ = 	snop  }
0x90: {  	s2 =	sld [smem:$0x3FD0];
	_ =	sdelay $0x2  }
0x91: {  	s15 =	simm.s32 $0xA;
	s4 =	simm.s32 $0x10  }
0x92: {  	[smem:s4], [sflag:s15] =	dma.local [hbm:s2], $0x1  }
0x93: {  	_ =	swait.eq [sflag:s15], $0x1  }
0x94: {  	[sflag:s15] =	ssyncset.done $0x0  }
0x95: {  	[sflag:s15] =	ssyncadd.s32 $0xFFFFFFFF  }
0x96: {  	s16 =	sld [smem:$0x10];
	(tm) =	ssettm $0x1  }
0x97: {  	s17 =	sld [smem:$0x3FFB];
	_ =	sdelay $0x3  }
0x98: {  	_ =	strace s17  }
0x99: {  	s3 =	sld [smem:$0x3FFC];
	_ =	sdelay $0x3  }
0x9a: {  	_ =	strace s3  }
0x9b: {  	s3 =	sld [smem:$0x3FFD];
	_ =	sdelay $0x3  }
0x9c: {  	_ =	strace s3  }
0x9d: {  	_ =	strace $0x8FFFFFFF  }
0x9e: {  	s18 =	sld [smem:$0x3FDB];
	_ =	sdelay $0x1  }
0x9f: {  	s19 =	simm.s32 $_scs_section_size  }
0xa0: {  	s5 =	simm.s32 $_size__tile_overlayer_lowered;
	s6 =	simm.s32 $_tile_overlayer_lowered  }
0xa1: {  	s22 =	simm.s32 $0x1BFF;
	s21 =	sshll.u32 s6, $0x1;
	s3 =	sadd.s32 s19, s18  }
0xa2: {  	s7 =	simm.s32 $0x0;
	s20 =	sshll.u32 s5, $0x1;
	s5 =	sadd.s32 s21, s3  }
0xa3: {  	[timem:s7], [sflag:s22] =	dma.local [hbm:s5], s20  }
0xa4: {  	_ =	swait.ge [sflag:s22], s20  }
0xa5: {  	s4 =	ssub.s32 $0x0, s20;
	[sflag:s22] =	ssyncset.done $0x0  }
0xa6: {  	[sflag:s22] =	ssyncadd.s32 s4;
	_ =	sdelay $0x1  }
0xa7: {  	s23 =	simm.s32 $0x1B8B  }
0xa8: {  	_ =	swait.ge [sflag:s23], $0x1  }
0xa9: {  	[sflag:s23] =	ssyncset.done $0x0  }
0xaa: {  	s25 =	simm.s32 $0x1B8E;
	s24 =	sld [smem:$0x3FFE];
	[sflag:s23] =	ssyncadd.s32 $0xFFFFFFFF  }
0xab: {  	s26 =	simm.s32 $execute0_lowered;
	[smem:$0x3FD2] =	sst s25  }
0xac: {  	s5 =	sshll.u32 s26, $0x1;
	_ =	strace $0x80000052;
	[dreg:$0x1] =	wrdreg $0xFFFFFFFF  }
0xad: {  	s28 =	simm.s32 $_size_execute0_lowered;
	s3 =	sadd.s32 s3, s5;
	[dreg:$0x0] =	wrdreg $0x0  }
0xae: {  	s5 =	sshll.u32 s28, $0x1;
	[dreg:$0x2] =	wrdreg s3  }
0xaf: {  	[dreg:$0x3] =	wrdreg s5  }
0xb0: {  	[dreg:$0x4] =	wrdreg $0xC0  }
0xb1: {  	_ =	task [dreg:s7], $0x5FFFF  }
0xb2: {  	[dreg:$0x1] =	wrdreg $0xFFFFFFFF  }
0xb3: {  	[dreg:$0x0] =	wrdreg $0x60  }
0xb4: {  	[dreg:$0x2] =	wrdreg s24  }
0xb5: {  	[dreg:$0x3] =	wrdreg s16  }
0xb6: {  	[dreg:$0x4] =	wrdreg $0x0  }
0xb7: {  	[dreg:$0x5] =	wrdreg $0x9  }
0xb8: {  	_ =	task.clear_ibuf [dreg:s7], $0x6FFFF;
	_ =	strace $0x90000052  }
0xb9: {  	s29 =	simm.s32 $0x9;
	_ =	strace $0x80000054  }
0xba: {  	_ =	swait.ge [sflag:s29], $0x1  }
0xbb: {  	[sflag:s29] =	ssyncadd.s32 $0xFFFFFFFF  }
0xbc: {  	_ =	strace $0x90000054  }
0xbd: {  	_ =	sfence  }
0xbe: {  	s30 =	sld [smem:$0x0];
	_ =	sdelay $0x2  }
0xbf: {  	s31 =	sshll.u32 s1, $0xD;
	s1 =	sshrl.u32 s1, $0x2  }
0xc0: {  	s3 =	sand.u32 $0x4000, s31;
	s1 =	sadd.s32 s1, s30  }
0xc1: {  	s0 =	sor.u32 s3, s0;
	s1 =	sshll.u32 s1, $0x11  }
0xc2: {  	s0 =	sor.u32 s1, s0  }
0xc3: {  	s0 =	sadd.s32 $0x8F2B, s0  }
0xc4: {  	[sflag:s0] =	ssyncadd.remote.s32 $0x1  }
0xc5: {  	_ =	sfence.sel $0xFFFF  }
0xc6: {  	[dreg:$0x0] =	wrdreg $0xFFFFFFFF;
	(pc) =	sbr.abs _section_cstart, $3  }
0xc7: {  	[dreg:$0x1] =	wrdreg $0xFFFFFFFF  }
0xc8: {  	_ =	task.clear_ibuf [dreg:s7], $0x2FFFF;
	_ =	strace $0x9FFFFFFF  }
0xc9: {  	(tm) =	ssettm $0x7FFFFFFF  }
tec
execute0_lowered:
.L_overlay_start_1:
0x0: {  	(tag) =	ssettag $0x1  }
0x1: {  	s8 =	rddreg [dreg:$0x0]  }
0x2: {  	s1 =	rddreg [dreg:$0x1]  }
0x3: {  	s3 =	rddreg [dreg:$0x2]  }
0x4: {  	s0 =	rddreg [dreg:$0x3];
	s4 =	simm.s32 $0x0  }
0x5: {  	s2 =	stileid.u32;
	s9 =	srdreg.scid;
	s16 =	simm.s32 $0x13C00  }
0x6: {  	s17 =	simm.s32 $0x13C80;
	s18 =	simm.s32 $0x80;
	s19 =	simm.s32 $0x13D00  }
0x7: {  	s20 =	simm.s32 $0x1;
	s21 =	simm.s32 $0x0;
	[smem:$0x7FF] =	sst s4  }
0x8: {  	s7 =	smul.u32 $0x4F0, s2;
	s5 =	sadd.s32 $0x4E000, s8;
	s6 =	sadd.s32 $0x89E00, s8  }
0x9: {  	s14 =	sand.u32 $0x1, s9;
	s10 =	smul.u32 $0x4F000, s2;
	s31 =	sshll.u32 s2, $0x6  }
0xa: {  	_ =	strace $0x80000053;
	s9 =	ssub.s32 $0x2, s14;
	p0 =	sne.s32 s14, $0x0  }
.Ltmp0:
0xb: {  	s13 =	sadd.s32 s7, s8;
	s7 =	sadd.s32 $0x87600, s8;
	(pc) =	sbr.rel .LBB2_1-.Ltmp0, $4  }
0xc: {  	s8 =	sadd.s32 $0x12000, s8;
	s11 =	sshrl.u32 s9, $0x1;
	s30 =	sshrl.u32 s10, $0x2  }
0xd: {  	s10 =	smul.u32 $0x2780, s2;
	s11 =	ssub.s32 s9, s11;
	s15 =	sadd.s32 s30, s3  }
0xe: {  	s9 =	sor.u32 $0x1C02, s31;
	s12 =	sadd.s32 $0xD000, s13;
	s13 =	sadd.s32 $0x7C00, s13  }
0xf: {  	s11 =	smax.u32 s11, $0x1;
	s14 =	sshrl.u32 s15, $0x3;
	s15 =	simm.s32 $0x2  }
.LBB2_7:
0x10: {  	s23 =	sadd.s32 s22, s13;
	[sflag:s15] =	ssyncadd.s32 $0xFFFFC000  }
0x11: {  	[tilespmem:s16], [sflag:$0x2] =	stream.linear.gather [hbm4b:s23+s4], $0x80, $0x38;
	[tilespmem:$0x17D00] =	vst v63  }
0x12: {  	_ =	swait.ge [sflag:s15], $0x80  }
0x13: {  	[sflag:s15] =	ssyncset.done $0x0  }
0x14: {  	s31 =	sadd.s32 s22, s12;
	[sflag:s15] =	ssyncadd.s32 $0xFFFFFF80  }
0x15: {  	[tilespmem:s17], [sflag:$0x2] =	stream.linear.gather [hbm4b:s31+s4], $0x80, $0x38;
	[tilespmem:$0x17D00] =	vst v63  }
0x16: {  	_ =	swait.ge [sflag:s15], $0x80  }
0x17: {  	[sflag:s15] =	ssyncset.done $0x0  }
0x18: {  	[sflag:s15] =	ssyncadd.s32 $0xFFFFFF80  }
0x19: {  	[tilespmem:s19], [sflag:$0x1] =	stream.indirect.gather [hbm4b:s6+s18], $0x80, s16, s18, $0xb8;
	[tilespmem:$0x17D00] =	vst v63  }
0x1a: {  	_ =	swait.ge [sflag:s20], $0x4000  }
0x1b: {  	[sflag:s20] =	ssyncset.done $0x0  }
0x1c: {  	[sflag:s20] =	ssyncadd.s32 $0xFFFFC000  }
0x1d: {  	[spmem:s3] =	stream.indirect.scatter.add.f32 [tilespmem:s19], [sflag:$0x2], $0x80, s17, s18, $0xb8;
	[tilespmem:$0x17D00] =	vst v63  }
0x1e: {  	_ =	swait.ge [sflag:s15], $0x4000  }
0x1f: {  	[sflag:s15] =	ssyncset.done $0x0  }
0x20: {  	s22 =	smov.u32 s8;
	[sflag:s15] =	ssyncadd.s32 $0xFFFFC000  }
.LBB2_8:
0x21: {  	s21 =	sadd.s32 $0x1, s21  }
0x22: {  	p1 =	sne.s32 s21, s11  }
.Ltmp1:
0x23: {  	s22 =	sadd.s32 s22, s10;
	[bflag:$0x0] =	sbarrier.arrive $0xFFFF;
	(pc) =	sbr.rel @!p1 .LBB2_9-.Ltmp1, $4  }
0x24: {  	[hbm:s22], [sflag:s9] =	dma.local [spmem:s14], $0x2780  }
0x25: {  	_ =	swait.ge [sflag:s15], $0x2780  }
0x26: {  	[sflag:s15] =	ssyncset.done $0x0  }
0x27: {  	[sflag:s15] =	ssyncadd.s32 $0xFFFFD880  }
.LBB2_1:
0x28: {  	[spmem:s14], [sflag:s9] =	dma.local [hbm:s7], $0x2780  }
.Ltmp2:
0x29: {  	_ =	swait.ge [sflag:s15], $0x2780;
	(pc) =	sbr.rel @p0 .LBB2_5-.Ltmp2, $4  }
0x2a: {  	[sflag:s15] =	ssyncset.done $0x0  }
0x2b: {  	[sflag:s15] =	ssyncadd.s32 $0xFFFFD880  }
0x2c: {  	[bflag:$0x0] =	sbarrier.arrive $0xFFFF  }
0x2d: {  	s22 =	sadd.s32 $0x0, s13  }
0x2e: {  	[tilespmem:s16], [sflag:$0x2] =	stream.linear.gather [hbm4b:s22+s4], $0x80, $0x38;
	[tilespmem:$0x17D00] =	vst v63  }
0x2f: {  	_ =	swait.ge [sflag:s15], $0x80  }
0x30: {  	[sflag:s15] =	ssyncset.done $0x0  }
0x31: {  	s31 =	sadd.s32 $0x0, s12;
	[sflag:s15] =	ssyncadd.s32 $0xFFFFFF80  }
0x32: {  	[tilespmem:s17], [sflag:$0x2] =	stream.linear.gather [hbm4b:s31+s4], $0x80, $0x38;
	[tilespmem:$0x17D00] =	vst v63  }
0x33: {  	_ =	swait.ge [sflag:s15], $0x80  }
0x34: {  	[sflag:s15] =	ssyncset.done $0x0  }
0x35: {  	[sflag:s15] =	ssyncadd.s32 $0xFFFFFF80  }
0x36: {  	[tilespmem:s19], [sflag:$0x1] =	stream.indirect.gather [hbm4b:s5+s18], $0x80, s16, s18, $0xb8;
	[tilespmem:$0x17D00] =	vst v63  }
0x37: {  	_ =	swait.ge [sflag:s20], $0x4000  }
0x38: {  	[sflag:s20] =	ssyncset.done $0x0  }
0x39: {  	[sflag:s20] =	ssyncadd.s32 $0xFFFFC000  }
0x3a: {  	[spmem:s3] =	stream.indirect.scatter.add.f32 [tilespmem:s19], [sflag:$0x2], $0x80, s17, s18, $0xb8;
	[tilespmem:$0x17D00] =	vst v63  }
0x3b: {  	_ =	swait.ge [sflag:s15], $0x4000  }
0x3c: {  	s22 =	simm.s32 $0x10;
	s23 =	simm.s32 $0x20;
	[sflag:s15] =	ssyncset.done $0x0  }
.LBB2_3:
0x3d: {  	s24 =	sadd.s32 s22, s13  }
0x3e: {  	[sflag:s15] =	ssyncadd.s32 $0xFFFFC000;
	s25 =	smov.u32 s23;
	s26 =	sadd.s32 $0x10, s23  }
0x3f: {  	[tilespmem:s16], [sflag:$0x2] =	stream.linear.gather [hbm4b:s24+s4], $0x80, $0x38;
	[tilespmem:$0x17D00] =	vst v63  }
0x40: {  	p1 =	seq.s32 s23, $0x4E0;
	_ =	swait.ge [sflag:s15], $0x80  }
0x41: {  	[sflag:s15] =	ssyncset.done $0x0  }
0x42: {  	s23 =	sadd.s32 s22, s12;
	s22 =	smov.u32 s25;
	[sflag:s15] =	ssyncadd.s32 $0xFFFFFF80  }
0x43: {  	[tilespmem:s17], [sflag:$0x2] =	stream.linear.gather [hbm4b:s23+s4], $0x80, $0x38;
	[tilespmem:$0x17D00] =	vst v63  }
0x44: {  	_ =	swait.ge [sflag:s15], $0x80  }
0x45: {  	[sflag:s15] =	ssyncset.done $0x0  }
0x46: {  	[sflag:s15] =	ssyncadd.s32 $0xFFFFFF80  }
0x47: {  	[tilespmem:s19], [sflag:$0x1] =	stream.indirect.gather [hbm4b:s5+s18], $0x80, s16, s18, $0xb8;
	[tilespmem:$0x17D00] =	vst v63  }
0x48: {  	_ =	swait.ge [sflag:s20], $0x4000  }
.Ltmp3:
0x49: {  	[sflag:s20] =	ssyncset.done $0x0;
	(pc) =	sbr.rel @!p1 .LBB2_3-.Ltmp3, $4  }
0x4a: {  	[sflag:s20] =	ssyncadd.s32 $0xFFFFC000  }
0x4b: {  	[spmem:s3] =	stream.indirect.scatter.add.f32 [tilespmem:s19], [sflag:$0x2], $0x80, s17, s18, $0xb8;
	[tilespmem:$0x17D00] =	vst v63  }
0x4c: {  	_ =	swait.ge [sflag:s15], $0x4000  }
0x4d: {  	s23 =	smov.u32 s26;
	[sflag:s15] =	ssyncset.done $0x0  }
0x4e: {  	s23 =	sadd.s32 s22, s13;
	[sflag:s15] =	ssyncadd.s32 $0xFFFFC000  }
0x4f: {  	[tilespmem:s16], [sflag:$0x2] =	stream.linear.gather [hbm4b:s23+s4], $0x80, $0x38;
	[tilespmem:$0x17D00] =	vst v63  }
0x50: {  	_ =	swait.ge [sflag:s15], $0x80  }
0x51: {  	[sflag:s15] =	ssyncset.done $0x0  }
0x52: {  	s31 =	sadd.s32 s22, s12;
	[sflag:s15] =	ssyncadd.s32 $0xFFFFFF80  }
0x53: {  	[tilespmem:s17], [sflag:$0x2] =	stream.linear.gather [hbm4b:s31+s4], $0x80, $0x38;
	[tilespmem:$0x17D00] =	vst v63  }
0x54: {  	_ =	swait.ge [sflag:s15], $0x80  }
0x55: {  	[sflag:s15] =	ssyncset.done $0x0  }
0x56: {  	[sflag:s15] =	ssyncadd.s32 $0xFFFFFF80  }
0x57: {  	[tilespmem:s19], [sflag:$0x1] =	stream.indirect.gather [hbm4b:s5+s18], $0x80, s16, s18, $0xb8;
	[tilespmem:$0x17D00] =	vst v63  }
0x58: {  	_ =	swait.ge [sflag:s20], $0x4000  }
0x59: {  	[sflag:s20] =	ssyncset.done $0x0  }
.Ltmp4:
0x5a: {  	[sflag:s20] =	ssyncadd.s32 $0xFFFFC000;
	(pc) =	sbr.rel .LBB2_8-.Ltmp4, $4  }
0x5b: {  	[spmem:s3] =	stream.indirect.scatter.add.f32 [tilespmem:s19], [sflag:$0x2], $0x80, s17, s18, $0xb8;
	[tilespmem:$0x17D00] =	vst v63  }
0x5c: {  	_ =	swait.ge [sflag:s15], $0x4000  }
0x5d: {  	[sflag:s15] =	ssyncset.done $0x0  }
0x5e: {  	s22 =	smov.u32 s1;
	[sflag:s15] =	ssyncadd.s32 $0xFFFFC000  }
.LBB2_5:
0x5f: {  	[tilespmem:s16], [sflag:$0x2] =	stream.linear.gather [hbm4b:s22+s4], $0x80, $0x38;
	[tilespmem:$0x17D00] =	vst v63  }
0x60: {  	_ =	swait.ge [sflag:s15], $0x80  }
0x61: {  	[sflag:s15] =	ssyncset.done $0x0  }
0x62: {  	s31 =	sadd.s32 $0x0, s12;
	[sflag:s15] =	ssyncadd.s32 $0xFFFFFF80  }
0x63: {  	[tilespmem:s17], [sflag:$0x2] =	stream.linear.gather [hbm4b:s31+s4], $0x80, $0x38;
	[tilespmem:$0x17D00] =	vst v63  }
0x64: {  	_ =	swait.ge [sflag:s15], $0x80  }
0x65: {  	[sflag:s15] =	ssyncset.done $0x0  }
0x66: {  	[sflag:s15] =	ssyncadd.s32 $0xFFFFFF80  }
0x67: {  	[tilespmem:s19], [sflag:$0x1] =	stream.indirect.gather [hbm4b:s6+s18], $0x80, s16, s18, $0xb8;
	[tilespmem:$0x17D00] =	vst v63  }
0x68: {  	_ =	swait.ge [sflag:s20], $0x4000  }
0x69: {  	[sflag:s20] =	ssyncset.done $0x0  }
0x6a: {  	[sflag:s20] =	ssyncadd.s32 $0xFFFFC000  }
0x6b: {  	[spmem:s3] =	stream.indirect.scatter.add.f32 [tilespmem:s19], [sflag:$0x2], $0x80, s17, s18, $0xb8;
	[tilespmem:$0x17D00] =	vst v63  }
0x6c: {  	_ =	swait.ge [sflag:s15], $0x4000  }
0x6d: {  	s22 =	simm.s32 $0x10;
	s23 =	simm.s32 $0x20;
	[sflag:s15] =	ssyncset.done $0x0  }
.LBB2_6:
0x6e: {  	s24 =	sadd.s32 s22, s13  }
0x6f: {  	[sflag:s15] =	ssyncadd.s32 $0xFFFFC000;
	s25 =	smov.u32 s23;
	s26 =	sadd.s32 $0x10, s23  }
0x70: {  	[tilespmem:s16], [sflag:$0x2] =	stream.linear.gather [hbm4b:s24+s4], $0x80, $0x38;
	[tilespmem:$0x17D00] =	vst v63  }
0x71: {  	p1 =	sne.s32 s23, $0x4E0;
	_ =	swait.ge [sflag:s15], $0x80  }
0x72: {  	[sflag:s15] =	ssyncset.done $0x0  }
0x73: {  	s23 =	sadd.s32 s22, s12;
	s22 =	smov.u32 s25;
	[sflag:s15] =	ssyncadd.s32 $0xFFFFFF80  }
0x74: {  	[tilespmem:s17], [sflag:$0x2] =	stream.linear.gather [hbm4b:s23+s4], $0x80, $0x38;
	[tilespmem:$0x17D00] =	vst v63  }
0x75: {  	_ =	swait.ge [sflag:s15], $0x80  }
0x76: {  	[sflag:s15] =	ssyncset.done $0x0  }
0x77: {  	[sflag:s15] =	ssyncadd.s32 $0xFFFFFF80  }
0x78: {  	[tilespmem:s19], [sflag:$0x1] =	stream.indirect.gather [hbm4b:s6+s18], $0x80, s16, s18, $0xb8;
	[tilespmem:$0x17D00] =	vst v63  }
0x79: {  	_ =	swait.ge [sflag:s20], $0x4000  }
.Ltmp5:
0x7a: {  	[sflag:s20] =	ssyncset.done $0x0;
	(pc) =	sbr.rel @p1 .LBB2_6-.Ltmp5, $4  }
0x7b: {  	[sflag:s20] =	ssyncadd.s32 $0xFFFFC000  }
0x7c: {  	[spmem:s3] =	stream.indirect.scatter.add.f32 [tilespmem:s19], [sflag:$0x2], $0x80, s17, s18, $0xb8;
	[tilespmem:$0x17D00] =	vst v63  }
0x7d: {  	_ =	swait.ge [sflag:s15], $0x4000  }
0x7e: {  	s23 =	smov.u32 s26;
	[sflag:s15] =	ssyncset.done $0x0  }
.Ltmp6:
0x7f: {  	_ = 	snop;
	(pc) =	sbr.rel .LBB2_7-.Ltmp6, $1  }
0x80: {  	_ =	sdelay $0x3  }
.LBB2_9:
0x81: {  	_ =	sfence.sel $0x180000  }
0x82: {  	[bflag:$0x0] =	sbarrier.arrive $0xFFFF  }
0x83: {  	p0 =	sne.s32 s2, $0x0;
	_ =	strace $0x90000053  }
0x84: {  	s0 =	sadd.s32 @!p0 $0x100000, s0;
	[bflag:$0x2] =	sbarrier.arrive $0xFFFF  }
0x85: {  	[sflag:s0] =	ssyncadd.tile.s32 @!p0 $0x1;
	_ =	shalt  }
.Lfunc_end2:
_tile_overlayer_lowered:
.L_overlay_start_2:
0x86: {  	(tag) =	ssettag $0x2  }
0x87: {  	s0 =	rddreg [dreg:$0x0];
	s2 =	stileid.u32  }
0x88: {  	s1 =	rddreg [dreg:$0x1];
	p0 =	sne.s32 s2, $0x0  }
0x89: {  	s3 =	rddreg [dreg:$0x2];
	[bflag:$0x3] =	sbarrier.arrive $0xFFFF;
	s2 =	simm.s32 @!p0 $0x1C02  }
0x8a: {  	[timem:s3], [sflag:s2] =	dma.local @!p0 [hbm:s0], s1  }
0x8b: {  	s0 =	simm.s32 @!p0 $0x2  }
0x8c: {  	_ =	swait.ge @!p0 [sflag:s0], s1  }
0x8d: {  	s1 =	ssub.s32 @!p0 $0x0, s1;
	[sflag:s0] =	ssyncset.done @!p0 $0x0  }
0x8e: {  	[sflag:s0] =	ssyncadd.s32 @!p0 s1  }
0x8f: {  	[bflag:$0x3] =	sbarrier.arrive $0xFFFF  }
0x90: {  	_ =	shalt  }

</sc_bundles>
